<compile_context>
chip_gen: v7x
topology: tpu7x:2x2x1
jax: 0.10.2.dev20260603
libtpu: 0.0.44.dev20260713+nightly
codegen_flags: <defaults>
</compile_context>

<pallas_src>
import functools

import jax
import jax.numpy as jnp
from jax import lax
from jax.experimental import pallas as pl
from jax.experimental.pallas import tpu as pltpu
from jax.experimental.pallas import tpu_sc as plsc

N, E, D, NB, M = 10000, 320000, 128, 8, 16
RMAX = 5.0
AVG_NEIGH = 32.0

NCORES, NSUB = 2, 16
NW = NCORES * NSUB
C = 80
EPW = E // NW
NCH = EPW // C
N_PAD = 10240
ROWS_PT = N_PAD // NSUB

_mesh = plsc.VectorSubcoreMesh(core_axis_name="c", subcore_axis_name="s")



@functools.partial(
    pl.kernel,
    out_type=jax.ShapeDtypeStruct((NW, NCH, C, 16), jnp.float32),
    mesh=_mesh,
    compiler_params=pltpu.CompilerParams(use_tc_tiling_on_sc=False),
    scratch_types=[
        pltpu.VMEM((2, 2, C), jnp.int32),
        pltpu.VMEM((C, 16), jnp.float32),
        pltpu.VMEM((C, 16), jnp.float32),
        pltpu.VMEM((C, 16), jnp.float32),
        pltpu.VMEM((C, 16), jnp.float32),
        pltpu.VMEM((C, 16), jnp.float32),
        pltpu.VMEM((C, 16), jnp.float32),
        pltpu.SemaphoreType.DMA,
        pltpu.SemaphoreType.DMA,
        pltpu.SemaphoreType.DMA,
        pltpu.SemaphoreType.DMA,
    ],
)
def _edge_vec_sc(pos_hbm, ei_hbm, out_hbm,
                 idx_v, a_v0, a_v1, b_v0, b_v1, o_v0, o_v1,
                 sem_d0, sem_d1, sem_o0, sem_o1):
    cid = lax.axis_index("c")
    sid = lax.axis_index("s")
    wid = cid * NSUB + sid
    a_bufs = (a_v0, a_v1)
    b_bufs = (b_v0, b_v1)
    o_bufs = (o_v0, o_v1)
    sem_d = (sem_d0, sem_d1)
    sem_o = (sem_o0, sem_o1)

    def issue_dat(b):
        pltpu.async_copy(pos_hbm.at[idx_v.at[b, 0]], a_bufs[b], sem_d[b])
        pltpu.async_copy(pos_hbm.at[idx_v.at[b, 1]], b_bufs[b], sem_d[b])

    def wait_dat(b):
        pltpu.make_async_copy(pos_hbm.at[idx_v.at[b, 0]], a_bufs[b],
                              sem_d[b]).wait()
        pltpu.make_async_copy(pos_hbm.at[idx_v.at[b, 1]], b_bufs[b],
                              sem_d[b]).wait()

    def compute(b):
        av, bv, ov = a_bufs[b], b_bufs[b], o_bufs[b]

        def row(i, c2):
            ov[i, :] = bv[i, :] - av[i, :]
            return c2

        lax.fori_loop(0, C, row, 0)

    pltpu.sync_copy(ei_hbm.at[wid, pl.ds(0, 2)], idx_v)
    issue_dat(0)
    issue_dat(1)

    def pair(p, carry):
        wait_dat(0)
        compute(0)
        wait_dat(1)
        compute(1)
        c0 = pltpu.async_copy(o_v0, out_hbm.at[wid, 2 * p], sem_o0)
        c1 = pltpu.async_copy(o_v1, out_hbm.at[wid, 2 * p + 1], sem_o1)
        c0.wait()
        c1.wait()

        @pl.when(p < (NCH - 1) // 2 - 1)
        def _():
            pltpu.sync_copy(ei_hbm.at[wid, pl.ds(2 * p + 2, 2)], idx_v)
            issue_dat(0)
            issue_dat(1)
        return carry

    lax.fori_loop(0, (NCH - 1) // 2, pair, 0)
    pltpu.sync_copy(ei_hbm.at[wid, pl.ds(NCH - 1, 1)],
                    idx_v.at[pl.ds(0, 1)])
    issue_dat(0)
    wait_dat(0)
    compute(0)
    pltpu.sync_copy(o_v0, out_hbm.at[wid, NCH - 1])


@functools.partial(
    pl.kernel,
    out_type=jax.ShapeDtypeStruct((NCORES, NSUB, ROWS_PT, D), jnp.float32),
    mesh=_mesh,
    scratch_types=[
        pltpu.VMEM((2, 2, C), jnp.int32),
        pltpu.VMEM((C, D), jnp.float32),
        pltpu.VMEM((C, D), jnp.float32),
        pltpu.VMEM((C, D), jnp.float32),
        pltpu.VMEM((C, D), jnp.float32),
        pltpu.VMEM_SHARED((N_PAD, D), jnp.float32),
        pltpu.SemaphoreType.DMA,
        pltpu.SemaphoreType.DMA,
        pltpu.SemaphoreType.DMA,
        pltpu.SemaphoreType.DMA,
    ],
)
def _interact_sc(h_hbm, w_hbm, ei_hbm, out_hbm,
                 idx_v, w_v0, w_v1, r_v0, r_v1, agg_sh,
                 sem_d0, sem_d1, sem_s0, sem_s1):
    cid = lax.axis_index("c")
    sid = lax.axis_index("s")
    wid = cid * NSUB + sid
    base = pl.multiple_of(sid * ROWS_PT, 8)
    w_bufs = (w_v0, w_v1)
    r_bufs = (r_v0, r_v1)
    sem_d = (sem_d0, sem_d1)
    sem_s = (sem_s0, sem_s1)

    def zrow(i, c2):
        for k in range(D // 16):
            r_v0[i, pl.ds(k * 16, 16)] = jnp.zeros((16,), jnp.float32)
        return c2

    lax.fori_loop(0, C, zrow, 0)
    for t in range(ROWS_PT // C):
        pltpu.sync_copy(r_v0, agg_sh.at[pl.ds(base + t * C, C)])
    plsc.subcore_barrier()

    def issue_dat(b, c):
        pltpu.async_copy(h_hbm.at[idx_v.at[b, 0]], r_bufs[b], sem_d[b])
        pltpu.async_copy(w_hbm.at[wid, c], w_bufs[b], sem_d[b])

    def wait_dat(b):
        pltpu.make_async_copy(h_hbm.at[idx_v.at[b, 0]], r_bufs[b],
                              sem_d[b]).wait()
        pltpu.make_async_copy(w_hbm.at[wid, 0], w_bufs[b], sem_d[b]).wait()

    def mul(b):
        rv, wv = r_bufs[b], w_bufs[b]

        def row(i, c2):
            for k in range(D // 16):
                sl = pl.ds(k * 16, 16)
                rv[i, sl] = rv[i, sl] * wv[i, sl]
            return c2

        lax.fori_loop(0, C, row, 0)

    pltpu.sync_copy(ei_hbm.at[wid, pl.ds(0, 2)], idx_v)
    issue_dat(0, 0)
    issue_dat(1, 1)

    def pair(p, carry):
        wait_dat(0)
        mul(0)
        wait_dat(1)
        mul(1)

        c0 = pltpu.async_copy(r_v0, agg_sh.at[idx_v.at[0, 1]], sem_s0,
                              add=True)
        c1 = pltpu.async_copy(r_v1, agg_sh.at[idx_v.at[1, 1]], sem_s1,
                              add=True)
        c0.wait()
        c1.wait()

        @pl.when(p < (NCH - 1) // 2 - 1)
        def _():
            pltpu.sync_copy(ei_hbm.at[wid, pl.ds(2 * p + 2, 2)], idx_v)
            issue_dat(0, 2 * p + 2)
            issue_dat(1, 2 * p + 3)
        return carry

    lax.fori_loop(0, (NCH - 1) // 2, pair, 0)
    pltpu.sync_copy(ei_hbm.at[wid, pl.ds(NCH - 1, 1)],
                    idx_v.at[pl.ds(0, 1)])
    issue_dat(0, NCH - 1)
    wait_dat(0)
    mul(0)
    pltpu.sync_copy(r_v0, agg_sh.at[idx_v.at[0, 1]], add=True)
    plsc.subcore_barrier()
    pltpu.sync_copy(agg_sh.at[pl.ds(base, ROWS_PT)], out_hbm.at[cid, sid])


@functools.partial(
    pl.kernel,
    out_type=jax.ShapeDtypeStruct((NW, NCH, C, M), jnp.float32),
    mesh=_mesh,
    compiler_params=pltpu.CompilerParams(use_tc_tiling_on_sc=False),
    scratch_types=[
        pltpu.VMEM((2, 2, C), jnp.int32),
        pltpu.VMEM((C, M), jnp.float32),
        pltpu.VMEM((C, M), jnp.float32),
        pltpu.VMEM((C, M), jnp.float32),
        pltpu.VMEM((C, M), jnp.float32),
        pltpu.VMEM((C, M), jnp.float32),
        pltpu.VMEM((C, M), jnp.float32),
        pltpu.SemaphoreType.DMA,
        pltpu.SemaphoreType.DMA,
        pltpu.SemaphoreType.DMA,
        pltpu.SemaphoreType.DMA,
    ],
)
def _readout_sc(eh_hbm, gate_hbm, ei_hbm, out_hbm,
                idx_v, a_v0, a_v1, b_v0, b_v1, g_v0, g_v1,
                sem_d0, sem_d1, sem_o0, sem_o1):
    cid = lax.axis_index("c")
    sid = lax.axis_index("s")
    wid = cid * NSUB + sid
    a_bufs = (a_v0, a_v1)
    b_bufs = (b_v0, b_v1)
    g_bufs = (g_v0, g_v1)
    sem_d = (sem_d0, sem_d1)
    sem_o = (sem_o0, sem_o1)

    def issue_dat(b, c):
        pltpu.async_copy(eh_hbm.at[idx_v.at[b, 0]], a_bufs[b], sem_d[b])
        pltpu.async_copy(eh_hbm.at[idx_v.at[b, 1]], b_bufs[b], sem_d[b])
        pltpu.async_copy(gate_hbm.at[wid, c], g_bufs[b], sem_d[b])

    def wait_dat(b):
        pltpu.make_async_copy(eh_hbm.at[idx_v.at[b, 0]], a_bufs[b],
                              sem_d[b]).wait()
        pltpu.make_async_copy(eh_hbm.at[idx_v.at[b, 1]], b_bufs[b],
                              sem_d[b]).wait()
        pltpu.make_async_copy(gate_hbm.at[wid, 0], g_bufs[b],
                              sem_d[b]).wait()

    def compute(b):
        av, bv, gv = a_bufs[b], b_bufs[b], g_bufs[b]

        def row(i, c2):
            gv[i, :] = (av[i, :] + bv[i, :]) * gv[i, :]
            return c2

        lax.fori_loop(0, C, row, 0)

    pltpu.sync_copy(ei_hbm.at[wid, pl.ds(0, 2)], idx_v)
    issue_dat(0, 0)
    issue_dat(1, 1)

    def pair(p, carry):
        wait_dat(0)
        compute(0)
        wait_dat(1)
        compute(1)
        c0 = pltpu.async_copy(g_v0, out_hbm.at[wid, 2 * p], sem_o0)
        c1 = pltpu.async_copy(g_v1, out_hbm.at[wid, 2 * p + 1], sem_o1)
        c0.wait()
        c1.wait()

        @pl.when(p < (NCH - 1) // 2 - 1)
        def _():
            pltpu.sync_copy(ei_hbm.at[wid, pl.ds(2 * p + 2, 2)], idx_v)
            issue_dat(0, 2 * p + 2)
            issue_dat(1, 2 * p + 3)
        return carry

    lax.fori_loop(0, (NCH - 1) // 2, pair, 0)
    pltpu.sync_copy(ei_hbm.at[wid, pl.ds(NCH - 1, 1)],
                    idx_v.at[pl.ds(0, 1)])
    issue_dat(0, NCH - 1)
    wait_dat(0)
    compute(0)
    pltpu.sync_copy(g_v0, out_hbm.at[wid, NCH - 1])



def _embed_body(na_ref, we_ref, out_ref):
    out_ref[...] = jnp.dot(na_ref[...], we_ref[...],
                           preferred_element_type=jnp.float32)


def _silu(x):
    return x * jax.nn.sigmoid(x)


BE = 2000


def _edge_dense_body(vec_ref, sh_ref, w1cat, w2blk, wsh1, wsh2,
                     w1_ref, w2_ref, gate_ref):
    v = vec_ref[...]
    v3 = v[:, 0:3] + sh_ref[...]
    r2 = jnp.sum(v3 * v3, axis=1, keepdims=True) + 1e-12
    r = jnp.sqrt(r2)
    inv_r = 1.0 / r
    ux = v3[:, 0:1] * inv_r
    uy = v3[:, 1:2] * inv_r
    uz = v3[:, 2:3] * inv_r

    n = lax.broadcasted_iota(jnp.int32, (1, NB), 1).astype(jnp.float32) + 1.0
    bessel = jnp.sqrt(2.0 / RMAX) * jnp.sin(n * (jnp.pi / RMAX) * r) * inv_r
    u = jnp.clip(r / RMAX, 0.0, 1.0)
    p = 6.0
    fc = (1.0 - ((p + 1.0) * (p + 2.0) / 2.0) * u ** 6
          + p * (p + 2.0) * u ** 7 - (p * (p + 1.0) / 2.0) * u ** 8)
    ef = bessel * fc

    c0 = 0.28209479177
    c1 = 0.4886025119

    z = _silu(jnp.dot(ef, w1cat[...], preferred_element_type=jnp.float32))
    y = jnp.dot(z, w2blk[...], preferred_element_type=jnp.float32)

    def shw(w_sh):
        return (c0 * w_sh[0:1, :]
                + c1 * (ux * w_sh[1:2, :] + uy * w_sh[2:3, :]
                        + uz * w_sh[3:4, :]))

    w1_ref[...] = y[:, 0:D] * shw(wsh1)
    w2_ref[...] = y[:, D:2 * D] * shw(wsh2)
    gate_ref[...] = y[:, 2 * D:2 * D + M]


def _merge_agg(m_ref):
    return m_ref[0, :N, :] + m_ref[1, :N, :]


def _node1_body(m_ref, wl_ref, h1_ref):
    agg = _merge_agg(m_ref)
    h1_ref[...] = _silu(jnp.dot(agg, wl_ref[...],
                                preferred_element_type=jnp.float32)) / AVG_NEIGH


def _node2_body(m_ref, h1_ref, wl_ref, wn1, wn2, we1, we2,
                nl_ref, eh_ref):
    agg = _merge_agg(m_ref)
    h1 = h1_ref[...]
    h2 = _silu(jnp.dot(agg, wl_ref[...],
                       preferred_element_type=jnp.float32)) / AVG_NEIGH
    nl_ref[...] = (jnp.dot(h1, wn1[...], preferred_element_type=jnp.float32)
                   + jnp.dot(h2, wn2[...], preferred_element_type=jnp.float32))
    eh_ref[...] = (jnp.dot(h1, we1[...], preferred_element_type=jnp.float32)
                   + jnp.dot(h2, we2[...], preferred_element_type=jnp.float32))


def _full(shape):
    return pl.BlockSpec(shape, lambda i: tuple(0 for _ in shape))



def kernel(positions, edge_index, shifts, node_attrs, W_embed,
           W_r1a, W_r2a, W_sh1, W_lin1, W_r1b, W_r2b, W_sh2, W_lin2,
           W_node, W_eh, W_er1, W_er2):
    ei4 = edge_index.reshape(2, NW, NCH, C).transpose(1, 2, 0, 3)
    pos16 = jnp.pad(positions, ((0, 0), (0, 13)))

    h0 = pl.pallas_call(
        _embed_body,
        out_shape=jax.ShapeDtypeStruct((N, D), jnp.float32),
    )(node_attrs, W_embed)

    vec = _edge_vec_sc(pos16, ei4)

    w1cat = jnp.concatenate([W_r1a, W_r1b, W_er1], axis=1)
    w2blk = jnp.zeros((192, 2 * D + M), jnp.float32)
    w2blk = w2blk.at[0:64, 0:D].set(W_r2a)
    w2blk = w2blk.at[64:128, D:2 * D].set(W_r2b)
    w2blk = w2blk.at[128:192, 2 * D:2 * D + M].set(W_er2)

    w1, w2, gate = pl.pallas_call(
        _edge_dense_body,
        grid=(E // BE,),
        in_specs=[
            pl.BlockSpec((BE, 16), lambda i: (i, 0)),
            pl.BlockSpec((BE, 3), lambda i: (i, 0)),
            _full((NB, 192)), _full((192, 2 * D + M)),
            _full((4, D)), _full((4, D)),
        ],
        out_specs=[
            pl.BlockSpec((BE, D), lambda i: (i, 0)),
            pl.BlockSpec((BE, D), lambda i: (i, 0)),
            pl.BlockSpec((BE, M), lambda i: (i, 0)),
        ],
        out_shape=[
            jax.ShapeDtypeStruct((E, D), jnp.float32),
            jax.ShapeDtypeStruct((E, D), jnp.float32),
            jax.ShapeDtypeStruct((E, M), jnp.float32),
        ],
    )(vec.reshape(E, 16), shifts, w1cat, w2blk, W_sh1, W_sh2)

    m1 = _interact_sc(h0, w1.reshape(NW, NCH, C, D), ei4)

    h1 = pl.pallas_call(
        _node1_body,
        out_shape=jax.ShapeDtypeStruct((N, D), jnp.float32),
    )(m1.reshape(NCORES, N_PAD, D), W_lin1)

    m2 = _interact_sc(h1, w2.reshape(NW, NCH, C, D), ei4)

    node_labels, eh = pl.pallas_call(
        _node2_body,
        out_shape=[
            jax.ShapeDtypeStruct((N, M), jnp.float32),
            jax.ShapeDtypeStruct((N, M), jnp.float32),
        ],
    )(m2.reshape(NCORES, N_PAD, D), h1, W_lin2,
      W_node[:D], W_node[D:], W_eh[:D], W_eh[D:])

    edge_labels = _readout_sc(eh, gate.reshape(NW, NCH, C, M), ei4)
    return node_labels, edge_labels.reshape(E, M)

# --- scband reference (transcript-rebuilt; emitter-appended) ---
"""Pipeline reference for scband-matrix-mace-75471165325412 (READ-ONLY COPY).

The authoritative reference and input builder live on the scoring server;
editing this copy changes nothing except your own understanding.
"""

import jax, jax.numpy as jnp
import numpy as np

N, E, D, NELEM, NB, M = 10000, 320000, 128, 4, 8, 16
RMAX = 5.0
AVG_NEIGH = 32.0


def setup_inputs(seed: int = 0) -> dict:
    key = jax.random.key(seed)
    ks = jax.random.split(key, 16)
    positions = jax.random.normal(ks[0], (N, 3), dtype=jnp.float32) * 3.0
    edge_index = jax.random.randint(ks[1], (2, E), 0, N, dtype=jnp.int32)
    shifts = jnp.zeros((E, 3), dtype=jnp.float32)
    species = jax.random.randint(ks[2], (N,), 0, NELEM)
    node_attrs = jax.nn.one_hot(species, NELEM, dtype=jnp.float32)

    def w(k, shape, scale):
        return jax.random.normal(k, shape, dtype=jnp.float32) * scale

    return {
        'positions': positions,
        'edge_index': edge_index,
        'shifts': shifts,
        'node_attrs': node_attrs,
        'W_embed': w(ks[3], (NELEM, D), 1.0),
        'W_r1a': w(ks[4], (NB, 64), 0.35),
        'W_r2a': w(ks[5], (64, D), 0.12),
        'W_sh1': w(ks[6], (4, D), 0.5),
        'W_lin1': w(ks[7], (D, D), 0.09),
        'W_r1b': w(ks[8], (NB, 64), 0.35),
        'W_r2b': w(ks[9], (64, D), 0.12),
        'W_sh2': w(ks[10], (4, D), 0.5),
        'W_lin2': w(ks[11], (D, D), 0.09),
        'W_node': w(ks[12], (2 * D, M), 0.06),
        'W_eh': w(ks[13], (2 * D, M), 0.06),
        'W_er1': w(ks[14], (NB, 64), 0.35),
        'W_er2': w(ks[15], (64, M), 0.12),
    }


def _edge_basis(positions, shifts, edge_index):
    # get_edge_vectors_and_lengths + spherical_harmonics (l<=1) + Bessel radial embedding w/ polynomial cutoff
    src = edge_index[0]
    dst = edge_index[1]
    vec = positions[dst] - positions[src] + shifts
    r = jnp.sqrt(jnp.sum(vec * vec, axis=-1, keepdims=True) + 1e-12)
    unit = vec / r
    sh = jnp.concatenate([
        jnp.full((vec.shape[0], 1), 0.28209479177, dtype=vec.dtype),
        0.4886025119 * unit,
    ], axis=-1)  # [E, 4]
    n = jnp.arange(1, NB + 1, dtype=jnp.float32)
    bessel = jnp.sqrt(2.0 / RMAX) * jnp.sin(n * jnp.pi * r / RMAX) / r  # [E, NB]
    u = jnp.clip(r / RMAX, 0.0, 1.0)
    p = 6.0
    fc = 1.0 - ((p + 1.0) * (p + 2.0) / 2.0) * u ** p + p * (p + 2.0) * u ** (p + 1.0) - (p * (p + 1.0) / 2.0) * u ** (p + 2.0)
    edge_feats = bessel * fc  # [E, NB]
    return sh, edge_feats, src, dst


def _interaction(h, edge_feats, sh, src, dst, Wr1, Wr2, Wsh, Wlin):
    # MACE interaction: radial MLP -> tensor-product weights, gather, sh-channel-resolved scatter-add, linear mix
    rw = jax.nn.silu(edge_feats @ Wr1) @ Wr2  # [E, D]
    msg = h[src] * rw  # gather + modulate
    agg = jnp.zeros_like(h)
    for l in range(4):
        agg = agg + jax.ops.segment_sum(msg * sh[:, l:l + 1], dst, num_segments=h.shape[0]) * Wsh[l]
    return jax.nn.silu(agg @ Wlin) / AVG_NEIGH


def reference(positions, edge_index, shifts, node_attrs, W_embed, W_r1a, W_r2a, W_sh1, W_lin1, W_r1b, W_r2b, W_sh2, W_lin2, W_node, W_eh, W_er1, W_er2):
    sh, edge_feats, src, dst = _edge_basis(positions, shifts, edge_index)
    h0 = node_attrs @ W_embed  # node embedding
    h1 = _interaction(h0, edge_feats, sh, src, dst, W_r1a, W_r2a, W_sh1, W_lin1)
    h2 = _interaction(h1, edge_feats, sh, src, dst, W_r1b, W_r2b, W_sh2, W_lin2)
    node_feats = jnp.concatenate([h1, h2], axis=-1)  # concat per-interaction hidden irreps
    # E3nnGraph2Mat readout: node blocks + edge blocks gated by radial edge features
    node_labels = node_feats @ W_node  # [N, M]
    edge_h = (node_feats[src] + node_feats[dst]) @ W_eh  # [E, M]
    edge_gate = jax.nn.silu(edge_feats @ W_er1) @ W_er2  # [E, M]
    edge_labels = edge_h * edge_gate
    return node_labels, edge_labels

if __name__ == "__main__":
    import jax
    _d = setup_inputs()
    print(jax.jit(kernel)(*tuple(_d.values())))

</pallas_src>

<mosaic_0001>
#map = affine_map<(d0, d1) -> (0, 0)>
#map1 = affine_map<(d0, d1) -> (0, 0, 0, 0)>
module attributes {stable_mosaic.version = 14 : i64} {
  func.func @_readout_sc(%arg0: i32, %arg1: i32, %arg2: memref<10000x16xf32, #tpu.memory_space<hbm>>, %arg3: memref<32x125x80x16xf32, #tpu.memory_space<hbm>>, %arg4: memref<32x125x2x80xi32, #tpu.memory_space<hbm>>, %arg5: memref<32x125x80x16xf32, #tpu.memory_space<hbm>>, %arg6: memref<2x2x80xi32, #tpu.memory_space<vmem>>, %arg7: memref<80x16xf32, #tpu.memory_space<vmem>>, %arg8: memref<80x16xf32, #tpu.memory_space<vmem>>, %arg9: memref<80x16xf32, #tpu.memory_space<vmem>>, %arg10: memref<80x16xf32, #tpu.memory_space<vmem>>, %arg11: memref<80x16xf32, #tpu.memory_space<vmem>>, %arg12: memref<80x16xf32, #tpu.memory_space<vmem>>, %arg13: memref<!tpu.dma_semaphore, #tpu.memory_space<semaphore_mem>>, %arg14: memref<!tpu.dma_semaphore, #tpu.memory_space<semaphore_mem>>, %arg15: memref<!tpu.dma_semaphore, #tpu.memory_space<semaphore_mem>>, %arg16: memref<!tpu.dma_semaphore, #tpu.memory_space<semaphore_mem>>) attributes {dimension_semantics = [#tpu.dimension_semantics<core_parallel>, #tpu.dimension_semantics<subcore_parallel>], iteration_bounds = array<i64: 2, 16>, scalar_prefetch = 0 : i64, scratch_operands = 11 : i64, tpu.core_type = #tpu.core_type<sc_vector_subcore>, window_params = [{transform_indices = #map}, {transform_indices = #map1}, {transform_indices = #map1}, {transform_indices = #map1}]} {
    %mul3A = arith.constant 16 : i32
    %mul3A_0 = arith.muli %arg0, %mul3A : i32
    %add3A = arith.addi %mul3A_0, %arg1 : i32
    "tpu.region"() ({
      %run_scoped3A_110 = tpu.sem_alloc : memref<!tpu.dma_semaphore, #tpu.memory_space<semaphore_mem>>
      %dma_start3A_111 = arith.constant 0 : i32
      %dma_start3A_112 = arith.constant 0 : i32
      %dma_start3A_113 = arith.constant 0 : i32
      %dma_start3A_114 = tpu.memref_slice %arg4[%add3A, %dma_start3A_111, %dma_start3A_112, %dma_start3A_113] : memref<32x125x2x80xi32, #tpu.memory_space<hbm>> -> memref<1x2x2x80xi32, #tpu.memory_space<hbm>>
      %dma_start3A_115 = tpu.memref_squeeze %dma_start3A_114 : memref<1x2x2x80xi32, #tpu.memory_space<hbm>> -> memref<2x2x80xi32, #tpu.memory_space<hbm>>
      %dma_start3A_116 = arith.constant 0 : i32
      %dma_start3A_117 = arith.constant 0 : i32
      %dma_start3A_118 = arith.constant 0 : i32
      %dma_start3A_119 = tpu.memref_slice %arg4[%add3A, %dma_start3A_116, %dma_start3A_117, %dma_start3A_118] : memref<32x125x2x80xi32, #tpu.memory_space<hbm>> -> memref<1x2x2x80xi32, #tpu.memory_space<hbm>>
      %dma_start3A_120 = tpu.memref_squeeze %dma_start3A_119 : memref<1x2x2x80xi32, #tpu.memory_space<hbm>> -> memref<2x2x80xi32, #tpu.memory_space<hbm>>
      tpu.enqueue_dma source(%dma_start3A_120 : memref<2x2x80xi32, #tpu.memory_space<hbm>>) target(%arg6 : memref<2x2x80xi32, #tpu.memory_space<vmem>>) target_semaphore(%run_scoped3A_110 : memref<!tpu.dma_semaphore, #tpu.memory_space<semaphore_mem>>)
      %dma_wait3A_121 = arith.constant 0 : i32
      %dma_wait3A_122 = arith.constant 0 : i32
      %dma_wait3A_123 = arith.constant 0 : i32
      %dma_wait3A_124 = tpu.memref_slice %arg4[%add3A, %dma_wait3A_121, %dma_wait3A_122, %dma_wait3A_123] : memref<32x125x2x80xi32, #tpu.memory_space<hbm>> -> memref<1x2x2x80xi32, #tpu.memory_space<hbm>>
      %dma_wait3A_125 = tpu.memref_squeeze %dma_wait3A_124 : memref<1x2x2x80xi32, #tpu.memory_space<hbm>> -> memref<2x2x80xi32, #tpu.memory_space<hbm>>
      %dma_wait3A_126 = arith.constant 0 : i32
      %dma_wait3A_127 = arith.constant 0 : i32
      %dma_wait3A_128 = arith.constant 0 : i32
      %dma_wait3A_129 = tpu.memref_slice %arg4[%add3A, %dma_wait3A_126, %dma_wait3A_127, %dma_wait3A_128] : memref<32x125x2x80xi32, #tpu.memory_space<hbm>> -> memref<1x2x2x80xi32, #tpu.memory_space<hbm>>
      %dma_wait3A_130 = tpu.memref_squeeze %dma_wait3A_129 : memref<1x2x2x80xi32, #tpu.memory_space<hbm>> -> memref<2x2x80xi32, #tpu.memory_space<hbm>>
      tpu.wait_dma2 semaphore(%run_scoped3A_110 : memref<!tpu.dma_semaphore, #tpu.memory_space<semaphore_mem>>) src(%dma_wait3A_130 : memref<2x2x80xi32, #tpu.memory_space<hbm>>) dst(%arg6 : memref<2x2x80xi32, #tpu.memory_space<vmem>>)
      tpu.yield
    }) : () -> ()
    %dma_start3A = arith.constant 0 : i32
    %dma_start3A_1 = arith.constant 0 : i32
    %dma_start3A_2 = arith.constant 0 : i32
    %dma_start3A_3 = tpu.memref_slice %arg6[%dma_start3A, %dma_start3A_1, %dma_start3A_2] : memref<2x2x80xi32, #tpu.memory_space<vmem>> -> memref<1x1x80xi32, #tpu.memory_space<vmem>>
    %dma_start3A_4 = tpu.memref_squeeze %dma_start3A_3 : memref<1x1x80xi32, #tpu.memory_space<vmem>> -> memref<80xi32, #tpu.memory_space<vmem>>
    %dma_start3A_5 = arith.constant 0 : i32
    %dma_start3A_6 = arith.constant 0 : i32
    %dma_start3A_7 = tpu.memref_slice %arg2[%dma_start3A_5, %dma_start3A_6] : memref<10000x16xf32, #tpu.memory_space<hbm>> -> memref<10000x16xf32, #tpu.memory_space<hbm>>
    tpu.enqueue_indirect_dma source(%dma_start3A_7 : memref<10000x16xf32, #tpu.memory_space<hbm>>) target(%arg7 : memref<80x16xf32, #tpu.memory_space<vmem>>) offsets(%dma_start3A_4 : memref<80xi32, #tpu.memory_space<vmem>>) semaphore(%arg13 : memref<!tpu.dma_semaphore, #tpu.memory_space<semaphore_mem>>)
    %dma_start3A_8 = arith.constant 0 : i32
    %dma_start3A_9 = arith.constant 1 : i32
    %dma_start3A_10 = arith.constant 0 : i32
    %dma_start3A_11 = tpu.memref_slice %arg6[%dma_start3A_8, %dma_start3A_9, %dma_start3A_10] : memref<2x2x80xi32, #tpu.memory_space<vmem>> -> memref<1x1x80xi32, #tpu.memory_space<vmem>>
    %dma_start3A_12 = tpu.memref_squeeze %dma_start3A_11 : memref<1x1x80xi32, #tpu.memory_space<vmem>> -> memref<80xi32, #tpu.memory_space<vmem>>
    %dma_start3A_13 = arith.constant 0 : i32
    %dma_start3A_14 = arith.constant 0 : i32
    %dma_start3A_15 = tpu.memref_slice %arg2[%dma_start3A_13, %dma_start3A_14] : memref<10000x16xf32, #tpu.memory_space<hbm>> -> memref<10000x16xf32, #tpu.memory_space<hbm>>
    tpu.enqueue_indirect_dma source(%dma_start3A_15 : memref<10000x16xf32, #tpu.memory_space<hbm>>) target(%arg9 : memref<80x16xf32, #tpu.memory_space<vmem>>) offsets(%dma_start3A_12 : memref<80xi32, #tpu.memory_space<vmem>>) semaphore(%arg13 : memref<!tpu.dma_semaphore, #tpu.memory_space<semaphore_mem>>)
    %dma_start3A_16 = arith.constant 0 : i32
    %dma_start3A_17 = arith.constant 0 : i32
    %dma_start3A_18 = arith.constant 0 : i32
    %dma_start3A_19 = tpu.memref_slice %arg3[%add3A, %dma_start3A_16, %dma_start3A_17, %dma_start3A_18] : memref<32x125x80x16xf32, #tpu.memory_space<hbm>> -> memref<1x1x80x16xf32, #tpu.memory_space<hbm>>
    %dma_start3A_20 = tpu.memref_squeeze %dma_start3A_19 : memref<1x1x80x16xf32, #tpu.memory_space<hbm>> -> memref<80x16xf32, #tpu.memory_space<hbm>>
    %dma_start3A_21 = arith.constant 0 : i32
    %dma_start3A_22 = arith.constant 0 : i32
    %dma_start3A_23 = tpu.memref_slice %arg3[%add3A, %dma_start3A_16, %dma_start3A_21, %dma_start3A_22] : memref<32x125x80x16xf32, #tpu.memory_space<hbm>> -> memref<1x1x80x16xf32, #tpu.memory_space<hbm>>
    %dma_start3A_24 = tpu.memref_squeeze %dma_start3A_23 : memref<1x1x80x16xf32, #tpu.memory_space<hbm>> -> memref<80x16xf32, #tpu.memory_space<hbm>>
    tpu.enqueue_dma source(%dma_start3A_24 : memref<80x16xf32, #tpu.memory_space<hbm>>) target(%arg11 : memref<80x16xf32, #tpu.memory_space<vmem>>) target_semaphore(%arg13 : memref<!tpu.dma_semaphore, #tpu.memory_space<semaphore_mem>>)
    %dma_start3A_25 = arith.constant 1 : i32
    %dma_start3A_26 = arith.constant 0 : i32
    %dma_start3A_27 = arith.constant 0 : i32
    %dma_start3A_28 = tpu.memref_slice %arg6[%dma_start3A_25, %dma_start3A_26, %dma_start3A_27] : memref<2x2x80xi32, #tpu.memory_space<vmem>> -> memref<1x1x80xi32, #tpu.memory_space<vmem>>
    %dma_start3A_29 = tpu.memref_squeeze %dma_start3A_28 : memref<1x1x80xi32, #tpu.memory_space<vmem>> -> memref<80xi32, #tpu.memory_space<vmem>>
    %dma_start3A_30 = arith.constant 0 : i32
    %dma_start3A_31 = arith.constant 0 : i32
    %dma_start3A_32 = tpu.memref_slice %arg2[%dma_start3A_30, %dma_start3A_31] : memref<10000x16xf32, #tpu.memory_space<hbm>> -> memref<10000x16xf32, #tpu.memory_space<hbm>>
    tpu.enqueue_indirect_dma source(%dma_start3A_32 : memref<10000x16xf32, #tpu.memory_space<hbm>>) target(%arg8 : memref<80x16xf32, #tpu.memory_space<vmem>>) offsets(%dma_start3A_29 : memref<80xi32, #tpu.memory_space<vmem>>) semaphore(%arg14 : memref<!tpu.dma_semaphore, #tpu.memory_space<semaphore_mem>>)
    %dma_start3A_33 = arith.constant 1 : i32
    %dma_start3A_34 = arith.constant 1 : i32
    %dma_start3A_35 = arith.constant 0 : i32
    %dma_start3A_36 = tpu.memref_slice %arg6[%dma_start3A_33, %dma_start3A_34, %dma_start3A_35] : memref<2x2x80xi32, #tpu.memory_space<vmem>> -> memref<1x1x80xi32, #tpu.memory_space<vmem>>
    %dma_start3A_37 = tpu.memref_squeeze %dma_start3A_36 : memref<1x1x80xi32, #tpu.memory_space<vmem>> -> memref<80xi32, #tpu.memory_space<vmem>>
    %dma_start3A_38 = arith.constant 0 : i32
    %dma_start3A_39 = arith.constant 0 : i32
    %dma_start3A_40 = tpu.memref_slice %arg2[%dma_start3A_38, %dma_start3A_39] : memref<10000x16xf32, #tpu.memory_space<hbm>> -> memref<10000x16xf32, #tpu.memory_space<hbm>>
    tpu.enqueue_indirect_dma source(%dma_start3A_40 : memref<10000x16xf32, #tpu.memory_space<hbm>>) target(%arg10 : memref<80x16xf32, #tpu.memory_space<vmem>>) offsets(%dma_start3A_37 : memref<80xi32, #tpu.memory_space<vmem>>) semaphore(%arg14 : memref<!tpu.dma_semaphore, #tpu.memory_space<semaphore_mem>>)
    %dma_start3A_41 = arith.constant 1 : i32
    %dma_start3A_42 = arith.constant 0 : i32
    %dma_start3A_43 = arith.constant 0 : i32
    %dma_start3A_44 = tpu.memref_slice %arg3[%add3A, %dma_start3A_41, %dma_start3A_42, %dma_start3A_43] : memref<32x125x80x16xf32, #tpu.memory_space<hbm>> -> memref<1x1x80x16xf32, #tpu.memory_space<hbm>>
    %dma_start3A_45 = tpu.memref_squeeze %dma_start3A_44 : memref<1x1x80x16xf32, #tpu.memory_space<hbm>> -> memref<80x16xf32, #tpu.memory_space<hbm>>
    %dma_start3A_46 = arith.constant 0 : i32
    %dma_start3A_47 = arith.constant 0 : i32
    %dma_start3A_48 = tpu.memref_slice %arg3[%add3A, %dma_start3A_41, %dma_start3A_46, %dma_start3A_47] : memref<32x125x80x16xf32, #tpu.memory_space<hbm>> -> memref<1x1x80x16xf32, #tpu.memory_space<hbm>>
    %dma_start3A_49 = tpu.memref_squeeze %dma_start3A_48 : memref<1x1x80x16xf32, #tpu.memory_space<hbm>> -> memref<80x16xf32, #tpu.memory_space<hbm>>
    tpu.enqueue_dma source(%dma_start3A_49 : memref<80x16xf32, #tpu.memory_space<hbm>>) target(%arg12 : memref<80x16xf32, #tpu.memory_space<vmem>>) target_semaphore(%arg14 : memref<!tpu.dma_semaphore, #tpu.memory_space<semaphore_mem>>)
    %scan3A = arith.constant 0 : i32
    %scan3A_50 = arith.constant 0 : i32
    %scan3A_51 = arith.constant 62 : i32
    %scan3A_52 = arith.addi %scan3A_50, %scan3A_51 : i32
    %scan3A_53 = arith.constant 1 : i32
    scf.for %scan3A_110 = %scan3A_50 to %scan3A_52 step %scan3A_53  : i32 {
      %dma_wait3A_111 = arith.constant 0 : i32
      %dma_wait3A_112 = arith.constant 0 : i32
      %dma_wait3A_113 = arith.constant 0 : i32
      %dma_wait3A_114 = tpu.memref_slice %arg6[%dma_wait3A_111, %dma_wait3A_112, %dma_wait3A_113] : memref<2x2x80xi32, #tpu.memory_space<vmem>> -> memref<1x1x80xi32, #tpu.memory_space<vmem>>
      %dma_wait3A_115 = tpu.memref_squeeze %dma_wait3A_114 : memref<1x1x80xi32, #tpu.memory_space<vmem>> -> memref<80xi32, #tpu.memory_space<vmem>>
      %dma_wait3A_116 = arith.constant 0 : i32
      %dma_wait3A_117 = arith.constant 0 : i32
      %dma_wait3A_118 = tpu.memref_slice %arg2[%dma_wait3A_116, %dma_wait3A_117] : memref<10000x16xf32, #tpu.memory_space<hbm>> -> memref<10000x16xf32, #tpu.memory_space<hbm>>
      tpu.wait_indirect_dma semaphore(%arg13 : memref<!tpu.dma_semaphore, #tpu.memory_space<semaphore_mem>>) src(%dma_wait3A_118 : memref<10000x16xf32, #tpu.memory_space<hbm>>) dst(%arg7 : memref<80x16xf32, #tpu.memory_space<vmem>>)
      %dma_wait3A_119 = arith.constant 0 : i32
      %dma_wait3A_120 = arith.constant 1 : i32
      %dma_wait3A_121 = arith.constant 0 : i32
      %dma_wait3A_122 = tpu.memref_slice %arg6[%dma_wait3A_119, %dma_wait3A_120, %dma_wait3A_121] : memref<2x2x80xi32, #tpu.memory_space<vmem>> -> memref<1x1x80xi32, #tpu.memory_space<vmem>>
      %dma_wait3A_123 = tpu.memref_squeeze %dma_wait3A_122 : memref<1x1x80xi32, #tpu.memory_space<vmem>> -> memref<80xi32, #tpu.memory_space<vmem>>
      %dma_wait3A_124 = arith.constant 0 : i32
      %dma_wait3A_125 = arith.constant 0 : i32
      %dma_wait3A_126 = tpu.memref_slice %arg2[%dma_wait3A_124, %dma_wait3A_125] : memref<10000x16xf32, #tpu.memory_space<hbm>> -> memref<10000x16xf32, #tpu.memory_space<hbm>>
      tpu.wait_indirect_dma semaphore(%arg13 : memref<!tpu.dma_semaphore, #tpu.memory_space<semaphore_mem>>) src(%dma_wait3A_126 : memref<10000x16xf32, #tpu.memory_space<hbm>>) dst(%arg9 : memref<80x16xf32, #tpu.memory_space<vmem>>)
      %dma_wait3A_127 = arith.constant 0 : i32
      %dma_wait3A_128 = arith.constant 0 : i32
      %dma_wait3A_129 = arith.constant 0 : i32
      %dma_wait3A_130 = tpu.memref_slice %arg3[%add3A, %dma_wait3A_127, %dma_wait3A_128, %dma_wait3A_129] : memref<32x125x80x16xf32, #tpu.memory_space<hbm>> -> memref<1x1x80x16xf32, #tpu.memory_space<hbm>>
      %dma_wait3A_131 = tpu.memref_squeeze %dma_wait3A_130 : memref<1x1x80x16xf32, #tpu.memory_space<hbm>> -> memref<80x16xf32, #tpu.memory_space<hbm>>
      %dma_wait3A_132 = arith.constant 0 : i32
      %dma_wait3A_133 = arith.constant 0 : i32
      %dma_wait3A_134 = tpu.memref_slice %arg3[%add3A, %dma_wait3A_127, %dma_wait3A_132, %dma_wait3A_133] : memref<32x125x80x16xf32, #tpu.memory_space<hbm>> -> memref<1x1x80x16xf32, #tpu.memory_space<hbm>>
      %dma_wait3A_135 = tpu.memref_squeeze %dma_wait3A_134 : memref<1x1x80x16xf32, #tpu.memory_space<hbm>> -> memref<80x16xf32, #tpu.memory_space<hbm>>
      tpu.wait_dma2 semaphore(%arg13 : memref<!tpu.dma_semaphore, #tpu.memory_space<semaphore_mem>>) src(%dma_wait3A_135 : memref<80x16xf32, #tpu.memory_space<hbm>>) dst(%arg11 : memref<80x16xf32, #tpu.memory_space<vmem>>)
      %scan3A_136 = arith.constant 0 : i32
      %scan3A_137 = arith.constant 0 : i32
      %scan3A_138 = arith.constant 80 : i32
      %scan3A_139 = arith.addi %scan3A_137, %scan3A_138 : i32
      %scan3A_140 = arith.constant 1 : i32
      scf.for %scan3A_213 = %scan3A_137 to %scan3A_139 step %scan3A_140  : i32 {
        %get3A = arith.index_cast %scan3A_213 : i32 to index
        %get3A_214 = arith.constant 0 : index
        %get3A_215 = tpu.vector_load %arg7[%get3A, %get3A_214] {strides = array<i32>} : memref<80x16xf32, #tpu.memory_space<vmem>>, vector<1x16xf32>,
        %get3A_216 = vector.shape_cast %get3A_215 : vector<1x16xf32> to vector<16xf32>
        %get3A_217 = arith.index_cast %scan3A_213 : i32 to index
        %get3A_218 = arith.constant 0 : index
        %get3A_219 = tpu.vector_load %arg9[%get3A_217, %get3A_218] {strides = array<i32>} : memref<80x16xf32, #tpu.memory_space<vmem>>, vector<1x16xf32>,
        %get3A_220 = vector.shape_cast %get3A_219 : vector<1x16xf32> to vector<16xf32>
        %add3A_221 = arith.addf %get3A_216, %get3A_220 : vector<16xf32>
        %get3A_222 = arith.index_cast %scan3A_213 : i32 to index
        %get3A_223 = arith.constant 0 : index
        %get3A_224 = tpu.vector_load %arg11[%get3A_222, %get3A_223] {strides = array<i32>} : memref<80x16xf32, #tpu.memory_space<vmem>>, vector<1x16xf32>,
        %get3A_225 = vector.shape_cast %get3A_224 : vector<1x16xf32> to vector<16xf32>
        %mul3A_226 = arith.mulf %add3A_221, %get3A_225 : vector<16xf32>
        %swap3A = arith.index_cast %scan3A_213 : i32 to index
        %swap3A_227 = arith.constant 0 : index
        %swap3A_228 = tpu.vector_load %arg11[%swap3A, %swap3A_227] {strides = array<i32>} : memref<80x16xf32, #tpu.memory_space<vmem>>, vector<1x16xf32>,
        %swap3A_229 = vector.shape_cast %swap3A_228 : vector<1x16xf32> to vector<16xf32>
        %swap3A_230 = vector.shape_cast %mul3A_226 : vector<16xf32> to vector<1x16xf32>
        tpu.vector_store %arg11[%swap3A, %swap3A_227], %swap3A_230 {strides = array<i32>} : memref<80x16xf32, #tpu.memory_space<vmem>>, vector<1x16xf32>,
      }
      %scan3A_141 = arith.constant 80 : i32
      %dma_wait3A_142 = arith.constant 1 : i32
      %dma_wait3A_143 = arith.constant 0 : i32
      %dma_wait3A_144 = arith.constant 0 : i32
      %dma_wait3A_145 = tpu.memref_slice %arg6[%dma_wait3A_142, %dma_wait3A_143, %dma_wait3A_144] : memref<2x2x80xi32, #tpu.memory_space<vmem>> -> memref<1x1x80xi32, #tpu.memory_space<vmem>>
      %dma_wait3A_146 = tpu.memref_squeeze %dma_wait3A_145 : memref<1x1x80xi32, #tpu.memory_space<vmem>> -> memref<80xi32, #tpu.memory_space<vmem>>
      %dma_wait3A_147 = arith.constant 0 : i32
      %dma_wait3A_148 = arith.constant 0 : i32
      %dma_wait3A_149 = tpu.memref_slice %arg2[%dma_wait3A_147, %dma_wait3A_148] : memref<10000x16xf32, #tpu.memory_space<hbm>> -> memref<10000x16xf32, #tpu.memory_space<hbm>>
      tpu.wait_indirect_dma semaphore(%arg14 : memref<!tpu.dma_semaphore, #tpu.memory_space<semaphore_mem>>) src(%dma_wait3A_149 : memref<10000x16xf32, #tpu.memory_space<hbm>>) dst(%arg8 : memref<80x16xf32, #tpu.memory_space<vmem>>)
      %dma_wait3A_150 = arith.constant 1 : i32
      %dma_wait3A_151 = arith.constant 1 : i32
      %dma_wait3A_152 = arith.constant 0 : i32
      %dma_wait3A_153 = tpu.memref_slice %arg6[%dma_wait3A_150, %dma_wait3A_151, %dma_wait3A_152] : memref<2x2x80xi32, #tpu.memory_space<vmem>> -> memref<1x1x80xi32, #tpu.memory_space<vmem>>
      %dma_wait3A_154 = tpu.memref_squeeze %dma_wait3A_153 : memref<1x1x80xi32, #tpu.memory_space<vmem>> -> memref<80xi32, #tpu.memory_space<vmem>>
      %dma_wait3A_155 = arith.constant 0 : i32
      %dma_wait3A_156 = arith.constant 0 : i32
      %dma_wait3A_157 = tpu.memref_slice %arg2[%dma_wait3A_155, %dma_wait3A_156] : memref<10000x16xf32, #tpu.memory_space<hbm>> -> memref<10000x16xf32, #tpu.memory_space<hbm>>
      tpu.wait_indirect_dma semaphore(%arg14 : memref<!tpu.dma_semaphore, #tpu.memory_space<semaphore_mem>>) src(%dma_wait3A_157 : memref<10000x16xf32, #tpu.memory_space<hbm>>) dst(%arg10 : memref<80x16xf32, #tpu.memory_space<vmem>>)
      %dma_wait3A_158 = arith.constant 0 : i32
      %dma_wait3A_159 = arith.constant 0 : i32
      %dma_wait3A_160 = arith.constant 0 : i32
      %dma_wait3A_161 = tpu.memref_slice %arg3[%add3A, %dma_wait3A_158, %dma_wait3A_159, %dma_wait3A_160] : memref<32x125x80x16xf32, #tpu.memory_space<hbm>> -> memref<1x1x80x16xf32, #tpu.memory_space<hbm>>
      %dma_wait3A_162 = tpu.memref_squeeze %dma_wait3A_161 : memref<1x1x80x16xf32, #tpu.memory_space<hbm>> -> memref<80x16xf32, #tpu.memory_space<hbm>>
      %dma_wait3A_163 = arith.constant 0 : i32
      %dma_wait3A_164 = arith.constant 0 : i32
      %dma_wait3A_165 = tpu.memref_slice %arg3[%add3A, %dma_wait3A_158, %dma_wait3A_163, %dma_wait3A_164] : memref<32x125x80x16xf32, #tpu.memory_space<hbm>> -> memref<1x1x80x16xf32, #tpu.memory_space<hbm>>
      %dma_wait3A_166 = tpu.memref_squeeze %dma_wait3A_165 : memref<1x1x80x16xf32, #tpu.memory_space<hbm>> -> memref<80x16xf32, #tpu.memory_space<hbm>>
      tpu.wait_dma2 semaphore(%arg14 : memref<!tpu.dma_semaphore, #tpu.memory_space<semaphore_mem>>) src(%dma_wait3A_166 : memref<80x16xf32, #tpu.memory_space<hbm>>) dst(%arg12 : memref<80x16xf32, #tpu.memory_space<vmem>>)
      %scan3A_167 = arith.constant 0 : i32
      %scan3A_168 = arith.constant 0 : i32
      %scan3A_169 = arith.constant 80 : i32
      %scan3A_170 = arith.addi %scan3A_168, %scan3A_169 : i32
      %scan3A_171 = arith.constant 1 : i32
      scf.for %scan3A_213 = %scan3A_168 to %scan3A_170 step %scan3A_171  : i32 {
        %get3A = arith.index_cast %scan3A_213 : i32 to index
        %get3A_214 = arith.constant 0 : index
        %get3A_215 = tpu.vector_load %arg8[%get3A, %get3A_214] {strides = array<i32>} : memref<80x16xf32, #tpu.memory_space<vmem>>, vector<1x16xf32>,
        %get3A_216 = vector.shape_cast %get3A_215 : vector<1x16xf32> to vector<16xf32>
        %get3A_217 = arith.index_cast %scan3A_213 : i32 to index
        %get3A_218 = arith.constant 0 : index
        %get3A_219 = tpu.vector_load %arg10[%get3A_217, %get3A_218] {strides = array<i32>} : memref<80x16xf32, #tpu.memory_space<vmem>>, vector<1x16xf32>,
        %get3A_220 = vector.shape_cast %get3A_219 : vector<1x16xf32> to vector<16xf32>
        %add3A_221 = arith.addf %get3A_216, %get3A_220 : vector<16xf32>
        %get3A_222 = arith.index_cast %scan3A_213 : i32 to index
        %get3A_223 = arith.constant 0 : index
        %get3A_224 = tpu.vector_load %arg12[%get3A_222, %get3A_223] {strides = array<i32>} : memref<80x16xf32, #tpu.memory_space<vmem>>, vector<1x16xf32>,
        %get3A_225 = vector.shape_cast %get3A_224 : vector<1x16xf32> to vector<16xf32>
        %mul3A_226 = arith.mulf %add3A_221, %get3A_225 : vector<16xf32>
        %swap3A = arith.index_cast %scan3A_213 : i32 to index
        %swap3A_227 = arith.constant 0 : index
        %swap3A_228 = tpu.vector_load %arg12[%swap3A, %swap3A_227] {strides = array<i32>} : memref<80x16xf32, #tpu.memory_space<vmem>>, vector<1x16xf32>,
        %swap3A_229 = vector.shape_cast %swap3A_228 : vector<1x16xf32> to vector<16xf32>
        %swap3A_230 = vector.shape_cast %mul3A_226 : vector<16xf32> to vector<1x16xf32>
        tpu.vector_store %arg12[%swap3A, %swap3A_227], %swap3A_230 {strides = array<i32>} : memref<80x16xf32, #tpu.memory_space<vmem>>, vector<1x16xf32>,
      }
      %scan3A_172 = arith.constant 80 : i32
      %mul3A_173 = arith.constant 2 : i32
      %mul3A_174 = arith.muli %mul3A_173, %scan3A_110 : i32
      %dma_start3A_175 = arith.constant 0 : i32
      %dma_start3A_176 = arith.constant 0 : i32
      %dma_start3A_177 = tpu.memref_slice %arg5[%add3A, %mul3A_174, %dma_start3A_175, %dma_start3A_176] : memref<32x125x80x16xf32, #tpu.memory_space<hbm>> -> memref<1x1x80x16xf32, #tpu.memory_space<hbm>>
      %dma_start3A_178 = tpu.memref_squeeze %dma_start3A_177 : memref<1x1x80x16xf32, #tpu.memory_space<hbm>> -> memref<80x16xf32, #tpu.memory_space<hbm>>
      %dma_start3A_179 = arith.constant 0 : i32
      %dma_start3A_180 = arith.constant 0 : i32
      %dma_start3A_181 = tpu.memref_slice %arg5[%add3A, %mul3A_174, %dma_start3A_179, %dma_start3A_180] : memref<32x125x80x16xf32, #tpu.memory_space<hbm>> -> memref<1x1x80x16xf32, #tpu.memory_space<hbm>>
      %dma_start3A_182 = tpu.memref_squeeze %dma_start3A_181 : memref<1x1x80x16xf32, #tpu.memory_space<hbm>> -> memref<80x16xf32, #tpu.memory_space<hbm>>
      tpu.enqueue_dma source(%arg11 : memref<80x16xf32, #tpu.memory_space<vmem>>) target(%dma_start3A_182 : memref<80x16xf32, #tpu.memory_space<hbm>>) target_semaphore(%arg15 : memref<!tpu.dma_semaphore, #tpu.memory_space<semaphore_mem>>)
      %mul3A_183 = arith.constant 2 : i32
      %mul3A_184 = arith.muli %mul3A_183, %scan3A_110 : i32
      %add3A_185 = arith.constant 1 : i32
      %add3A_186 = arith.addi %mul3A_184, %add3A_185 : i32
      %dma_start3A_187 = arith.constant 0 : i32
      %dma_start3A_188 = arith.constant 0 : i32
      %dma_start3A_189 = tpu.memref_slice %arg5[%add3A, %add3A_186, %dma_start3A_187, %dma_start3A_188] : memref<32x125x80x16xf32, #tpu.memory_space<hbm>> -> memref<1x1x80x16xf32, #tpu.memory_space<hbm>>
      %dma_start3A_190 = tpu.memref_squeeze %dma_start3A_189 : memref<1x1x80x16xf32, #tpu.memory_space<hbm>> -> memref<80x16xf32, #tpu.memory_space<hbm>>
      %dma_start3A_191 = arith.constant 0 : i32
      %dma_start3A_192 = arith.constant 0 : i32
      %dma_start3A_193 = tpu.memref_slice %arg5[%add3A, %add3A_186, %dma_start3A_191, %dma_start3A_192] : memref<32x125x80x16xf32, #tpu.memory_space<hbm>> -> memref<1x1x80x16xf32, #tpu.memory_space<hbm>>
      %dma_start3A_194 = tpu.memref_squeeze %dma_start3A_193 : memref<1x1x80x16xf32, #tpu.memory_space<hbm>> -> memref<80x16xf32, #tpu.memory_space<hbm>>
      tpu.enqueue_dma source(%arg12 : memref<80x16xf32, #tpu.memory_space<vmem>>) target(%dma_start3A_194 : memref<80x16xf32, #tpu.memory_space<hbm>>) target_semaphore(%arg16 : memref<!tpu.dma_semaphore, #tpu.memory_space<semaphore_mem>>)
      %dma_wait3A_195 = arith.constant 0 : i32
      %dma_wait3A_196 = arith.constant 0 : i32
      %dma_wait3A_197 = tpu.memref_slice %arg5[%add3A, %mul3A_174, %dma_wait3A_195, %dma_wait3A_196] : memref<32x125x80x16xf32, #tpu.memory_space<hbm>> -> memref<1x1x80x16xf32, #tpu.memory_space<hbm>>
      %dma_wait3A_198 = tpu.memref_squeeze %dma_wait3A_197 : memref<1x1x80x16xf32, #tpu.memory_space<hbm>> -> memref<80x16xf32, #tpu.memory_space<hbm>>
      %dma_wait3A_199 = arith.constant 0 : i32
      %dma_wait3A_200 = arith.constant 0 : i32
      %dma_wait3A_201 = tpu.memref_slice %arg5[%add3A, %mul3A_174, %dma_wait3A_199, %dma_wait3A_200] : memref<32x125x80x16xf32, #tpu.memory_space<hbm>> -> memref<1x1x80x16xf32, #tpu.memory_space<hbm>>
      %dma_wait3A_202 = tpu.memref_squeeze %dma_wait3A_201 : memref<1x1x80x16xf32, #tpu.memory_space<hbm>> -> memref<80x16xf32, #tpu.memory_space<hbm>>
      tpu.wait_dma2 semaphore(%arg15 : memref<!tpu.dma_semaphore, #tpu.memory_space<semaphore_mem>>) src(%arg11 : memref<80x16xf32, #tpu.memory_space<vmem>>) dst(%dma_wait3A_202 : memref<80x16xf32, #tpu.memory_space<hbm>>)
      %dma_wait3A_203 = arith.constant 0 : i32
      %dma_wait3A_204 = arith.constant 0 : i32
      %dma_wait3A_205 = tpu.memref_slice %arg5[%add3A, %add3A_186, %dma_wait3A_203, %dma_wait3A_204] : memref<32x125x80x16xf32, #tpu.memory_space<hbm>> -> memref<1x1x80x16xf32, #tpu.memory_space<hbm>>
      %dma_wait3A_206 = tpu.memref_squeeze %dma_wait3A_205 : memref<1x1x80x16xf32, #tpu.memory_space<hbm>> -> memref<80x16xf32, #tpu.memory_space<hbm>>
      %dma_wait3A_207 = arith.constant 0 : i32
      %dma_wait3A_208 = arith.constant 0 : i32
      %dma_wait3A_209 = tpu.memref_slice %arg5[%add3A, %add3A_186, %dma_wait3A_207, %dma_wait3A_208] : memref<32x125x80x16xf32, #tpu.memory_space<hbm>> -> memref<1x1x80x16xf32, #tpu.memory_space<hbm>>
      %dma_wait3A_210 = tpu.memref_squeeze %dma_wait3A_209 : memref<1x1x80x16xf32, #tpu.memory_space<hbm>> -> memref<80x16xf32, #tpu.memory_space<hbm>>
      tpu.wait_dma2 semaphore(%arg16 : memref<!tpu.dma_semaphore, #tpu.memory_space<semaphore_mem>>) src(%arg12 : memref<80x16xf32, #tpu.memory_space<vmem>>) dst(%dma_wait3A_210 : memref<80x16xf32, #tpu.memory_space<hbm>>)
      %lt3A = arith.constant 61 : i32
      %lt3A_211 = arith.cmpi slt, %scan3A_110, %lt3A : i32
      %convert_element_type3A = arith.extui %lt3A_211 : i1 to i32
      %cond3A = arith.constant 0 : i32
      %cond3A_212 = arith.cmpi ne, %convert_element_type3A, %cond3A : i32
      scf.if %cond3A_212 {
        %mul3A_213 = arith.constant 2 : i32
        %mul3A_214 = arith.muli %mul3A_213, %scan3A_110 : i32
        %add3A_215 = arith.constant 2 : i32
        %add3A_216 = arith.addi %mul3A_214, %add3A_215 : i32
        "tpu.region"() ({
          %run_scoped3A_273 = tpu.sem_alloc : memref<!tpu.dma_semaphore, #tpu.memory_space<semaphore_mem>>
          %dma_start3A_274 = arith.constant 0 : i32
          %dma_start3A_275 = arith.constant 0 : i32
          %dma_start3A_276 = tpu.memref_slice %arg4[%add3A, %add3A_216, %dma_start3A_274, %dma_start3A_275] : memref<32x125x2x80xi32, #tpu.memory_space<hbm>> -> memref<1x2x2x80xi32, #tpu.memory_space<hbm>>
          %dma_start3A_277 = tpu.memref_squeeze %dma_start3A_276 : memref<1x2x2x80xi32, #tpu.memory_space<hbm>> -> memref<2x2x80xi32, #tpu.memory_space<hbm>>
          %dma_start3A_278 = arith.constant 0 : i32
          %dma_start3A_279 = arith.constant 0 : i32
          %dma_start3A_280 = tpu.memref_slice %arg4[%add3A, %add3A_216, %dma_start3A_278, %dma_start3A_279] : memref<32x125x2x80xi32, #tpu.memory_space<hbm>> -> memref<1x2x2x80xi32, #tpu.memory_space<hbm>>
          %dma_start3A_281 = tpu.memref_squeeze %dma_start3A_280 : memref<1x2x2x80xi32, #tpu.memory_space<hbm>> -> memref<2x2x80xi32, #tpu.memory_space<hbm>>
          tpu.enqueue_dma source(%dma_start3A_281 : memref<2x2x80xi32, #tpu.memory_space<hbm>>) target(%arg6 : memref<2x2x80xi32, #tpu.memory_space<vmem>>) target_semaphore(%run_scoped3A_273 : memref<!tpu.dma_semaphore, #tpu.memory_space<semaphore_mem>>)
          %dma_wait3A_282 = arith.constant 0 : i32
          %dma_wait3A_283 = arith.constant 0 : i32
          %dma_wait3A_284 = tpu.memref_slice %arg4[%add3A, %add3A_216, %dma_wait3A_282, %dma_wait3A_283] : memref<32x125x2x80xi32, #tpu.memory_space<hbm>> -> memref<1x2x2x80xi32, #tpu.memory_space<hbm>>
          %dma_wait3A_285 = tpu.memref_squeeze %dma_wait3A_284 : memref<1x2x2x80xi32, #tpu.memory_space<hbm>> -> memref<2x2x80xi32, #tpu.memory_space<hbm>>
          %dma_wait3A_286 = arith.constant 0 : i32
          %dma_wait3A_287 = arith.constant 0 : i32
          %dma_wait3A_288 = tpu.memref_slice %arg4[%add3A, %add3A_216, %dma_wait3A_286, %dma_wait3A_287] : memref<32x125x2x80xi32, #tpu.memory_space<hbm>> -> memref<1x2x2x80xi32, #tpu.memory_space<hbm>>
          %dma_wait3A_289 = tpu.memref_squeeze %dma_wait3A_288 : memref<1x2x2x80xi32, #tpu.memory_space<hbm>> -> memref<2x2x80xi32, #tpu.memory_space<hbm>>
          tpu.wait_dma2 semaphore(%run_scoped3A_273 : memref<!tpu.dma_semaphore, #tpu.memory_space<semaphore_mem>>) src(%dma_wait3A_289 : memref<2x2x80xi32, #tpu.memory_space<hbm>>) dst(%arg6 : memref<2x2x80xi32, #tpu.memory_space<vmem>>)
          tpu.yield
        }) : () -> ()
        %mul3A_217 = arith.constant 2 : i32
        %mul3A_218 = arith.muli %mul3A_217, %scan3A_110 : i32
        %add3A_219 = arith.constant 2 : i32
        %add3A_220 = arith.addi %mul3A_218, %add3A_219 : i32
        %dma_start3A_221 = arith.constant 0 : i32
        %dma_start3A_222 = arith.constant 0 : i32
        %dma_start3A_223 = arith.constant 0 : i32
        %dma_start3A_224 = tpu.memref_slice %arg6[%dma_start3A_221, %dma_start3A_222, %dma_start3A_223] : memref<2x2x80xi32, #tpu.memory_space<vmem>> -> memref<1x1x80xi32, #tpu.memory_space<vmem>>
        %dma_start3A_225 = tpu.memref_squeeze %dma_start3A_224 : memref<1x1x80xi32, #tpu.memory_space<vmem>> -> memref<80xi32, #tpu.memory_space<vmem>>
        %dma_start3A_226 = arith.constant 0 : i32
        %dma_start3A_227 = arith.constant 0 : i32
        %dma_start3A_228 = tpu.memref_slice %arg2[%dma_start3A_226, %dma_start3A_227] : memref<10000x16xf32, #tpu.memory_space<hbm>> -> memref<10000x16xf32, #tpu.memory_space<hbm>>
        tpu.enqueue_indirect_dma source(%dma_start3A_228 : memref<10000x16xf32, #tpu.memory_space<hbm>>) target(%arg7 : memref<80x16xf32, #tpu.memory_space<vmem>>) offsets(%dma_start3A_225 : memref<80xi32, #tpu.memory_space<vmem>>) semaphore(%arg13 : memref<!tpu.dma_semaphore, #tpu.memory_space<semaphore_mem>>)
        %dma_start3A_229 = arith.constant 0 : i32
        %dma_start3A_230 = arith.constant 1 : i32
        %dma_start3A_231 = arith.constant 0 : i32
        %dma_start3A_232 = tpu.memref_slice %arg6[%dma_start3A_229, %dma_start3A_230, %dma_start3A_231] : memref<2x2x80xi32, #tpu.memory_space<vmem>> -> memref<1x1x80xi32, #tpu.memory_space<vmem>>
        %dma_start3A_233 = tpu.memref_squeeze %dma_start3A_232 : memref<1x1x80xi32, #tpu.memory_space<vmem>> -> memref<80xi32, #tpu.memory_space<vmem>>
        %dma_start3A_234 = arith.constant 0 : i32
        %dma_start3A_235 = arith.constant 0 : i32
        %dma_start3A_236 = tpu.memref_slice %arg2[%dma_start3A_234, %dma_start3A_235] : memref<10000x16xf32, #tpu.memory_space<hbm>> -> memref<10000x16xf32, #tpu.memory_space<hbm>>
        tpu.enqueue_indirect_dma source(%dma_start3A_236 : memref<10000x16xf32, #tpu.memory_space<hbm>>) target(%arg9 : memref<80x16xf32, #tpu.memory_space<vmem>>) offsets(%dma_start3A_233 : memref<80xi32, #tpu.memory_space<vmem>>) semaphore(%arg13 : memref<!tpu.dma_semaphore, #tpu.memory_space<semaphore_mem>>)
        %dma_start3A_237 = arith.constant 0 : i32
        %dma_start3A_238 = arith.constant 0 : i32
        %dma_start3A_239 = tpu.memref_slice %arg3[%add3A, %add3A_220, %dma_start3A_237, %dma_start3A_238] : memref<32x125x80x16xf32, #tpu.memory_space<hbm>> -> memref<1x1x80x16xf32, #tpu.memory_space<hbm>>
        %dma_start3A_240 = tpu.memref_squeeze %dma_start3A_239 : memref<1x1x80x16xf32, #tpu.memory_space<hbm>> -> memref<80x16xf32, #tpu.memory_space<hbm>>
        %dma_start3A_241 = arith.constant 0 : i32
        %dma_start3A_242 = arith.constant 0 : i32
        %dma_start3A_243 = tpu.memref_slice %arg3[%add3A, %add3A_220, %dma_start3A_241, %dma_start3A_242] : memref<32x125x80x16xf32, #tpu.memory_space<hbm>> -> memref<1x1x80x16xf32, #tpu.memory_space<hbm>>
        %dma_start3A_244 = tpu.memref_squeeze %dma_start3A_243 : memref<1x1x80x16xf32, #tpu.memory_space<hbm>> -> memref<80x16xf32, #tpu.memory_space<hbm>>
        tpu.enqueue_dma source(%dma_start3A_244 : memref<80x16xf32, #tpu.memory_space<hbm>>) target(%arg11 : memref<80x16xf32, #tpu.memory_space<vmem>>) target_semaphore(%arg13 : memref<!tpu.dma_semaphore, #tpu.memory_space<semaphore_mem>>)
        %mul3A_245 = arith.constant 2 : i32
        %mul3A_246 = arith.muli %mul3A_245, %scan3A_110 : i32
        %add3A_247 = arith.constant 3 : i32
        %add3A_248 = arith.addi %mul3A_246, %add3A_247 : i32
        %dma_start3A_249 = arith.constant 1 : i32
        %dma_start3A_250 = arith.constant 0 : i32
        %dma_start3A_251 = arith.constant 0 : i32
        %dma_start3A_252 = tpu.memref_slice %arg6[%dma_start3A_249, %dma_start3A_250, %dma_start3A_251] : memref<2x2x80xi32, #tpu.memory_space<vmem>> -> memref<1x1x80xi32, #tpu.memory_space<vmem>>
        %dma_start3A_253 = tpu.memref_squeeze %dma_start3A_252 : memref<1x1x80xi32, #tpu.memory_space<vmem>> -> memref<80xi32, #tpu.memory_space<vmem>>
        %dma_start3A_254 = arith.constant 0 : i32
        %dma_start3A_255 = arith.constant 0 : i32
        %dma_start3A_256 = tpu.memref_slice %arg2[%dma_start3A_254, %dma_start3A_255] : memref<10000x16xf32, #tpu.memory_space<hbm>> -> memref<10000x16xf32, #tpu.memory_space<hbm>>
        tpu.enqueue_indirect_dma source(%dma_start3A_256 : memref<10000x16xf32, #tpu.memory_space<hbm>>) target(%arg8 : memref<80x16xf32, #tpu.memory_space<vmem>>) offsets(%dma_start3A_253 : memref<80xi32, #tpu.memory_space<vmem>>) semaphore(%arg14 : memref<!tpu.dma_semaphore, #tpu.memory_space<semaphore_mem>>)
        %dma_start3A_257 = arith.constant 1 : i32
        %dma_start3A_258 = arith.constant 1 : i32
        %dma_start3A_259 = arith.constant 0 : i32
        %dma_start3A_260 = tpu.memref_slice %arg6[%dma_start3A_257, %dma_start3A_258, %dma_start3A_259] : memref<2x2x80xi32, #tpu.memory_space<vmem>> -> memref<1x1x80xi32, #tpu.memory_space<vmem>>
        %dma_start3A_261 = tpu.memref_squeeze %dma_start3A_260 : memref<1x1x80xi32, #tpu.memory_space<vmem>> -> memref<80xi32, #tpu.memory_space<vmem>>
        %dma_start3A_262 = arith.constant 0 : i32
        %dma_start3A_263 = arith.constant 0 : i32
        %dma_start3A_264 = tpu.memref_slice %arg2[%dma_start3A_262, %dma_start3A_263] : memref<10000x16xf32, #tpu.memory_space<hbm>> -> memref<10000x16xf32, #tpu.memory_space<hbm>>
        tpu.enqueue_indirect_dma source(%dma_start3A_264 : memref<10000x16xf32, #tpu.memory_space<hbm>>) target(%arg10 : memref<80x16xf32, #tpu.memory_space<vmem>>) offsets(%dma_start3A_261 : memref<80xi32, #tpu.memory_space<vmem>>) semaphore(%arg14 : memref<!tpu.dma_semaphore, #tpu.memory_space<semaphore_mem>>)
        %dma_start3A_265 = arith.constant 0 : i32
        %dma_start3A_266 = arith.constant 0 : i32
        %dma_start3A_267 = tpu.memref_slice %arg3[%add3A, %add3A_248, %dma_start3A_265, %dma_start3A_266] : memref<32x125x80x16xf32, #tpu.memory_space<hbm>> -> memref<1x1x80x16xf32, #tpu.memory_space<hbm>>
        %dma_start3A_268 = tpu.memref_squeeze %dma_start3A_267 : memref<1x1x80x16xf32, #tpu.memory_space<hbm>> -> memref<80x16xf32, #tpu.memory_space<hbm>>
        %dma_start3A_269 = arith.constant 0 : i32
        %dma_start3A_270 = arith.constant 0 : i32
        %dma_start3A_271 = tpu.memref_slice %arg3[%add3A, %add3A_248, %dma_start3A_269, %dma_start3A_270] : memref<32x125x80x16xf32, #tpu.memory_space<hbm>> -> memref<1x1x80x16xf32, #tpu.memory_space<hbm>>
        %dma_start3A_272 = tpu.memref_squeeze %dma_start3A_271 : memref<1x1x80x16xf32, #tpu.memory_space<hbm>> -> memref<80x16xf32, #tpu.memory_space<hbm>>
        tpu.enqueue_dma source(%dma_start3A_272 : memref<80x16xf32, #tpu.memory_space<hbm>>) target(%arg12 : memref<80x16xf32, #tpu.memory_space<vmem>>) target_semaphore(%arg14 : memref<!tpu.dma_semaphore, #tpu.memory_space<semaphore_mem>>)
      } else {
      }
    }
    %scan3A_54 = arith.constant 62 : i32
    "tpu.region"() ({
      %run_scoped3A_110 = tpu.sem_alloc : memref<!tpu.dma_semaphore, #tpu.memory_space<semaphore_mem>>
      %dma_start3A_111 = arith.constant 0 : i32
      %dma_start3A_112 = arith.constant 0 : i32
      %dma_start3A_113 = arith.constant 0 : i32
      %dma_start3A_114 = tpu.memref_slice %arg6[%dma_start3A_111, %dma_start3A_112, %dma_start3A_113] : memref<2x2x80xi32, #tpu.memory_space<vmem>> -> memref<1x2x80xi32, #tpu.memory_space<vmem>>
      %dma_start3A_115 = arith.constant 124 : i32
      %dma_start3A_116 = arith.constant 0 : i32
      %dma_start3A_117 = arith.constant 0 : i32
      %dma_start3A_118 = tpu.memref_slice %arg4[%add3A, %dma_start3A_115, %dma_start3A_116, %dma_start3A_117] : memref<32x125x2x80xi32, #tpu.memory_space<hbm>> -> memref<1x1x2x80xi32, #tpu.memory_space<hbm>>
      %dma_start3A_119 = tpu.memref_squeeze %dma_start3A_118 : memref<1x1x2x80xi32, #tpu.memory_space<hbm>> -> memref<1x2x80xi32, #tpu.memory_space<hbm>>
      %dma_start3A_120 = arith.constant 0 : i32
      %dma_start3A_121 = arith.constant 0 : i32
      %dma_start3A_122 = arith.constant 0 : i32
      %dma_start3A_123 = tpu.memref_slice %arg6[%dma_start3A_120, %dma_start3A_121, %dma_start3A_122] : memref<2x2x80xi32, #tpu.memory_space<vmem>> -> memref<1x2x80xi32, #tpu.memory_space<vmem>>
      %dma_start3A_124 = arith.constant 124 : i32
      %dma_start3A_125 = arith.constant 0 : i32
      %dma_start3A_126 = arith.constant 0 : i32
      %dma_start3A_127 = tpu.memref_slice %arg4[%add3A, %dma_start3A_124, %dma_start3A_125, %dma_start3A_126] : memref<32x125x2x80xi32, #tpu.memory_space<hbm>> -> memref<1x1x2x80xi32, #tpu.memory_space<hbm>>
      %dma_start3A_128 = tpu.memref_squeeze %dma_start3A_127 : memref<1x1x2x80xi32, #tpu.memory_space<hbm>> -> memref<1x2x80xi32, #tpu.memory_space<hbm>>
      tpu.enqueue_dma source(%dma_start3A_128 : memref<1x2x80xi32, #tpu.memory_space<hbm>>) target(%dma_start3A_123 : memref<1x2x80xi32, #tpu.memory_space<vmem>>) target_semaphore(%run_scoped3A_110 : memref<!tpu.dma_semaphore, #tpu.memory_space<semaphore_mem>>)
      %dma_wait3A_129 = arith.constant 0 : i32
      %dma_wait3A_130 = arith.constant 0 : i32
      %dma_wait3A_131 = arith.constant 0 : i32
      %dma_wait3A_132 = tpu.memref_slice %arg6[%dma_wait3A_129, %dma_wait3A_130, %dma_wait3A_131] : memref<2x2x80xi32, #tpu.memory_space<vmem>> -> memref<1x2x80xi32, #tpu.memory_space<vmem>>
      %dma_wait3A_133 = arith.constant 124 : i32
      %dma_wait3A_134 = arith.constant 0 : i32
      %dma_wait3A_135 = arith.constant 0 : i32
      %dma_wait3A_136 = tpu.memref_slice %arg4[%add3A, %dma_wait3A_133, %dma_wait3A_134, %dma_wait3A_135] : memref<32x125x2x80xi32, #tpu.memory_space<hbm>> -> memref<1x1x2x80xi32, #tpu.memory_space<hbm>>
      %dma_wait3A_137 = tpu.memref_squeeze %dma_wait3A_136 : memref<1x1x2x80xi32, #tpu.memory_space<hbm>> -> memref<1x2x80xi32, #tpu.memory_space<hbm>>
      %dma_wait3A_138 = arith.constant 0 : i32
      %dma_wait3A_139 = arith.constant 0 : i32
      %dma_wait3A_140 = arith.constant 0 : i32
      %dma_wait3A_141 = tpu.memref_slice %arg6[%dma_wait3A_138, %dma_wait3A_139, %dma_wait3A_140] : memref<2x2x80xi32, #tpu.memory_space<vmem>> -> memref<1x2x80xi32, #tpu.memory_space<vmem>>
      %dma_wait3A_142 = arith.constant 124 : i32
      %dma_wait3A_143 = arith.constant 0 : i32
      %dma_wait3A_144 = arith.constant 0 : i32
      %dma_wait3A_145 = tpu.memref_slice %arg4[%add3A, %dma_wait3A_142, %dma_wait3A_143, %dma_wait3A_144] : memref<32x125x2x80xi32, #tpu.memory_space<hbm>> -> memref<1x1x2x80xi32, #tpu.memory_space<hbm>>
      %dma_wait3A_146 = tpu.memref_squeeze %dma_wait3A_145 : memref<1x1x2x80xi32, #tpu.memory_space<hbm>> -> memref<1x2x80xi32, #tpu.memory_space<hbm>>
      tpu.wait_dma2 semaphore(%run_scoped3A_110 : memref<!tpu.dma_semaphore, #tpu.memory_space<semaphore_mem>>) src(%dma_wait3A_146 : memref<1x2x80xi32, #tpu.memory_space<hbm>>) dst(%dma_wait3A_141 : memref<1x2x80xi32, #tpu.memory_space<vmem>>)
      tpu.yield
    }) : () -> ()
    %dma_start3A_55 = arith.constant 0 : i32
    %dma_start3A_56 = arith.constant 0 : i32
    %dma_start3A_57 = arith.constant 0 : i32
    %dma_start3A_58 = tpu.memref_slice %arg6[%dma_start3A_55, %dma_start3A_56, %dma_start3A_57] : memref<2x2x80xi32, #tpu.memory_space<vmem>> -> memref<1x1x80xi32, #tpu.memory_space<vmem>>
    %dma_start3A_59 = tpu.memref_squeeze %dma_start3A_58 : memref<1x1x80xi32, #tpu.memory_space<vmem>> -> memref<80xi32, #tpu.memory_space<vmem>>
    %dma_start3A_60 = arith.constant 0 : i32
    %dma_start3A_61 = arith.constant 0 : i32
    %dma_start3A_62 = tpu.memref_slice %arg2[%dma_start3A_60, %dma_start3A_61] : memref<10000x16xf32, #tpu.memory_space<hbm>> -> memref<10000x16xf32, #tpu.memory_space<hbm>>
    tpu.enqueue_indirect_dma source(%dma_start3A_62 : memref<10000x16xf32, #tpu.memory_space<hbm>>) target(%arg7 : memref<80x16xf32, #tpu.memory_space<vmem>>) offsets(%dma_start3A_59 : memref<80xi32, #tpu.memory_space<vmem>>) semaphore(%arg13 : memref<!tpu.dma_semaphore, #tpu.memory_space<semaphore_mem>>)
    %dma_start3A_63 = arith.constant 0 : i32
    %dma_start3A_64 = arith.constant 1 : i32
    %dma_start3A_65 = arith.constant 0 : i32
    %dma_start3A_66 = tpu.memref_slice %arg6[%dma_start3A_63, %dma_start3A_64, %dma_start3A_65] : memref<2x2x80xi32, #tpu.memory_space<vmem>> -> memref<1x1x80xi32, #tpu.memory_space<vmem>>
    %dma_start3A_67 = tpu.memref_squeeze %dma_start3A_66 : memref<1x1x80xi32, #tpu.memory_space<vmem>> -> memref<80xi32, #tpu.memory_space<vmem>>
    %dma_start3A_68 = arith.constant 0 : i32
    %dma_start3A_69 = arith.constant 0 : i32
    %dma_start3A_70 = tpu.memref_slice %arg2[%dma_start3A_68, %dma_start3A_69] : memref<10000x16xf32, #tpu.memory_space<hbm>> -> memref<10000x16xf32, #tpu.memory_space<hbm>>
    tpu.enqueue_indirect_dma source(%dma_start3A_70 : memref<10000x16xf32, #tpu.memory_space<hbm>>) target(%arg9 : memref<80x16xf32, #tpu.memory_space<vmem>>) offsets(%dma_start3A_67 : memref<80xi32, #tpu.memory_space<vmem>>) semaphore(%arg13 : memref<!tpu.dma_semaphore, #tpu.memory_space<semaphore_mem>>)
    %dma_start3A_71 = arith.constant 124 : i32
    %dma_start3A_72 = arith.constant 0 : i32
    %dma_start3A_73 = arith.constant 0 : i32
    %dma_start3A_74 = tpu.memref_slice %arg3[%add3A, %dma_start3A_71, %dma_start3A_72, %dma_start3A_73] : memref<32x125x80x16xf32, #tpu.memory_space<hbm>> -> memref<1x1x80x16xf32, #tpu.memory_space<hbm>>
    %dma_start3A_75 = tpu.memref_squeeze %dma_start3A_74 : memref<1x1x80x16xf32, #tpu.memory_space<hbm>> -> memref<80x16xf32, #tpu.memory_space<hbm>>
    %dma_start3A_76 = arith.constant 0 : i32
    %dma_start3A_77 = arith.constant 0 : i32
    %dma_start3A_78 = tpu.memref_slice %arg3[%add3A, %dma_start3A_71, %dma_start3A_76, %dma_start3A_77] : memref<32x125x80x16xf32, #tpu.memory_space<hbm>> -> memref<1x1x80x16xf32, #tpu.memory_space<hbm>>
    %dma_start3A_79 = tpu.memref_squeeze %dma_start3A_78 : memref<1x1x80x16xf32, #tpu.memory_space<hbm>> -> memref<80x16xf32, #tpu.memory_space<hbm>>
    tpu.enqueue_dma source(%dma_start3A_79 : memref<80x16xf32, #tpu.memory_space<hbm>>) target(%arg11 : memref<80x16xf32, #tpu.memory_space<vmem>>) target_semaphore(%arg13 : memref<!tpu.dma_semaphore, #tpu.memory_space<semaphore_mem>>)
    %dma_wait3A = arith.constant 0 : i32
    %dma_wait3A_80 = arith.constant 0 : i32
    %dma_wait3A_81 = arith.constant 0 : i32
    %dma_wait3A_82 = tpu.memref_slice %arg6[%dma_wait3A, %dma_wait3A_80, %dma_wait3A_81] : memref<2x2x80xi32, #tpu.memory_space<vmem>> -> memref<1x1x80xi32, #tpu.memory_space<vmem>>
    %dma_wait3A_83 = tpu.memref_squeeze %dma_wait3A_82 : memref<1x1x80xi32, #tpu.memory_space<vmem>> -> memref<80xi32, #tpu.memory_space<vmem>>
    %dma_wait3A_84 = arith.constant 0 : i32
    %dma_wait3A_85 = arith.constant 0 : i32
    %dma_wait3A_86 = tpu.memref_slice %arg2[%dma_wait3A_84, %dma_wait3A_85] : memref<10000x16xf32, #tpu.memory_space<hbm>> -> memref<10000x16xf32, #tpu.memory_space<hbm>>
    tpu.wait_indirect_dma semaphore(%arg13 : memref<!tpu.dma_semaphore, #tpu.memory_space<semaphore_mem>>) src(%dma_wait3A_86 : memref<10000x16xf32, #tpu.memory_space<hbm>>) dst(%arg7 : memref<80x16xf32, #tpu.memory_space<vmem>>)
    %dma_wait3A_87 = arith.constant 0 : i32
    %dma_wait3A_88 = arith.constant 1 : i32
    %dma_wait3A_89 = arith.constant 0 : i32
    %dma_wait3A_90 = tpu.memref_slice %arg6[%dma_wait3A_87, %dma_wait3A_88, %dma_wait3A_89] : memref<2x2x80xi32, #tpu.memory_space<vmem>> -> memref<1x1x80xi32, #tpu.memory_space<vmem>>
    %dma_wait3A_91 = tpu.memref_squeeze %dma_wait3A_90 : memref<1x1x80xi32, #tpu.memory_space<vmem>> -> memref<80xi32, #tpu.memory_space<vmem>>
    %dma_wait3A_92 = arith.constant 0 : i32
    %dma_wait3A_93 = arith.constant 0 : i32
    %dma_wait3A_94 = tpu.memref_slice %arg2[%dma_wait3A_92, %dma_wait3A_93] : memref<10000x16xf32, #tpu.memory_space<hbm>> -> memref<10000x16xf32, #tpu.memory_space<hbm>>
    tpu.wait_indirect_dma semaphore(%arg13 : memref<!tpu.dma_semaphore, #tpu.memory_space<semaphore_mem>>) src(%dma_wait3A_94 : memref<10000x16xf32, #tpu.memory_space<hbm>>) dst(%arg9 : memref<80x16xf32, #tpu.memory_space<vmem>>)
    %dma_wait3A_95 = arith.constant 0 : i32
    %dma_wait3A_96 = arith.constant 0 : i32
    %dma_wait3A_97 = arith.constant 0 : i32
    %dma_wait3A_98 = tpu.memref_slice %arg3[%add3A, %dma_wait3A_95, %dma_wait3A_96, %dma_wait3A_97] : memref<32x125x80x16xf32, #tpu.memory_space<hbm>> -> memref<1x1x80x16xf32, #tpu.memory_space<hbm>>
    %dma_wait3A_99 = tpu.memref_squeeze %dma_wait3A_98 : memref<1x1x80x16xf32, #tpu.memory_space<hbm>> -> memref<80x16xf32, #tpu.memory_space<hbm>>
    %dma_wait3A_100 = arith.constant 0 : i32
    %dma_wait3A_101 = arith.constant 0 : i32
    %dma_wait3A_102 = tpu.memref_slice %arg3[%add3A, %dma_wait3A_95, %dma_wait3A_100, %dma_wait3A_101] : memref<32x125x80x16xf32, #tpu.memory_space<hbm>> -> memref<1x1x80x16xf32, #tpu.memory_space<hbm>>
    %dma_wait3A_103 = tpu.memref_squeeze %dma_wait3A_102 : memref<1x1x80x16xf32, #tpu.memory_space<hbm>> -> memref<80x16xf32, #tpu.memory_space<hbm>>
    tpu.wait_dma2 semaphore(%arg13 : memref<!tpu.dma_semaphore, #tpu.memory_space<semaphore_mem>>) src(%dma_wait3A_103 : memref<80x16xf32, #tpu.memory_space<hbm>>) dst(%arg11 : memref<80x16xf32, #tpu.memory_space<vmem>>)
    %scan3A_104 = arith.constant 0 : i32
    %scan3A_105 = arith.constant 0 : i32
    %scan3A_106 = arith.constant 80 : i32
    %scan3A_107 = arith.addi %scan3A_105, %scan3A_106 : i32
    %scan3A_108 = arith.constant 1 : i32
    scf.for %scan3A_110 = %scan3A_105 to %scan3A_107 step %scan3A_108  : i32 {
      %get3A = arith.index_cast %scan3A_110 : i32 to index
      %get3A_111 = arith.constant 0 : index
      %get3A_112 = tpu.vector_load %arg7[%get3A, %get3A_111] {strides = array<i32>} : memref<80x16xf32, #tpu.memory_space<vmem>>, vector<1x16xf32>,
      %get3A_113 = vector.shape_cast %get3A_112 : vector<1x16xf32> to vector<16xf32>
      %get3A_114 = arith.index_cast %scan3A_110 : i32 to index
      %get3A_115 = arith.constant 0 : index
      %get3A_116 = tpu.vector_load %arg9[%get3A_114, %get3A_115] {strides = array<i32>} : memref<80x16xf32, #tpu.memory_space<vmem>>, vector<1x16xf32>,
      %get3A_117 = vector.shape_cast %get3A_116 : vector<1x16xf32> to vector<16xf32>
      %add3A_118 = arith.addf %get3A_113, %get3A_117 : vector<16xf32>
      %get3A_119 = arith.index_cast %scan3A_110 : i32 to index
      %get3A_120 = arith.constant 0 : index
      %get3A_121 = tpu.vector_load %arg11[%get3A_119, %get3A_120] {strides = array<i32>} : memref<80x16xf32, #tpu.memory_space<vmem>>, vector<1x16xf32>,
      %get3A_122 = vector.shape_cast %get3A_121 : vector<1x16xf32> to vector<16xf32>
      %mul3A_123 = arith.mulf %add3A_118, %get3A_122 : vector<16xf32>
      %swap3A = arith.index_cast %scan3A_110 : i32 to index
      %swap3A_124 = arith.constant 0 : index
      %swap3A_125 = tpu.vector_load %arg11[%swap3A, %swap3A_124] {strides = array<i32>} : memref<80x16xf32, #tpu.memory_space<vmem>>, vector<1x16xf32>,
      %swap3A_126 = vector.shape_cast %swap3A_125 : vector<1x16xf32> to vector<16xf32>
      %swap3A_127 = vector.shape_cast %mul3A_123 : vector<16xf32> to vector<1x16xf32>
      tpu.vector_store %arg11[%swap3A, %swap3A_124], %swap3A_127 {strides = array<i32>} : memref<80x16xf32, #tpu.memory_space<vmem>>, vector<1x16xf32>,
    }
    %scan3A_109 = arith.constant 80 : i32
    %run_scoped3A = arith.constant 124 : i32
    "tpu.region"() ({
      %run_scoped3A_110 = tpu.sem_alloc : memref<!tpu.dma_semaphore, #tpu.memory_space<semaphore_mem>>
      %dma_start3A_111 = arith.constant 0 : i32
      %dma_start3A_112 = arith.constant 0 : i32
      %dma_start3A_113 = tpu.memref_slice %arg5[%add3A, %run_scoped3A, %dma_start3A_111, %dma_start3A_112] : memref<32x125x80x16xf32, #tpu.memory_space<hbm>> -> memref<1x1x80x16xf32, #tpu.memory_space<hbm>>
      %dma_start3A_114 = tpu.memref_squeeze %dma_start3A_113 : memref<1x1x80x16xf32, #tpu.memory_space<hbm>> -> memref<80x16xf32, #tpu.memory_space<hbm>>
      %dma_start3A_115 = arith.constant 0 : i32
      %dma_start3A_116 = arith.constant 0 : i32
      %dma_start3A_117 = tpu.memref_slice %arg5[%add3A, %run_scoped3A, %dma_start3A_115, %dma_start3A_116] : memref<32x125x80x16xf32, #tpu.memory_space<hbm>> -> memref<1x1x80x16xf32, #tpu.memory_space<hbm>>
      %dma_start3A_118 = tpu.memref_squeeze %dma_start3A_117 : memref<1x1x80x16xf32, #tpu.memory_space<hbm>> -> memref<80x16xf32, #tpu.memory_space<hbm>>
      tpu.enqueue_dma source(%arg11 : memref<80x16xf32, #tpu.memory_space<vmem>>) target(%dma_start3A_118 : memref<80x16xf32, #tpu.memory_space<hbm>>) target_semaphore(%run_scoped3A_110 : memref<!tpu.dma_semaphore, #tpu.memory_space<semaphore_mem>>)
      %dma_wait3A_119 = arith.constant 0 : i32
      %dma_wait3A_120 = arith.constant 0 : i32
      %dma_wait3A_121 = tpu.memref_slice %arg5[%add3A, %run_scoped3A, %dma_wait3A_119, %dma_wait3A_120] : memref<32x125x80x16xf32, #tpu.memory_space<hbm>> -> memref<1x1x80x16xf32, #tpu.memory_space<hbm>>
      %dma_wait3A_122 = tpu.memref_squeeze %dma_wait3A_121 : memref<1x1x80x16xf32, #tpu.memory_space<hbm>> -> memref<80x16xf32, #tpu.memory_space<hbm>>
      %dma_wait3A_123 = arith.constant 0 : i32
      %dma_wait3A_124 = arith.constant 0 : i32
      %dma_wait3A_125 = tpu.memref_slice %arg5[%add3A, %run_scoped3A, %dma_wait3A_123, %dma_wait3A_124] : memref<32x125x80x16xf32, #tpu.memory_space<hbm>> -> memref<1x1x80x16xf32, #tpu.memory_space<hbm>>
      %dma_wait3A_126 = tpu.memref_squeeze %dma_wait3A_125 : memref<1x1x80x16xf32, #tpu.memory_space<hbm>> -> memref<80x16xf32, #tpu.memory_space<hbm>>
      tpu.wait_dma2 semaphore(%run_scoped3A_110 : memref<!tpu.dma_semaphore, #tpu.memory_space<semaphore_mem>>) src(%arg11 : memref<80x16xf32, #tpu.memory_space<vmem>>) dst(%dma_wait3A_126 : memref<80x16xf32, #tpu.memory_space<hbm>>)
      tpu.yield
    }) : () -> ()
    return
  }
}

#map = affine_map<(d0, d1) -> (0, 0)>
#map1 = affine_map<(d0, d1) -> (0, 0, 0, 0)>
module attributes {stable_mosaic.version = 14 : i64} {
  func.func @_interact_sc(%arg0: i32, %arg1: i32, %arg2: memref<10000x128xf32, #tpu.memory_space<hbm>>, %arg3: memref<32x125x80x128xf32, #tpu.memory_space<hbm>>, %arg4: memref<32x125x2x80xi32, #tpu.memory_space<hbm>>, %arg5: memref<2x16x640x128xf32, #tpu.memory_space<hbm>>, %arg6: memref<2x2x80xi32, #tpu.memory_space<vmem>>, %arg7: memref<80x128xf32, #tpu.memory_space<vmem>>, %arg8: memref<80x128xf32, #tpu.memory_space<vmem>>, %arg9: memref<80x128xf32, #tpu.memory_space<vmem>>, %arg10: memref<80x128xf32, #tpu.memory_space<vmem>>, %arg11: memref<10240x128xf32, #tpu.memory_space<vmem_shared>>, %arg12: memref<!tpu.dma_semaphore, #tpu.memory_space<semaphore_mem>>, %arg13: memref<!tpu.dma_semaphore, #tpu.memory_space<semaphore_mem>>, %arg14: memref<!tpu.dma_semaphore, #tpu.memory_space<semaphore_mem>>, %arg15: memref<!tpu.dma_semaphore, #tpu.memory_space<semaphore_mem>>) attributes {dimension_semantics = [#tpu.dimension_semantics<core_parallel>, #tpu.dimension_semantics<subcore_parallel>], iteration_bounds = array<i64: 2, 16>, scalar_prefetch = 0 : i64, scratch_operands = 10 : i64, tpu.core_type = #tpu.core_type<sc_vector_subcore>, window_params = [{transform_indices = #map}, {transform_indices = #map1}, {transform_indices = #map1}, {transform_indices = #map1}]} {
    %mul3A = arith.constant 16 : i32
    %mul3A_0 = arith.muli %arg0, %mul3A : i32
    %add3A = arith.addi %mul3A_0, %arg1 : i32
    %mul3A_1 = arith.constant 640 : i32
    %mul3A_2 = arith.muli %arg1, %mul3A_1 : i32
    %multiple_of3A = tpu.assume_multiple %mul3A_2, 8 : i32
    %scan3A = arith.constant 0 : i32
    %scan3A_3 = arith.constant 0 : i32
    %scan3A_4 = arith.constant 80 : i32
    %scan3A_5 = arith.addi %scan3A_3, %scan3A_4 : i32
    %scan3A_6 = arith.constant 1 : i32
    scf.for %scan3A_104 = %scan3A_3 to %scan3A_5 step %scan3A_6  : i32 {
      %broadcast_in_dim3A = arith.constant 0.000000e+00 : f32
      %broadcast_in_dim3A_105 = vector.broadcast %broadcast_in_dim3A : f32 to vector<16xf32>
      %swap3A = arith.index_cast %scan3A_104 : i32 to index
      %swap3A_106 = arith.constant 0 : index
      %swap3A_107 = tpu.vector_load %arg9[%swap3A, %swap3A_106] {strides = array<i32>} : memref<80x128xf32, #tpu.memory_space<vmem>>, vector<1x16xf32>,
      %swap3A_108 = vector.shape_cast %swap3A_107 : vector<1x16xf32> to vector<16xf32>
      %swap3A_109 = vector.shape_cast %broadcast_in_dim3A_105 : vector<16xf32> to vector<1x16xf32>
      tpu.vector_store %arg9[%swap3A, %swap3A_106], %swap3A_109 {strides = array<i32>} : memref<80x128xf32, #tpu.memory_space<vmem>>, vector<1x16xf32>,
      %broadcast_in_dim3A_110 = arith.constant 0.000000e+00 : f32
      %broadcast_in_dim3A_111 = vector.broadcast %broadcast_in_dim3A_110 : f32 to vector<16xf32>
      %swap3A_112 = arith.index_cast %scan3A_104 : i32 to index
      %swap3A_113 = arith.constant 16 : index
      %swap3A_114 = tpu.vector_load %arg9[%swap3A_112, %swap3A_113] {strides = array<i32>} : memref<80x128xf32, #tpu.memory_space<vmem>>, vector<1x16xf32>,
      %swap3A_115 = vector.shape_cast %swap3A_114 : vector<1x16xf32> to vector<16xf32>
      %swap3A_116 = vector.shape_cast %broadcast_in_dim3A_111 : vector<16xf32> to vector<1x16xf32>
      tpu.vector_store %arg9[%swap3A_112, %swap3A_113], %swap3A_116 {strides = array<i32>} : memref<80x128xf32, #tpu.memory_space<vmem>>, vector<1x16xf32>,
      %broadcast_in_dim3A_117 = arith.constant 0.000000e+00 : f32
      %broadcast_in_dim3A_118 = vector.broadcast %broadcast_in_dim3A_117 : f32 to vector<16xf32>
      %swap3A_119 = arith.index_cast %scan3A_104 : i32 to index
      %swap3A_120 = arith.constant 32 : index
      %swap3A_121 = tpu.vector_load %arg9[%swap3A_119, %swap3A_120] {strides = array<i32>} : memref<80x128xf32, #tpu.memory_space<vmem>>, vector<1x16xf32>,
      %swap3A_122 = vector.shape_cast %swap3A_121 : vector<1x16xf32> to vector<16xf32>
      %swap3A_123 = vector.shape_cast %broadcast_in_dim3A_118 : vector<16xf32> to vector<1x16xf32>
      tpu.vector_store %arg9[%swap3A_119, %swap3A_120], %swap3A_123 {strides = array<i32>} : memref<80x128xf32, #tpu.memory_space<vmem>>, vector<1x16xf32>,
      %broadcast_in_dim3A_124 = arith.constant 0.000000e+00 : f32
      %broadcast_in_dim3A_125 = vector.broadcast %broadcast_in_dim3A_124 : f32 to vector<16xf32>
      %swap3A_126 = arith.index_cast %scan3A_104 : i32 to index
      %swap3A_127 = arith.constant 48 : index
      %swap3A_128 = tpu.vector_load %arg9[%swap3A_126, %swap3A_127] {strides = array<i32>} : memref<80x128xf32, #tpu.memory_space<vmem>>, vector<1x16xf32>,
      %swap3A_129 = vector.shape_cast %swap3A_128 : vector<1x16xf32> to vector<16xf32>
      %swap3A_130 = vector.shape_cast %broadcast_in_dim3A_125 : vector<16xf32> to vector<1x16xf32>
      tpu.vector_store %arg9[%swap3A_126, %swap3A_127], %swap3A_130 {strides = array<i32>} : memref<80x128xf32, #tpu.memory_space<vmem>>, vector<1x16xf32>,
      %broadcast_in_dim3A_131 = arith.constant 0.000000e+00 : f32
      %broadcast_in_dim3A_132 = vector.broadcast %broadcast_in_dim3A_131 : f32 to vector<16xf32>
      %swap3A_133 = arith.index_cast %scan3A_104 : i32 to index
      %swap3A_134 = arith.constant 64 : index
      %swap3A_135 = tpu.vector_load %arg9[%swap3A_133, %swap3A_134] {strides = array<i32>} : memref<80x128xf32, #tpu.memory_space<vmem>>, vector<1x16xf32>,
      %swap3A_136 = vector.shape_cast %swap3A_135 : vector<1x16xf32> to vector<16xf32>
      %swap3A_137 = vector.shape_cast %broadcast_in_dim3A_132 : vector<16xf32> to vector<1x16xf32>
      tpu.vector_store %arg9[%swap3A_133, %swap3A_134], %swap3A_137 {strides = array<i32>} : memref<80x128xf32, #tpu.memory_space<vmem>>, vector<1x16xf32>,
      %broadcast_in_dim3A_138 = arith.constant 0.000000e+00 : f32
      %broadcast_in_dim3A_139 = vector.broadcast %broadcast_in_dim3A_138 : f32 to vector<16xf32>
      %swap3A_140 = arith.index_cast %scan3A_104 : i32 to index
      %swap3A_141 = arith.constant 80 : index
      %swap3A_142 = tpu.vector_load %arg9[%swap3A_140, %swap3A_141] {strides = array<i32>} : memref<80x128xf32, #tpu.memory_space<vmem>>, vector<1x16xf32>,
      %swap3A_143 = vector.shape_cast %swap3A_142 : vector<1x16xf32> to vector<16xf32>
      %swap3A_144 = vector.shape_cast %broadcast_in_dim3A_139 : vector<16xf32> to vector<1x16xf32>
      tpu.vector_store %arg9[%swap3A_140, %swap3A_141], %swap3A_144 {strides = array<i32>} : memref<80x128xf32, #tpu.memory_space<vmem>>, vector<1x16xf32>,
      %broadcast_in_dim3A_145 = arith.constant 0.000000e+00 : f32
      %broadcast_in_dim3A_146 = vector.broadcast %broadcast_in_dim3A_145 : f32 to vector<16xf32>
      %swap3A_147 = arith.index_cast %scan3A_104 : i32 to index
      %swap3A_148 = arith.constant 96 : index
      %swap3A_149 = tpu.vector_load %arg9[%swap3A_147, %swap3A_148] {strides = array<i32>} : memref<80x128xf32, #tpu.memory_space<vmem>>, vector<1x16xf32>,
      %swap3A_150 = vector.shape_cast %swap3A_149 : vector<1x16xf32> to vector<16xf32>
      %swap3A_151 = vector.shape_cast %broadcast_in_dim3A_146 : vector<16xf32> to vector<1x16xf32>
      tpu.vector_store %arg9[%swap3A_147, %swap3A_148], %swap3A_151 {strides = array<i32>} : memref<80x128xf32, #tpu.memory_space<vmem>>, vector<1x16xf32>,
      %broadcast_in_dim3A_152 = arith.constant 0.000000e+00 : f32
      %broadcast_in_dim3A_153 = vector.broadcast %broadcast_in_dim3A_152 : f32 to vector<16xf32>
      %swap3A_154 = arith.index_cast %scan3A_104 : i32 to index
      %swap3A_155 = arith.constant 112 : index
      %swap3A_156 = tpu.vector_load %arg9[%swap3A_154, %swap3A_155] {strides = array<i32>} : memref<80x128xf32, #tpu.memory_space<vmem>>, vector<1x16xf32>,
      %swap3A_157 = vector.shape_cast %swap3A_156 : vector<1x16xf32> to vector<16xf32>
      %swap3A_158 = vector.shape_cast %broadcast_in_dim3A_153 : vector<16xf32> to vector<1x16xf32>
      tpu.vector_store %arg9[%swap3A_154, %swap3A_155], %swap3A_158 {strides = array<i32>} : memref<80x128xf32, #tpu.memory_space<vmem>>, vector<1x16xf32>,
    }
    %scan3A_7 = arith.constant 80 : i32
    %add3A_8 = arith.constant 0 : i32
    %add3A_9 = arith.addi %multiple_of3A, %add3A_8 : i32
    "tpu.region"() ({
      %run_scoped3A_104 = tpu.sem_alloc : memref<!tpu.dma_semaphore, #tpu.memory_space<semaphore_mem>>
      %dma_start3A_105 = arith.constant 0 : i32
      %dma_start3A_106 = tpu.memref_slice %arg11[%add3A_9, %dma_start3A_105] : memref<10240x128xf32, #tpu.memory_space<vmem_shared>> -> memref<80x128xf32, #tpu.memory_space<vmem_shared>>
      %dma_start3A_107 = arith.constant 0 : i32
      %dma_start3A_108 = tpu.memref_slice %arg11[%add3A_9, %dma_start3A_107] : memref<10240x128xf32, #tpu.memory_space<vmem_shared>> -> memref<80x128xf32, #tpu.memory_space<vmem_shared>>
      tpu.enqueue_dma source(%arg9 : memref<80x128xf32, #tpu.memory_space<vmem>>) target(%dma_start3A_108 : memref<80x128xf32, #tpu.memory_space<vmem_shared>>) target_semaphore(%run_scoped3A_104 : memref<!tpu.dma_semaphore, #tpu.memory_space<semaphore_mem>>)
      %dma_wait3A_109 = arith.constant 0 : i32
      %dma_wait3A_110 = tpu.memref_slice %arg11[%add3A_9, %dma_wait3A_109] : memref<10240x128xf32, #tpu.memory_space<vmem_shared>> -> memref<80x128xf32, #tpu.memory_space<vmem_shared>>
      %dma_wait3A_111 = arith.constant 0 : i32
      %dma_wait3A_112 = tpu.memref_slice %arg11[%add3A_9, %dma_wait3A_111] : memref<10240x128xf32, #tpu.memory_space<vmem_shared>> -> memref<80x128xf32, #tpu.memory_space<vmem_shared>>
      tpu.wait_dma2 semaphore(%run_scoped3A_104 : memref<!tpu.dma_semaphore, #tpu.memory_space<semaphore_mem>>) src(%arg9 : memref<80x128xf32, #tpu.memory_space<vmem>>) dst(%dma_wait3A_112 : memref<80x128xf32, #tpu.memory_space<vmem_shared>>)
      tpu.yield
    }) : () -> ()
    %add3A_10 = arith.constant 80 : i32
    %add3A_11 = arith.addi %multiple_of3A, %add3A_10 : i32
    "tpu.region"() ({
      %run_scoped3A_104 = tpu.sem_alloc : memref<!tpu.dma_semaphore, #tpu.memory_space<semaphore_mem>>
      %dma_start3A_105 = arith.constant 0 : i32
      %dma_start3A_106 = tpu.memref_slice %arg11[%add3A_11, %dma_start3A_105] : memref<10240x128xf32, #tpu.memory_space<vmem_shared>> -> memref<80x128xf32, #tpu.memory_space<vmem_shared>>
      %dma_start3A_107 = arith.constant 0 : i32
      %dma_start3A_108 = tpu.memref_slice %arg11[%add3A_11, %dma_start3A_107] : memref<10240x128xf32, #tpu.memory_space<vmem_shared>> -> memref<80x128xf32, #tpu.memory_space<vmem_shared>>
      tpu.enqueue_dma source(%arg9 : memref<80x128xf32, #tpu.memory_space<vmem>>) target(%dma_start3A_108 : memref<80x128xf32, #tpu.memory_space<vmem_shared>>) target_semaphore(%run_scoped3A_104 : memref<!tpu.dma_semaphore, #tpu.memory_space<semaphore_mem>>)
      %dma_wait3A_109 = arith.constant 0 : i32
      %dma_wait3A_110 = tpu.memref_slice %arg11[%add3A_11, %dma_wait3A_109] : memref<10240x128xf32, #tpu.memory_space<vmem_shared>> -> memref<80x128xf32, #tpu.memory_space<vmem_shared>>
      %dma_wait3A_111 = arith.constant 0 : i32
      %dma_wait3A_112 = tpu.memref_slice %arg11[%add3A_11, %dma_wait3A_111] : memref<10240x128xf32, #tpu.memory_space<vmem_shared>> -> memref<80x128xf32, #tpu.memory_space<vmem_shared>>
      tpu.wait_dma2 semaphore(%run_scoped3A_104 : memref<!tpu.dma_semaphore, #tpu.memory_space<semaphore_mem>>) src(%arg9 : memref<80x128xf32, #tpu.memory_space<vmem>>) dst(%dma_wait3A_112 : memref<80x128xf32, #tpu.memory_space<vmem_shared>>)
      tpu.yield
    }) : () -> ()
    %add3A_12 = arith.constant 160 : i32
    %add3A_13 = arith.addi %multiple_of3A, %add3A_12 : i32
    "tpu.region"() ({
      %run_scoped3A_104 = tpu.sem_alloc : memref<!tpu.dma_semaphore, #tpu.memory_space<semaphore_mem>>
      %dma_start3A_105 = arith.constant 0 : i32
      %dma_start3A_106 = tpu.memref_slice %arg11[%add3A_13, %dma_start3A_105] : memref<10240x128xf32, #tpu.memory_space<vmem_shared>> -> memref<80x128xf32, #tpu.memory_space<vmem_shared>>
      %dma_start3A_107 = arith.constant 0 : i32
      %dma_start3A_108 = tpu.memref_slice %arg11[%add3A_13, %dma_start3A_107] : memref<10240x128xf32, #tpu.memory_space<vmem_shared>> -> memref<80x128xf32, #tpu.memory_space<vmem_shared>>
      tpu.enqueue_dma source(%arg9 : memref<80x128xf32, #tpu.memory_space<vmem>>) target(%dma_start3A_108 : memref<80x128xf32, #tpu.memory_space<vmem_shared>>) target_semaphore(%run_scoped3A_104 : memref<!tpu.dma_semaphore, #tpu.memory_space<semaphore_mem>>)
      %dma_wait3A_109 = arith.constant 0 : i32
      %dma_wait3A_110 = tpu.memref_slice %arg11[%add3A_13, %dma_wait3A_109] : memref<10240x128xf32, #tpu.memory_space<vmem_shared>> -> memref<80x128xf32, #tpu.memory_space<vmem_shared>>
      %dma_wait3A_111 = arith.constant 0 : i32
      %dma_wait3A_112 = tpu.memref_slice %arg11[%add3A_13, %dma_wait3A_111] : memref<10240x128xf32, #tpu.memory_space<vmem_shared>> -> memref<80x128xf32, #tpu.memory_space<vmem_shared>>
      tpu.wait_dma2 semaphore(%run_scoped3A_104 : memref<!tpu.dma_semaphore, #tpu.memory_space<semaphore_mem>>) src(%arg9 : memref<80x128xf32, #tpu.memory_space<vmem>>) dst(%dma_wait3A_112 : memref<80x128xf32, #tpu.memory_space<vmem_shared>>)
      tpu.yield
    }) : () -> ()
    %add3A_14 = arith.constant 240 : i32
    %add3A_15 = arith.addi %multiple_of3A, %add3A_14 : i32
    "tpu.region"() ({
      %run_scoped3A_104 = tpu.sem_alloc : memref<!tpu.dma_semaphore, #tpu.memory_space<semaphore_mem>>
      %dma_start3A_105 = arith.constant 0 : i32
      %dma_start3A_106 = tpu.memref_slice %arg11[%add3A_15, %dma_start3A_105] : memref<10240x128xf32, #tpu.memory_space<vmem_shared>> -> memref<80x128xf32, #tpu.memory_space<vmem_shared>>
      %dma_start3A_107 = arith.constant 0 : i32
      %dma_start3A_108 = tpu.memref_slice %arg11[%add3A_15, %dma_start3A_107] : memref<10240x128xf32, #tpu.memory_space<vmem_shared>> -> memref<80x128xf32, #tpu.memory_space<vmem_shared>>
      tpu.enqueue_dma source(%arg9 : memref<80x128xf32, #tpu.memory_space<vmem>>) target(%dma_start3A_108 : memref<80x128xf32, #tpu.memory_space<vmem_shared>>) target_semaphore(%run_scoped3A_104 : memref<!tpu.dma_semaphore, #tpu.memory_space<semaphore_mem>>)
      %dma_wait3A_109 = arith.constant 0 : i32
      %dma_wait3A_110 = tpu.memref_slice %arg11[%add3A_15, %dma_wait3A_109] : memref<10240x128xf32, #tpu.memory_space<vmem_shared>> -> memref<80x128xf32, #tpu.memory_space<vmem_shared>>
      %dma_wait3A_111 = arith.constant 0 : i32
      %dma_wait3A_112 = tpu.memref_slice %arg11[%add3A_15, %dma_wait3A_111] : memref<10240x128xf32, #tpu.memory_space<vmem_shared>> -> memref<80x128xf32, #tpu.memory_space<vmem_shared>>
      tpu.wait_dma2 semaphore(%run_scoped3A_104 : memref<!tpu.dma_semaphore, #tpu.memory_space<semaphore_mem>>) src(%arg9 : memref<80x128xf32, #tpu.memory_space<vmem>>) dst(%dma_wait3A_112 : memref<80x128xf32, #tpu.memory_space<vmem_shared>>)
      tpu.yield
    }) : () -> ()
    %add3A_16 = arith.constant 320 : i32
    %add3A_17 = arith.addi %multiple_of3A, %add3A_16 : i32
    "tpu.region"() ({
      %run_scoped3A_104 = tpu.sem_alloc : memref<!tpu.dma_semaphore, #tpu.memory_space<semaphore_mem>>
      %dma_start3A_105 = arith.constant 0 : i32
      %dma_start3A_106 = tpu.memref_slice %arg11[%add3A_17, %dma_start3A_105] : memref<10240x128xf32, #tpu.memory_space<vmem_shared>> -> memref<80x128xf32, #tpu.memory_space<vmem_shared>>
      %dma_start3A_107 = arith.constant 0 : i32
      %dma_start3A_108 = tpu.memref_slice %arg11[%add3A_17, %dma_start3A_107] : memref<10240x128xf32, #tpu.memory_space<vmem_shared>> -> memref<80x128xf32, #tpu.memory_space<vmem_shared>>
      tpu.enqueue_dma source(%arg9 : memref<80x128xf32, #tpu.memory_space<vmem>>) target(%dma_start3A_108 : memref<80x128xf32, #tpu.memory_space<vmem_shared>>) target_semaphore(%run_scoped3A_104 : memref<!tpu.dma_semaphore, #tpu.memory_space<semaphore_mem>>)
      %dma_wait3A_109 = arith.constant 0 : i32
      %dma_wait3A_110 = tpu.memref_slice %arg11[%add3A_17, %dma_wait3A_109] : memref<10240x128xf32, #tpu.memory_space<vmem_shared>> -> memref<80x128xf32, #tpu.memory_space<vmem_shared>>
      %dma_wait3A_111 = arith.constant 0 : i32
      %dma_wait3A_112 = tpu.memref_slice %arg11[%add3A_17, %dma_wait3A_111] : memref<10240x128xf32, #tpu.memory_space<vmem_shared>> -> memref<80x128xf32, #tpu.memory_space<vmem_shared>>
      tpu.wait_dma2 semaphore(%run_scoped3A_104 : memref<!tpu.dma_semaphore, #tpu.memory_space<semaphore_mem>>) src(%arg9 : memref<80x128xf32, #tpu.memory_space<vmem>>) dst(%dma_wait3A_112 : memref<80x128xf32, #tpu.memory_space<vmem_shared>>)
      tpu.yield
    }) : () -> ()
    %add3A_18 = arith.constant 400 : i32
    %add3A_19 = arith.addi %multiple_of3A, %add3A_18 : i32
    "tpu.region"() ({
      %run_scoped3A_104 = tpu.sem_alloc : memref<!tpu.dma_semaphore, #tpu.memory_space<semaphore_mem>>
      %dma_start3A_105 = arith.constant 0 : i32
      %dma_start3A_106 = tpu.memref_slice %arg11[%add3A_19, %dma_start3A_105] : memref<10240x128xf32, #tpu.memory_space<vmem_shared>> -> memref<80x128xf32, #tpu.memory_space<vmem_shared>>
      %dma_start3A_107 = arith.constant 0 : i32
      %dma_start3A_108 = tpu.memref_slice %arg11[%add3A_19, %dma_start3A_107] : memref<10240x128xf32, #tpu.memory_space<vmem_shared>> -> memref<80x128xf32, #tpu.memory_space<vmem_shared>>
      tpu.enqueue_dma source(%arg9 : memref<80x128xf32, #tpu.memory_space<vmem>>) target(%dma_start3A_108 : memref<80x128xf32, #tpu.memory_space<vmem_shared>>) target_semaphore(%run_scoped3A_104 : memref<!tpu.dma_semaphore, #tpu.memory_space<semaphore_mem>>)
      %dma_wait3A_109 = arith.constant 0 : i32
      %dma_wait3A_110 = tpu.memref_slice %arg11[%add3A_19, %dma_wait3A_109] : memref<10240x128xf32, #tpu.memory_space<vmem_shared>> -> memref<80x128xf32, #tpu.memory_space<vmem_shared>>
      %dma_wait3A_111 = arith.constant 0 : i32
      %dma_wait3A_112 = tpu.memref_slice %arg11[%add3A_19, %dma_wait3A_111] : memref<10240x128xf32, #tpu.memory_space<vmem_shared>> -> memref<80x128xf32, #tpu.memory_space<vmem_shared>>
      tpu.wait_dma2 semaphore(%run_scoped3A_104 : memref<!tpu.dma_semaphore, #tpu.memory_space<semaphore_mem>>) src(%arg9 : memref<80x128xf32, #tpu.memory_space<vmem>>) dst(%dma_wait3A_112 : memref<80x128xf32, #tpu.memory_space<vmem_shared>>)
      tpu.yield
    }) : () -> ()
    %add3A_20 = arith.constant 480 : i32
    %add3A_21 = arith.addi %multiple_of3A, %add3A_20 : i32
    "tpu.region"() ({
      %run_scoped3A_104 = tpu.sem_alloc : memref<!tpu.dma_semaphore, #tpu.memory_space<semaphore_mem>>
      %dma_start3A_105 = arith.constant 0 : i32
      %dma_start3A_106 = tpu.memref_slice %arg11[%add3A_21, %dma_start3A_105] : memref<10240x128xf32, #tpu.memory_space<vmem_shared>> -> memref<80x128xf32, #tpu.memory_space<vmem_shared>>
      %dma_start3A_107 = arith.constant 0 : i32
      %dma_start3A_108 = tpu.memref_slice %arg11[%add3A_21, %dma_start3A_107] : memref<10240x128xf32, #tpu.memory_space<vmem_shared>> -> memref<80x128xf32, #tpu.memory_space<vmem_shared>>
      tpu.enqueue_dma source(%arg9 : memref<80x128xf32, #tpu.memory_space<vmem>>) target(%dma_start3A_108 : memref<80x128xf32, #tpu.memory_space<vmem_shared>>) target_semaphore(%run_scoped3A_104 : memref<!tpu.dma_semaphore, #tpu.memory_space<semaphore_mem>>)
      %dma_wait3A_109 = arith.constant 0 : i32
      %dma_wait3A_110 = tpu.memref_slice %arg11[%add3A_21, %dma_wait3A_109] : memref<10240x128xf32, #tpu.memory_space<vmem_shared>> -> memref<80x128xf32, #tpu.memory_space<vmem_shared>>
      %dma_wait3A_111 = arith.constant 0 : i32
      %dma_wait3A_112 = tpu.memref_slice %arg11[%add3A_21, %dma_wait3A_111] : memref<10240x128xf32, #tpu.memory_space<vmem_shared>> -> memref<80x128xf32, #tpu.memory_space<vmem_shared>>
      tpu.wait_dma2 semaphore(%run_scoped3A_104 : memref<!tpu.dma_semaphore, #tpu.memory_space<semaphore_mem>>) src(%arg9 : memref<80x128xf32, #tpu.memory_space<vmem>>) dst(%dma_wait3A_112 : memref<80x128xf32, #tpu.memory_space<vmem_shared>>)
      tpu.yield
    }) : () -> ()
    %add3A_22 = arith.constant 560 : i32
    %add3A_23 = arith.addi %multiple_of3A, %add3A_22 : i32
    "tpu.region"() ({
      %run_scoped3A_104 = tpu.sem_alloc : memref<!tpu.dma_semaphore, #tpu.memory_space<semaphore_mem>>
      %dma_start3A_105 = arith.constant 0 : i32
      %dma_start3A_106 = tpu.memref_slice %arg11[%add3A_23, %dma_start3A_105] : memref<10240x128xf32, #tpu.memory_space<vmem_shared>> -> memref<80x128xf32, #tpu.memory_space<vmem_shared>>
      %dma_start3A_107 = arith.constant 0 : i32
      %dma_start3A_108 = tpu.memref_slice %arg11[%add3A_23, %dma_start3A_107] : memref<10240x128xf32, #tpu.memory_space<vmem_shared>> -> memref<80x128xf32, #tpu.memory_space<vmem_shared>>
      tpu.enqueue_dma source(%arg9 : memref<80x128xf32, #tpu.memory_space<vmem>>) target(%dma_start3A_108 : memref<80x128xf32, #tpu.memory_space<vmem_shared>>) target_semaphore(%run_scoped3A_104 : memref<!tpu.dma_semaphore, #tpu.memory_space<semaphore_mem>>)
      %dma_wait3A_109 = arith.constant 0 : i32
      %dma_wait3A_110 = tpu.memref_slice %arg11[%add3A_23, %dma_wait3A_109] : memref<10240x128xf32, #tpu.memory_space<vmem_shared>> -> memref<80x128xf32, #tpu.memory_space<vmem_shared>>
      %dma_wait3A_111 = arith.constant 0 : i32
      %dma_wait3A_112 = tpu.memref_slice %arg11[%add3A_23, %dma_wait3A_111] : memref<10240x128xf32, #tpu.memory_space<vmem_shared>> -> memref<80x128xf32, #tpu.memory_space<vmem_shared>>
      tpu.wait_dma2 semaphore(%run_scoped3A_104 : memref<!tpu.dma_semaphore, #tpu.memory_space<semaphore_mem>>) src(%arg9 : memref<80x128xf32, #tpu.memory_space<vmem>>) dst(%dma_wait3A_112 : memref<80x128xf32, #tpu.memory_space<vmem_shared>>)
      tpu.yield
    }) : () -> ()
    %barrier3A = arith.constant 0 : index
    tpu.barrier barrier_id(%barrier3A)
    "tpu.region"() ({
      %run_scoped3A_104 = tpu.sem_alloc : memref<!tpu.dma_semaphore, #tpu.memory_space<semaphore_mem>>
      %dma_start3A_105 = arith.constant 0 : i32
      %dma_start3A_106 = arith.constant 0 : i32
      %dma_start3A_107 = arith.constant 0 : i32
      %dma_start3A_108 = tpu.memref_slice %arg4[%add3A, %dma_start3A_105, %dma_start3A_106, %dma_start3A_107] : memref<32x125x2x80xi32, #tpu.memory_space<hbm>> -> memref<1x2x2x80xi32, #tpu.memory_space<hbm>>
      %dma_start3A_109 = tpu.memref_squeeze %dma_start3A_108 : memref<1x2x2x80xi32, #tpu.memory_space<hbm>> -> memref<2x2x80xi32, #tpu.memory_space<hbm>>
      %dma_start3A_110 = arith.constant 0 : i32
      %dma_start3A_111 = arith.constant 0 : i32
      %dma_start3A_112 = arith.constant 0 : i32
      %dma_start3A_113 = tpu.memref_slice %arg4[%add3A, %dma_start3A_110, %dma_start3A_111, %dma_start3A_112] : memref<32x125x2x80xi32, #tpu.memory_space<hbm>> -> memref<1x2x2x80xi32, #tpu.memory_space<hbm>>
      %dma_start3A_114 = tpu.memref_squeeze %dma_start3A_113 : memref<1x2x2x80xi32, #tpu.memory_space<hbm>> -> memref<2x2x80xi32, #tpu.memory_space<hbm>>
      tpu.enqueue_dma source(%dma_start3A_114 : memref<2x2x80xi32, #tpu.memory_space<hbm>>) target(%arg6 : memref<2x2x80xi32, #tpu.memory_space<vmem>>) target_semaphore(%run_scoped3A_104 : memref<!tpu.dma_semaphore, #tpu.memory_space<semaphore_mem>>)
      %dma_wait3A_115 = arith.constant 0 : i32
      %dma_wait3A_116 = arith.constant 0 : i32
      %dma_wait3A_117 = arith.constant 0 : i32
      %dma_wait3A_118 = tpu.memref_slice %arg4[%add3A, %dma_wait3A_115, %dma_wait3A_116, %dma_wait3A_117] : memref<32x125x2x80xi32, #tpu.memory_space<hbm>> -> memref<1x2x2x80xi32, #tpu.memory_space<hbm>>
      %dma_wait3A_119 = tpu.memref_squeeze %dma_wait3A_118 : memref<1x2x2x80xi32, #tpu.memory_space<hbm>> -> memref<2x2x80xi32, #tpu.memory_space<hbm>>
      %dma_wait3A_120 = arith.constant 0 : i32
      %dma_wait3A_121 = arith.constant 0 : i32
      %dma_wait3A_122 = arith.constant 0 : i32
      %dma_wait3A_123 = tpu.memref_slice %arg4[%add3A, %dma_wait3A_120, %dma_wait3A_121, %dma_wait3A_122] : memref<32x125x2x80xi32, #tpu.memory_space<hbm>> -> memref<1x2x2x80xi32, #tpu.memory_space<hbm>>
      %dma_wait3A_124 = tpu.memref_squeeze %dma_wait3A_123 : memref<1x2x2x80xi32, #tpu.memory_space<hbm>> -> memref<2x2x80xi32, #tpu.memory_space<hbm>>
      tpu.wait_dma2 semaphore(%run_scoped3A_104 : memref<!tpu.dma_semaphore, #tpu.memory_space<semaphore_mem>>) src(%dma_wait3A_124 : memref<2x2x80xi32, #tpu.memory_space<hbm>>) dst(%arg6 : memref<2x2x80xi32, #tpu.memory_space<vmem>>)
      tpu.yield
    }) : () -> ()
    %dma_start3A = arith.constant 0 : i32
    %dma_start3A_24 = arith.constant 0 : i32
    %dma_start3A_25 = arith.constant 0 : i32
    %dma_start3A_26 = tpu.memref_slice %arg6[%dma_start3A, %dma_start3A_24, %dma_start3A_25] : memref<2x2x80xi32, #tpu.memory_space<vmem>> -> memref<1x1x80xi32, #tpu.memory_space<vmem>>
    %dma_start3A_27 = tpu.memref_squeeze %dma_start3A_26 : memref<1x1x80xi32, #tpu.memory_space<vmem>> -> memref<80xi32, #tpu.memory_space<vmem>>
    %dma_start3A_28 = arith.constant 0 : i32
    %dma_start3A_29 = arith.constant 0 : i32
    %dma_start3A_30 = tpu.memref_slice %arg2[%dma_start3A_28, %dma_start3A_29] : memref<10000x128xf32, #tpu.memory_space<hbm>> -> memref<10000x128xf32, #tpu.memory_space<hbm>>
    tpu.enqueue_indirect_dma source(%dma_start3A_30 : memref<10000x128xf32, #tpu.memory_space<hbm>>) target(%arg9 : memref<80x128xf32, #tpu.memory_space<vmem>>) offsets(%dma_start3A_27 : memref<80xi32, #tpu.memory_space<vmem>>) semaphore(%arg12 : memref<!tpu.dma_semaphore, #tpu.memory_space<semaphore_mem>>)
    %dma_start3A_31 = arith.constant 0 : i32
    %dma_start3A_32 = arith.constant 0 : i32
    %dma_start3A_33 = arith.constant 0 : i32
    %dma_start3A_34 = tpu.memref_slice %arg3[%add3A, %dma_start3A_31, %dma_start3A_32, %dma_start3A_33] : memref<32x125x80x128xf32, #tpu.memory_space<hbm>> -> memref<1x1x80x128xf32, #tpu.memory_space<hbm>>
    %dma_start3A_35 = tpu.memref_squeeze %dma_start3A_34 : memref<1x1x80x128xf32, #tpu.memory_space<hbm>> -> memref<80x128xf32, #tpu.memory_space<hbm>>
    %dma_start3A_36 = arith.constant 0 : i32
    %dma_start3A_37 = arith.constant 0 : i32
    %dma_start3A_38 = tpu.memref_slice %arg3[%add3A, %dma_start3A_31, %dma_start3A_36, %dma_start3A_37] : memref<32x125x80x128xf32, #tpu.memory_space<hbm>> -> memref<1x1x80x128xf32, #tpu.memory_space<hbm>>
    %dma_start3A_39 = tpu.memref_squeeze %dma_start3A_38 : memref<1x1x80x128xf32, #tpu.memory_space<hbm>> -> memref<80x128xf32, #tpu.memory_space<hbm>>
    tpu.enqueue_dma source(%dma_start3A_39 : memref<80x128xf32, #tpu.memory_space<hbm>>) target(%arg7 : memref<80x128xf32, #tpu.memory_space<vmem>>) target_semaphore(%arg12 : memref<!tpu.dma_semaphore, #tpu.memory_space<semaphore_mem>>)
    %dma_start3A_40 = arith.constant 1 : i32
    %dma_start3A_41 = arith.constant 0 : i32
    %dma_start3A_42 = arith.constant 0 : i32
    %dma_start3A_43 = tpu.memref_slice %arg6[%dma_start3A_40, %dma_start3A_41, %dma_start3A_42] : memref<2x2x80xi32, #tpu.memory_space<vmem>> -> memref<1x1x80xi32, #tpu.memory_space<vmem>>
    %dma_start3A_44 = tpu.memref_squeeze %dma_start3A_43 : memref<1x1x80xi32, #tpu.memory_space<vmem>> -> memref<80xi32, #tpu.memory_space<vmem>>
    %dma_start3A_45 = arith.constant 0 : i32
    %dma_start3A_46 = arith.constant 0 : i32
    %dma_start3A_47 = tpu.memref_slice %arg2[%dma_start3A_45, %dma_start3A_46] : memref<10000x128xf32, #tpu.memory_space<hbm>> -> memref<10000x128xf32, #tpu.memory_space<hbm>>
    tpu.enqueue_indirect_dma source(%dma_start3A_47 : memref<10000x128xf32, #tpu.memory_space<hbm>>) target(%arg10 : memref<80x128xf32, #tpu.memory_space<vmem>>) offsets(%dma_start3A_44 : memref<80xi32, #tpu.memory_space<vmem>>) semaphore(%arg13 : memref<!tpu.dma_semaphore, #tpu.memory_space<semaphore_mem>>)
    %dma_start3A_48 = arith.constant 1 : i32
    %dma_start3A_49 = arith.constant 0 : i32
    %dma_start3A_50 = arith.constant 0 : i32
    %dma_start3A_51 = tpu.memref_slice %arg3[%add3A, %dma_start3A_48, %dma_start3A_49, %dma_start3A_50] : memref<32x125x80x128xf32, #tpu.memory_space<hbm>> -> memref<1x1x80x128xf32, #tpu.memory_space<hbm>>
    %dma_start3A_52 = tpu.memref_squeeze %dma_start3A_51 : memref<1x1x80x128xf32, #tpu.memory_space<hbm>> -> memref<80x128xf32, #tpu.memory_space<hbm>>
    %dma_start3A_53 = arith.constant 0 : i32
    %dma_start3A_54 = arith.constant 0 : i32
    %dma_start3A_55 = tpu.memref_slice %arg3[%add3A, %dma_start3A_48, %dma_start3A_53, %dma_start3A_54] : memref<32x125x80x128xf32, #tpu.memory_space<hbm>> -> memref<1x1x80x128xf32, #tpu.memory_space<hbm>>
    %dma_start3A_56 = tpu.memref_squeeze %dma_start3A_55 : memref<1x1x80x128xf32, #tpu.memory_space<hbm>> -> memref<80x128xf32, #tpu.memory_space<hbm>>
    tpu.enqueue_dma source(%dma_start3A_56 : memref<80x128xf32, #tpu.memory_space<hbm>>) target(%arg8 : memref<80x128xf32, #tpu.memory_space<vmem>>) target_semaphore(%arg13 : memref<!tpu.dma_semaphore, #tpu.memory_space<semaphore_mem>>)
    %scan3A_57 = arith.constant 0 : i32
    %scan3A_58 = arith.constant 0 : i32
    %scan3A_59 = arith.constant 62 : i32
    %scan3A_60 = arith.addi %scan3A_58, %scan3A_59 : i32
    %scan3A_61 = arith.constant 1 : i32
    scf.for %scan3A_104 = %scan3A_58 to %scan3A_60 step %scan3A_61  : i32 {
      %dma_wait3A_105 = arith.constant 0 : i32
      %dma_wait3A_106 = arith.constant 0 : i32
      %dma_wait3A_107 = arith.constant 0 : i32
      %dma_wait3A_108 = tpu.memref_slice %arg6[%dma_wait3A_105, %dma_wait3A_106, %dma_wait3A_107] : memref<2x2x80xi32, #tpu.memory_space<vmem>> -> memref<1x1x80xi32, #tpu.memory_space<vmem>>
      %dma_wait3A_109 = tpu.memref_squeeze %dma_wait3A_108 : memref<1x1x80xi32, #tpu.memory_space<vmem>> -> memref<80xi32, #tpu.memory_space<vmem>>
      %dma_wait3A_110 = arith.constant 0 : i32
      %dma_wait3A_111 = arith.constant 0 : i32
      %dma_wait3A_112 = tpu.memref_slice %arg2[%dma_wait3A_110, %dma_wait3A_111] : memref<10000x128xf32, #tpu.memory_space<hbm>> -> memref<10000x128xf32, #tpu.memory_space<hbm>>
      tpu.wait_indirect_dma semaphore(%arg12 : memref<!tpu.dma_semaphore, #tpu.memory_space<semaphore_mem>>) src(%dma_wait3A_112 : memref<10000x128xf32, #tpu.memory_space<hbm>>) dst(%arg9 : memref<80x128xf32, #tpu.memory_space<vmem>>)
      %dma_wait3A_113 = arith.constant 0 : i32
      %dma_wait3A_114 = arith.constant 0 : i32
      %dma_wait3A_115 = arith.constant 0 : i32
      %dma_wait3A_116 = tpu.memref_slice %arg3[%add3A, %dma_wait3A_113, %dma_wait3A_114, %dma_wait3A_115] : memref<32x125x80x128xf32, #tpu.memory_space<hbm>> -> memref<1x1x80x128xf32, #tpu.memory_space<hbm>>
      %dma_wait3A_117 = tpu.memref_squeeze %dma_wait3A_116 : memref<1x1x80x128xf32, #tpu.memory_space<hbm>> -> memref<80x128xf32, #tpu.memory_space<hbm>>
      %dma_wait3A_118 = arith.constant 0 : i32
      %dma_wait3A_119 = arith.constant 0 : i32
      %dma_wait3A_120 = tpu.memref_slice %arg3[%add3A, %dma_wait3A_113, %dma_wait3A_118, %dma_wait3A_119] : memref<32x125x80x128xf32, #tpu.memory_space<hbm>> -> memref<1x1x80x128xf32, #tpu.memory_space<hbm>>
      %dma_wait3A_121 = tpu.memref_squeeze %dma_wait3A_120 : memref<1x1x80x128xf32, #tpu.memory_space<hbm>> -> memref<80x128xf32, #tpu.memory_space<hbm>>
      tpu.wait_dma2 semaphore(%arg12 : memref<!tpu.dma_semaphore, #tpu.memory_space<semaphore_mem>>) src(%dma_wait3A_121 : memref<80x128xf32, #tpu.memory_space<hbm>>) dst(%arg7 : memref<80x128xf32, #tpu.memory_space<vmem>>)
      %scan3A_122 = arith.constant 0 : i32
      %scan3A_123 = arith.constant 0 : i32
      %scan3A_124 = arith.constant 80 : i32
      %scan3A_125 = arith.addi %scan3A_123, %scan3A_124 : i32
      %scan3A_126 = arith.constant 1 : i32
      scf.for %scan3A_185 = %scan3A_123 to %scan3A_125 step %scan3A_126  : i32 {
        %get3A = arith.index_cast %scan3A_185 : i32 to index
        %get3A_186 = arith.constant 0 : index
        %get3A_187 = tpu.vector_load %arg9[%get3A, %get3A_186] {strides = array<i32>} : memref<80x128xf32, #tpu.memory_space<vmem>>, vector<1x16xf32>,
        %get3A_188 = vector.shape_cast %get3A_187 : vector<1x16xf32> to vector<16xf32>
        %get3A_189 = arith.index_cast %scan3A_185 : i32 to index
        %get3A_190 = arith.constant 0 : index
        %get3A_191 = tpu.vector_load %arg7[%get3A_189, %get3A_190] {strides = array<i32>} : memref<80x128xf32, #tpu.memory_space<vmem>>, vector<1x16xf32>,
        %get3A_192 = vector.shape_cast %get3A_191 : vector<1x16xf32> to vector<16xf32>
        %mul3A_193 = arith.mulf %get3A_188, %get3A_192 : vector<16xf32>
        %swap3A = arith.index_cast %scan3A_185 : i32 to index
        %swap3A_194 = arith.constant 0 : index
        %swap3A_195 = tpu.vector_load %arg9[%swap3A, %swap3A_194] {strides = array<i32>} : memref<80x128xf32, #tpu.memory_space<vmem>>, vector<1x16xf32>,
        %swap3A_196 = vector.shape_cast %swap3A_195 : vector<1x16xf32> to vector<16xf32>
        %swap3A_197 = vector.shape_cast %mul3A_193 : vector<16xf32> to vector<1x16xf32>
        tpu.vector_store %arg9[%swap3A, %swap3A_194], %swap3A_197 {strides = array<i32>} : memref<80x128xf32, #tpu.memory_space<vmem>>, vector<1x16xf32>,
        %get3A_198 = arith.index_cast %scan3A_185 : i32 to index
        %get3A_199 = arith.constant 16 : index
        %get3A_200 = tpu.vector_load %arg9[%get3A_198, %get3A_199] {strides = array<i32>} : memref<80x128xf32, #tpu.memory_space<vmem>>, vector<1x16xf32>,
        %get3A_201 = vector.shape_cast %get3A_200 : vector<1x16xf32> to vector<16xf32>
        %get3A_202 = arith.index_cast %scan3A_185 : i32 to index
        %get3A_203 = arith.constant 16 : index
        %get3A_204 = tpu.vector_load %arg7[%get3A_202, %get3A_203] {strides = array<i32>} : memref<80x128xf32, #tpu.memory_space<vmem>>, vector<1x16xf32>,
        %get3A_205 = vector.shape_cast %get3A_204 : vector<1x16xf32> to vector<16xf32>
        %mul3A_206 = arith.mulf %get3A_201, %get3A_205 : vector<16xf32>
        %swap3A_207 = arith.index_cast %scan3A_185 : i32 to index
        %swap3A_208 = arith.constant 16 : index
        %swap3A_209 = tpu.vector_load %arg9[%swap3A_207, %swap3A_208] {strides = array<i32>} : memref<80x128xf32, #tpu.memory_space<vmem>>, vector<1x16xf32>,
        %swap3A_210 = vector.shape_cast %swap3A_209 : vector<1x16xf32> to vector<16xf32>
        %swap3A_211 = vector.shape_cast %mul3A_206 : vector<16xf32> to vector<1x16xf32>
        tpu.vector_store %arg9[%swap3A_207, %swap3A_208], %swap3A_211 {strides = array<i32>} : memref<80x128xf32, #tpu.memory_space<vmem>>, vector<1x16xf32>,
        %get3A_212 = arith.index_cast %scan3A_185 : i32 to index
        %get3A_213 = arith.constant 32 : index
        %get3A_214 = tpu.vector_load %arg9[%get3A_212, %get3A_213] {strides = array<i32>} : memref<80x128xf32, #tpu.memory_space<vmem>>, vector<1x16xf32>,
        %get3A_215 = vector.shape_cast %get3A_214 : vector<1x16xf32> to vector<16xf32>
        %get3A_216 = arith.index_cast %scan3A_185 : i32 to index
        %get3A_217 = arith.constant 32 : index
        %get3A_218 = tpu.vector_load %arg7[%get3A_216, %get3A_217] {strides = array<i32>} : memref<80x128xf32, #tpu.memory_space<vmem>>, vector<1x16xf32>,
        %get3A_219 = vector.shape_cast %get3A_218 : vector<1x16xf32> to vector<16xf32>
        %mul3A_220 = arith.mulf %get3A_215, %get3A_219 : vector<16xf32>
        %swap3A_221 = arith.index_cast %scan3A_185 : i32 to index
        %swap3A_222 = arith.constant 32 : index
        %swap3A_223 = tpu.vector_load %arg9[%swap3A_221, %swap3A_222] {strides = array<i32>} : memref<80x128xf32, #tpu.memory_space<vmem>>, vector<1x16xf32>,
        %swap3A_224 = vector.shape_cast %swap3A_223 : vector<1x16xf32> to vector<16xf32>
        %swap3A_225 = vector.shape_cast %mul3A_220 : vector<16xf32> to vector<1x16xf32>
        tpu.vector_store %arg9[%swap3A_221, %swap3A_222], %swap3A_225 {strides = array<i32>} : memref<80x128xf32, #tpu.memory_space<vmem>>, vector<1x16xf32>,
        %get3A_226 = arith.index_cast %scan3A_185 : i32 to index
        %get3A_227 = arith.constant 48 : index
        %get3A_228 = tpu.vector_load %arg9[%get3A_226, %get3A_227] {strides = array<i32>} : memref<80x128xf32, #tpu.memory_space<vmem>>, vector<1x16xf32>,
        %get3A_229 = vector.shape_cast %get3A_228 : vector<1x16xf32> to vector<16xf32>
        %get3A_230 = arith.index_cast %scan3A_185 : i32 to index
        %get3A_231 = arith.constant 48 : index
        %get3A_232 = tpu.vector_load %arg7[%get3A_230, %get3A_231] {strides = array<i32>} : memref<80x128xf32, #tpu.memory_space<vmem>>, vector<1x16xf32>,
        %get3A_233 = vector.shape_cast %get3A_232 : vector<1x16xf32> to vector<16xf32>
        %mul3A_234 = arith.mulf %get3A_229, %get3A_233 : vector<16xf32>
        %swap3A_235 = arith.index_cast %scan3A_185 : i32 to index
        %swap3A_236 = arith.constant 48 : index
        %swap3A_237 = tpu.vector_load %arg9[%swap3A_235, %swap3A_236] {strides = array<i32>} : memref<80x128xf32, #tpu.memory_space<vmem>>, vector<1x16xf32>,
        %swap3A_238 = vector.shape_cast %swap3A_237 : vector<1x16xf32> to vector<16xf32>
        %swap3A_239 = vector.shape_cast %mul3A_234 : vector<16xf32> to vector<1x16xf32>
        tpu.vector_store %arg9[%swap3A_235, %swap3A_236], %swap3A_239 {strides = array<i32>} : memref<80x128xf32, #tpu.memory_space<vmem>>, vector<1x16xf32>,
        %get3A_240 = arith.index_cast %scan3A_185 : i32 to index
        %get3A_241 = arith.constant 64 : index
        %get3A_242 = tpu.vector_load %arg9[%get3A_240, %get3A_241] {strides = array<i32>} : memref<80x128xf32, #tpu.memory_space<vmem>>, vector<1x16xf32>,
        %get3A_243 = vector.shape_cast %get3A_242 : vector<1x16xf32> to vector<16xf32>
        %get3A_244 = arith.index_cast %scan3A_185 : i32 to index
        %get3A_245 = arith.constant 64 : index
        %get3A_246 = tpu.vector_load %arg7[%get3A_244, %get3A_245] {strides = array<i32>} : memref<80x128xf32, #tpu.memory_space<vmem>>, vector<1x16xf32>,
        %get3A_247 = vector.shape_cast %get3A_246 : vector<1x16xf32> to vector<16xf32>
        %mul3A_248 = arith.mulf %get3A_243, %get3A_247 : vector<16xf32>
        %swap3A_249 = arith.index_cast %scan3A_185 : i32 to index
        %swap3A_250 = arith.constant 64 : index
        %swap3A_251 = tpu.vector_load %arg9[%swap3A_249, %swap3A_250] {strides = array<i32>} : memref<80x128xf32, #tpu.memory_space<vmem>>, vector<1x16xf32>,
        %swap3A_252 = vector.shape_cast %swap3A_251 : vector<1x16xf32> to vector<16xf32>
        %swap3A_253 = vector.shape_cast %mul3A_248 : vector<16xf32> to vector<1x16xf32>
        tpu.vector_store %arg9[%swap3A_249, %swap3A_250], %swap3A_253 {strides = array<i32>} : memref<80x128xf32, #tpu.memory_space<vmem>>, vector<1x16xf32>,
        %get3A_254 = arith.index_cast %scan3A_185 : i32 to index
        %get3A_255 = arith.constant 80 : index
        %get3A_256 = tpu.vector_load %arg9[%get3A_254, %get3A_255] {strides = array<i32>} : memref<80x128xf32, #tpu.memory_space<vmem>>, vector<1x16xf32>,
        %get3A_257 = vector.shape_cast %get3A_256 : vector<1x16xf32> to vector<16xf32>
        %get3A_258 = arith.index_cast %scan3A_185 : i32 to index
        %get3A_259 = arith.constant 80 : index
        %get3A_260 = tpu.vector_load %arg7[%get3A_258, %get3A_259] {strides = array<i32>} : memref<80x128xf32, #tpu.memory_space<vmem>>, vector<1x16xf32>,
        %get3A_261 = vector.shape_cast %get3A_260 : vector<1x16xf32> to vector<16xf32>
        %mul3A_262 = arith.mulf %get3A_257, %get3A_261 : vector<16xf32>
        %swap3A_263 = arith.index_cast %scan3A_185 : i32 to index
        %swap3A_264 = arith.constant 80 : index
        %swap3A_265 = tpu.vector_load %arg9[%swap3A_263, %swap3A_264] {strides = array<i32>} : memref<80x128xf32, #tpu.memory_space<vmem>>, vector<1x16xf32>,
        %swap3A_266 = vector.shape_cast %swap3A_265 : vector<1x16xf32> to vector<16xf32>
        %swap3A_267 = vector.shape_cast %mul3A_262 : vector<16xf32> to vector<1x16xf32>
        tpu.vector_store %arg9[%swap3A_263, %swap3A_264], %swap3A_267 {strides = array<i32>} : memref<80x128xf32, #tpu.memory_space<vmem>>, vector<1x16xf32>,
        %get3A_268 = arith.index_cast %scan3A_185 : i32 to index
        %get3A_269 = arith.constant 96 : index
        %get3A_270 = tpu.vector_load %arg9[%get3A_268, %get3A_269] {strides = array<i32>} : memref<80x128xf32, #tpu.memory_space<vmem>>, vector<1x16xf32>,
        %get3A_271 = vector.shape_cast %get3A_270 : vector<1x16xf32> to vector<16xf32>
        %get3A_272 = arith.index_cast %scan3A_185 : i32 to index
        %get3A_273 = arith.constant 96 : index
        %get3A_274 = tpu.vector_load %arg7[%get3A_272, %get3A_273] {strides = array<i32>} : memref<80x128xf32, #tpu.memory_space<vmem>>, vector<1x16xf32>,
        %get3A_275 = vector.shape_cast %get3A_274 : vector<1x16xf32> to vector<16xf32>
        %mul3A_276 = arith.mulf %get3A_271, %get3A_275 : vector<16xf32>
        %swap3A_277 = arith.index_cast %scan3A_185 : i32 to index
        %swap3A_278 = arith.constant 96 : index
        %swap3A_279 = tpu.vector_load %arg9[%swap3A_277, %swap3A_278] {strides = array<i32>} : memref<80x128xf32, #tpu.memory_space<vmem>>, vector<1x16xf32>,
        %swap3A_280 = vector.shape_cast %swap3A_279 : vector<1x16xf32> to vector<16xf32>
        %swap3A_281 = vector.shape_cast %mul3A_276 : vector<16xf32> to vector<1x16xf32>
        tpu.vector_store %arg9[%swap3A_277, %swap3A_278], %swap3A_281 {strides = array<i32>} : memref<80x128xf32, #tpu.memory_space<vmem>>, vector<1x16xf32>,
        %get3A_282 = arith.index_cast %scan3A_185 : i32 to index
        %get3A_283 = arith.constant 112 : index
        %get3A_284 = tpu.vector_load %arg9[%get3A_282, %get3A_283] {strides = array<i32>} : memref<80x128xf32, #tpu.memory_space<vmem>>, vector<1x16xf32>,
        %get3A_285 = vector.shape_cast %get3A_284 : vector<1x16xf32> to vector<16xf32>
        %get3A_286 = arith.index_cast %scan3A_185 : i32 to index
        %get3A_287 = arith.constant 112 : index
        %get3A_288 = tpu.vector_load %arg7[%get3A_286, %get3A_287] {strides = array<i32>} : memref<80x128xf32, #tpu.memory_space<vmem>>, vector<1x16xf32>,
        %get3A_289 = vector.shape_cast %get3A_288 : vector<1x16xf32> to vector<16xf32>
        %mul3A_290 = arith.mulf %get3A_285, %get3A_289 : vector<16xf32>
        %swap3A_291 = arith.index_cast %scan3A_185 : i32 to index
        %swap3A_292 = arith.constant 112 : index
        %swap3A_293 = tpu.vector_load %arg9[%swap3A_291, %swap3A_292] {strides = array<i32>} : memref<80x128xf32, #tpu.memory_space<vmem>>, vector<1x16xf32>,
        %swap3A_294 = vector.shape_cast %swap3A_293 : vector<1x16xf32> to vector<16xf32>
        %swap3A_295 = vector.shape_cast %mul3A_290 : vector<16xf32> to vector<1x16xf32>
        tpu.vector_store %arg9[%swap3A_291, %swap3A_292], %swap3A_295 {strides = array<i32>} : memref<80x128xf32, #tpu.memory_space<vmem>>, vector<1x16xf32>,
      }
      %scan3A_127 = arith.constant 80 : i32
      %dma_wait3A_128 = arith.constant 1 : i32
      %dma_wait3A_129 = arith.constant 0 : i32
      %dma_wait3A_130 = arith.constant 0 : i32
      %dma_wait3A_131 = tpu.memref_slice %arg6[%dma_wait3A_128, %dma_wait3A_129, %dma_wait3A_130] : memref<2x2x80xi32, #tpu.memory_space<vmem>> -> memref<1x1x80xi32, #tpu.memory_space<vmem>>
      %dma_wait3A_132 = tpu.memref_squeeze %dma_wait3A_131 : memref<1x1x80xi32, #tpu.memory_space<vmem>> -> memref<80xi32, #tpu.memory_space<vmem>>
      %dma_wait3A_133 = arith.constant 0 : i32
      %dma_wait3A_134 = arith.constant 0 : i32
      %dma_wait3A_135 = tpu.memref_slice %arg2[%dma_wait3A_133, %dma_wait3A_134] : memref<10000x128xf32, #tpu.memory_space<hbm>> -> memref<10000x128xf32, #tpu.memory_space<hbm>>
      tpu.wait_indirect_dma semaphore(%arg13 : memref<!tpu.dma_semaphore, #tpu.memory_space<semaphore_mem>>) src(%dma_wait3A_135 : memref<10000x128xf32, #tpu.memory_space<hbm>>) dst(%arg10 : memref<80x128xf32, #tpu.memory_space<vmem>>)
      %dma_wait3A_136 = arith.constant 0 : i32
      %dma_wait3A_137 = arith.constant 0 : i32
      %dma_wait3A_138 = arith.constant 0 : i32
      %dma_wait3A_139 = tpu.memref_slice %arg3[%add3A, %dma_wait3A_136, %dma_wait3A_137, %dma_wait3A_138] : memref<32x125x80x128xf32, #tpu.memory_space<hbm>> -> memref<1x1x80x128xf32, #tpu.memory_space<hbm>>
      %dma_wait3A_140 = tpu.memref_squeeze %dma_wait3A_139 : memref<1x1x80x128xf32, #tpu.memory_space<hbm>> -> memref<80x128xf32, #tpu.memory_space<hbm>>
      %dma_wait3A_141 = arith.constant 0 : i32
      %dma_wait3A_142 = arith.constant 0 : i32
      %dma_wait3A_143 = tpu.memref_slice %arg3[%add3A, %dma_wait3A_136, %dma_wait3A_141, %dma_wait3A_142] : memref<32x125x80x128xf32, #tpu.memory_space<hbm>> -> memref<1x1x80x128xf32, #tpu.memory_space<hbm>>
      %dma_wait3A_144 = tpu.memref_squeeze %dma_wait3A_143 : memref<1x1x80x128xf32, #tpu.memory_space<hbm>> -> memref<80x128xf32, #tpu.memory_space<hbm>>
      tpu.wait_dma2 semaphore(%arg13 : memref<!tpu.dma_semaphore, #tpu.memory_space<semaphore_mem>>) src(%dma_wait3A_144 : memref<80x128xf32, #tpu.memory_space<hbm>>) dst(%arg8 : memref<80x128xf32, #tpu.memory_space<vmem>>)
      %scan3A_145 = arith.constant 0 : i32
      %scan3A_146 = arith.constant 0 : i32
      %scan3A_147 = arith.constant 80 : i32
      %scan3A_148 = arith.addi %scan3A_146, %scan3A_147 : i32
      %scan3A_149 = arith.constant 1 : i32
      scf.for %scan3A_185 = %scan3A_146 to %scan3A_148 step %scan3A_149  : i32 {
        %get3A = arith.index_cast %scan3A_185 : i32 to index
        %get3A_186 = arith.constant 0 : index
        %get3A_187 = tpu.vector_load %arg10[%get3A, %get3A_186] {strides = array<i32>} : memref<80x128xf32, #tpu.memory_space<vmem>>, vector<1x16xf32>,
        %get3A_188 = vector.shape_cast %get3A_187 : vector<1x16xf32> to vector<16xf32>
        %get3A_189 = arith.index_cast %scan3A_185 : i32 to index
        %get3A_190 = arith.constant 0 : index
        %get3A_191 = tpu.vector_load %arg8[%get3A_189, %get3A_190] {strides = array<i32>} : memref<80x128xf32, #tpu.memory_space<vmem>>, vector<1x16xf32>,
        %get3A_192 = vector.shape_cast %get3A_191 : vector<1x16xf32> to vector<16xf32>
        %mul3A_193 = arith.mulf %get3A_188, %get3A_192 : vector<16xf32>
        %swap3A = arith.index_cast %scan3A_185 : i32 to index
        %swap3A_194 = arith.constant 0 : index
        %swap3A_195 = tpu.vector_load %arg10[%swap3A, %swap3A_194] {strides = array<i32>} : memref<80x128xf32, #tpu.memory_space<vmem>>, vector<1x16xf32>,
        %swap3A_196 = vector.shape_cast %swap3A_195 : vector<1x16xf32> to vector<16xf32>
        %swap3A_197 = vector.shape_cast %mul3A_193 : vector<16xf32> to vector<1x16xf32>
        tpu.vector_store %arg10[%swap3A, %swap3A_194], %swap3A_197 {strides = array<i32>} : memref<80x128xf32, #tpu.memory_space<vmem>>, vector<1x16xf32>,
        %get3A_198 = arith.index_cast %scan3A_185 : i32 to index
        %get3A_199 = arith.constant 16 : index
        %get3A_200 = tpu.vector_load %arg10[%get3A_198, %get3A_199] {strides = array<i32>} : memref<80x128xf32, #tpu.memory_space<vmem>>, vector<1x16xf32>,
        %get3A_201 = vector.shape_cast %get3A_200 : vector<1x16xf32> to vector<16xf32>
        %get3A_202 = arith.index_cast %scan3A_185 : i32 to index
        %get3A_203 = arith.constant 16 : index
        %get3A_204 = tpu.vector_load %arg8[%get3A_202, %get3A_203] {strides = array<i32>} : memref<80x128xf32, #tpu.memory_space<vmem>>, vector<1x16xf32>,
        %get3A_205 = vector.shape_cast %get3A_204 : vector<1x16xf32> to vector<16xf32>
        %mul3A_206 = arith.mulf %get3A_201, %get3A_205 : vector<16xf32>
        %swap3A_207 = arith.index_cast %scan3A_185 : i32 to index
        %swap3A_208 = arith.constant 16 : index
        %swap3A_209 = tpu.vector_load %arg10[%swap3A_207, %swap3A_208] {strides = array<i32>} : memref<80x128xf32, #tpu.memory_space<vmem>>, vector<1x16xf32>,
        %swap3A_210 = vector.shape_cast %swap3A_209 : vector<1x16xf32> to vector<16xf32>
        %swap3A_211 = vector.shape_cast %mul3A_206 : vector<16xf32> to vector<1x16xf32>
        tpu.vector_store %arg10[%swap3A_207, %swap3A_208], %swap3A_211 {strides = array<i32>} : memref<80x128xf32, #tpu.memory_space<vmem>>, vector<1x16xf32>,
        %get3A_212 = arith.index_cast %scan3A_185 : i32 to index
        %get3A_213 = arith.constant 32 : index
        %get3A_214 = tpu.vector_load %arg10[%get3A_212, %get3A_213] {strides = array<i32>} : memref<80x128xf32, #tpu.memory_space<vmem>>, vector<1x16xf32>,
        %get3A_215 = vector.shape_cast %get3A_214 : vector<1x16xf32> to vector<16xf32>
        %get3A_216 = arith.index_cast %scan3A_185 : i32 to index
        %get3A_217 = arith.constant 32 : index
        %get3A_218 = tpu.vector_load %arg8[%get3A_216, %get3A_217] {strides = array<i32>} : memref<80x128xf32, #tpu.memory_space<vmem>>, vector<1x16xf32>,
        %get3A_219 = vector.shape_cast %get3A_218 : vector<1x16xf32> to vector<16xf32>
        %mul3A_220 = arith.mulf %get3A_215, %get3A_219 : vector<16xf32>
        %swap3A_221 = arith.index_cast %scan3A_185 : i32 to index
        %swap3A_222 = arith.constant 32 : index
        %swap3A_223 = tpu.vector_load %arg10[%swap3A_221, %swap3A_222] {strides = array<i32>} : memref<80x128xf32, #tpu.memory_space<vmem>>, vector<1x16xf32>,
        %swap3A_224 = vector.shape_cast %swap3A_223 : vector<1x16xf32> to vector<16xf32>
        %swap3A_225 = vector.shape_cast %mul3A_220 : vector<16xf32> to vector<1x16xf32>
        tpu.vector_store %arg10[%swap3A_221, %swap3A_222], %swap3A_225 {strides = array<i32>} : memref<80x128xf32, #tpu.memory_space<vmem>>, vector<1x16xf32>,
        %get3A_226 = arith.index_cast %scan3A_185 : i32 to index
        %get3A_227 = arith.constant 48 : index
        %get3A_228 = tpu.vector_load %arg10[%get3A_226, %get3A_227] {strides = array<i32>} : memref<80x128xf32, #tpu.memory_space<vmem>>, vector<1x16xf32>,
        %get3A_229 = vector.shape_cast %get3A_228 : vector<1x16xf32> to vector<16xf32>
        %get3A_230 = arith.index_cast %scan3A_185 : i32 to index
        %get3A_231 = arith.constant 48 : index
        %get3A_232 = tpu.vector_load %arg8[%get3A_230, %get3A_231] {strides = array<i32>} : memref<80x128xf32, #tpu.memory_space<vmem>>, vector<1x16xf32>,
        %get3A_233 = vector.shape_cast %get3A_232 : vector<1x16xf32> to vector<16xf32>
        %mul3A_234 = arith.mulf %get3A_229, %get3A_233 : vector<16xf32>
        %swap3A_235 = arith.index_cast %scan3A_185 : i32 to index
        %swap3A_236 = arith.constant 48 : index
        %swap3A_237 = tpu.vector_load %arg10[%swap3A_235, %swap3A_236] {strides = array<i32>} : memref<80x128xf32, #tpu.memory_space<vmem>>, vector<1x16xf32>,
        %swap3A_238 = vector.shape_cast %swap3A_237 : vector<1x16xf32> to vector<16xf32>
        %swap3A_239 = vector.shape_cast %mul3A_234 : vector<16xf32> to vector<1x16xf32>
        tpu.vector_store %arg10[%swap3A_235, %swap3A_236], %swap3A_239 {strides = array<i32>} : memref<80x128xf32, #tpu.memory_space<vmem>>, vector<1x16xf32>,
        %get3A_240 = arith.index_cast %scan3A_185 : i32 to index
        %get3A_241 = arith.constant 64 : index
        %get3A_242 = tpu.vector_load %arg10[%get3A_240, %get3A_241] {strides = array<i32>} : memref<80x128xf32, #tpu.memory_space<vmem>>, vector<1x16xf32>,
        %get3A_243 = vector.shape_cast %get3A_242 : vector<1x16xf32> to vector<16xf32>
        %get3A_244 = arith.index_cast %scan3A_185 : i32 to index
        %get3A_245 = arith.constant 64 : index
        %get3A_246 = tpu.vector_load %arg8[%get3A_244, %get3A_245] {strides = array<i32>} : memref<80x128xf32, #tpu.memory_space<vmem>>, vector<1x16xf32>,
        %get3A_247 = vector.shape_cast %get3A_246 : vector<1x16xf32> to vector<16xf32>
        %mul3A_248 = arith.mulf %get3A_243, %get3A_247 : vector<16xf32>
        %swap3A_249 = arith.index_cast %scan3A_185 : i32 to index
        %swap3A_250 = arith.constant 64 : index
        %swap3A_251 = tpu.vector_load %arg10[%swap3A_249, %swap3A_250] {strides = array<i32>} : memref<80x128xf32, #tpu.memory_space<vmem>>, vector<1x16xf32>,
        %swap3A_252 = vector.shape_cast %swap3A_251 : vector<1x16xf32> to vector<16xf32>
        %swap3A_253 = vector.shape_cast %mul3A_248 : vector<16xf32> to vector<1x16xf32>
        tpu.vector_store %arg10[%swap3A_249, %swap3A_250], %swap3A_253 {strides = array<i32>} : memref<80x128xf32, #tpu.memory_space<vmem>>, vector<1x16xf32>,
        %get3A_254 = arith.index_cast %scan3A_185 : i32 to index
        %get3A_255 = arith.constant 80 : index
        %get3A_256 = tpu.vector_load %arg10[%get3A_254, %get3A_255] {strides = array<i32>} : memref<80x128xf32, #tpu.memory_space<vmem>>, vector<1x16xf32>,
        %get3A_257 = vector.shape_cast %get3A_256 : vector<1x16xf32> to vector<16xf32>
        %get3A_258 = arith.index_cast %scan3A_185 : i32 to index
        %get3A_259 = arith.constant 80 : index
        %get3A_260 = tpu.vector_load %arg8[%get3A_258, %get3A_259] {strides = array<i32>} : memref<80x128xf32, #tpu.memory_space<vmem>>, vector<1x16xf32>,
        %get3A_261 = vector.shape_cast %get3A_260 : vector<1x16xf32> to vector<16xf32>
        %mul3A_262 = arith.mulf %get3A_257, %get3A_261 : vector<16xf32>
        %swap3A_263 = arith.index_cast %scan3A_185 : i32 to index
        %swap3A_264 = arith.constant 80 : index
        %swap3A_265 = tpu.vector_load %arg10[%swap3A_263, %swap3A_264] {strides = array<i32>} : memref<80x128xf32, #tpu.memory_space<vmem>>, vector<1x16xf32>,
        %swap3A_266 = vector.shape_cast %swap3A_265 : vector<1x16xf32> to vector<16xf32>
        %swap3A_267 = vector.shape_cast %mul3A_262 : vector<16xf32> to vector<1x16xf32>
        tpu.vector_store %arg10[%swap3A_263, %swap3A_264], %swap3A_267 {strides = array<i32>} : memref<80x128xf32, #tpu.memory_space<vmem>>, vector<1x16xf32>,
        %get3A_268 = arith.index_cast %scan3A_185 : i32 to index
        %get3A_269 = arith.constant 96 : index
        %get3A_270 = tpu.vector_load %arg10[%get3A_268, %get3A_269] {strides = array<i32>} : memref<80x128xf32, #tpu.memory_space<vmem>>, vector<1x16xf32>,
        %get3A_271 = vector.shape_cast %get3A_270 : vector<1x16xf32> to vector<16xf32>
        %get3A_272 = arith.index_cast %scan3A_185 : i32 to index
        %get3A_273 = arith.constant 96 : index
        %get3A_274 = tpu.vector_load %arg8[%get3A_272, %get3A_273] {strides = array<i32>} : memref<80x128xf32, #tpu.memory_space<vmem>>, vector<1x16xf32>,
        %get3A_275 = vector.shape_cast %get3A_274 : vector<1x16xf32> to vector<16xf32>
        %mul3A_276 = arith.mulf %get3A_271, %get3A_275 : vector<16xf32>
        %swap3A_277 = arith.index_cast %scan3A_185 : i32 to index
        %swap3A_278 = arith.constant 96 : index
        %swap3A_279 = tpu.vector_load %arg10[%swap3A_277, %swap3A_278] {strides = array<i32>} : memref<80x128xf32, #tpu.memory_space<vmem>>, vector<1x16xf32>,
        %swap3A_280 = vector.shape_cast %swap3A_279 : vector<1x16xf32> to vector<16xf32>
        %swap3A_281 = vector.shape_cast %mul3A_276 : vector<16xf32> to vector<1x16xf32>
        tpu.vector_store %arg10[%swap3A_277, %swap3A_278], %swap3A_281 {strides = array<i32>} : memref<80x128xf32, #tpu.memory_space<vmem>>, vector<1x16xf32>,
        %get3A_282 = arith.index_cast %scan3A_185 : i32 to index
        %get3A_283 = arith.constant 112 : index
        %get3A_284 = tpu.vector_load %arg10[%get3A_282, %get3A_283] {strides = array<i32>} : memref<80x128xf32, #tpu.memory_space<vmem>>, vector<1x16xf32>,
        %get3A_285 = vector.shape_cast %get3A_284 : vector<1x16xf32> to vector<16xf32>
        %get3A_286 = arith.index_cast %scan3A_185 : i32 to index
        %get3A_287 = arith.constant 112 : index
        %get3A_288 = tpu.vector_load %arg8[%get3A_286, %get3A_287] {strides = array<i32>} : memref<80x128xf32, #tpu.memory_space<vmem>>, vector<1x16xf32>,
        %get3A_289 = vector.shape_cast %get3A_288 : vector<1x16xf32> to vector<16xf32>
        %mul3A_290 = arith.mulf %get3A_285, %get3A_289 : vector<16xf32>
        %swap3A_291 = arith.index_cast %scan3A_185 : i32 to index
        %swap3A_292 = arith.constant 112 : index
        %swap3A_293 = tpu.vector_load %arg10[%swap3A_291, %swap3A_292] {strides = array<i32>} : memref<80x128xf32, #tpu.memory_space<vmem>>, vector<1x16xf32>,
        %swap3A_294 = vector.shape_cast %swap3A_293 : vector<1x16xf32> to vector<16xf32>
        %swap3A_295 = vector.shape_cast %mul3A_290 : vector<16xf32> to vector<1x16xf32>
        tpu.vector_store %arg10[%swap3A_291, %swap3A_292], %swap3A_295 {strides = array<i32>} : memref<80x128xf32, #tpu.memory_space<vmem>>, vector<1x16xf32>,
      }
      %scan3A_150 = arith.constant 80 : i32
      %dma_start3A_151 = arith.constant 0 : i32
      %dma_start3A_152 = arith.constant 1 : i32
      %dma_start3A_153 = arith.constant 0 : i32
      %dma_start3A_154 = tpu.memref_slice %arg6[%dma_start3A_151, %dma_start3A_152, %dma_start3A_153] : memref<2x2x80xi32, #tpu.memory_space<vmem>> -> memref<1x1x80xi32, #tpu.memory_space<vmem>>
      %dma_start3A_155 = tpu.memref_squeeze %dma_start3A_154 : memref<1x1x80xi32, #tpu.memory_space<vmem>> -> memref<80xi32, #tpu.memory_space<vmem>>
      %dma_start3A_156 = arith.constant 0 : i32
      %dma_start3A_157 = arith.constant 0 : i32
      %dma_start3A_158 = tpu.memref_slice %arg11[%dma_start3A_156, %dma_start3A_157] : memref<10240x128xf32, #tpu.memory_space<vmem_shared>> -> memref<10240x128xf32, #tpu.memory_space<vmem_shared>>
      tpu.enqueue_indirect_dma source(%arg9 : memref<80x128xf32, #tpu.memory_space<vmem>>) target(%dma_start3A_158 : memref<10240x128xf32, #tpu.memory_space<vmem_shared>>) offsets(%dma_start3A_155 : memref<80xi32, #tpu.memory_space<vmem>>) semaphore(%arg14 : memref<!tpu.dma_semaphore, #tpu.memory_space<semaphore_mem>>) {add = true}
      %dma_start3A_159 = arith.constant 1 : i32
      %dma_start3A_160 = arith.constant 1 : i32
      %dma_start3A_161 = arith.constant 0 : i32
      %dma_start3A_162 = tpu.memref_slice %arg6[%dma_start3A_159, %dma_start3A_160, %dma_start3A_161] : memref<2x2x80xi32, #tpu.memory_space<vmem>> -> memref<1x1x80xi32, #tpu.memory_space<vmem>>
      %dma_start3A_163 = tpu.memref_squeeze %dma_start3A_162 : memref<1x1x80xi32, #tpu.memory_space<vmem>> -> memref<80xi32, #tpu.memory_space<vmem>>
      %dma_start3A_164 = arith.constant 0 : i32
      %dma_start3A_165 = arith.constant 0 : i32
      %dma_start3A_166 = tpu.memref_slice %arg11[%dma_start3A_164, %dma_start3A_165] : memref<10240x128xf32, #tpu.memory_space<vmem_shared>> -> memref<10240x128xf32, #tpu.memory_space<vmem_shared>>
      tpu.enqueue_indirect_dma source(%arg10 : memref<80x128xf32, #tpu.memory_space<vmem>>) target(%dma_start3A_166 : memref<10240x128xf32, #tpu.memory_space<vmem_shared>>) offsets(%dma_start3A_163 : memref<80xi32, #tpu.memory_space<vmem>>) semaphore(%arg15 : memref<!tpu.dma_semaphore, #tpu.memory_space<semaphore_mem>>) {add = true}
      %dma_wait3A_167 = arith.constant 0 : i32
      %dma_wait3A_168 = arith.constant 1 : i32
      %dma_wait3A_169 = arith.constant 0 : i32
      %dma_wait3A_170 = tpu.memref_slice %arg6[%dma_wait3A_167, %dma_wait3A_168, %dma_wait3A_169] : memref<2x2x80xi32, #tpu.memory_space<vmem>> -> memref<1x1x80xi32, #tpu.memory_space<vmem>>
      %dma_wait3A_171 = tpu.memref_squeeze %dma_wait3A_170 : memref<1x1x80xi32, #tpu.memory_space<vmem>> -> memref<80xi32, #tpu.memory_space<vmem>>
      %dma_wait3A_172 = arith.constant 0 : i32
      %dma_wait3A_173 = arith.constant 0 : i32
      %dma_wait3A_174 = tpu.memref_slice %arg11[%dma_wait3A_172, %dma_wait3A_173] : memref<10240x128xf32, #tpu.memory_space<vmem_shared>> -> memref<10240x128xf32, #tpu.memory_space<vmem_shared>>
      tpu.wait_indirect_dma semaphore(%arg14 : memref<!tpu.dma_semaphore, #tpu.memory_space<semaphore_mem>>) src(%arg9 : memref<80x128xf32, #tpu.memory_space<vmem>>) dst(%dma_wait3A_174 : memref<10240x128xf32, #tpu.memory_space<vmem_shared>>)
      %dma_wait3A_175 = arith.constant 1 : i32
      %dma_wait3A_176 = arith.constant 1 : i32
      %dma_wait3A_177 = arith.constant 0 : i32
      %dma_wait3A_178 = tpu.memref_slice %arg6[%dma_wait3A_175, %dma_wait3A_176, %dma_wait3A_177] : memref<2x2x80xi32, #tpu.memory_space<vmem>> -> memref<1x1x80xi32, #tpu.memory_space<vmem>>
      %dma_wait3A_179 = tpu.memref_squeeze %dma_wait3A_178 : memref<1x1x80xi32, #tpu.memory_space<vmem>> -> memref<80xi32, #tpu.memory_space<vmem>>
      %dma_wait3A_180 = arith.constant 0 : i32
      %dma_wait3A_181 = arith.constant 0 : i32
      %dma_wait3A_182 = tpu.memref_slice %arg11[%dma_wait3A_180, %dma_wait3A_181] : memref<10240x128xf32, #tpu.memory_space<vmem_shared>> -> memref<10240x128xf32, #tpu.memory_space<vmem_shared>>
      tpu.wait_indirect_dma semaphore(%arg15 : memref<!tpu.dma_semaphore, #tpu.memory_space<semaphore_mem>>) src(%arg10 : memref<80x128xf32, #tpu.memory_space<vmem>>) dst(%dma_wait3A_182 : memref<10240x128xf32, #tpu.memory_space<vmem_shared>>)
      %lt3A = arith.constant 61 : i32
      %lt3A_183 = arith.cmpi slt, %scan3A_104, %lt3A : i32
      %convert_element_type3A = arith.extui %lt3A_183 : i1 to i32
      %cond3A = arith.constant 0 : i32
      %cond3A_184 = arith.cmpi ne, %convert_element_type3A, %cond3A : i32
      scf.if %cond3A_184 {
        %mul3A_185 = arith.constant 2 : i32
        %mul3A_186 = arith.muli %mul3A_185, %scan3A_104 : i32
        %add3A_187 = arith.constant 2 : i32
        %add3A_188 = arith.addi %mul3A_186, %add3A_187 : i32
        "tpu.region"() ({
          %run_scoped3A_229 = tpu.sem_alloc : memref<!tpu.dma_semaphore, #tpu.memory_space<semaphore_mem>>
          %dma_start3A_230 = arith.constant 0 : i32
          %dma_start3A_231 = arith.constant 0 : i32
          %dma_start3A_232 = tpu.memref_slice %arg4[%add3A, %add3A_188, %dma_start3A_230, %dma_start3A_231] : memref<32x125x2x80xi32, #tpu.memory_space<hbm>> -> memref<1x2x2x80xi32, #tpu.memory_space<hbm>>
          %dma_start3A_233 = tpu.memref_squeeze %dma_start3A_232 : memref<1x2x2x80xi32, #tpu.memory_space<hbm>> -> memref<2x2x80xi32, #tpu.memory_space<hbm>>
          %dma_start3A_234 = arith.constant 0 : i32
          %dma_start3A_235 = arith.constant 0 : i32
          %dma_start3A_236 = tpu.memref_slice %arg4[%add3A, %add3A_188, %dma_start3A_234, %dma_start3A_235] : memref<32x125x2x80xi32, #tpu.memory_space<hbm>> -> memref<1x2x2x80xi32, #tpu.memory_space<hbm>>
          %dma_start3A_237 = tpu.memref_squeeze %dma_start3A_236 : memref<1x2x2x80xi32, #tpu.memory_space<hbm>> -> memref<2x2x80xi32, #tpu.memory_space<hbm>>
          tpu.enqueue_dma source(%dma_start3A_237 : memref<2x2x80xi32, #tpu.memory_space<hbm>>) target(%arg6 : memref<2x2x80xi32, #tpu.memory_space<vmem>>) target_semaphore(%run_scoped3A_229 : memref<!tpu.dma_semaphore, #tpu.memory_space<semaphore_mem>>)
          %dma_wait3A_238 = arith.constant 0 : i32
          %dma_wait3A_239 = arith.constant 0 : i32
          %dma_wait3A_240 = tpu.memref_slice %arg4[%add3A, %add3A_188, %dma_wait3A_238, %dma_wait3A_239] : memref<32x125x2x80xi32, #tpu.memory_space<hbm>> -> memref<1x2x2x80xi32, #tpu.memory_space<hbm>>
          %dma_wait3A_241 = tpu.memref_squeeze %dma_wait3A_240 : memref<1x2x2x80xi32, #tpu.memory_space<hbm>> -> memref<2x2x80xi32, #tpu.memory_space<hbm>>
          %dma_wait3A_242 = arith.constant 0 : i32
          %dma_wait3A_243 = arith.constant 0 : i32
          %dma_wait3A_244 = tpu.memref_slice %arg4[%add3A, %add3A_188, %dma_wait3A_242, %dma_wait3A_243] : memref<32x125x2x80xi32, #tpu.memory_space<hbm>> -> memref<1x2x2x80xi32, #tpu.memory_space<hbm>>
          %dma_wait3A_245 = tpu.memref_squeeze %dma_wait3A_244 : memref<1x2x2x80xi32, #tpu.memory_space<hbm>> -> memref<2x2x80xi32, #tpu.memory_space<hbm>>
          tpu.wait_dma2 semaphore(%run_scoped3A_229 : memref<!tpu.dma_semaphore, #tpu.memory_space<semaphore_mem>>) src(%dma_wait3A_245 : memref<2x2x80xi32, #tpu.memory_space<hbm>>) dst(%arg6 : memref<2x2x80xi32, #tpu.memory_space<vmem>>)
          tpu.yield
        }) : () -> ()
        %mul3A_189 = arith.constant 2 : i32
        %mul3A_190 = arith.muli %mul3A_189, %scan3A_104 : i32
        %add3A_191 = arith.constant 2 : i32
        %add3A_192 = arith.addi %mul3A_190, %add3A_191 : i32
        %dma_start3A_193 = arith.constant 0 : i32
        %dma_start3A_194 = arith.constant 0 : i32
        %dma_start3A_195 = arith.constant 0 : i32
        %dma_start3A_196 = tpu.memref_slice %arg6[%dma_start3A_193, %dma_start3A_194, %dma_start3A_195] : memref<2x2x80xi32, #tpu.memory_space<vmem>> -> memref<1x1x80xi32, #tpu.memory_space<vmem>>
        %dma_start3A_197 = tpu.memref_squeeze %dma_start3A_196 : memref<1x1x80xi32, #tpu.memory_space<vmem>> -> memref<80xi32, #tpu.memory_space<vmem>>
        %dma_start3A_198 = arith.constant 0 : i32
        %dma_start3A_199 = arith.constant 0 : i32
        %dma_start3A_200 = tpu.memref_slice %arg2[%dma_start3A_198, %dma_start3A_199] : memref<10000x128xf32, #tpu.memory_space<hbm>> -> memref<10000x128xf32, #tpu.memory_space<hbm>>
        tpu.enqueue_indirect_dma source(%dma_start3A_200 : memref<10000x128xf32, #tpu.memory_space<hbm>>) target(%arg9 : memref<80x128xf32, #tpu.memory_space<vmem>>) offsets(%dma_start3A_197 : memref<80xi32, #tpu.memory_space<vmem>>) semaphore(%arg12 : memref<!tpu.dma_semaphore, #tpu.memory_space<semaphore_mem>>)
        %dma_start3A_201 = arith.constant 0 : i32
        %dma_start3A_202 = arith.constant 0 : i32
        %dma_start3A_203 = tpu.memref_slice %arg3[%add3A, %add3A_192, %dma_start3A_201, %dma_start3A_202] : memref<32x125x80x128xf32, #tpu.memory_space<hbm>> -> memref<1x1x80x128xf32, #tpu.memory_space<hbm>>
        %dma_start3A_204 = tpu.memref_squeeze %dma_start3A_203 : memref<1x1x80x128xf32, #tpu.memory_space<hbm>> -> memref<80x128xf32, #tpu.memory_space<hbm>>
        %dma_start3A_205 = arith.constant 0 : i32
        %dma_start3A_206 = arith.constant 0 : i32
        %dma_start3A_207 = tpu.memref_slice %arg3[%add3A, %add3A_192, %dma_start3A_205, %dma_start3A_206] : memref<32x125x80x128xf32, #tpu.memory_space<hbm>> -> memref<1x1x80x128xf32, #tpu.memory_space<hbm>>
        %dma_start3A_208 = tpu.memref_squeeze %dma_start3A_207 : memref<1x1x80x128xf32, #tpu.memory_space<hbm>> -> memref<80x128xf32, #tpu.memory_space<hbm>>
        tpu.enqueue_dma source(%dma_start3A_208 : memref<80x128xf32, #tpu.memory_space<hbm>>) target(%arg7 : memref<80x128xf32, #tpu.memory_space<vmem>>) target_semaphore(%arg12 : memref<!tpu.dma_semaphore, #tpu.memory_space<semaphore_mem>>)
        %mul3A_209 = arith.constant 2 : i32
        %mul3A_210 = arith.muli %mul3A_209, %scan3A_104 : i32
        %add3A_211 = arith.constant 3 : i32
        %add3A_212 = arith.addi %mul3A_210, %add3A_211 : i32
        %dma_start3A_213 = arith.constant 1 : i32
        %dma_start3A_214 = arith.constant 0 : i32
        %dma_start3A_215 = arith.constant 0 : i32
        %dma_start3A_216 = tpu.memref_slice %arg6[%dma_start3A_213, %dma_start3A_214, %dma_start3A_215] : memref<2x2x80xi32, #tpu.memory_space<vmem>> -> memref<1x1x80xi32, #tpu.memory_space<vmem>>
        %dma_start3A_217 = tpu.memref_squeeze %dma_start3A_216 : memref<1x1x80xi32, #tpu.memory_space<vmem>> -> memref<80xi32, #tpu.memory_space<vmem>>
        %dma_start3A_218 = arith.constant 0 : i32
        %dma_start3A_219 = arith.constant 0 : i32
        %dma_start3A_220 = tpu.memref_slice %arg2[%dma_start3A_218, %dma_start3A_219] : memref<10000x128xf32, #tpu.memory_space<hbm>> -> memref<10000x128xf32, #tpu.memory_space<hbm>>
        tpu.enqueue_indirect_dma source(%dma_start3A_220 : memref<10000x128xf32, #tpu.memory_space<hbm>>) target(%arg10 : memref<80x128xf32, #tpu.memory_space<vmem>>) offsets(%dma_start3A_217 : memref<80xi32, #tpu.memory_space<vmem>>) semaphore(%arg13 : memref<!tpu.dma_semaphore, #tpu.memory_space<semaphore_mem>>)
        %dma_start3A_221 = arith.constant 0 : i32
        %dma_start3A_222 = arith.constant 0 : i32
        %dma_start3A_223 = tpu.memref_slice %arg3[%add3A, %add3A_212, %dma_start3A_221, %dma_start3A_222] : memref<32x125x80x128xf32, #tpu.memory_space<hbm>> -> memref<1x1x80x128xf32, #tpu.memory_space<hbm>>
        %dma_start3A_224 = tpu.memref_squeeze %dma_start3A_223 : memref<1x1x80x128xf32, #tpu.memory_space<hbm>> -> memref<80x128xf32, #tpu.memory_space<hbm>>
        %dma_start3A_225 = arith.constant 0 : i32
        %dma_start3A_226 = arith.constant 0 : i32
        %dma_start3A_227 = tpu.memref_slice %arg3[%add3A, %add3A_212, %dma_start3A_225, %dma_start3A_226] : memref<32x125x80x128xf32, #tpu.memory_space<hbm>> -> memref<1x1x80x128xf32, #tpu.memory_space<hbm>>
        %dma_start3A_228 = tpu.memref_squeeze %dma_start3A_227 : memref<1x1x80x128xf32, #tpu.memory_space<hbm>> -> memref<80x128xf32, #tpu.memory_space<hbm>>
        tpu.enqueue_dma source(%dma_start3A_228 : memref<80x128xf32, #tpu.memory_space<hbm>>) target(%arg8 : memref<80x128xf32, #tpu.memory_space<vmem>>) target_semaphore(%arg13 : memref<!tpu.dma_semaphore, #tpu.memory_space<semaphore_mem>>)
      } else {
      }
    }
    %scan3A_62 = arith.constant 62 : i32
    "tpu.region"() ({
      %run_scoped3A_104 = tpu.sem_alloc : memref<!tpu.dma_semaphore, #tpu.memory_space<semaphore_mem>>
      %dma_start3A_105 = arith.constant 0 : i32
      %dma_start3A_106 = arith.constant 0 : i32
      %dma_start3A_107 = arith.constant 0 : i32
      %dma_start3A_108 = tpu.memref_slice %arg6[%dma_start3A_105, %dma_start3A_106, %dma_start3A_107] : memref<2x2x80xi32, #tpu.memory_space<vmem>> -> memref<1x2x80xi32, #tpu.memory_space<vmem>>
      %dma_start3A_109 = arith.constant 124 : i32
      %dma_start3A_110 = arith.constant 0 : i32
      %dma_start3A_111 = arith.constant 0 : i32
      %dma_start3A_112 = tpu.memref_slice %arg4[%add3A, %dma_start3A_109, %dma_start3A_110, %dma_start3A_111] : memref<32x125x2x80xi32, #tpu.memory_space<hbm>> -> memref<1x1x2x80xi32, #tpu.memory_space<hbm>>
      %dma_start3A_113 = tpu.memref_squeeze %dma_start3A_112 : memref<1x1x2x80xi32, #tpu.memory_space<hbm>> -> memref<1x2x80xi32, #tpu.memory_space<hbm>>
      %dma_start3A_114 = arith.constant 0 : i32
      %dma_start3A_115 = arith.constant 0 : i32
      %dma_start3A_116 = arith.constant 0 : i32
      %dma_start3A_117 = tpu.memref_slice %arg6[%dma_start3A_114, %dma_start3A_115, %dma_start3A_116] : memref<2x2x80xi32, #tpu.memory_space<vmem>> -> memref<1x2x80xi32, #tpu.memory_space<vmem>>
      %dma_start3A_118 = arith.constant 124 : i32
      %dma_start3A_119 = arith.constant 0 : i32
      %dma_start3A_120 = arith.constant 0 : i32
      %dma_start3A_121 = tpu.memref_slice %arg4[%add3A, %dma_start3A_118, %dma_start3A_119, %dma_start3A_120] : memref<32x125x2x80xi32, #tpu.memory_space<hbm>> -> memref<1x1x2x80xi32, #tpu.memory_space<hbm>>
      %dma_start3A_122 = tpu.memref_squeeze %dma_start3A_121 : memref<1x1x2x80xi32, #tpu.memory_space<hbm>> -> memref<1x2x80xi32, #tpu.memory_space<hbm>>
      tpu.enqueue_dma source(%dma_start3A_122 : memref<1x2x80xi32, #tpu.memory_space<hbm>>) target(%dma_start3A_117 : memref<1x2x80xi32, #tpu.memory_space<vmem>>) target_semaphore(%run_scoped3A_104 : memref<!tpu.dma_semaphore, #tpu.memory_space<semaphore_mem>>)
      %dma_wait3A_123 = arith.constant 0 : i32
      %dma_wait3A_124 = arith.constant 0 : i32
      %dma_wait3A_125 = arith.constant 0 : i32
      %dma_wait3A_126 = tpu.memref_slice %arg6[%dma_wait3A_123, %dma_wait3A_124, %dma_wait3A_125] : memref<2x2x80xi32, #tpu.memory_space<vmem>> -> memref<1x2x80xi32, #tpu.memory_space<vmem>>
      %dma_wait3A_127 = arith.constant 124 : i32
      %dma_wait3A_128 = arith.constant 0 : i32
      %dma_wait3A_129 = arith.constant 0 : i32
      %dma_wait3A_130 = tpu.memref_slice %arg4[%add3A, %dma_wait3A_127, %dma_wait3A_128, %dma_wait3A_129] : memref<32x125x2x80xi32, #tpu.memory_space<hbm>> -> memref<1x1x2x80xi32, #tpu.memory_space<hbm>>
      %dma_wait3A_131 = tpu.memref_squeeze %dma_wait3A_130 : memref<1x1x2x80xi32, #tpu.memory_space<hbm>> -> memref<1x2x80xi32, #tpu.memory_space<hbm>>
      %dma_wait3A_132 = arith.constant 0 : i32
      %dma_wait3A_133 = arith.constant 0 : i32
      %dma_wait3A_134 = arith.constant 0 : i32
      %dma_wait3A_135 = tpu.memref_slice %arg6[%dma_wait3A_132, %dma_wait3A_133, %dma_wait3A_134] : memref<2x2x80xi32, #tpu.memory_space<vmem>> -> memref<1x2x80xi32, #tpu.memory_space<vmem>>
      %dma_wait3A_136 = arith.constant 124 : i32
      %dma_wait3A_137 = arith.constant 0 : i32
      %dma_wait3A_138 = arith.constant 0 : i32
      %dma_wait3A_139 = tpu.memref_slice %arg4[%add3A, %dma_wait3A_136, %dma_wait3A_137, %dma_wait3A_138] : memref<32x125x2x80xi32, #tpu.memory_space<hbm>> -> memref<1x1x2x80xi32, #tpu.memory_space<hbm>>
      %dma_wait3A_140 = tpu.memref_squeeze %dma_wait3A_139 : memref<1x1x2x80xi32, #tpu.memory_space<hbm>> -> memref<1x2x80xi32, #tpu.memory_space<hbm>>
      tpu.wait_dma2 semaphore(%run_scoped3A_104 : memref<!tpu.dma_semaphore, #tpu.memory_space<semaphore_mem>>) src(%dma_wait3A_140 : memref<1x2x80xi32, #tpu.memory_space<hbm>>) dst(%dma_wait3A_135 : memref<1x2x80xi32, #tpu.memory_space<vmem>>)
      tpu.yield
    }) : () -> ()
    %dma_start3A_63 = arith.constant 0 : i32
    %dma_start3A_64 = arith.constant 0 : i32
    %dma_start3A_65 = arith.constant 0 : i32
    %dma_start3A_66 = tpu.memref_slice %arg6[%dma_start3A_63, %dma_start3A_64, %dma_start3A_65] : memref<2x2x80xi32, #tpu.memory_space<vmem>> -> memref<1x1x80xi32, #tpu.memory_space<vmem>>
    %dma_start3A_67 = tpu.memref_squeeze %dma_start3A_66 : memref<1x1x80xi32, #tpu.memory_space<vmem>> -> memref<80xi32, #tpu.memory_space<vmem>>
    %dma_start3A_68 = arith.constant 0 : i32
    %dma_start3A_69 = arith.constant 0 : i32
    %dma_start3A_70 = tpu.memref_slice %arg2[%dma_start3A_68, %dma_start3A_69] : memref<10000x128xf32, #tpu.memory_space<hbm>> -> memref<10000x128xf32, #tpu.memory_space<hbm>>
    tpu.enqueue_indirect_dma source(%dma_start3A_70 : memref<10000x128xf32, #tpu.memory_space<hbm>>) target(%arg9 : memref<80x128xf32, #tpu.memory_space<vmem>>) offsets(%dma_start3A_67 : memref<80xi32, #tpu.memory_space<vmem>>) semaphore(%arg12 : memref<!tpu.dma_semaphore, #tpu.memory_space<semaphore_mem>>)
    %dma_start3A_71 = arith.constant 124 : i32
    %dma_start3A_72 = arith.constant 0 : i32
    %dma_start3A_73 = arith.constant 0 : i32
    %dma_start3A_74 = tpu.memref_slice %arg3[%add3A, %dma_start3A_71, %dma_start3A_72, %dma_start3A_73] : memref<32x125x80x128xf32, #tpu.memory_space<hbm>> -> memref<1x1x80x128xf32, #tpu.memory_space<hbm>>
    %dma_start3A_75 = tpu.memref_squeeze %dma_start3A_74 : memref<1x1x80x128xf32, #tpu.memory_space<hbm>> -> memref<80x128xf32, #tpu.memory_space<hbm>>
    %dma_start3A_76 = arith.constant 0 : i32
    %dma_start3A_77 = arith.constant 0 : i32
    %dma_start3A_78 = tpu.memref_slice %arg3[%add3A, %dma_start3A_71, %dma_start3A_76, %dma_start3A_77] : memref<32x125x80x128xf32, #tpu.memory_space<hbm>> -> memref<1x1x80x128xf32, #tpu.memory_space<hbm>>
    %dma_start3A_79 = tpu.memref_squeeze %dma_start3A_78 : memref<1x1x80x128xf32, #tpu.memory_space<hbm>> -> memref<80x128xf32, #tpu.memory_space<hbm>>
    tpu.enqueue_dma source(%dma_start3A_79 : memref<80x128xf32, #tpu.memory_space<hbm>>) target(%arg7 : memref<80x128xf32, #tpu.memory_space<vmem>>) target_semaphore(%arg12 : memref<!tpu.dma_semaphore, #tpu.memory_space<semaphore_mem>>)
    %dma_wait3A = arith.constant 0 : i32
    %dma_wait3A_80 = arith.constant 0 : i32
    %dma_wait3A_81 = arith.constant 0 : i32
    %dma_wait3A_82 = tpu.memref_slice %arg6[%dma_wait3A, %dma_wait3A_80, %dma_wait3A_81] : memref<2x2x80xi32, #tpu.memory_space<vmem>> -> memref<1x1x80xi32, #tpu.memory_space<vmem>>
    %dma_wait3A_83 = tpu.memref_squeeze %dma_wait3A_82 : memref<1x1x80xi32, #tpu.memory_space<vmem>> -> memref<80xi32, #tpu.memory_space<vmem>>
    %dma_wait3A_84 = arith.constant 0 : i32
    %dma_wait3A_85 = arith.constant 0 : i32
    %dma_wait3A_86 = tpu.memref_slice %arg2[%dma_wait3A_84, %dma_wait3A_85] : memref<10000x128xf32, #tpu.memory_space<hbm>> -> memref<10000x128xf32, #tpu.memory_space<hbm>>
    tpu.wait_indirect_dma semaphore(%arg12 : memref<!tpu.dma_semaphore, #tpu.memory_space<semaphore_mem>>) src(%dma_wait3A_86 : memref<10000x128xf32, #tpu.memory_space<hbm>>) dst(%arg9 : memref<80x128xf32, #tpu.memory_space<vmem>>)
    %dma_wait3A_87 = arith.constant 0 : i32
    %dma_wait3A_88 = arith.constant 0 : i32
    %dma_wait3A_89 = arith.constant 0 : i32
    %dma_wait3A_90 = tpu.memref_slice %arg3[%add3A, %dma_wait3A_87, %dma_wait3A_88, %dma_wait3A_89] : memref<32x125x80x128xf32, #tpu.memory_space<hbm>> -> memref<1x1x80x128xf32, #tpu.memory_space<hbm>>
    %dma_wait3A_91 = tpu.memref_squeeze %dma_wait3A_90 : memref<1x1x80x128xf32, #tpu.memory_space<hbm>> -> memref<80x128xf32, #tpu.memory_space<hbm>>
    %dma_wait3A_92 = arith.constant 0 : i32
    %dma_wait3A_93 = arith.constant 0 : i32
    %dma_wait3A_94 = tpu.memref_slice %arg3[%add3A, %dma_wait3A_87, %dma_wait3A_92, %dma_wait3A_93] : memref<32x125x80x128xf32, #tpu.memory_space<hbm>> -> memref<1x1x80x128xf32, #tpu.memory_space<hbm>>
    %dma_wait3A_95 = tpu.memref_squeeze %dma_wait3A_94 : memref<1x1x80x128xf32, #tpu.memory_space<hbm>> -> memref<80x128xf32, #tpu.memory_space<hbm>>
    tpu.wait_dma2 semaphore(%arg12 : memref<!tpu.dma_semaphore, #tpu.memory_space<semaphore_mem>>) src(%dma_wait3A_95 : memref<80x128xf32, #tpu.memory_space<hbm>>) dst(%arg7 : memref<80x128xf32, #tpu.memory_space<vmem>>)
    %scan3A_96 = arith.constant 0 : i32
    %scan3A_97 = arith.constant 0 : i32
    %scan3A_98 = arith.constant 80 : i32
    %scan3A_99 = arith.addi %scan3A_97, %scan3A_98 : i32
    %scan3A_100 = arith.constant 1 : i32
    scf.for %scan3A_104 = %scan3A_97 to %scan3A_99 step %scan3A_100  : i32 {
      %get3A = arith.index_cast %scan3A_104 : i32 to index
      %get3A_105 = arith.constant 0 : index
      %get3A_106 = tpu.vector_load %arg9[%get3A, %get3A_105] {strides = array<i32>} : memref<80x128xf32, #tpu.memory_space<vmem>>, vector<1x16xf32>,
      %get3A_107 = vector.shape_cast %get3A_106 : vector<1x16xf32> to vector<16xf32>
      %get3A_108 = arith.index_cast %scan3A_104 : i32 to index
      %get3A_109 = arith.constant 0 : index
      %get3A_110 = tpu.vector_load %arg7[%get3A_108, %get3A_109] {strides = array<i32>} : memref<80x128xf32, #tpu.memory_space<vmem>>, vector<1x16xf32>,
      %get3A_111 = vector.shape_cast %get3A_110 : vector<1x16xf32> to vector<16xf32>
      %mul3A_112 = arith.mulf %get3A_107, %get3A_111 : vector<16xf32>
      %swap3A = arith.index_cast %scan3A_104 : i32 to index
      %swap3A_113 = arith.constant 0 : index
      %swap3A_114 = tpu.vector_load %arg9[%swap3A, %swap3A_113] {strides = array<i32>} : memref<80x128xf32, #tpu.memory_space<vmem>>, vector<1x16xf32>,
      %swap3A_115 = vector.shape_cast %swap3A_114 : vector<1x16xf32> to vector<16xf32>
      %swap3A_116 = vector.shape_cast %mul3A_112 : vector<16xf32> to vector<1x16xf32>
      tpu.vector_store %arg9[%swap3A, %swap3A_113], %swap3A_116 {strides = array<i32>} : memref<80x128xf32, #tpu.memory_space<vmem>>, vector<1x16xf32>,
      %get3A_117 = arith.index_cast %scan3A_104 : i32 to index
      %get3A_118 = arith.constant 16 : index
      %get3A_119 = tpu.vector_load %arg9[%get3A_117, %get3A_118] {strides = array<i32>} : memref<80x128xf32, #tpu.memory_space<vmem>>, vector<1x16xf32>,
      %get3A_120 = vector.shape_cast %get3A_119 : vector<1x16xf32> to vector<16xf32>
      %get3A_121 = arith.index_cast %scan3A_104 : i32 to index
      %get3A_122 = arith.constant 16 : index
      %get3A_123 = tpu.vector_load %arg7[%get3A_121, %get3A_122] {strides = array<i32>} : memref<80x128xf32, #tpu.memory_space<vmem>>, vector<1x16xf32>,
      %get3A_124 = vector.shape_cast %get3A_123 : vector<1x16xf32> to vector<16xf32>
      %mul3A_125 = arith.mulf %get3A_120, %get3A_124 : vector<16xf32>
      %swap3A_126 = arith.index_cast %scan3A_104 : i32 to index
      %swap3A_127 = arith.constant 16 : index
      %swap3A_128 = tpu.vector_load %arg9[%swap3A_126, %swap3A_127] {strides = array<i32>} : memref<80x128xf32, #tpu.memory_space<vmem>>, vector<1x16xf32>,
      %swap3A_129 = vector.shape_cast %swap3A_128 : vector<1x16xf32> to vector<16xf32>
      %swap3A_130 = vector.shape_cast %mul3A_125 : vector<16xf32> to vector<1x16xf32>
      tpu.vector_store %arg9[%swap3A_126, %swap3A_127], %swap3A_130 {strides = array<i32>} : memref<80x128xf32, #tpu.memory_space<vmem>>, vector<1x16xf32>,
      %get3A_131 = arith.index_cast %scan3A_104 : i32 to index
      %get3A_132 = arith.constant 32 : index
      %get3A_133 = tpu.vector_load %arg9[%get3A_131, %get3A_132] {strides = array<i32>} : memref<80x128xf32, #tpu.memory_space<vmem>>, vector<1x16xf32>,
      %get3A_134 = vector.shape_cast %get3A_133 : vector<1x16xf32> to vector<16xf32>
      %get3A_135 = arith.index_cast %scan3A_104 : i32 to index
      %get3A_136 = arith.constant 32 : index
      %get3A_137 = tpu.vector_load %arg7[%get3A_135, %get3A_136] {strides = array<i32>} : memref<80x128xf32, #tpu.memory_space<vmem>>, vector<1x16xf32>,
      %get3A_138 = vector.shape_cast %get3A_137 : vector<1x16xf32> to vector<16xf32>
      %mul3A_139 = arith.mulf %get3A_134, %get3A_138 : vector<16xf32>
      %swap3A_140 = arith.index_cast %scan3A_104 : i32 to index
      %swap3A_141 = arith.constant 32 : index
      %swap3A_142 = tpu.vector_load %arg9[%swap3A_140, %swap3A_141] {strides = array<i32>} : memref<80x128xf32, #tpu.memory_space<vmem>>, vector<1x16xf32>,
      %swap3A_143 = vector.shape_cast %swap3A_142 : vector<1x16xf32> to vector<16xf32>
      %swap3A_144 = vector.shape_cast %mul3A_139 : vector<16xf32> to vector<1x16xf32>
      tpu.vector_store %arg9[%swap3A_140, %swap3A_141], %swap3A_144 {strides = array<i32>} : memref<80x128xf32, #tpu.memory_space<vmem>>, vector<1x16xf32>,
      %get3A_145 = arith.index_cast %scan3A_104 : i32 to index
      %get3A_146 = arith.constant 48 : index
      %get3A_147 = tpu.vector_load %arg9[%get3A_145, %get3A_146] {strides = array<i32>} : memref<80x128xf32, #tpu.memory_space<vmem>>, vector<1x16xf32>,
      %get3A_148 = vector.shape_cast %get3A_147 : vector<1x16xf32> to vector<16xf32>
      %get3A_149 = arith.index_cast %scan3A_104 : i32 to index
      %get3A_150 = arith.constant 48 : index
      %get3A_151 = tpu.vector_load %arg7[%get3A_149, %get3A_150] {strides = array<i32>} : memref<80x128xf32, #tpu.memory_space<vmem>>, vector<1x16xf32>,
      %get3A_152 = vector.shape_cast %get3A_151 : vector<1x16xf32> to vector<16xf32>
      %mul3A_153 = arith.mulf %get3A_148, %get3A_152 : vector<16xf32>
      %swap3A_154 = arith.index_cast %scan3A_104 : i32 to index
      %swap3A_155 = arith.constant 48 : index
      %swap3A_156 = tpu.vector_load %arg9[%swap3A_154, %swap3A_155] {strides = array<i32>} : memref<80x128xf32, #tpu.memory_space<vmem>>, vector<1x16xf32>,
      %swap3A_157 = vector.shape_cast %swap3A_156 : vector<1x16xf32> to vector<16xf32>
      %swap3A_158 = vector.shape_cast %mul3A_153 : vector<16xf32> to vector<1x16xf32>
      tpu.vector_store %arg9[%swap3A_154, %swap3A_155], %swap3A_158 {strides = array<i32>} : memref<80x128xf32, #tpu.memory_space<vmem>>, vector<1x16xf32>,
      %get3A_159 = arith.index_cast %scan3A_104 : i32 to index
      %get3A_160 = arith.constant 64 : index
      %get3A_161 = tpu.vector_load %arg9[%get3A_159, %get3A_160] {strides = array<i32>} : memref<80x128xf32, #tpu.memory_space<vmem>>, vector<1x16xf32>,
      %get3A_162 = vector.shape_cast %get3A_161 : vector<1x16xf32> to vector<16xf32>
      %get3A_163 = arith.index_cast %scan3A_104 : i32 to index
      %get3A_164 = arith.constant 64 : index
      %get3A_165 = tpu.vector_load %arg7[%get3A_163, %get3A_164] {strides = array<i32>} : memref<80x128xf32, #tpu.memory_space<vmem>>, vector<1x16xf32>,
      %get3A_166 = vector.shape_cast %get3A_165 : vector<1x16xf32> to vector<16xf32>
      %mul3A_167 = arith.mulf %get3A_162, %get3A_166 : vector<16xf32>
      %swap3A_168 = arith.index_cast %scan3A_104 : i32 to index
      %swap3A_169 = arith.constant 64 : index
      %swap3A_170 = tpu.vector_load %arg9[%swap3A_168, %swap3A_169] {strides = array<i32>} : memref<80x128xf32, #tpu.memory_space<vmem>>, vector<1x16xf32>,
      %swap3A_171 = vector.shape_cast %swap3A_170 : vector<1x16xf32> to vector<16xf32>
      %swap3A_172 = vector.shape_cast %mul3A_167 : vector<16xf32> to vector<1x16xf32>
      tpu.vector_store %arg9[%swap3A_168, %swap3A_169], %swap3A_172 {strides = array<i32>} : memref<80x128xf32, #tpu.memory_space<vmem>>, vector<1x16xf32>,
      %get3A_173 = arith.index_cast %scan3A_104 : i32 to index
      %get3A_174 = arith.constant 80 : index
      %get3A_175 = tpu.vector_load %arg9[%get3A_173, %get3A_174] {strides = array<i32>} : memref<80x128xf32, #tpu.memory_space<vmem>>, vector<1x16xf32>,
      %get3A_176 = vector.shape_cast %get3A_175 : vector<1x16xf32> to vector<16xf32>
      %get3A_177 = arith.index_cast %scan3A_104 : i32 to index
      %get3A_178 = arith.constant 80 : index
      %get3A_179 = tpu.vector_load %arg7[%get3A_177, %get3A_178] {strides = array<i32>} : memref<80x128xf32, #tpu.memory_space<vmem>>, vector<1x16xf32>,
      %get3A_180 = vector.shape_cast %get3A_179 : vector<1x16xf32> to vector<16xf32>
      %mul3A_181 = arith.mulf %get3A_176, %get3A_180 : vector<16xf32>
      %swap3A_182 = arith.index_cast %scan3A_104 : i32 to index
      %swap3A_183 = arith.constant 80 : index
      %swap3A_184 = tpu.vector_load %arg9[%swap3A_182, %swap3A_183] {strides = array<i32>} : memref<80x128xf32, #tpu.memory_space<vmem>>, vector<1x16xf32>,
      %swap3A_185 = vector.shape_cast %swap3A_184 : vector<1x16xf32> to vector<16xf32>
      %swap3A_186 = vector.shape_cast %mul3A_181 : vector<16xf32> to vector<1x16xf32>
      tpu.vector_store %arg9[%swap3A_182, %swap3A_183], %swap3A_186 {strides = array<i32>} : memref<80x128xf32, #tpu.memory_space<vmem>>, vector<1x16xf32>,
      %get3A_187 = arith.index_cast %scan3A_104 : i32 to index
      %get3A_188 = arith.constant 96 : index
      %get3A_189 = tpu.vector_load %arg9[%get3A_187, %get3A_188] {strides = array<i32>} : memref<80x128xf32, #tpu.memory_space<vmem>>, vector<1x16xf32>,
      %get3A_190 = vector.shape_cast %get3A_189 : vector<1x16xf32> to vector<16xf32>
      %get3A_191 = arith.index_cast %scan3A_104 : i32 to index
      %get3A_192 = arith.constant 96 : index
      %get3A_193 = tpu.vector_load %arg7[%get3A_191, %get3A_192] {strides = array<i32>} : memref<80x128xf32, #tpu.memory_space<vmem>>, vector<1x16xf32>,
      %get3A_194 = vector.shape_cast %get3A_193 : vector<1x16xf32> to vector<16xf32>
      %mul3A_195 = arith.mulf %get3A_190, %get3A_194 : vector<16xf32>
      %swap3A_196 = arith.index_cast %scan3A_104 : i32 to index
      %swap3A_197 = arith.constant 96 : index
      %swap3A_198 = tpu.vector_load %arg9[%swap3A_196, %swap3A_197] {strides = array<i32>} : memref<80x128xf32, #tpu.memory_space<vmem>>, vector<1x16xf32>,
      %swap3A_199 = vector.shape_cast %swap3A_198 : vector<1x16xf32> to vector<16xf32>
      %swap3A_200 = vector.shape_cast %mul3A_195 : vector<16xf32> to vector<1x16xf32>
      tpu.vector_store %arg9[%swap3A_196, %swap3A_197], %swap3A_200 {strides = array<i32>} : memref<80x128xf32, #tpu.memory_space<vmem>>, vector<1x16xf32>,
      %get3A_201 = arith.index_cast %scan3A_104 : i32 to index
      %get3A_202 = arith.constant 112 : index
      %get3A_203 = tpu.vector_load %arg9[%get3A_201, %get3A_202] {strides = array<i32>} : memref<80x128xf32, #tpu.memory_space<vmem>>, vector<1x16xf32>,
      %get3A_204 = vector.shape_cast %get3A_203 : vector<1x16xf32> to vector<16xf32>
      %get3A_205 = arith.index_cast %scan3A_104 : i32 to index
      %get3A_206 = arith.constant 112 : index
      %get3A_207 = tpu.vector_load %arg7[%get3A_205, %get3A_206] {strides = array<i32>} : memref<80x128xf32, #tpu.memory_space<vmem>>, vector<1x16xf32>,
      %get3A_208 = vector.shape_cast %get3A_207 : vector<1x16xf32> to vector<16xf32>
      %mul3A_209 = arith.mulf %get3A_204, %get3A_208 : vector<16xf32>
      %swap3A_210 = arith.index_cast %scan3A_104 : i32 to index
      %swap3A_211 = arith.constant 112 : index
      %swap3A_212 = tpu.vector_load %arg9[%swap3A_210, %swap3A_211] {strides = array<i32>} : memref<80x128xf32, #tpu.memory_space<vmem>>, vector<1x16xf32>,
      %swap3A_213 = vector.shape_cast %swap3A_212 : vector<1x16xf32> to vector<16xf32>
      %swap3A_214 = vector.shape_cast %mul3A_209 : vector<16xf32> to vector<1x16xf32>
      tpu.vector_store %arg9[%swap3A_210, %swap3A_211], %swap3A_214 {strides = array<i32>} : memref<80x128xf32, #tpu.memory_space<vmem>>, vector<1x16xf32>,
    }
    %scan3A_101 = arith.constant 80 : i32
    %run_scoped3A = arith.constant 0 : i32
    %run_scoped3A_102 = arith.constant 1 : i32
    "tpu.region"() ({
      %run_scoped3A_104 = tpu.sem_alloc : memref<!tpu.dma_semaphore, #tpu.memory_space<semaphore_mem>>
      %dma_start3A_105 = arith.constant 0 : i32
      %dma_start3A_106 = tpu.memref_slice %arg6[%run_scoped3A, %run_scoped3A_102, %dma_start3A_105] : memref<2x2x80xi32, #tpu.memory_space<vmem>> -> memref<1x1x80xi32, #tpu.memory_space<vmem>>
      %dma_start3A_107 = tpu.memref_squeeze %dma_start3A_106 : memref<1x1x80xi32, #tpu.memory_space<vmem>> -> memref<80xi32, #tpu.memory_space<vmem>>
      %dma_start3A_108 = arith.constant 0 : i32
      %dma_start3A_109 = arith.constant 0 : i32
      %dma_start3A_110 = tpu.memref_slice %arg11[%dma_start3A_108, %dma_start3A_109] : memref<10240x128xf32, #tpu.memory_space<vmem_shared>> -> memref<10240x128xf32, #tpu.memory_space<vmem_shared>>
      tpu.enqueue_indirect_dma source(%arg9 : memref<80x128xf32, #tpu.memory_space<vmem>>) target(%dma_start3A_110 : memref<10240x128xf32, #tpu.memory_space<vmem_shared>>) offsets(%dma_start3A_107 : memref<80xi32, #tpu.memory_space<vmem>>) semaphore(%run_scoped3A_104 : memref<!tpu.dma_semaphore, #tpu.memory_space<semaphore_mem>>) {add = true}
      %dma_wait3A_111 = arith.constant 0 : i32
      %dma_wait3A_112 = tpu.memref_slice %arg6[%run_scoped3A, %run_scoped3A_102, %dma_wait3A_111] : memref<2x2x80xi32, #tpu.memory_space<vmem>> -> memref<1x1x80xi32, #tpu.memory_space<vmem>>
      %dma_wait3A_113 = tpu.memref_squeeze %dma_wait3A_112 : memref<1x1x80xi32, #tpu.memory_space<vmem>> -> memref<80xi32, #tpu.memory_space<vmem>>
      %dma_wait3A_114 = arith.constant 0 : i32
      %dma_wait3A_115 = arith.constant 0 : i32
      %dma_wait3A_116 = tpu.memref_slice %arg11[%dma_wait3A_114, %dma_wait3A_115] : memref<10240x128xf32, #tpu.memory_space<vmem_shared>> -> memref<10240x128xf32, #tpu.memory_space<vmem_shared>>
      tpu.wait_indirect_dma semaphore(%run_scoped3A_104 : memref<!tpu.dma_semaphore, #tpu.memory_space<semaphore_mem>>) src(%arg9 : memref<80x128xf32, #tpu.memory_space<vmem>>) dst(%dma_wait3A_116 : memref<10240x128xf32, #tpu.memory_space<vmem_shared>>)
      tpu.yield
    }) : () -> ()
    %barrier3A_103 = arith.constant 0 : index
    tpu.barrier barrier_id(%barrier3A_103)
    "tpu.region"() ({
      %run_scoped3A_104 = tpu.sem_alloc : memref<!tpu.dma_semaphore, #tpu.memory_space<semaphore_mem>>
      %dma_start3A_105 = arith.constant 0 : i32
      %dma_start3A_106 = arith.constant 0 : i32
      %dma_start3A_107 = tpu.memref_slice %arg5[%arg0, %arg1, %dma_start3A_105, %dma_start3A_106] : memref<2x16x640x128xf32, #tpu.memory_space<hbm>> -> memref<1x1x640x128xf32, #tpu.memory_space<hbm>>
      %dma_start3A_108 = tpu.memref_squeeze %dma_start3A_107 : memref<1x1x640x128xf32, #tpu.memory_space<hbm>> -> memref<640x128xf32, #tpu.memory_space<hbm>>
      %dma_start3A_109 = arith.constant 0 : i32
      %dma_start3A_110 = tpu.memref_slice %arg11[%multiple_of3A, %dma_start3A_109] : memref<10240x128xf32, #tpu.memory_space<vmem_shared>> -> memref<640x128xf32, #tpu.memory_space<vmem_shared>>
      tpu.enqueue_dma source(%dma_start3A_110 : memref<640x128xf32, #tpu.memory_space<vmem_shared>>) target(%dma_start3A_108 : memref<640x128xf32, #tpu.memory_space<hbm>>) target_semaphore(%run_scoped3A_104 : memref<!tpu.dma_semaphore, #tpu.memory_space<semaphore_mem>>)
      %dma_wait3A_111 = arith.constant 0 : i32
      %dma_wait3A_112 = arith.constant 0 : i32
      %dma_wait3A_113 = tpu.memref_slice %arg5[%arg0, %arg1, %dma_wait3A_111, %dma_wait3A_112] : memref<2x16x640x128xf32, #tpu.memory_space<hbm>> -> memref<1x1x640x128xf32, #tpu.memory_space<hbm>>
      %dma_wait3A_114 = tpu.memref_squeeze %dma_wait3A_113 : memref<1x1x640x128xf32, #tpu.memory_space<hbm>> -> memref<640x128xf32, #tpu.memory_space<hbm>>
      %dma_wait3A_115 = arith.constant 0 : i32
      %dma_wait3A_116 = tpu.memref_slice %arg11[%multiple_of3A, %dma_wait3A_115] : memref<10240x128xf32, #tpu.memory_space<vmem_shared>> -> memref<640x128xf32, #tpu.memory_space<vmem_shared>>
      tpu.wait_dma2 semaphore(%run_scoped3A_104 : memref<!tpu.dma_semaphore, #tpu.memory_space<semaphore_mem>>) src(%dma_wait3A_116 : memref<640x128xf32, #tpu.memory_space<vmem_shared>>) dst(%dma_wait3A_114 : memref<640x128xf32, #tpu.memory_space<hbm>>)
      tpu.yield
    }) : () -> ()
    return
  }
}

#map = affine_map<(d0, d1) -> (0, 0)>
#map1 = affine_map<(d0, d1) -> (0, 0, 0, 0)>
module attributes {stable_mosaic.version = 14 : i64} {
  func.func @_interact_sc(%arg0: i32, %arg1: i32, %arg2: memref<10000x128xf32, #tpu.memory_space<hbm>>, %arg3: memref<32x125x80x128xf32, #tpu.memory_space<hbm>>, %arg4: memref<32x125x2x80xi32, #tpu.memory_space<hbm>>, %arg5: memref<2x16x640x128xf32, #tpu.memory_space<hbm>>, %arg6: memref<2x2x80xi32, #tpu.memory_space<vmem>>, %arg7: memref<80x128xf32, #tpu.memory_space<vmem>>, %arg8: memref<80x128xf32, #tpu.memory_space<vmem>>, %arg9: memref<80x128xf32, #tpu.memory_space<vmem>>, %arg10: memref<80x128xf32, #tpu.memory_space<vmem>>, %arg11: memref<10240x128xf32, #tpu.memory_space<vmem_shared>>, %arg12: memref<!tpu.dma_semaphore, #tpu.memory_space<semaphore_mem>>, %arg13: memref<!tpu.dma_semaphore, #tpu.memory_space<semaphore_mem>>, %arg14: memref<!tpu.dma_semaphore, #tpu.memory_space<semaphore_mem>>, %arg15: memref<!tpu.dma_semaphore, #tpu.memory_space<semaphore_mem>>) attributes {dimension_semantics = [#tpu.dimension_semantics<core_parallel>, #tpu.dimension_semantics<subcore_parallel>], iteration_bounds = array<i64: 2, 16>, scalar_prefetch = 0 : i64, scratch_operands = 10 : i64, tpu.core_type = #tpu.core_type<sc_vector_subcore>, window_params = [{transform_indices = #map}, {transform_indices = #map1}, {transform_indices = #map1}, {transform_indices = #map1}]} {
    %mul3A = arith.constant 16 : i32
    %mul3A_0 = arith.muli %arg0, %mul3A : i32
    %add3A = arith.addi %mul3A_0, %arg1 : i32
    %mul3A_1 = arith.constant 640 : i32
    %mul3A_2 = arith.muli %arg1, %mul3A_1 : i32
    %multiple_of3A = tpu.assume_multiple %mul3A_2, 8 : i32
    %scan3A = arith.constant 0 : i32
    %scan3A_3 = arith.constant 0 : i32
    %scan3A_4 = arith.constant 80 : i32
    %scan3A_5 = arith.addi %scan3A_3, %scan3A_4 : i32
    %scan3A_6 = arith.constant 1 : i32
    scf.for %scan3A_104 = %scan3A_3 to %scan3A_5 step %scan3A_6  : i32 {
      %broadcast_in_dim3A = arith.constant 0.000000e+00 : f32
      %broadcast_in_dim3A_105 = vector.broadcast %broadcast_in_dim3A : f32 to vector<16xf32>
      %swap3A = arith.index_cast %scan3A_104 : i32 to index
      %swap3A_106 = arith.constant 0 : index
      %swap3A_107 = tpu.vector_load %arg9[%swap3A, %swap3A_106] {strides = array<i32>} : memref<80x128xf32, #tpu.memory_space<vmem>>, vector<1x16xf32>,
      %swap3A_108 = vector.shape_cast %swap3A_107 : vector<1x16xf32> to vector<16xf32>
      %swap3A_109 = vector.shape_cast %broadcast_in_dim3A_105 : vector<16xf32> to vector<1x16xf32>
      tpu.vector_store %arg9[%swap3A, %swap3A_106], %swap3A_109 {strides = array<i32>} : memref<80x128xf32, #tpu.memory_space<vmem>>, vector<1x16xf32>,
      %broadcast_in_dim3A_110 = arith.constant 0.000000e+00 : f32
      %broadcast_in_dim3A_111 = vector.broadcast %broadcast_in_dim3A_110 : f32 to vector<16xf32>
      %swap3A_112 = arith.index_cast %scan3A_104 : i32 to index
      %swap3A_113 = arith.constant 16 : index
      %swap3A_114 = tpu.vector_load %arg9[%swap3A_112, %swap3A_113] {strides = array<i32>} : memref<80x128xf32, #tpu.memory_space<vmem>>, vector<1x16xf32>,
      %swap3A_115 = vector.shape_cast %swap3A_114 : vector<1x16xf32> to vector<16xf32>
      %swap3A_116 = vector.shape_cast %broadcast_in_dim3A_111 : vector<16xf32> to vector<1x16xf32>
      tpu.vector_store %arg9[%swap3A_112, %swap3A_113], %swap3A_116 {strides = array<i32>} : memref<80x128xf32, #tpu.memory_space<vmem>>, vector<1x16xf32>,
      %broadcast_in_dim3A_117 = arith.constant 0.000000e+00 : f32
      %broadcast_in_dim3A_118 = vector.broadcast %broadcast_in_dim3A_117 : f32 to vector<16xf32>
      %swap3A_119 = arith.index_cast %scan3A_104 : i32 to index
      %swap3A_120 = arith.constant 32 : index
      %swap3A_121 = tpu.vector_load %arg9[%swap3A_119, %swap3A_120] {strides = array<i32>} : memref<80x128xf32, #tpu.memory_space<vmem>>, vector<1x16xf32>,
      %swap3A_122 = vector.shape_cast %swap3A_121 : vector<1x16xf32> to vector<16xf32>
      %swap3A_123 = vector.shape_cast %broadcast_in_dim3A_118 : vector<16xf32> to vector<1x16xf32>
      tpu.vector_store %arg9[%swap3A_119, %swap3A_120], %swap3A_123 {strides = array<i32>} : memref<80x128xf32, #tpu.memory_space<vmem>>, vector<1x16xf32>,
      %broadcast_in_dim3A_124 = arith.constant 0.000000e+00 : f32
      %broadcast_in_dim3A_125 = vector.broadcast %broadcast_in_dim3A_124 : f32 to vector<16xf32>
      %swap3A_126 = arith.index_cast %scan3A_104 : i32 to index
      %swap3A_127 = arith.constant 48 : index
      %swap3A_128 = tpu.vector_load %arg9[%swap3A_126, %swap3A_127] {strides = array<i32>} : memref<80x128xf32, #tpu.memory_space<vmem>>, vector<1x16xf32>,
      %swap3A_129 = vector.shape_cast %swap3A_128 : vector<1x16xf32> to vector<16xf32>
      %swap3A_130 = vector.shape_cast %broadcast_in_dim3A_125 : vector<16xf32> to vector<1x16xf32>
      tpu.vector_store %arg9[%swap3A_126, %swap3A_127], %swap3A_130 {strides = array<i32>} : memref<80x128xf32, #tpu.memory_space<vmem>>, vector<1x16xf32>,
      %broadcast_in_dim3A_131 = arith.constant 0.000000e+00 : f32
      %broadcast_in_dim3A_132 = vector.broadcast %broadcast_in_dim3A_131 : f32 to vector<16xf32>
      %swap3A_133 = arith.index_cast %scan3A_104 : i32 to index
      %swap3A_134 = arith.constant 64 : index
      %swap3A_135 = tpu.vector_load %arg9[%swap3A_133, %swap3A_134] {strides = array<i32>} : memref<80x128xf32, #tpu.memory_space<vmem>>, vector<1x16xf32>,
      %swap3A_136 = vector.shape_cast %swap3A_135 : vector<1x16xf32> to vector<16xf32>
      %swap3A_137 = vector.shape_cast %broadcast_in_dim3A_132 : vector<16xf32> to vector<1x16xf32>
      tpu.vector_store %arg9[%swap3A_133, %swap3A_134], %swap3A_137 {strides = array<i32>} : memref<80x128xf32, #tpu.memory_space<vmem>>, vector<1x16xf32>,
      %broadcast_in_dim3A_138 = arith.constant 0.000000e+00 : f32
      %broadcast_in_dim3A_139 = vector.broadcast %broadcast_in_dim3A_138 : f32 to vector<16xf32>
      %swap3A_140 = arith.index_cast %scan3A_104 : i32 to index
      %swap3A_141 = arith.constant 80 : index
      %swap3A_142 = tpu.vector_load %arg9[%swap3A_140, %swap3A_141] {strides = array<i32>} : memref<80x128xf32, #tpu.memory_space<vmem>>, vector<1x16xf32>,
      %swap3A_143 = vector.shape_cast %swap3A_142 : vector<1x16xf32> to vector<16xf32>
      %swap3A_144 = vector.shape_cast %broadcast_in_dim3A_139 : vector<16xf32> to vector<1x16xf32>
      tpu.vector_store %arg9[%swap3A_140, %swap3A_141], %swap3A_144 {strides = array<i32>} : memref<80x128xf32, #tpu.memory_space<vmem>>, vector<1x16xf32>,
      %broadcast_in_dim3A_145 = arith.constant 0.000000e+00 : f32
      %broadcast_in_dim3A_146 = vector.broadcast %broadcast_in_dim3A_145 : f32 to vector<16xf32>
      %swap3A_147 = arith.index_cast %scan3A_104 : i32 to index
      %swap3A_148 = arith.constant 96 : index
      %swap3A_149 = tpu.vector_load %arg9[%swap3A_147, %swap3A_148] {strides = array<i32>} : memref<80x128xf32, #tpu.memory_space<vmem>>, vector<1x16xf32>,
      %swap3A_150 = vector.shape_cast %swap3A_149 : vector<1x16xf32> to vector<16xf32>
      %swap3A_151 = vector.shape_cast %broadcast_in_dim3A_146 : vector<16xf32> to vector<1x16xf32>
      tpu.vector_store %arg9[%swap3A_147, %swap3A_148], %swap3A_151 {strides = array<i32>} : memref<80x128xf32, #tpu.memory_space<vmem>>, vector<1x16xf32>,
      %broadcast_in_dim3A_152 = arith.constant 0.000000e+00 : f32
      %broadcast_in_dim3A_153 = vector.broadcast %broadcast_in_dim3A_152 : f32 to vector<16xf32>
      %swap3A_154 = arith.index_cast %scan3A_104 : i32 to index
      %swap3A_155 = arith.constant 112 : index
      %swap3A_156 = tpu.vector_load %arg9[%swap3A_154, %swap3A_155] {strides = array<i32>} : memref<80x128xf32, #tpu.memory_space<vmem>>, vector<1x16xf32>,
      %swap3A_157 = vector.shape_cast %swap3A_156 : vector<1x16xf32> to vector<16xf32>
      %swap3A_158 = vector.shape_cast %broadcast_in_dim3A_153 : vector<16xf32> to vector<1x16xf32>
      tpu.vector_store %arg9[%swap3A_154, %swap3A_155], %swap3A_158 {strides = array<i32>} : memref<80x128xf32, #tpu.memory_space<vmem>>, vector<1x16xf32>,
    }
    %scan3A_7 = arith.constant 80 : i32
    %add3A_8 = arith.constant 0 : i32
    %add3A_9 = arith.addi %multiple_of3A, %add3A_8 : i32
    "tpu.region"() ({
      %run_scoped3A_104 = tpu.sem_alloc : memref<!tpu.dma_semaphore, #tpu.memory_space<semaphore_mem>>
      %dma_start3A_105 = arith.constant 0 : i32
      %dma_start3A_106 = tpu.memref_slice %arg11[%add3A_9, %dma_start3A_105] : memref<10240x128xf32, #tpu.memory_space<vmem_shared>> -> memref<80x128xf32, #tpu.memory_space<vmem_shared>>
      %dma_start3A_107 = arith.constant 0 : i32
      %dma_start3A_108 = tpu.memref_slice %arg11[%add3A_9, %dma_start3A_107] : memref<10240x128xf32, #tpu.memory_space<vmem_shared>> -> memref<80x128xf32, #tpu.memory_space<vmem_shared>>
      tpu.enqueue_dma source(%arg9 : memref<80x128xf32, #tpu.memory_space<vmem>>) target(%dma_start3A_108 : memref<80x128xf32, #tpu.memory_space<vmem_shared>>) target_semaphore(%run_scoped3A_104 : memref<!tpu.dma_semaphore, #tpu.memory_space<semaphore_mem>>)
      %dma_wait3A_109 = arith.constant 0 : i32
      %dma_wait3A_110 = tpu.memref_slice %arg11[%add3A_9, %dma_wait3A_109] : memref<10240x128xf32, #tpu.memory_space<vmem_shared>> -> memref<80x128xf32, #tpu.memory_space<vmem_shared>>
      %dma_wait3A_111 = arith.constant 0 : i32
      %dma_wait3A_112 = tpu.memref_slice %arg11[%add3A_9, %dma_wait3A_111] : memref<10240x128xf32, #tpu.memory_space<vmem_shared>> -> memref<80x128xf32, #tpu.memory_space<vmem_shared>>
      tpu.wait_dma2 semaphore(%run_scoped3A_104 : memref<!tpu.dma_semaphore, #tpu.memory_space<semaphore_mem>>) src(%arg9 : memref<80x128xf32, #tpu.memory_space<vmem>>) dst(%dma_wait3A_112 : memref<80x128xf32, #tpu.memory_space<vmem_shared>>)
      tpu.yield
    }) : () -> ()
    %add3A_10 = arith.constant 80 : i32
    %add3A_11 = arith.addi %multiple_of3A, %add3A_10 : i32
    "tpu.region"() ({
      %run_scoped3A_104 = tpu.sem_alloc : memref<!tpu.dma_semaphore, #tpu.memory_space<semaphore_mem>>
      %dma_start3A_105 = arith.constant 0 : i32
      %dma_start3A_106 = tpu.memref_slice %arg11[%add3A_11, %dma_start3A_105] : memref<10240x128xf32, #tpu.memory_space<vmem_shared>> -> memref<80x128xf32, #tpu.memory_space<vmem_shared>>
      %dma_start3A_107 = arith.constant 0 : i32
      %dma_start3A_108 = tpu.memref_slice %arg11[%add3A_11, %dma_start3A_107] : memref<10240x128xf32, #tpu.memory_space<vmem_shared>> -> memref<80x128xf32, #tpu.memory_space<vmem_shared>>
      tpu.enqueue_dma source(%arg9 : memref<80x128xf32, #tpu.memory_space<vmem>>) target(%dma_start3A_108 : memref<80x128xf32, #tpu.memory_space<vmem_shared>>) target_semaphore(%run_scoped3A_104 : memref<!tpu.dma_semaphore, #tpu.memory_space<semaphore_mem>>)
      %dma_wait3A_109 = arith.constant 0 : i32
      %dma_wait3A_110 = tpu.memref_slice %arg11[%add3A_11, %dma_wait3A_109] : memref<10240x128xf32, #tpu.memory_space<vmem_shared>> -> memref<80x128xf32, #tpu.memory_space<vmem_shared>>
      %dma_wait3A_111 = arith.constant 0 : i32
      %dma_wait3A_112 = tpu.memref_slice %arg11[%add3A_11, %dma_wait3A_111] : memref<10240x128xf32, #tpu.memory_space<vmem_shared>> -> memref<80x128xf32, #tpu.memory_space<vmem_shared>>
      tpu.wait_dma2 semaphore(%run_scoped3A_104 : memref<!tpu.dma_semaphore, #tpu.memory_space<semaphore_mem>>) src(%arg9 : memref<80x128xf32, #tpu.memory_space<vmem>>) dst(%dma_wait3A_112 : memref<80x128xf32, #tpu.memory_space<vmem_shared>>)
      tpu.yield
    }) : () -> ()
    %add3A_12 = arith.constant 160 : i32
    %add3A_13 = arith.addi %multiple_of3A, %add3A_12 : i32
    "tpu.region"() ({
      %run_scoped3A_104 = tpu.sem_alloc : memref<!tpu.dma_semaphore, #tpu.memory_space<semaphore_mem>>
      %dma_start3A_105 = arith.constant 0 : i32
      %dma_start3A_106 = tpu.memref_slice %arg11[%add3A_13, %dma_start3A_105] : memref<10240x128xf32, #tpu.memory_space<vmem_shared>> -> memref<80x128xf32, #tpu.memory_space<vmem_shared>>
      %dma_start3A_107 = arith.constant 0 : i32
      %dma_start3A_108 = tpu.memref_slice %arg11[%add3A_13, %dma_start3A_107] : memref<10240x128xf32, #tpu.memory_space<vmem_shared>> -> memref<80x128xf32, #tpu.memory_space<vmem_shared>>
      tpu.enqueue_dma source(%arg9 : memref<80x128xf32, #tpu.memory_space<vmem>>) target(%dma_start3A_108 : memref<80x128xf32, #tpu.memory_space<vmem_shared>>) target_semaphore(%run_scoped3A_104 : memref<!tpu.dma_semaphore, #tpu.memory_space<semaphore_mem>>)
      %dma_wait3A_109 = arith.constant 0 : i32
      %dma_wait3A_110 = tpu.memref_slice %arg11[%add3A_13, %dma_wait3A_109] : memref<10240x128xf32, #tpu.memory_space<vmem_shared>> -> memref<80x128xf32, #tpu.memory_space<vmem_shared>>
      %dma_wait3A_111 = arith.constant 0 : i32
      %dma_wait3A_112 = tpu.memref_slice %arg11[%add3A_13, %dma_wait3A_111] : memref<10240x128xf32, #tpu.memory_space<vmem_shared>> -> memref<80x128xf32, #tpu.memory_space<vmem_shared>>
      tpu.wait_dma2 semaphore(%run_scoped3A_104 : memref<!tpu.dma_semaphore, #tpu.memory_space<semaphore_mem>>) src(%arg9 : memref<80x128xf32, #tpu.memory_space<vmem>>) dst(%dma_wait3A_112 : memref<80x128xf32, #tpu.memory_space<vmem_shared>>)
      tpu.yield
    }) : () -> ()
    %add3A_14 = arith.constant 240 : i32
    %add3A_15 = arith.addi %multiple_of3A, %add3A_14 : i32
    "tpu.region"() ({
      %run_scoped3A_104 = tpu.sem_alloc : memref<!tpu.dma_semaphore, #tpu.memory_space<semaphore_mem>>
      %dma_start3A_105 = arith.constant 0 : i32
      %dma_start3A_106 = tpu.memref_slice %arg11[%add3A_15, %dma_start3A_105] : memref<10240x128xf32, #tpu.memory_space<vmem_shared>> -> memref<80x128xf32, #tpu.memory_space<vmem_shared>>
      %dma_start3A_107 = arith.constant 0 : i32
      %dma_start3A_108 = tpu.memref_slice %arg11[%add3A_15, %dma_start3A_107] : memref<10240x128xf32, #tpu.memory_space<vmem_shared>> -> memref<80x128xf32, #tpu.memory_space<vmem_shared>>
      tpu.enqueue_dma source(%arg9 : memref<80x128xf32, #tpu.memory_space<vmem>>) target(%dma_start3A_108 : memref<80x128xf32, #tpu.memory_space<vmem_shared>>) target_semaphore(%run_scoped3A_104 : memref<!tpu.dma_semaphore, #tpu.memory_space<semaphore_mem>>)
      %dma_wait3A_109 = arith.constant 0 : i32
      %dma_wait3A_110 = tpu.memref_slice %arg11[%add3A_15, %dma_wait3A_109] : memref<10240x128xf32, #tpu.memory_space<vmem_shared>> -> memref<80x128xf32, #tpu.memory_space<vmem_shared>>
      %dma_wait3A_111 = arith.constant 0 : i32
      %dma_wait3A_112 = tpu.memref_slice %arg11[%add3A_15, %dma_wait3A_111] : memref<10240x128xf32, #tpu.memory_space<vmem_shared>> -> memref<80x128xf32, #tpu.memory_space<vmem_shared>>
      tpu.wait_dma2 semaphore(%run_scoped3A_104 : memref<!tpu.dma_semaphore, #tpu.memory_space<semaphore_mem>>) src(%arg9 : memref<80x128xf32, #tpu.memory_space<vmem>>) dst(%dma_wait3A_112 : memref<80x128xf32, #tpu.memory_space<vmem_shared>>)
      tpu.yield
    }) : () -> ()
    %add3A_16 = arith.constant 320 : i32
    %add3A_17 = arith.addi %multiple_of3A, %add3A_16 : i32
    "tpu.region"() ({
      %run_scoped3A_104 = tpu.sem_alloc : memref<!tpu.dma_semaphore, #tpu.memory_space<semaphore_mem>>
      %dma_start3A_105 = arith.constant 0 : i32
      %dma_start3A_106 = tpu.memref_slice %arg11[%add3A_17, %dma_start3A_105] : memref<10240x128xf32, #tpu.memory_space<vmem_shared>> -> memref<80x128xf32, #tpu.memory_space<vmem_shared>>
      %dma_start3A_107 = arith.constant 0 : i32
      %dma_start3A_108 = tpu.memref_slice %arg11[%add3A_17, %dma_start3A_107] : memref<10240x128xf32, #tpu.memory_space<vmem_shared>> -> memref<80x128xf32, #tpu.memory_space<vmem_shared>>
      tpu.enqueue_dma source(%arg9 : memref<80x128xf32, #tpu.memory_space<vmem>>) target(%dma_start3A_108 : memref<80x128xf32, #tpu.memory_space<vmem_shared>>) target_semaphore(%run_scoped3A_104 : memref<!tpu.dma_semaphore, #tpu.memory_space<semaphore_mem>>)
      %dma_wait3A_109 = arith.constant 0 : i32
      %dma_wait3A_110 = tpu.memref_slice %arg11[%add3A_17, %dma_wait3A_109] : memref<10240x128xf32, #tpu.memory_space<vmem_shared>> -> memref<80x128xf32, #tpu.memory_space<vmem_shared>>
      %dma_wait3A_111 = arith.constant 0 : i32
      %dma_wait3A_112 = tpu.memref_slice %arg11[%add3A_17, %dma_wait3A_111] : memref<10240x128xf32, #tpu.memory_space<vmem_shared>> -> memref<80x128xf32, #tpu.memory_space<vmem_shared>>
      tpu.wait_dma2 semaphore(%run_scoped3A_104 : memref<!tpu.dma_semaphore, #tpu.memory_space<semaphore_mem>>) src(%arg9 : memref<80x128xf32, #tpu.memory_space<vmem>>) dst(%dma_wait3A_112 : memref<80x128xf32, #tpu.memory_space<vmem_shared>>)
      tpu.yield
    }) : () -> ()
    %add3A_18 = arith.constant 400 : i32
    %add3A_19 = arith.addi %multiple_of3A, %add3A_18 : i32
    "tpu.region"() ({
      %run_scoped3A_104 = tpu.sem_alloc : memref<!tpu.dma_semaphore, #tpu.memory_space<semaphore_mem>>
      %dma_start3A_105 = arith.constant 0 : i32
      %dma_start3A_106 = tpu.memref_slice %arg11[%add3A_19, %dma_start3A_105] : memref<10240x128xf32, #tpu.memory_space<vmem_shared>> -> memref<80x128xf32, #tpu.memory_space<vmem_shared>>
      %dma_start3A_107 = arith.constant 0 : i32
      %dma_start3A_108 = tpu.memref_slice %arg11[%add3A_19, %dma_start3A_107] : memref<10240x128xf32, #tpu.memory_space<vmem_shared>> -> memref<80x128xf32, #tpu.memory_space<vmem_shared>>
      tpu.enqueue_dma source(%arg9 : memref<80x128xf32, #tpu.memory_space<vmem>>) target(%dma_start3A_108 : memref<80x128xf32, #tpu.memory_space<vmem_shared>>) target_semaphore(%run_scoped3A_104 : memref<!tpu.dma_semaphore, #tpu.memory_space<semaphore_mem>>)
      %dma_wait3A_109 = arith.constant 0 : i32
      %dma_wait3A_110 = tpu.memref_slice %arg11[%add3A_19, %dma_wait3A_109] : memref<10240x128xf32, #tpu.memory_space<vmem_shared>> -> memref<80x128xf32, #tpu.memory_space<vmem_shared>>
      %dma_wait3A_111 = arith.constant 0 : i32
      %dma_wait3A_112 = tpu.memref_slice %arg11[%add3A_19, %dma_wait3A_111] : memref<10240x128xf32, #tpu.memory_space<vmem_shared>> -> memref<80x128xf32, #tpu.memory_space<vmem_shared>>
      tpu.wait_dma2 semaphore(%run_scoped3A_104 : memref<!tpu.dma_semaphore, #tpu.memory_space<semaphore_mem>>) src(%arg9 : memref<80x128xf32, #tpu.memory_space<vmem>>) dst(%dma_wait3A_112 : memref<80x128xf32, #tpu.memory_space<vmem_shared>>)
      tpu.yield
    }) : () -> ()
    %add3A_20 = arith.constant 480 : i32
    %add3A_21 = arith.addi %multiple_of3A, %add3A_20 : i32
    "tpu.region"() ({
      %run_scoped3A_104 = tpu.sem_alloc : memref<!tpu.dma_semaphore, #tpu.memory_space<semaphore_mem>>
      %dma_start3A_105 = arith.constant 0 : i32
      %dma_start3A_106 = tpu.memref_slice %arg11[%add3A_21, %dma_start3A_105] : memref<10240x128xf32, #tpu.memory_space<vmem_shared>> -> memref<80x128xf32, #tpu.memory_space<vmem_shared>>
      %dma_start3A_107 = arith.constant 0 : i32
      %dma_start3A_108 = tpu.memref_slice %arg11[%add3A_21, %dma_start3A_107] : memref<10240x128xf32, #tpu.memory_space<vmem_shared>> -> memref<80x128xf32, #tpu.memory_space<vmem_shared>>
      tpu.enqueue_dma source(%arg9 : memref<80x128xf32, #tpu.memory_space<vmem>>) target(%dma_start3A_108 : memref<80x128xf32, #tpu.memory_space<vmem_shared>>) target_semaphore(%run_scoped3A_104 : memref<!tpu.dma_semaphore, #tpu.memory_space<semaphore_mem>>)
      %dma_wait3A_109 = arith.constant 0 : i32
      %dma_wait3A_110 = tpu.memref_slice %arg11[%add3A_21, %dma_wait3A_109] : memref<10240x128xf32, #tpu.memory_space<vmem_shared>> -> memref<80x128xf32, #tpu.memory_space<vmem_shared>>
      %dma_wait3A_111 = arith.constant 0 : i32
      %dma_wait3A_112 = tpu.memref_slice %arg11[%add3A_21, %dma_wait3A_111] : memref<10240x128xf32, #tpu.memory_space<vmem_shared>> -> memref<80x128xf32, #tpu.memory_space<vmem_shared>>
      tpu.wait_dma2 semaphore(%run_scoped3A_104 : memref<!tpu.dma_semaphore, #tpu.memory_space<semaphore_mem>>) src(%arg9 : memref<80x128xf32, #tpu.memory_space<vmem>>) dst(%dma_wait3A_112 : memref<80x128xf32, #tpu.memory_space<vmem_shared>>)
      tpu.yield
    }) : () -> ()
    %add3A_22 = arith.constant 560 : i32
    %add3A_23 = arith.addi %multiple_of3A, %add3A_22 : i32
    "tpu.region"() ({
      %run_scoped3A_104 = tpu.sem_alloc : memref<!tpu.dma_semaphore, #tpu.memory_space<semaphore_mem>>
      %dma_start3A_105 = arith.constant 0 : i32
      %dma_start3A_106 = tpu.memref_slice %arg11[%add3A_23, %dma_start3A_105] : memref<10240x128xf32, #tpu.memory_space<vmem_shared>> -> memref<80x128xf32, #tpu.memory_space<vmem_shared>>
      %dma_start3A_107 = arith.constant 0 : i32
      %dma_start3A_108 = tpu.memref_slice %arg11[%add3A_23, %dma_start3A_107] : memref<10240x128xf32, #tpu.memory_space<vmem_shared>> -> memref<80x128xf32, #tpu.memory_space<vmem_shared>>
      tpu.enqueue_dma source(%arg9 : memref<80x128xf32, #tpu.memory_space<vmem>>) target(%dma_start3A_108 : memref<80x128xf32, #tpu.memory_space<vmem_shared>>) target_semaphore(%run_scoped3A_104 : memref<!tpu.dma_semaphore, #tpu.memory_space<semaphore_mem>>)
      %dma_wait3A_109 = arith.constant 0 : i32
      %dma_wait3A_110 = tpu.memref_slice %arg11[%add3A_23, %dma_wait3A_109] : memref<10240x128xf32, #tpu.memory_space<vmem_shared>> -> memref<80x128xf32, #tpu.memory_space<vmem_shared>>
      %dma_wait3A_111 = arith.constant 0 : i32
      %dma_wait3A_112 = tpu.memref_slice %arg11[%add3A_23, %dma_wait3A_111] : memref<10240x128xf32, #tpu.memory_space<vmem_shared>> -> memref<80x128xf32, #tpu.memory_space<vmem_shared>>
      tpu.wait_dma2 semaphore(%run_scoped3A_104 : memref<!tpu.dma_semaphore, #tpu.memory_space<semaphore_mem>>) src(%arg9 : memref<80x128xf32, #tpu.memory_space<vmem>>) dst(%dma_wait3A_112 : memref<80x128xf32, #tpu.memory_space<vmem_shared>>)
      tpu.yield
    }) : () -> ()
    %barrier3A = arith.constant 0 : index
    tpu.barrier barrier_id(%barrier3A)
    "tpu.region"() ({
      %run_scoped3A_104 = tpu.sem_alloc : memref<!tpu.dma_semaphore, #tpu.memory_space<semaphore_mem>>
      %dma_start3A_105 = arith.constant 0 : i32
      %dma_start3A_106 = arith.constant 0 : i32
      %dma_start3A_107 = arith.constant 0 : i32
      %dma_start3A_108 = tpu.memref_slice %arg4[%add3A, %dma_start3A_105, %dma_start3A_106, %dma_start3A_107] : memref<32x125x2x80xi32, #tpu.memory_space<hbm>> -> memref<1x2x2x80xi32, #tpu.memory_space<hbm>>
      %dma_start3A_109 = tpu.memref_squeeze %dma_start3A_108 : memref<1x2x2x80xi32, #tpu.memory_space<hbm>> -> memref<2x2x80xi32, #tpu.memory_space<hbm>>
      %dma_start3A_110 = arith.constant 0 : i32
      %dma_start3A_111 = arith.constant 0 : i32
      %dma_start3A_112 = arith.constant 0 : i32
      %dma_start3A_113 = tpu.memref_slice %arg4[%add3A, %dma_start3A_110, %dma_start3A_111, %dma_start3A_112] : memref<32x125x2x80xi32, #tpu.memory_space<hbm>> -> memref<1x2x2x80xi32, #tpu.memory_space<hbm>>
      %dma_start3A_114 = tpu.memref_squeeze %dma_start3A_113 : memref<1x2x2x80xi32, #tpu.memory_space<hbm>> -> memref<2x2x80xi32, #tpu.memory_space<hbm>>
      tpu.enqueue_dma source(%dma_start3A_114 : memref<2x2x80xi32, #tpu.memory_space<hbm>>) target(%arg6 : memref<2x2x80xi32, #tpu.memory_space<vmem>>) target_semaphore(%run_scoped3A_104 : memref<!tpu.dma_semaphore, #tpu.memory_space<semaphore_mem>>)
      %dma_wait3A_115 = arith.constant 0 : i32
      %dma_wait3A_116 = arith.constant 0 : i32
      %dma_wait3A_117 = arith.constant 0 : i32
      %dma_wait3A_118 = tpu.memref_slice %arg4[%add3A, %dma_wait3A_115, %dma_wait3A_116, %dma_wait3A_117] : memref<32x125x2x80xi32, #tpu.memory_space<hbm>> -> memref<1x2x2x80xi32, #tpu.memory_space<hbm>>
      %dma_wait3A_119 = tpu.memref_squeeze %dma_wait3A_118 : memref<1x2x2x80xi32, #tpu.memory_space<hbm>> -> memref<2x2x80xi32, #tpu.memory_space<hbm>>
      %dma_wait3A_120 = arith.constant 0 : i32
      %dma_wait3A_121 = arith.constant 0 : i32
      %dma_wait3A_122 = arith.constant 0 : i32
      %dma_wait3A_123 = tpu.memref_slice %arg4[%add3A, %dma_wait3A_120, %dma_wait3A_121, %dma_wait3A_122] : memref<32x125x2x80xi32, #tpu.memory_space<hbm>> -> memref<1x2x2x80xi32, #tpu.memory_space<hbm>>
      %dma_wait3A_124 = tpu.memref_squeeze %dma_wait3A_123 : memref<1x2x2x80xi32, #tpu.memory_space<hbm>> -> memref<2x2x80xi32, #tpu.memory_space<hbm>>
      tpu.wait_dma2 semaphore(%run_scoped3A_104 : memref<!tpu.dma_semaphore, #tpu.memory_space<semaphore_mem>>) src(%dma_wait3A_124 : memref<2x2x80xi32, #tpu.memory_space<hbm>>) dst(%arg6 : memref<2x2x80xi32, #tpu.memory_space<vmem>>)
      tpu.yield
    }) : () -> ()
    %dma_start3A = arith.constant 0 : i32
    %dma_start3A_24 = arith.constant 0 : i32
    %dma_start3A_25 = arith.constant 0 : i32
    %dma_start3A_26 = tpu.memref_slice %arg6[%dma_start3A, %dma_start3A_24, %dma_start3A_25] : memref<2x2x80xi32, #tpu.memory_space<vmem>> -> memref<1x1x80xi32, #tpu.memory_space<vmem>>
    %dma_start3A_27 = tpu.memref_squeeze %dma_start3A_26 : memref<1x1x80xi32, #tpu.memory_space<vmem>> -> memref<80xi32, #tpu.memory_space<vmem>>
    %dma_start3A_28 = arith.constant 0 : i32
    %dma_start3A_29 = arith.constant 0 : i32
    %dma_start3A_30 = tpu.memref_slice %arg2[%dma_start3A_28, %dma_start3A_29] : memref<10000x128xf32, #tpu.memory_space<hbm>> -> memref<10000x128xf32, #tpu.memory_space<hbm>>
    tpu.enqueue_indirect_dma source(%dma_start3A_30 : memref<10000x128xf32, #tpu.memory_space<hbm>>) target(%arg9 : memref<80x128xf32, #tpu.memory_space<vmem>>) offsets(%dma_start3A_27 : memref<80xi32, #tpu.memory_space<vmem>>) semaphore(%arg12 : memref<!tpu.dma_semaphore, #tpu.memory_space<semaphore_mem>>)
    %dma_start3A_31 = arith.constant 0 : i32
    %dma_start3A_32 = arith.constant 0 : i32
    %dma_start3A_33 = arith.constant 0 : i32
    %dma_start3A_34 = tpu.memref_slice %arg3[%add3A, %dma_start3A_31, %dma_start3A_32, %dma_start3A_33] : memref<32x125x80x128xf32, #tpu.memory_space<hbm>> -> memref<1x1x80x128xf32, #tpu.memory_space<hbm>>
    %dma_start3A_35 = tpu.memref_squeeze %dma_start3A_34 : memref<1x1x80x128xf32, #tpu.memory_space<hbm>> -> memref<80x128xf32, #tpu.memory_space<hbm>>
    %dma_start3A_36 = arith.constant 0 : i32
    %dma_start3A_37 = arith.constant 0 : i32
    %dma_start3A_38 = tpu.memref_slice %arg3[%add3A, %dma_start3A_31, %dma_start3A_36, %dma_start3A_37] : memref<32x125x80x128xf32, #tpu.memory_space<hbm>> -> memref<1x1x80x128xf32, #tpu.memory_space<hbm>>
    %dma_start3A_39 = tpu.memref_squeeze %dma_start3A_38 : memref<1x1x80x128xf32, #tpu.memory_space<hbm>> -> memref<80x128xf32, #tpu.memory_space<hbm>>
    tpu.enqueue_dma source(%dma_start3A_39 : memref<80x128xf32, #tpu.memory_space<hbm>>) target(%arg7 : memref<80x128xf32, #tpu.memory_space<vmem>>) target_semaphore(%arg12 : memref<!tpu.dma_semaphore, #tpu.memory_space<semaphore_mem>>)
    %dma_start3A_40 = arith.constant 1 : i32
    %dma_start3A_41 = arith.constant 0 : i32
    %dma_start3A_42 = arith.constant 0 : i32
    %dma_start3A_43 = tpu.memref_slice %arg6[%dma_start3A_40, %dma_start3A_41, %dma_start3A_42] : memref<2x2x80xi32, #tpu.memory_space<vmem>> -> memref<1x1x80xi32, #tpu.memory_space<vmem>>
    %dma_start3A_44 = tpu.memref_squeeze %dma_start3A_43 : memref<1x1x80xi32, #tpu.memory_space<vmem>> -> memref<80xi32, #tpu.memory_space<vmem>>
    %dma_start3A_45 = arith.constant 0 : i32
    %dma_start3A_46 = arith.constant 0 : i32
    %dma_start3A_47 = tpu.memref_slice %arg2[%dma_start3A_45, %dma_start3A_46] : memref<10000x128xf32, #tpu.memory_space<hbm>> -> memref<10000x128xf32, #tpu.memory_space<hbm>>
    tpu.enqueue_indirect_dma source(%dma_start3A_47 : memref<10000x128xf32, #tpu.memory_space<hbm>>) target(%arg10 : memref<80x128xf32, #tpu.memory_space<vmem>>) offsets(%dma_start3A_44 : memref<80xi32, #tpu.memory_space<vmem>>) semaphore(%arg13 : memref<!tpu.dma_semaphore, #tpu.memory_space<semaphore_mem>>)
    %dma_start3A_48 = arith.constant 1 : i32
    %dma_start3A_49 = arith.constant 0 : i32
    %dma_start3A_50 = arith.constant 0 : i32
    %dma_start3A_51 = tpu.memref_slice %arg3[%add3A, %dma_start3A_48, %dma_start3A_49, %dma_start3A_50] : memref<32x125x80x128xf32, #tpu.memory_space<hbm>> -> memref<1x1x80x128xf32, #tpu.memory_space<hbm>>
    %dma_start3A_52 = tpu.memref_squeeze %dma_start3A_51 : memref<1x1x80x128xf32, #tpu.memory_space<hbm>> -> memref<80x128xf32, #tpu.memory_space<hbm>>
    %dma_start3A_53 = arith.constant 0 : i32
    %dma_start3A_54 = arith.constant 0 : i32
    %dma_start3A_55 = tpu.memref_slice %arg3[%add3A, %dma_start3A_48, %dma_start3A_53, %dma_start3A_54] : memref<32x125x80x128xf32, #tpu.memory_space<hbm>> -> memref<1x1x80x128xf32, #tpu.memory_space<hbm>>
    %dma_start3A_56 = tpu.memref_squeeze %dma_start3A_55 : memref<1x1x80x128xf32, #tpu.memory_space<hbm>> -> memref<80x128xf32, #tpu.memory_space<hbm>>
    tpu.enqueue_dma source(%dma_start3A_56 : memref<80x128xf32, #tpu.memory_space<hbm>>) target(%arg8 : memref<80x128xf32, #tpu.memory_space<vmem>>) target_semaphore(%arg13 : memref<!tpu.dma_semaphore, #tpu.memory_space<semaphore_mem>>)
    %scan3A_57 = arith.constant 0 : i32
    %scan3A_58 = arith.constant 0 : i32
    %scan3A_59 = arith.constant 62 : i32
    %scan3A_60 = arith.addi %scan3A_58, %scan3A_59 : i32
    %scan3A_61 = arith.constant 1 : i32
    scf.for %scan3A_104 = %scan3A_58 to %scan3A_60 step %scan3A_61  : i32 {
      %dma_wait3A_105 = arith.constant 0 : i32
      %dma_wait3A_106 = arith.constant 0 : i32
      %dma_wait3A_107 = arith.constant 0 : i32
      %dma_wait3A_108 = tpu.memref_slice %arg6[%dma_wait3A_105, %dma_wait3A_106, %dma_wait3A_107] : memref<2x2x80xi32, #tpu.memory_space<vmem>> -> memref<1x1x80xi32, #tpu.memory_space<vmem>>
      %dma_wait3A_109 = tpu.memref_squeeze %dma_wait3A_108 : memref<1x1x80xi32, #tpu.memory_space<vmem>> -> memref<80xi32, #tpu.memory_space<vmem>>
      %dma_wait3A_110 = arith.constant 0 : i32
      %dma_wait3A_111 = arith.constant 0 : i32
      %dma_wait3A_112 = tpu.memref_slice %arg2[%dma_wait3A_110, %dma_wait3A_111] : memref<10000x128xf32, #tpu.memory_space<hbm>> -> memref<10000x128xf32, #tpu.memory_space<hbm>>
      tpu.wait_indirect_dma semaphore(%arg12 : memref<!tpu.dma_semaphore, #tpu.memory_space<semaphore_mem>>) src(%dma_wait3A_112 : memref<10000x128xf32, #tpu.memory_space<hbm>>) dst(%arg9 : memref<80x128xf32, #tpu.memory_space<vmem>>)
      %dma_wait3A_113 = arith.constant 0 : i32
      %dma_wait3A_114 = arith.constant 0 : i32
      %dma_wait3A_115 = arith.constant 0 : i32
      %dma_wait3A_116 = tpu.memref_slice %arg3[%add3A, %dma_wait3A_113, %dma_wait3A_114, %dma_wait3A_115] : memref<32x125x80x128xf32, #tpu.memory_space<hbm>> -> memref<1x1x80x128xf32, #tpu.memory_space<hbm>>
      %dma_wait3A_117 = tpu.memref_squeeze %dma_wait3A_116 : memref<1x1x80x128xf32, #tpu.memory_space<hbm>> -> memref<80x128xf32, #tpu.memory_space<hbm>>
      %dma_wait3A_118 = arith.constant 0 : i32
      %dma_wait3A_119 = arith.constant 0 : i32
      %dma_wait3A_120 = tpu.memref_slice %arg3[%add3A, %dma_wait3A_113, %dma_wait3A_118, %dma_wait3A_119] : memref<32x125x80x128xf32, #tpu.memory_space<hbm>> -> memref<1x1x80x128xf32, #tpu.memory_space<hbm>>
      %dma_wait3A_121 = tpu.memref_squeeze %dma_wait3A_120 : memref<1x1x80x128xf32, #tpu.memory_space<hbm>> -> memref<80x128xf32, #tpu.memory_space<hbm>>
      tpu.wait_dma2 semaphore(%arg12 : memref<!tpu.dma_semaphore, #tpu.memory_space<semaphore_mem>>) src(%dma_wait3A_121 : memref<80x128xf32, #tpu.memory_space<hbm>>) dst(%arg7 : memref<80x128xf32, #tpu.memory_space<vmem>>)
      %scan3A_122 = arith.constant 0 : i32
      %scan3A_123 = arith.constant 0 : i32
      %scan3A_124 = arith.constant 80 : i32
      %scan3A_125 = arith.addi %scan3A_123, %scan3A_124 : i32
      %scan3A_126 = arith.constant 1 : i32
      scf.for %scan3A_185 = %scan3A_123 to %scan3A_125 step %scan3A_126  : i32 {
        %get3A = arith.index_cast %scan3A_185 : i32 to index
        %get3A_186 = arith.constant 0 : index
        %get3A_187 = tpu.vector_load %arg9[%get3A, %get3A_186] {strides = array<i32>} : memref<80x128xf32, #tpu.memory_space<vmem>>, vector<1x16xf32>,
        %get3A_188 = vector.shape_cast %get3A_187 : vector<1x16xf32> to vector<16xf32>
        %get3A_189 = arith.index_cast %scan3A_185 : i32 to index
        %get3A_190 = arith.constant 0 : index
        %get3A_191 = tpu.vector_load %arg7[%get3A_189, %get3A_190] {strides = array<i32>} : memref<80x128xf32, #tpu.memory_space<vmem>>, vector<1x16xf32>,
        %get3A_192 = vector.shape_cast %get3A_191 : vector<1x16xf32> to vector<16xf32>
        %mul3A_193 = arith.mulf %get3A_188, %get3A_192 : vector<16xf32>
        %swap3A = arith.index_cast %scan3A_185 : i32 to index
        %swap3A_194 = arith.constant 0 : index
        %swap3A_195 = tpu.vector_load %arg9[%swap3A, %swap3A_194] {strides = array<i32>} : memref<80x128xf32, #tpu.memory_space<vmem>>, vector<1x16xf32>,
        %swap3A_196 = vector.shape_cast %swap3A_195 : vector<1x16xf32> to vector<16xf32>
        %swap3A_197 = vector.shape_cast %mul3A_193 : vector<16xf32> to vector<1x16xf32>
        tpu.vector_store %arg9[%swap3A, %swap3A_194], %swap3A_197 {strides = array<i32>} : memref<80x128xf32, #tpu.memory_space<vmem>>, vector<1x16xf32>,
        %get3A_198 = arith.index_cast %scan3A_185 : i32 to index
        %get3A_199 = arith.constant 16 : index
        %get3A_200 = tpu.vector_load %arg9[%get3A_198, %get3A_199] {strides = array<i32>} : memref<80x128xf32, #tpu.memory_space<vmem>>, vector<1x16xf32>,
        %get3A_201 = vector.shape_cast %get3A_200 : vector<1x16xf32> to vector<16xf32>
        %get3A_202 = arith.index_cast %scan3A_185 : i32 to index
        %get3A_203 = arith.constant 16 : index
        %get3A_204 = tpu.vector_load %arg7[%get3A_202, %get3A_203] {strides = array<i32>} : memref<80x128xf32, #tpu.memory_space<vmem>>, vector<1x16xf32>,
        %get3A_205 = vector.shape_cast %get3A_204 : vector<1x16xf32> to vector<16xf32>
        %mul3A_206 = arith.mulf %get3A_201, %get3A_205 : vector<16xf32>
        %swap3A_207 = arith.index_cast %scan3A_185 : i32 to index
        %swap3A_208 = arith.constant 16 : index
        %swap3A_209 = tpu.vector_load %arg9[%swap3A_207, %swap3A_208] {strides = array<i32>} : memref<80x128xf32, #tpu.memory_space<vmem>>, vector<1x16xf32>,
        %swap3A_210 = vector.shape_cast %swap3A_209 : vector<1x16xf32> to vector<16xf32>
        %swap3A_211 = vector.shape_cast %mul3A_206 : vector<16xf32> to vector<1x16xf32>
        tpu.vector_store %arg9[%swap3A_207, %swap3A_208], %swap3A_211 {strides = array<i32>} : memref<80x128xf32, #tpu.memory_space<vmem>>, vector<1x16xf32>,
        %get3A_212 = arith.index_cast %scan3A_185 : i32 to index
        %get3A_213 = arith.constant 32 : index
        %get3A_214 = tpu.vector_load %arg9[%get3A_212, %get3A_213] {strides = array<i32>} : memref<80x128xf32, #tpu.memory_space<vmem>>, vector<1x16xf32>,
        %get3A_215 = vector.shape_cast %get3A_214 : vector<1x16xf32> to vector<16xf32>
        %get3A_216 = arith.index_cast %scan3A_185 : i32 to index
        %get3A_217 = arith.constant 32 : index
        %get3A_218 = tpu.vector_load %arg7[%get3A_216, %get3A_217] {strides = array<i32>} : memref<80x128xf32, #tpu.memory_space<vmem>>, vector<1x16xf32>,
        %get3A_219 = vector.shape_cast %get3A_218 : vector<1x16xf32> to vector<16xf32>
        %mul3A_220 = arith.mulf %get3A_215, %get3A_219 : vector<16xf32>
        %swap3A_221 = arith.index_cast %scan3A_185 : i32 to index
        %swap3A_222 = arith.constant 32 : index
        %swap3A_223 = tpu.vector_load %arg9[%swap3A_221, %swap3A_222] {strides = array<i32>} : memref<80x128xf32, #tpu.memory_space<vmem>>, vector<1x16xf32>,
        %swap3A_224 = vector.shape_cast %swap3A_223 : vector<1x16xf32> to vector<16xf32>
        %swap3A_225 = vector.shape_cast %mul3A_220 : vector<16xf32> to vector<1x16xf32>
        tpu.vector_store %arg9[%swap3A_221, %swap3A_222], %swap3A_225 {strides = array<i32>} : memref<80x128xf32, #tpu.memory_space<vmem>>, vector<1x16xf32>,
        %get3A_226 = arith.index_cast %scan3A_185 : i32 to index
        %get3A_227 = arith.constant 48 : index
        %get3A_228 = tpu.vector_load %arg9[%get3A_226, %get3A_227] {strides = array<i32>} : memref<80x128xf32, #tpu.memory_space<vmem>>, vector<1x16xf32>,
        %get3A_229 = vector.shape_cast %get3A_228 : vector<1x16xf32> to vector<16xf32>
        %get3A_230 = arith.index_cast %scan3A_185 : i32 to index
        %get3A_231 = arith.constant 48 : index
        %get3A_232 = tpu.vector_load %arg7[%get3A_230, %get3A_231] {strides = array<i32>} : memref<80x128xf32, #tpu.memory_space<vmem>>, vector<1x16xf32>,
        %get3A_233 = vector.shape_cast %get3A_232 : vector<1x16xf32> to vector<16xf32>
        %mul3A_234 = arith.mulf %get3A_229, %get3A_233 : vector<16xf32>
        %swap3A_235 = arith.index_cast %scan3A_185 : i32 to index
        %swap3A_236 = arith.constant 48 : index
        %swap3A_237 = tpu.vector_load %arg9[%swap3A_235, %swap3A_236] {strides = array<i32>} : memref<80x128xf32, #tpu.memory_space<vmem>>, vector<1x16xf32>,
        %swap3A_238 = vector.shape_cast %swap3A_237 : vector<1x16xf32> to vector<16xf32>
        %swap3A_239 = vector.shape_cast %mul3A_234 : vector<16xf32> to vector<1x16xf32>
        tpu.vector_store %arg9[%swap3A_235, %swap3A_236], %swap3A_239 {strides = array<i32>} : memref<80x128xf32, #tpu.memory_space<vmem>>, vector<1x16xf32>,
        %get3A_240 = arith.index_cast %scan3A_185 : i32 to index
        %get3A_241 = arith.constant 64 : index
        %get3A_242 = tpu.vector_load %arg9[%get3A_240, %get3A_241] {strides = array<i32>} : memref<80x128xf32, #tpu.memory_space<vmem>>, vector<1x16xf32>,
        %get3A_243 = vector.shape_cast %get3A_242 : vector<1x16xf32> to vector<16xf32>
        %get3A_244 = arith.index_cast %scan3A_185 : i32 to index
        %get3A_245 = arith.constant 64 : index
        %get3A_246 = tpu.vector_load %arg7[%get3A_244, %get3A_245] {strides = array<i32>} : memref<80x128xf32, #tpu.memory_space<vmem>>, vector<1x16xf32>,
        %get3A_247 = vector.shape_cast %get3A_246 : vector<1x16xf32> to vector<16xf32>
        %mul3A_248 = arith.mulf %get3A_243, %get3A_247 : vector<16xf32>
        %swap3A_249 = arith.index_cast %scan3A_185 : i32 to index
        %swap3A_250 = arith.constant 64 : index
        %swap3A_251 = tpu.vector_load %arg9[%swap3A_249, %swap3A_250] {strides = array<i32>} : memref<80x128xf32, #tpu.memory_space<vmem>>, vector<1x16xf32>,
        %swap3A_252 = vector.shape_cast %swap3A_251 : vector<1x16xf32> to vector<16xf32>
        %swap3A_253 = vector.shape_cast %mul3A_248 : vector<16xf32> to vector<1x16xf32>
        tpu.vector_store %arg9[%swap3A_249, %swap3A_250], %swap3A_253 {strides = array<i32>} : memref<80x128xf32, #tpu.memory_space<vmem>>, vector<1x16xf32>,
        %get3A_254 = arith.index_cast %scan3A_185 : i32 to index
        %get3A_255 = arith.constant 80 : index
        %get3A_256 = tpu.vector_load %arg9[%get3A_254, %get3A_255] {strides = array<i32>} : memref<80x128xf32, #tpu.memory_space<vmem>>, vector<1x16xf32>,
        %get3A_257 = vector.shape_cast %get3A_256 : vector<1x16xf32> to vector<16xf32>
        %get3A_258 = arith.index_cast %scan3A_185 : i32 to index
        %get3A_259 = arith.constant 80 : index
        %get3A_260 = tpu.vector_load %arg7[%get3A_258, %get3A_259] {strides = array<i32>} : memref<80x128xf32, #tpu.memory_space<vmem>>, vector<1x16xf32>,
        %get3A_261 = vector.shape_cast %get3A_260 : vector<1x16xf32> to vector<16xf32>
        %mul3A_262 = arith.mulf %get3A_257, %get3A_261 : vector<16xf32>
        %swap3A_263 = arith.index_cast %scan3A_185 : i32 to index
        %swap3A_264 = arith.constant 80 : index
        %swap3A_265 = tpu.vector_load %arg9[%swap3A_263, %swap3A_264] {strides = array<i32>} : memref<80x128xf32, #tpu.memory_space<vmem>>, vector<1x16xf32>,
        %swap3A_266 = vector.shape_cast %swap3A_265 : vector<1x16xf32> to vector<16xf32>
        %swap3A_267 = vector.shape_cast %mul3A_262 : vector<16xf32> to vector<1x16xf32>
        tpu.vector_store %arg9[%swap3A_263, %swap3A_264], %swap3A_267 {strides = array<i32>} : memref<80x128xf32, #tpu.memory_space<vmem>>, vector<1x16xf32>,
        %get3A_268 = arith.index_cast %scan3A_185 : i32 to index
        %get3A_269 = arith.constant 96 : index
        %get3A_270 = tpu.vector_load %arg9[%get3A_268, %get3A_269] {strides = array<i32>} : memref<80x128xf32, #tpu.memory_space<vmem>>, vector<1x16xf32>,
        %get3A_271 = vector.shape_cast %get3A_270 : vector<1x16xf32> to vector<16xf32>
        %get3A_272 = arith.index_cast %scan3A_185 : i32 to index
        %get3A_273 = arith.constant 96 : index
        %get3A_274 = tpu.vector_load %arg7[%get3A_272, %get3A_273] {strides = array<i32>} : memref<80x128xf32, #tpu.memory_space<vmem>>, vector<1x16xf32>,
        %get3A_275 = vector.shape_cast %get3A_274 : vector<1x16xf32> to vector<16xf32>
        %mul3A_276 = arith.mulf %get3A_271, %get3A_275 : vector<16xf32>
        %swap3A_277 = arith.index_cast %scan3A_185 : i32 to index
        %swap3A_278 = arith.constant 96 : index
        %swap3A_279 = tpu.vector_load %arg9[%swap3A_277, %swap3A_278] {strides = array<i32>} : memref<80x128xf32, #tpu.memory_space<vmem>>, vector<1x16xf32>,
        %swap3A_280 = vector.shape_cast %swap3A_279 : vector<1x16xf32> to vector<16xf32>
        %swap3A_281 = vector.shape_cast %mul3A_276 : vector<16xf32> to vector<1x16xf32>
        tpu.vector_store %arg9[%swap3A_277, %swap3A_278], %swap3A_281 {strides = array<i32>} : memref<80x128xf32, #tpu.memory_space<vmem>>, vector<1x16xf32>,
        %get3A_282 = arith.index_cast %scan3A_185 : i32 to index
        %get3A_283 = arith.constant 112 : index
        %get3A_284 = tpu.vector_load %arg9[%get3A_282, %get3A_283] {strides = array<i32>} : memref<80x128xf32, #tpu.memory_space<vmem>>, vector<1x16xf32>,
        %get3A_285 = vector.shape_cast %get3A_284 : vector<1x16xf32> to vector<16xf32>
        %get3A_286 = arith.index_cast %scan3A_185 : i32 to index
        %get3A_287 = arith.constant 112 : index
        %get3A_288 = tpu.vector_load %arg7[%get3A_286, %get3A_287] {strides = array<i32>} : memref<80x128xf32, #tpu.memory_space<vmem>>, vector<1x16xf32>,
        %get3A_289 = vector.shape_cast %get3A_288 : vector<1x16xf32> to vector<16xf32>
        %mul3A_290 = arith.mulf %get3A_285, %get3A_289 : vector<16xf32>
        %swap3A_291 = arith.index_cast %scan3A_185 : i32 to index
        %swap3A_292 = arith.constant 112 : index
        %swap3A_293 = tpu.vector_load %arg9[%swap3A_291, %swap3A_292] {strides = array<i32>} : memref<80x128xf32, #tpu.memory_space<vmem>>, vector<1x16xf32>,
        %swap3A_294 = vector.shape_cast %swap3A_293 : vector<1x16xf32> to vector<16xf32>
        %swap3A_295 = vector.shape_cast %mul3A_290 : vector<16xf32> to vector<1x16xf32>
        tpu.vector_store %arg9[%swap3A_291, %swap3A_292], %swap3A_295 {strides = array<i32>} : memref<80x128xf32, #tpu.memory_space<vmem>>, vector<1x16xf32>,
      }
      %scan3A_127 = arith.constant 80 : i32
      %dma_wait3A_128 = arith.constant 1 : i32
      %dma_wait3A_129 = arith.constant 0 : i32
      %dma_wait3A_130 = arith.constant 0 : i32
      %dma_wait3A_131 = tpu.memref_slice %arg6[%dma_wait3A_128, %dma_wait3A_129, %dma_wait3A_130] : memref<2x2x80xi32, #tpu.memory_space<vmem>> -> memref<1x1x80xi32, #tpu.memory_space<vmem>>
      %dma_wait3A_132 = tpu.memref_squeeze %dma_wait3A_131 : memref<1x1x80xi32, #tpu.memory_space<vmem>> -> memref<80xi32, #tpu.memory_space<vmem>>
      %dma_wait3A_133 = arith.constant 0 : i32
      %dma_wait3A_134 = arith.constant 0 : i32
      %dma_wait3A_135 = tpu.memref_slice %arg2[%dma_wait3A_133, %dma_wait3A_134] : memref<10000x128xf32, #tpu.memory_space<hbm>> -> memref<10000x128xf32, #tpu.memory_space<hbm>>
      tpu.wait_indirect_dma semaphore(%arg13 : memref<!tpu.dma_semaphore, #tpu.memory_space<semaphore_mem>>) src(%dma_wait3A_135 : memref<10000x128xf32, #tpu.memory_space<hbm>>) dst(%arg10 : memref<80x128xf32, #tpu.memory_space<vmem>>)
      %dma_wait3A_136 = arith.constant 0 : i32
      %dma_wait3A_137 = arith.constant 0 : i32
      %dma_wait3A_138 = arith.constant 0 : i32
      %dma_wait3A_139 = tpu.memref_slice %arg3[%add3A, %dma_wait3A_136, %dma_wait3A_137, %dma_wait3A_138] : memref<32x125x80x128xf32, #tpu.memory_space<hbm>> -> memref<1x1x80x128xf32, #tpu.memory_space<hbm>>
      %dma_wait3A_140 = tpu.memref_squeeze %dma_wait3A_139 : memref<1x1x80x128xf32, #tpu.memory_space<hbm>> -> memref<80x128xf32, #tpu.memory_space<hbm>>
      %dma_wait3A_141 = arith.constant 0 : i32
      %dma_wait3A_142 = arith.constant 0 : i32
      %dma_wait3A_143 = tpu.memref_slice %arg3[%add3A, %dma_wait3A_136, %dma_wait3A_141, %dma_wait3A_142] : memref<32x125x80x128xf32, #tpu.memory_space<hbm>> -> memref<1x1x80x128xf32, #tpu.memory_space<hbm>>
      %dma_wait3A_144 = tpu.memref_squeeze %dma_wait3A_143 : memref<1x1x80x128xf32, #tpu.memory_space<hbm>> -> memref<80x128xf32, #tpu.memory_space<hbm>>
      tpu.wait_dma2 semaphore(%arg13 : memref<!tpu.dma_semaphore, #tpu.memory_space<semaphore_mem>>) src(%dma_wait3A_144 : memref<80x128xf32, #tpu.memory_space<hbm>>) dst(%arg8 : memref<80x128xf32, #tpu.memory_space<vmem>>)
      %scan3A_145 = arith.constant 0 : i32
      %scan3A_146 = arith.constant 0 : i32
      %scan3A_147 = arith.constant 80 : i32
      %scan3A_148 = arith.addi %scan3A_146, %scan3A_147 : i32
      %scan3A_149 = arith.constant 1 : i32
      scf.for %scan3A_185 = %scan3A_146 to %scan3A_148 step %scan3A_149  : i32 {
        %get3A = arith.index_cast %scan3A_185 : i32 to index
        %get3A_186 = arith.constant 0 : index
        %get3A_187 = tpu.vector_load %arg10[%get3A, %get3A_186] {strides = array<i32>} : memref<80x128xf32, #tpu.memory_space<vmem>>, vector<1x16xf32>,
        %get3A_188 = vector.shape_cast %get3A_187 : vector<1x16xf32> to vector<16xf32>
        %get3A_189 = arith.index_cast %scan3A_185 : i32 to index
        %get3A_190 = arith.constant 0 : index
        %get3A_191 = tpu.vector_load %arg8[%get3A_189, %get3A_190] {strides = array<i32>} : memref<80x128xf32, #tpu.memory_space<vmem>>, vector<1x16xf32>,
        %get3A_192 = vector.shape_cast %get3A_191 : vector<1x16xf32> to vector<16xf32>
        %mul3A_193 = arith.mulf %get3A_188, %get3A_192 : vector<16xf32>
        %swap3A = arith.index_cast %scan3A_185 : i32 to index
        %swap3A_194 = arith.constant 0 : index
        %swap3A_195 = tpu.vector_load %arg10[%swap3A, %swap3A_194] {strides = array<i32>} : memref<80x128xf32, #tpu.memory_space<vmem>>, vector<1x16xf32>,
        %swap3A_196 = vector.shape_cast %swap3A_195 : vector<1x16xf32> to vector<16xf32>
        %swap3A_197 = vector.shape_cast %mul3A_193 : vector<16xf32> to vector<1x16xf32>
        tpu.vector_store %arg10[%swap3A, %swap3A_194], %swap3A_197 {strides = array<i32>} : memref<80x128xf32, #tpu.memory_space<vmem>>, vector<1x16xf32>,
        %get3A_198 = arith.index_cast %scan3A_185 : i32 to index
        %get3A_199 = arith.constant 16 : index
        %get3A_200 = tpu.vector_load %arg10[%get3A_198, %get3A_199] {strides = array<i32>} : memref<80x128xf32, #tpu.memory_space<vmem>>, vector<1x16xf32>,
        %get3A_201 = vector.shape_cast %get3A_200 : vector<1x16xf32> to vector<16xf32>
        %get3A_202 = arith.index_cast %scan3A_185 : i32 to index
        %get3A_203 = arith.constant 16 : index
        %get3A_204 = tpu.vector_load %arg8[%get3A_202, %get3A_203] {strides = array<i32>} : memref<80x128xf32, #tpu.memory_space<vmem>>, vector<1x16xf32>,
        %get3A_205 = vector.shape_cast %get3A_204 : vector<1x16xf32> to vector<16xf32>
        %mul3A_206 = arith.mulf %get3A_201, %get3A_205 : vector<16xf32>
        %swap3A_207 = arith.index_cast %scan3A_185 : i32 to index
        %swap3A_208 = arith.constant 16 : index
        %swap3A_209 = tpu.vector_load %arg10[%swap3A_207, %swap3A_208] {strides = array<i32>} : memref<80x128xf32, #tpu.memory_space<vmem>>, vector<1x16xf32>,
        %swap3A_210 = vector.shape_cast %swap3A_209 : vector<1x16xf32> to vector<16xf32>
        %swap3A_211 = vector.shape_cast %mul3A_206 : vector<16xf32> to vector<1x16xf32>
        tpu.vector_store %arg10[%swap3A_207, %swap3A_208], %swap3A_211 {strides = array<i32>} : memref<80x128xf32, #tpu.memory_space<vmem>>, vector<1x16xf32>,
        %get3A_212 = arith.index_cast %scan3A_185 : i32 to index
        %get3A_213 = arith.constant 32 : index
        %get3A_214 = tpu.vector_load %arg10[%get3A_212, %get3A_213] {strides = array<i32>} : memref<80x128xf32, #tpu.memory_space<vmem>>, vector<1x16xf32>,
        %get3A_215 = vector.shape_cast %get3A_214 : vector<1x16xf32> to vector<16xf32>
        %get3A_216 = arith.index_cast %scan3A_185 : i32 to index
        %get3A_217 = arith.constant 32 : index
        %get3A_218 = tpu.vector_load %arg8[%get3A_216, %get3A_217] {strides = array<i32>} : memref<80x128xf32, #tpu.memory_space<vmem>>, vector<1x16xf32>,
        %get3A_219 = vector.shape_cast %get3A_218 : vector<1x16xf32> to vector<16xf32>
        %mul3A_220 = arith.mulf %get3A_215, %get3A_219 : vector<16xf32>
        %swap3A_221 = arith.index_cast %scan3A_185 : i32 to index
        %swap3A_222 = arith.constant 32 : index
        %swap3A_223 = tpu.vector_load %arg10[%swap3A_221, %swap3A_222] {strides = array<i32>} : memref<80x128xf32, #tpu.memory_space<vmem>>, vector<1x16xf32>,
        %swap3A_224 = vector.shape_cast %swap3A_223 : vector<1x16xf32> to vector<16xf32>
        %swap3A_225 = vector.shape_cast %mul3A_220 : vector<16xf32> to vector<1x16xf32>
        tpu.vector_store %arg10[%swap3A_221, %swap3A_222], %swap3A_225 {strides = array<i32>} : memref<80x128xf32, #tpu.memory_space<vmem>>, vector<1x16xf32>,
        %get3A_226 = arith.index_cast %scan3A_185 : i32 to index
        %get3A_227 = arith.constant 48 : index
        %get3A_228 = tpu.vector_load %arg10[%get3A_226, %get3A_227] {strides = array<i32>} : memref<80x128xf32, #tpu.memory_space<vmem>>, vector<1x16xf32>,
        %get3A_229 = vector.shape_cast %get3A_228 : vector<1x16xf32> to vector<16xf32>
        %get3A_230 = arith.index_cast %scan3A_185 : i32 to index
        %get3A_231 = arith.constant 48 : index
        %get3A_232 = tpu.vector_load %arg8[%get3A_230, %get3A_231] {strides = array<i32>} : memref<80x128xf32, #tpu.memory_space<vmem>>, vector<1x16xf32>,
        %get3A_233 = vector.shape_cast %get3A_232 : vector<1x16xf32> to vector<16xf32>
        %mul3A_234 = arith.mulf %get3A_229, %get3A_233 : vector<16xf32>
        %swap3A_235 = arith.index_cast %scan3A_185 : i32 to index
        %swap3A_236 = arith.constant 48 : index
        %swap3A_237 = tpu.vector_load %arg10[%swap3A_235, %swap3A_236] {strides = array<i32>} : memref<80x128xf32, #tpu.memory_space<vmem>>, vector<1x16xf32>,
        %swap3A_238 = vector.shape_cast %swap3A_237 : vector<1x16xf32> to vector<16xf32>
        %swap3A_239 = vector.shape_cast %mul3A_234 : vector<16xf32> to vector<1x16xf32>
        tpu.vector_store %arg10[%swap3A_235, %swap3A_236], %swap3A_239 {strides = array<i32>} : memref<80x128xf32, #tpu.memory_space<vmem>>, vector<1x16xf32>,
        %get3A_240 = arith.index_cast %scan3A_185 : i32 to index
        %get3A_241 = arith.constant 64 : index
        %get3A_242 = tpu.vector_load %arg10[%get3A_240, %get3A_241] {strides = array<i32>} : memref<80x128xf32, #tpu.memory_space<vmem>>, vector<1x16xf32>,
        %get3A_243 = vector.shape_cast %get3A_242 : vector<1x16xf32> to vector<16xf32>
        %get3A_244 = arith.index_cast %scan3A_185 : i32 to index
        %get3A_245 = arith.constant 64 : index
        %get3A_246 = tpu.vector_load %arg8[%get3A_244, %get3A_245] {strides = array<i32>} : memref<80x128xf32, #tpu.memory_space<vmem>>, vector<1x16xf32>,
        %get3A_247 = vector.shape_cast %get3A_246 : vector<1x16xf32> to vector<16xf32>
        %mul3A_248 = arith.mulf %get3A_243, %get3A_247 : vector<16xf32>
        %swap3A_249 = arith.index_cast %scan3A_185 : i32 to index
        %swap3A_250 = arith.constant 64 : index
        %swap3A_251 = tpu.vector_load %arg10[%swap3A_249, %swap3A_250] {strides = array<i32>} : memref<80x128xf32, #tpu.memory_space<vmem>>, vector<1x16xf32>,
        %swap3A_252 = vector.shape_cast %swap3A_251 : vector<1x16xf32> to vector<16xf32>
        %swap3A_253 = vector.shape_cast %mul3A_248 : vector<16xf32> to vector<1x16xf32>
        tpu.vector_store %arg10[%swap3A_249, %swap3A_250], %swap3A_253 {strides = array<i32>} : memref<80x128xf32, #tpu.memory_space<vmem>>, vector<1x16xf32>,
        %get3A_254 = arith.index_cast %scan3A_185 : i32 to index
        %get3A_255 = arith.constant 80 : index
        %get3A_256 = tpu.vector_load %arg10[%get3A_254, %get3A_255] {strides = array<i32>} : memref<80x128xf32, #tpu.memory_space<vmem>>, vector<1x16xf32>,
        %get3A_257 = vector.shape_cast %get3A_256 : vector<1x16xf32> to vector<16xf32>
        %get3A_258 = arith.index_cast %scan3A_185 : i32 to index
        %get3A_259 = arith.constant 80 : index
        %get3A_260 = tpu.vector_load %arg8[%get3A_258, %get3A_259] {strides = array<i32>} : memref<80x128xf32, #tpu.memory_space<vmem>>, vector<1x16xf32>,
        %get3A_261 = vector.shape_cast %get3A_260 : vector<1x16xf32> to vector<16xf32>
        %mul3A_262 = arith.mulf %get3A_257, %get3A_261 : vector<16xf32>
        %swap3A_263 = arith.index_cast %scan3A_185 : i32 to index
        %swap3A_264 = arith.constant 80 : index
        %swap3A_265 = tpu.vector_load %arg10[%swap3A_263, %swap3A_264] {strides = array<i32>} : memref<80x128xf32, #tpu.memory_space<vmem>>, vector<1x16xf32>,
        %swap3A_266 = vector.shape_cast %swap3A_265 : vector<1x16xf32> to vector<16xf32>
        %swap3A_267 = vector.shape_cast %mul3A_262 : vector<16xf32> to vector<1x16xf32>
        tpu.vector_store %arg10[%swap3A_263, %swap3A_264], %swap3A_267 {strides = array<i32>} : memref<80x128xf32, #tpu.memory_space<vmem>>, vector<1x16xf32>,
        %get3A_268 = arith.index_cast %scan3A_185 : i32 to index
        %get3A_269 = arith.constant 96 : index
        %get3A_270 = tpu.vector_load %arg10[%get3A_268, %get3A_269] {strides = array<i32>} : memref<80x128xf32, #tpu.memory_space<vmem>>, vector<1x16xf32>,
        %get3A_271 = vector.shape_cast %get3A_270 : vector<1x16xf32> to vector<16xf32>
        %get3A_272 = arith.index_cast %scan3A_185 : i32 to index
        %get3A_273 = arith.constant 96 : index
        %get3A_274 = tpu.vector_load %arg8[%get3A_272, %get3A_273] {strides = array<i32>} : memref<80x128xf32, #tpu.memory_space<vmem>>, vector<1x16xf32>,
        %get3A_275 = vector.shape_cast %get3A_274 : vector<1x16xf32> to vector<16xf32>
        %mul3A_276 = arith.mulf %get3A_271, %get3A_275 : vector<16xf32>
        %swap3A_277 = arith.index_cast %scan3A_185 : i32 to index
        %swap3A_278 = arith.constant 96 : index
        %swap3A_279 = tpu.vector_load %arg10[%swap3A_277, %swap3A_278] {strides = array<i32>} : memref<80x128xf32, #tpu.memory_space<vmem>>, vector<1x16xf32>,
        %swap3A_280 = vector.shape_cast %swap3A_279 : vector<1x16xf32> to vector<16xf32>
        %swap3A_281 = vector.shape_cast %mul3A_276 : vector<16xf32> to vector<1x16xf32>
        tpu.vector_store %arg10[%swap3A_277, %swap3A_278], %swap3A_281 {strides = array<i32>} : memref<80x128xf32, #tpu.memory_space<vmem>>, vector<1x16xf32>,
        %get3A_282 = arith.index_cast %scan3A_185 : i32 to index
        %get3A_283 = arith.constant 112 : index
        %get3A_284 = tpu.vector_load %arg10[%get3A_282, %get3A_283] {strides = array<i32>} : memref<80x128xf32, #tpu.memory_space<vmem>>, vector<1x16xf32>,
        %get3A_285 = vector.shape_cast %get3A_284 : vector<1x16xf32> to vector<16xf32>
        %get3A_286 = arith.index_cast %scan3A_185 : i32 to index
        %get3A_287 = arith.constant 112 : index
        %get3A_288 = tpu.vector_load %arg8[%get3A_286, %get3A_287] {strides = array<i32>} : memref<80x128xf32, #tpu.memory_space<vmem>>, vector<1x16xf32>,
        %get3A_289 = vector.shape_cast %get3A_288 : vector<1x16xf32> to vector<16xf32>
        %mul3A_290 = arith.mulf %get3A_285, %get3A_289 : vector<16xf32>
        %swap3A_291 = arith.index_cast %scan3A_185 : i32 to index
        %swap3A_292 = arith.constant 112 : index
        %swap3A_293 = tpu.vector_load %arg10[%swap3A_291, %swap3A_292] {strides = array<i32>} : memref<80x128xf32, #tpu.memory_space<vmem>>, vector<1x16xf32>,
        %swap3A_294 = vector.shape_cast %swap3A_293 : vector<1x16xf32> to vector<16xf32>
        %swap3A_295 = vector.shape_cast %mul3A_290 : vector<16xf32> to vector<1x16xf32>
        tpu.vector_store %arg10[%swap3A_291, %swap3A_292], %swap3A_295 {strides = array<i32>} : memref<80x128xf32, #tpu.memory_space<vmem>>, vector<1x16xf32>,
      }
      %scan3A_150 = arith.constant 80 : i32
      %dma_start3A_151 = arith.constant 0 : i32
      %dma_start3A_152 = arith.constant 1 : i32
      %dma_start3A_153 = arith.constant 0 : i32
      %dma_start3A_154 = tpu.memref_slice %arg6[%dma_start3A_151, %dma_start3A_152, %dma_start3A_153] : memref<2x2x80xi32, #tpu.memory_space<vmem>> -> memref<1x1x80xi32, #tpu.memory_space<vmem>>
      %dma_start3A_155 = tpu.memref_squeeze %dma_start3A_154 : memref<1x1x80xi32, #tpu.memory_space<vmem>> -> memref<80xi32, #tpu.memory_space<vmem>>
      %dma_start3A_156 = arith.constant 0 : i32
      %dma_start3A_157 = arith.constant 0 : i32
      %dma_start3A_158 = tpu.memref_slice %arg11[%dma_start3A_156, %dma_start3A_157] : memref<10240x128xf32, #tpu.memory_space<vmem_shared>> -> memref<10240x128xf32, #tpu.memory_space<vmem_shared>>
      tpu.enqueue_indirect_dma source(%arg9 : memref<80x128xf32, #tpu.memory_space<vmem>>) target(%dma_start3A_158 : memref<10240x128xf32, #tpu.memory_space<vmem_shared>>) offsets(%dma_start3A_155 : memref<80xi32, #tpu.memory_space<vmem>>) semaphore(%arg14 : memref<!tpu.dma_semaphore, #tpu.memory_space<semaphore_mem>>) {add = true}
      %dma_start3A_159 = arith.constant 1 : i32
      %dma_start3A_160 = arith.constant 1 : i32
      %dma_start3A_161 = arith.constant 0 : i32
      %dma_start3A_162 = tpu.memref_slice %arg6[%dma_start3A_159, %dma_start3A_160, %dma_start3A_161] : memref<2x2x80xi32, #tpu.memory_space<vmem>> -> memref<1x1x80xi32, #tpu.memory_space<vmem>>
      %dma_start3A_163 = tpu.memref_squeeze %dma_start3A_162 : memref<1x1x80xi32, #tpu.memory_space<vmem>> -> memref<80xi32, #tpu.memory_space<vmem>>
      %dma_start3A_164 = arith.constant 0 : i32
      %dma_start3A_165 = arith.constant 0 : i32
      %dma_start3A_166 = tpu.memref_slice %arg11[%dma_start3A_164, %dma_start3A_165] : memref<10240x128xf32, #tpu.memory_space<vmem_shared>> -> memref<10240x128xf32, #tpu.memory_space<vmem_shared>>
      tpu.enqueue_indirect_dma source(%arg10 : memref<80x128xf32, #tpu.memory_space<vmem>>) target(%dma_start3A_166 : memref<10240x128xf32, #tpu.memory_space<vmem_shared>>) offsets(%dma_start3A_163 : memref<80xi32, #tpu.memory_space<vmem>>) semaphore(%arg15 : memref<!tpu.dma_semaphore, #tpu.memory_space<semaphore_mem>>) {add = true}
      %dma_wait3A_167 = arith.constant 0 : i32
      %dma_wait3A_168 = arith.constant 1 : i32
      %dma_wait3A_169 = arith.constant 0 : i32
      %dma_wait3A_170 = tpu.memref_slice %arg6[%dma_wait3A_167, %dma_wait3A_168, %dma_wait3A_169] : memref<2x2x80xi32, #tpu.memory_space<vmem>> -> memref<1x1x80xi32, #tpu.memory_space<vmem>>
      %dma_wait3A_171 = tpu.memref_squeeze %dma_wait3A_170 : memref<1x1x80xi32, #tpu.memory_space<vmem>> -> memref<80xi32, #tpu.memory_space<vmem>>
      %dma_wait3A_172 = arith.constant 0 : i32
      %dma_wait3A_173 = arith.constant 0 : i32
      %dma_wait3A_174 = tpu.memref_slice %arg11[%dma_wait3A_172, %dma_wait3A_173] : memref<10240x128xf32, #tpu.memory_space<vmem_shared>> -> memref<10240x128xf32, #tpu.memory_space<vmem_shared>>
      tpu.wait_indirect_dma semaphore(%arg14 : memref<!tpu.dma_semaphore, #tpu.memory_space<semaphore_mem>>) src(%arg9 : memref<80x128xf32, #tpu.memory_space<vmem>>) dst(%dma_wait3A_174 : memref<10240x128xf32, #tpu.memory_space<vmem_shared>>)
      %dma_wait3A_175 = arith.constant 1 : i32
      %dma_wait3A_176 = arith.constant 1 : i32
      %dma_wait3A_177 = arith.constant 0 : i32
      %dma_wait3A_178 = tpu.memref_slice %arg6[%dma_wait3A_175, %dma_wait3A_176, %dma_wait3A_177] : memref<2x2x80xi32, #tpu.memory_space<vmem>> -> memref<1x1x80xi32, #tpu.memory_space<vmem>>
      %dma_wait3A_179 = tpu.memref_squeeze %dma_wait3A_178 : memref<1x1x80xi32, #tpu.memory_space<vmem>> -> memref<80xi32, #tpu.memory_space<vmem>>
      %dma_wait3A_180 = arith.constant 0 : i32
      %dma_wait3A_181 = arith.constant 0 : i32
      %dma_wait3A_182 = tpu.memref_slice %arg11[%dma_wait3A_180, %dma_wait3A_181] : memref<10240x128xf32, #tpu.memory_space<vmem_shared>> -> memref<10240x128xf32, #tpu.memory_space<vmem_shared>>
      tpu.wait_indirect_dma semaphore(%arg15 : memref<!tpu.dma_semaphore, #tpu.memory_space<semaphore_mem>>) src(%arg10 : memref<80x128xf32, #tpu.memory_space<vmem>>) dst(%dma_wait3A_182 : memref<10240x128xf32, #tpu.memory_space<vmem_shared>>)
      %lt3A = arith.constant 61 : i32
      %lt3A_183 = arith.cmpi slt, %scan3A_104, %lt3A : i32
      %convert_element_type3A = arith.extui %lt3A_183 : i1 to i32
      %cond3A = arith.constant 0 : i32
      %cond3A_184 = arith.cmpi ne, %convert_element_type3A, %cond3A : i32
      scf.if %cond3A_184 {
        %mul3A_185 = arith.constant 2 : i32
        %mul3A_186 = arith.muli %mul3A_185, %scan3A_104 : i32
        %add3A_187 = arith.constant 2 : i32
        %add3A_188 = arith.addi %mul3A_186, %add3A_187 : i32
        "tpu.region"() ({
          %run_scoped3A_229 = tpu.sem_alloc : memref<!tpu.dma_semaphore, #tpu.memory_space<semaphore_mem>>
          %dma_start3A_230 = arith.constant 0 : i32
          %dma_start3A_231 = arith.constant 0 : i32
          %dma_start3A_232 = tpu.memref_slice %arg4[%add3A, %add3A_188, %dma_start3A_230, %dma_start3A_231] : memref<32x125x2x80xi32, #tpu.memory_space<hbm>> -> memref<1x2x2x80xi32, #tpu.memory_space<hbm>>
          %dma_start3A_233 = tpu.memref_squeeze %dma_start3A_232 : memref<1x2x2x80xi32, #tpu.memory_space<hbm>> -> memref<2x2x80xi32, #tpu.memory_space<hbm>>
          %dma_start3A_234 = arith.constant 0 : i32
          %dma_start3A_235 = arith.constant 0 : i32
          %dma_start3A_236 = tpu.memref_slice %arg4[%add3A, %add3A_188, %dma_start3A_234, %dma_start3A_235] : memref<32x125x2x80xi32, #tpu.memory_space<hbm>> -> memref<1x2x2x80xi32, #tpu.memory_space<hbm>>
          %dma_start3A_237 = tpu.memref_squeeze %dma_start3A_236 : memref<1x2x2x80xi32, #tpu.memory_space<hbm>> -> memref<2x2x80xi32, #tpu.memory_space<hbm>>
          tpu.enqueue_dma source(%dma_start3A_237 : memref<2x2x80xi32, #tpu.memory_space<hbm>>) target(%arg6 : memref<2x2x80xi32, #tpu.memory_space<vmem>>) target_semaphore(%run_scoped3A_229 : memref<!tpu.dma_semaphore, #tpu.memory_space<semaphore_mem>>)
          %dma_wait3A_238 = arith.constant 0 : i32
          %dma_wait3A_239 = arith.constant 0 : i32
          %dma_wait3A_240 = tpu.memref_slice %arg4[%add3A, %add3A_188, %dma_wait3A_238, %dma_wait3A_239] : memref<32x125x2x80xi32, #tpu.memory_space<hbm>> -> memref<1x2x2x80xi32, #tpu.memory_space<hbm>>
          %dma_wait3A_241 = tpu.memref_squeeze %dma_wait3A_240 : memref<1x2x2x80xi32, #tpu.memory_space<hbm>> -> memref<2x2x80xi32, #tpu.memory_space<hbm>>
          %dma_wait3A_242 = arith.constant 0 : i32
          %dma_wait3A_243 = arith.constant 0 : i32
          %dma_wait3A_244 = tpu.memref_slice %arg4[%add3A, %add3A_188, %dma_wait3A_242, %dma_wait3A_243] : memref<32x125x2x80xi32, #tpu.memory_space<hbm>> -> memref<1x2x2x80xi32, #tpu.memory_space<hbm>>
          %dma_wait3A_245 = tpu.memref_squeeze %dma_wait3A_244 : memref<1x2x2x80xi32, #tpu.memory_space<hbm>> -> memref<2x2x80xi32, #tpu.memory_space<hbm>>
          tpu.wait_dma2 semaphore(%run_scoped3A_229 : memref<!tpu.dma_semaphore, #tpu.memory_space<semaphore_mem>>) src(%dma_wait3A_245 : memref<2x2x80xi32, #tpu.memory_space<hbm>>) dst(%arg6 : memref<2x2x80xi32, #tpu.memory_space<vmem>>)
          tpu.yield
        }) : () -> ()
        %mul3A_189 = arith.constant 2 : i32
        %mul3A_190 = arith.muli %mul3A_189, %scan3A_104 : i32
        %add3A_191 = arith.constant 2 : i32
        %add3A_192 = arith.addi %mul3A_190, %add3A_191 : i32
        %dma_start3A_193 = arith.constant 0 : i32
        %dma_start3A_194 = arith.constant 0 : i32
        %dma_start3A_195 = arith.constant 0 : i32
        %dma_start3A_196 = tpu.memref_slice %arg6[%dma_start3A_193, %dma_start3A_194, %dma_start3A_195] : memref<2x2x80xi32, #tpu.memory_space<vmem>> -> memref<1x1x80xi32, #tpu.memory_space<vmem>>
        %dma_start3A_197 = tpu.memref_squeeze %dma_start3A_196 : memref<1x1x80xi32, #tpu.memory_space<vmem>> -> memref<80xi32, #tpu.memory_space<vmem>>
        %dma_start3A_198 = arith.constant 0 : i32
        %dma_start3A_199 = arith.constant 0 : i32
        %dma_start3A_200 = tpu.memref_slice %arg2[%dma_start3A_198, %dma_start3A_199] : memref<10000x128xf32, #tpu.memory_space<hbm>> -> memref<10000x128xf32, #tpu.memory_space<hbm>>
        tpu.enqueue_indirect_dma source(%dma_start3A_200 : memref<10000x128xf32, #tpu.memory_space<hbm>>) target(%arg9 : memref<80x128xf32, #tpu.memory_space<vmem>>) offsets(%dma_start3A_197 : memref<80xi32, #tpu.memory_space<vmem>>) semaphore(%arg12 : memref<!tpu.dma_semaphore, #tpu.memory_space<semaphore_mem>>)
        %dma_start3A_201 = arith.constant 0 : i32
        %dma_start3A_202 = arith.constant 0 : i32
        %dma_start3A_203 = tpu.memref_slice %arg3[%add3A, %add3A_192, %dma_start3A_201, %dma_start3A_202] : memref<32x125x80x128xf32, #tpu.memory_space<hbm>> -> memref<1x1x80x128xf32, #tpu.memory_space<hbm>>
        %dma_start3A_204 = tpu.memref_squeeze %dma_start3A_203 : memref<1x1x80x128xf32, #tpu.memory_space<hbm>> -> memref<80x128xf32, #tpu.memory_space<hbm>>
        %dma_start3A_205 = arith.constant 0 : i32
        %dma_start3A_206 = arith.constant 0 : i32
        %dma_start3A_207 = tpu.memref_slice %arg3[%add3A, %add3A_192, %dma_start3A_205, %dma_start3A_206] : memref<32x125x80x128xf32, #tpu.memory_space<hbm>> -> memref<1x1x80x128xf32, #tpu.memory_space<hbm>>
        %dma_start3A_208 = tpu.memref_squeeze %dma_start3A_207 : memref<1x1x80x128xf32, #tpu.memory_space<hbm>> -> memref<80x128xf32, #tpu.memory_space<hbm>>
        tpu.enqueue_dma source(%dma_start3A_208 : memref<80x128xf32, #tpu.memory_space<hbm>>) target(%arg7 : memref<80x128xf32, #tpu.memory_space<vmem>>) target_semaphore(%arg12 : memref<!tpu.dma_semaphore, #tpu.memory_space<semaphore_mem>>)
        %mul3A_209 = arith.constant 2 : i32
        %mul3A_210 = arith.muli %mul3A_209, %scan3A_104 : i32
        %add3A_211 = arith.constant 3 : i32
        %add3A_212 = arith.addi %mul3A_210, %add3A_211 : i32
        %dma_start3A_213 = arith.constant 1 : i32
        %dma_start3A_214 = arith.constant 0 : i32
        %dma_start3A_215 = arith.constant 0 : i32
        %dma_start3A_216 = tpu.memref_slice %arg6[%dma_start3A_213, %dma_start3A_214, %dma_start3A_215] : memref<2x2x80xi32, #tpu.memory_space<vmem>> -> memref<1x1x80xi32, #tpu.memory_space<vmem>>
        %dma_start3A_217 = tpu.memref_squeeze %dma_start3A_216 : memref<1x1x80xi32, #tpu.memory_space<vmem>> -> memref<80xi32, #tpu.memory_space<vmem>>
        %dma_start3A_218 = arith.constant 0 : i32
        %dma_start3A_219 = arith.constant 0 : i32
        %dma_start3A_220 = tpu.memref_slice %arg2[%dma_start3A_218, %dma_start3A_219] : memref<10000x128xf32, #tpu.memory_space<hbm>> -> memref<10000x128xf32, #tpu.memory_space<hbm>>
        tpu.enqueue_indirect_dma source(%dma_start3A_220 : memref<10000x128xf32, #tpu.memory_space<hbm>>) target(%arg10 : memref<80x128xf32, #tpu.memory_space<vmem>>) offsets(%dma_start3A_217 : memref<80xi32, #tpu.memory_space<vmem>>) semaphore(%arg13 : memref<!tpu.dma_semaphore, #tpu.memory_space<semaphore_mem>>)
        %dma_start3A_221 = arith.constant 0 : i32
        %dma_start3A_222 = arith.constant 0 : i32
        %dma_start3A_223 = tpu.memref_slice %arg3[%add3A, %add3A_212, %dma_start3A_221, %dma_start3A_222] : memref<32x125x80x128xf32, #tpu.memory_space<hbm>> -> memref<1x1x80x128xf32, #tpu.memory_space<hbm>>
        %dma_start3A_224 = tpu.memref_squeeze %dma_start3A_223 : memref<1x1x80x128xf32, #tpu.memory_space<hbm>> -> memref<80x128xf32, #tpu.memory_space<hbm>>
        %dma_start3A_225 = arith.constant 0 : i32
        %dma_start3A_226 = arith.constant 0 : i32
        %dma_start3A_227 = tpu.memref_slice %arg3[%add3A, %add3A_212, %dma_start3A_225, %dma_start3A_226] : memref<32x125x80x128xf32, #tpu.memory_space<hbm>> -> memref<1x1x80x128xf32, #tpu.memory_space<hbm>>
        %dma_start3A_228 = tpu.memref_squeeze %dma_start3A_227 : memref<1x1x80x128xf32, #tpu.memory_space<hbm>> -> memref<80x128xf32, #tpu.memory_space<hbm>>
        tpu.enqueue_dma source(%dma_start3A_228 : memref<80x128xf32, #tpu.memory_space<hbm>>) target(%arg8 : memref<80x128xf32, #tpu.memory_space<vmem>>) target_semaphore(%arg13 : memref<!tpu.dma_semaphore, #tpu.memory_space<semaphore_mem>>)
      } else {
      }
    }
    %scan3A_62 = arith.constant 62 : i32
    "tpu.region"() ({
      %run_scoped3A_104 = tpu.sem_alloc : memref<!tpu.dma_semaphore, #tpu.memory_space<semaphore_mem>>
      %dma_start3A_105 = arith.constant 0 : i32
      %dma_start3A_106 = arith.constant 0 : i32
      %dma_start3A_107 = arith.constant 0 : i32
      %dma_start3A_108 = tpu.memref_slice %arg6[%dma_start3A_105, %dma_start3A_106, %dma_start3A_107] : memref<2x2x80xi32, #tpu.memory_space<vmem>> -> memref<1x2x80xi32, #tpu.memory_space<vmem>>
      %dma_start3A_109 = arith.constant 124 : i32
      %dma_start3A_110 = arith.constant 0 : i32
      %dma_start3A_111 = arith.constant 0 : i32
      %dma_start3A_112 = tpu.memref_slice %arg4[%add3A, %dma_start3A_109, %dma_start3A_110, %dma_start3A_111] : memref<32x125x2x80xi32, #tpu.memory_space<hbm>> -> memref<1x1x2x80xi32, #tpu.memory_space<hbm>>
      %dma_start3A_113 = tpu.memref_squeeze %dma_start3A_112 : memref<1x1x2x80xi32, #tpu.memory_space<hbm>> -> memref<1x2x80xi32, #tpu.memory_space<hbm>>
      %dma_start3A_114 = arith.constant 0 : i32
      %dma_start3A_115 = arith.constant 0 : i32
      %dma_start3A_116 = arith.constant 0 : i32
      %dma_start3A_117 = tpu.memref_slice %arg6[%dma_start3A_114, %dma_start3A_115, %dma_start3A_116] : memref<2x2x80xi32, #tpu.memory_space<vmem>> -> memref<1x2x80xi32, #tpu.memory_space<vmem>>
      %dma_start3A_118 = arith.constant 124 : i32
      %dma_start3A_119 = arith.constant 0 : i32
      %dma_start3A_120 = arith.constant 0 : i32
      %dma_start3A_121 = tpu.memref_slice %arg4[%add3A, %dma_start3A_118, %dma_start3A_119, %dma_start3A_120] : memref<32x125x2x80xi32, #tpu.memory_space<hbm>> -> memref<1x1x2x80xi32, #tpu.memory_space<hbm>>
      %dma_start3A_122 = tpu.memref_squeeze %dma_start3A_121 : memref<1x1x2x80xi32, #tpu.memory_space<hbm>> -> memref<1x2x80xi32, #tpu.memory_space<hbm>>
      tpu.enqueue_dma source(%dma_start3A_122 : memref<1x2x80xi32, #tpu.memory_space<hbm>>) target(%dma_start3A_117 : memref<1x2x80xi32, #tpu.memory_space<vmem>>) target_semaphore(%run_scoped3A_104 : memref<!tpu.dma_semaphore, #tpu.memory_space<semaphore_mem>>)
      %dma_wait3A_123 = arith.constant 0 : i32
      %dma_wait3A_124 = arith.constant 0 : i32
      %dma_wait3A_125 = arith.constant 0 : i32
      %dma_wait3A_126 = tpu.memref_slice %arg6[%dma_wait3A_123, %dma_wait3A_124, %dma_wait3A_125] : memref<2x2x80xi32, #tpu.memory_space<vmem>> -> memref<1x2x80xi32, #tpu.memory_space<vmem>>
      %dma_wait3A_127 = arith.constant 124 : i32
      %dma_wait3A_128 = arith.constant 0 : i32
      %dma_wait3A_129 = arith.constant 0 : i32
      %dma_wait3A_130 = tpu.memref_slice %arg4[%add3A, %dma_wait3A_127, %dma_wait3A_128, %dma_wait3A_129] : memref<32x125x2x80xi32, #tpu.memory_space<hbm>> -> memref<1x1x2x80xi32, #tpu.memory_space<hbm>>
      %dma_wait3A_131 = tpu.memref_squeeze %dma_wait3A_130 : memref<1x1x2x80xi32, #tpu.memory_space<hbm>> -> memref<1x2x80xi32, #tpu.memory_space<hbm>>
      %dma_wait3A_132 = arith.constant 0 : i32
      %dma_wait3A_133 = arith.constant 0 : i32
      %dma_wait3A_134 = arith.constant 0 : i32
      %dma_wait3A_135 = tpu.memref_slice %arg6[%dma_wait3A_132, %dma_wait3A_133, %dma_wait3A_134] : memref<2x2x80xi32, #tpu.memory_space<vmem>> -> memref<1x2x80xi32, #tpu.memory_space<vmem>>
      %dma_wait3A_136 = arith.constant 124 : i32
      %dma_wait3A_137 = arith.constant 0 : i32
      %dma_wait3A_138 = arith.constant 0 : i32
      %dma_wait3A_139 = tpu.memref_slice %arg4[%add3A, %dma_wait3A_136, %dma_wait3A_137, %dma_wait3A_138] : memref<32x125x2x80xi32, #tpu.memory_space<hbm>> -> memref<1x1x2x80xi32, #tpu.memory_space<hbm>>
      %dma_wait3A_140 = tpu.memref_squeeze %dma_wait3A_139 : memref<1x1x2x80xi32, #tpu.memory_space<hbm>> -> memref<1x2x80xi32, #tpu.memory_space<hbm>>
      tpu.wait_dma2 semaphore(%run_scoped3A_104 : memref<!tpu.dma_semaphore, #tpu.memory_space<semaphore_mem>>) src(%dma_wait3A_140 : memref<1x2x80xi32, #tpu.memory_space<hbm>>) dst(%dma_wait3A_135 : memref<1x2x80xi32, #tpu.memory_space<vmem>>)
      tpu.yield
    }) : () -> ()
    %dma_start3A_63 = arith.constant 0 : i32
    %dma_start3A_64 = arith.constant 0 : i32
    %dma_start3A_65 = arith.constant 0 : i32
    %dma_start3A_66 = tpu.memref_slice %arg6[%dma_start3A_63, %dma_start3A_64, %dma_start3A_65] : memref<2x2x80xi32, #tpu.memory_space<vmem>> -> memref<1x1x80xi32, #tpu.memory_space<vmem>>
    %dma_start3A_67 = tpu.memref_squeeze %dma_start3A_66 : memref<1x1x80xi32, #tpu.memory_space<vmem>> -> memref<80xi32, #tpu.memory_space<vmem>>
    %dma_start3A_68 = arith.constant 0 : i32
    %dma_start3A_69 = arith.constant 0 : i32
    %dma_start3A_70 = tpu.memref_slice %arg2[%dma_start3A_68, %dma_start3A_69] : memref<10000x128xf32, #tpu.memory_space<hbm>> -> memref<10000x128xf32, #tpu.memory_space<hbm>>
    tpu.enqueue_indirect_dma source(%dma_start3A_70 : memref<10000x128xf32, #tpu.memory_space<hbm>>) target(%arg9 : memref<80x128xf32, #tpu.memory_space<vmem>>) offsets(%dma_start3A_67 : memref<80xi32, #tpu.memory_space<vmem>>) semaphore(%arg12 : memref<!tpu.dma_semaphore, #tpu.memory_space<semaphore_mem>>)
    %dma_start3A_71 = arith.constant 124 : i32
    %dma_start3A_72 = arith.constant 0 : i32
    %dma_start3A_73 = arith.constant 0 : i32
    %dma_start3A_74 = tpu.memref_slice %arg3[%add3A, %dma_start3A_71, %dma_start3A_72, %dma_start3A_73] : memref<32x125x80x128xf32, #tpu.memory_space<hbm>> -> memref<1x1x80x128xf32, #tpu.memory_space<hbm>>
    %dma_start3A_75 = tpu.memref_squeeze %dma_start3A_74 : memref<1x1x80x128xf32, #tpu.memory_space<hbm>> -> memref<80x128xf32, #tpu.memory_space<hbm>>
    %dma_start3A_76 = arith.constant 0 : i32
    %dma_start3A_77 = arith.constant 0 : i32
    %dma_start3A_78 = tpu.memref_slice %arg3[%add3A, %dma_start3A_71, %dma_start3A_76, %dma_start3A_77] : memref<32x125x80x128xf32, #tpu.memory_space<hbm>> -> memref<1x1x80x128xf32, #tpu.memory_space<hbm>>
    %dma_start3A_79 = tpu.memref_squeeze %dma_start3A_78 : memref<1x1x80x128xf32, #tpu.memory_space<hbm>> -> memref<80x128xf32, #tpu.memory_space<hbm>>
    tpu.enqueue_dma source(%dma_start3A_79 : memref<80x128xf32, #tpu.memory_space<hbm>>) target(%arg7 : memref<80x128xf32, #tpu.memory_space<vmem>>) target_semaphore(%arg12 : memref<!tpu.dma_semaphore, #tpu.memory_space<semaphore_mem>>)
    %dma_wait3A = arith.constant 0 : i32
    %dma_wait3A_80 = arith.constant 0 : i32
    %dma_wait3A_81 = arith.constant 0 : i32
    %dma_wait3A_82 = tpu.memref_slice %arg6[%dma_wait3A, %dma_wait3A_80, %dma_wait3A_81] : memref<2x2x80xi32, #tpu.memory_space<vmem>> -> memref<1x1x80xi32, #tpu.memory_space<vmem>>
    %dma_wait3A_83 = tpu.memref_squeeze %dma_wait3A_82 : memref<1x1x80xi32, #tpu.memory_space<vmem>> -> memref<80xi32, #tpu.memory_space<vmem>>
    %dma_wait3A_84 = arith.constant 0 : i32
    %dma_wait3A_85 = arith.constant 0 : i32
    %dma_wait3A_86 = tpu.memref_slice %arg2[%dma_wait3A_84, %dma_wait3A_85] : memref<10000x128xf32, #tpu.memory_space<hbm>> -> memref<10000x128xf32, #tpu.memory_space<hbm>>
    tpu.wait_indirect_dma semaphore(%arg12 : memref<!tpu.dma_semaphore, #tpu.memory_space<semaphore_mem>>) src(%dma_wait3A_86 : memref<10000x128xf32, #tpu.memory_space<hbm>>) dst(%arg9 : memref<80x128xf32, #tpu.memory_space<vmem>>)
    %dma_wait3A_87 = arith.constant 0 : i32
    %dma_wait3A_88 = arith.constant 0 : i32
    %dma_wait3A_89 = arith.constant 0 : i32
    %dma_wait3A_90 = tpu.memref_slice %arg3[%add3A, %dma_wait3A_87, %dma_wait3A_88, %dma_wait3A_89] : memref<32x125x80x128xf32, #tpu.memory_space<hbm>> -> memref<1x1x80x128xf32, #tpu.memory_space<hbm>>
    %dma_wait3A_91 = tpu.memref_squeeze %dma_wait3A_90 : memref<1x1x80x128xf32, #tpu.memory_space<hbm>> -> memref<80x128xf32, #tpu.memory_space<hbm>>
    %dma_wait3A_92 = arith.constant 0 : i32
    %dma_wait3A_93 = arith.constant 0 : i32
    %dma_wait3A_94 = tpu.memref_slice %arg3[%add3A, %dma_wait3A_87, %dma_wait3A_92, %dma_wait3A_93] : memref<32x125x80x128xf32, #tpu.memory_space<hbm>> -> memref<1x1x80x128xf32, #tpu.memory_space<hbm>>
    %dma_wait3A_95 = tpu.memref_squeeze %dma_wait3A_94 : memref<1x1x80x128xf32, #tpu.memory_space<hbm>> -> memref<80x128xf32, #tpu.memory_space<hbm>>
    tpu.wait_dma2 semaphore(%arg12 : memref<!tpu.dma_semaphore, #tpu.memory_space<semaphore_mem>>) src(%dma_wait3A_95 : memref<80x128xf32, #tpu.memory_space<hbm>>) dst(%arg7 : memref<80x128xf32, #tpu.memory_space<vmem>>)
    %scan3A_96 = arith.constant 0 : i32
    %scan3A_97 = arith.constant 0 : i32
    %scan3A_98 = arith.constant 80 : i32
    %scan3A_99 = arith.addi %scan3A_97, %scan3A_98 : i32
    %scan3A_100 = arith.constant 1 : i32
    scf.for %scan3A_104 = %scan3A_97 to %scan3A_99 step %scan3A_100  : i32 {
      %get3A = arith.index_cast %scan3A_104 : i32 to index
      %get3A_105 = arith.constant 0 : index
      %get3A_106 = tpu.vector_load %arg9[%get3A, %get3A_105] {strides = array<i32>} : memref<80x128xf32, #tpu.memory_space<vmem>>, vector<1x16xf32>,
      %get3A_107 = vector.shape_cast %get3A_106 : vector<1x16xf32> to vector<16xf32>
      %get3A_108 = arith.index_cast %scan3A_104 : i32 to index
      %get3A_109 = arith.constant 0 : index
      %get3A_110 = tpu.vector_load %arg7[%get3A_108, %get3A_109] {strides = array<i32>} : memref<80x128xf32, #tpu.memory_space<vmem>>, vector<1x16xf32>,
      %get3A_111 = vector.shape_cast %get3A_110 : vector<1x16xf32> to vector<16xf32>
      %mul3A_112 = arith.mulf %get3A_107, %get3A_111 : vector<16xf32>
      %swap3A = arith.index_cast %scan3A_104 : i32 to index
      %swap3A_113 = arith.constant 0 : index
      %swap3A_114 = tpu.vector_load %arg9[%swap3A, %swap3A_113] {strides = array<i32>} : memref<80x128xf32, #tpu.memory_space<vmem>>, vector<1x16xf32>,
      %swap3A_115 = vector.shape_cast %swap3A_114 : vector<1x16xf32> to vector<16xf32>
      %swap3A_116 = vector.shape_cast %mul3A_112 : vector<16xf32> to vector<1x16xf32>
      tpu.vector_store %arg9[%swap3A, %swap3A_113], %swap3A_116 {strides = array<i32>} : memref<80x128xf32, #tpu.memory_space<vmem>>, vector<1x16xf32>,
      %get3A_117 = arith.index_cast %scan3A_104 : i32 to index
      %get3A_118 = arith.constant 16 : index
      %get3A_119 = tpu.vector_load %arg9[%get3A_117, %get3A_118] {strides = array<i32>} : memref<80x128xf32, #tpu.memory_space<vmem>>, vector<1x16xf32>,
      %get3A_120 = vector.shape_cast %get3A_119 : vector<1x16xf32> to vector<16xf32>
      %get3A_121 = arith.index_cast %scan3A_104 : i32 to index
      %get3A_122 = arith.constant 16 : index
      %get3A_123 = tpu.vector_load %arg7[%get3A_121, %get3A_122] {strides = array<i32>} : memref<80x128xf32, #tpu.memory_space<vmem>>, vector<1x16xf32>,
      %get3A_124 = vector.shape_cast %get3A_123 : vector<1x16xf32> to vector<16xf32>
      %mul3A_125 = arith.mulf %get3A_120, %get3A_124 : vector<16xf32>
      %swap3A_126 = arith.index_cast %scan3A_104 : i32 to index
      %swap3A_127 = arith.constant 16 : index
      %swap3A_128 = tpu.vector_load %arg9[%swap3A_126, %swap3A_127] {strides = array<i32>} : memref<80x128xf32, #tpu.memory_space<vmem>>, vector<1x16xf32>,
      %swap3A_129 = vector.shape_cast %swap3A_128 : vector<1x16xf32> to vector<16xf32>
      %swap3A_130 = vector.shape_cast %mul3A_125 : vector<16xf32> to vector<1x16xf32>
      tpu.vector_store %arg9[%swap3A_126, %swap3A_127], %swap3A_130 {strides = array<i32>} : memref<80x128xf32, #tpu.memory_space<vmem>>, vector<1x16xf32>,
      %get3A_131 = arith.index_cast %scan3A_104 : i32 to index
      %get3A_132 = arith.constant 32 : index
      %get3A_133 = tpu.vector_load %arg9[%get3A_131, %get3A_132] {strides = array<i32>} : memref<80x128xf32, #tpu.memory_space<vmem>>, vector<1x16xf32>,
      %get3A_134 = vector.shape_cast %get3A_133 : vector<1x16xf32> to vector<16xf32>
      %get3A_135 = arith.index_cast %scan3A_104 : i32 to index
      %get3A_136 = arith.constant 32 : index
      %get3A_137 = tpu.vector_load %arg7[%get3A_135, %get3A_136] {strides = array<i32>} : memref<80x128xf32, #tpu.memory_space<vmem>>, vector<1x16xf32>,
      %get3A_138 = vector.shape_cast %get3A_137 : vector<1x16xf32> to vector<16xf32>
      %mul3A_139 = arith.mulf %get3A_134, %get3A_138 : vector<16xf32>
      %swap3A_140 = arith.index_cast %scan3A_104 : i32 to index
      %swap3A_141 = arith.constant 32 : index
      %swap3A_142 = tpu.vector_load %arg9[%swap3A_140, %swap3A_141] {strides = array<i32>} : memref<80x128xf32, #tpu.memory_space<vmem>>, vector<1x16xf32>,
      %swap3A_143 = vector.shape_cast %swap3A_142 : vector<1x16xf32> to vector<16xf32>
      %swap3A_144 = vector.shape_cast %mul3A_139 : vector<16xf32> to vector<1x16xf32>
      tpu.vector_store %arg9[%swap3A_140, %swap3A_141], %swap3A_144 {strides = array<i32>} : memref<80x128xf32, #tpu.memory_space<vmem>>, vector<1x16xf32>,
      %get3A_145 = arith.index_cast %scan3A_104 : i32 to index
      %get3A_146 = arith.constant 48 : index
      %get3A_147 = tpu.vector_load %arg9[%get3A_145, %get3A_146] {strides = array<i32>} : memref<80x128xf32, #tpu.memory_space<vmem>>, vector<1x16xf32>,
      %get3A_148 = vector.shape_cast %get3A_147 : vector<1x16xf32> to vector<16xf32>
      %get3A_149 = arith.index_cast %scan3A_104 : i32 to index
      %get3A_150 = arith.constant 48 : index
      %get3A_151 = tpu.vector_load %arg7[%get3A_149, %get3A_150] {strides = array<i32>} : memref<80x128xf32, #tpu.memory_space<vmem>>, vector<1x16xf32>,
      %get3A_152 = vector.shape_cast %get3A_151 : vector<1x16xf32> to vector<16xf32>
      %mul3A_153 = arith.mulf %get3A_148, %get3A_152 : vector<16xf32>
      %swap3A_154 = arith.index_cast %scan3A_104 : i32 to index
      %swap3A_155 = arith.constant 48 : index
      %swap3A_156 = tpu.vector_load %arg9[%swap3A_154, %swap3A_155] {strides = array<i32>} : memref<80x128xf32, #tpu.memory_space<vmem>>, vector<1x16xf32>,
      %swap3A_157 = vector.shape_cast %swap3A_156 : vector<1x16xf32> to vector<16xf32>
      %swap3A_158 = vector.shape_cast %mul3A_153 : vector<16xf32> to vector<1x16xf32>
      tpu.vector_store %arg9[%swap3A_154, %swap3A_155], %swap3A_158 {strides = array<i32>} : memref<80x128xf32, #tpu.memory_space<vmem>>, vector<1x16xf32>,
      %get3A_159 = arith.index_cast %scan3A_104 : i32 to index
      %get3A_160 = arith.constant 64 : index
      %get3A_161 = tpu.vector_load %arg9[%get3A_159, %get3A_160] {strides = array<i32>} : memref<80x128xf32, #tpu.memory_space<vmem>>, vector<1x16xf32>,
      %get3A_162 = vector.shape_cast %get3A_161 : vector<1x16xf32> to vector<16xf32>
      %get3A_163 = arith.index_cast %scan3A_104 : i32 to index
      %get3A_164 = arith.constant 64 : index
      %get3A_165 = tpu.vector_load %arg7[%get3A_163, %get3A_164] {strides = array<i32>} : memref<80x128xf32, #tpu.memory_space<vmem>>, vector<1x16xf32>,
      %get3A_166 = vector.shape_cast %get3A_165 : vector<1x16xf32> to vector<16xf32>
      %mul3A_167 = arith.mulf %get3A_162, %get3A_166 : vector<16xf32>
      %swap3A_168 = arith.index_cast %scan3A_104 : i32 to index
      %swap3A_169 = arith.constant 64 : index
      %swap3A_170 = tpu.vector_load %arg9[%swap3A_168, %swap3A_169] {strides = array<i32>} : memref<80x128xf32, #tpu.memory_space<vmem>>, vector<1x16xf32>,
      %swap3A_171 = vector.shape_cast %swap3A_170 : vector<1x16xf32> to vector<16xf32>
      %swap3A_172 = vector.shape_cast %mul3A_167 : vector<16xf32> to vector<1x16xf32>
      tpu.vector_store %arg9[%swap3A_168, %swap3A_169], %swap3A_172 {strides = array<i32>} : memref<80x128xf32, #tpu.memory_space<vmem>>, vector<1x16xf32>,
      %get3A_173 = arith.index_cast %scan3A_104 : i32 to index
      %get3A_174 = arith.constant 80 : index
      %get3A_175 = tpu.vector_load %arg9[%get3A_173, %get3A_174] {strides = array<i32>} : memref<80x128xf32, #tpu.memory_space<vmem>>, vector<1x16xf32>,
      %get3A_176 = vector.shape_cast %get3A_175 : vector<1x16xf32> to vector<16xf32>
      %get3A_177 = arith.index_cast %scan3A_104 : i32 to index
      %get3A_178 = arith.constant 80 : index
      %get3A_179 = tpu.vector_load %arg7[%get3A_177, %get3A_178] {strides = array<i32>} : memref<80x128xf32, #tpu.memory_space<vmem>>, vector<1x16xf32>,
      %get3A_180 = vector.shape_cast %get3A_179 : vector<1x16xf32> to vector<16xf32>
      %mul3A_181 = arith.mulf %get3A_176, %get3A_180 : vector<16xf32>
      %swap3A_182 = arith.index_cast %scan3A_104 : i32 to index
      %swap3A_183 = arith.constant 80 : index
      %swap3A_184 = tpu.vector_load %arg9[%swap3A_182, %swap3A_183] {strides = array<i32>} : memref<80x128xf32, #tpu.memory_space<vmem>>, vector<1x16xf32>,
      %swap3A_185 = vector.shape_cast %swap3A_184 : vector<1x16xf32> to vector<16xf32>
      %swap3A_186 = vector.shape_cast %mul3A_181 : vector<16xf32> to vector<1x16xf32>
      tpu.vector_store %arg9[%swap3A_182, %swap3A_183], %swap3A_186 {strides = array<i32>} : memref<80x128xf32, #tpu.memory_space<vmem>>, vector<1x16xf32>,
      %get3A_187 = arith.index_cast %scan3A_104 : i32 to index
      %get3A_188 = arith.constant 96 : index
      %get3A_189 = tpu.vector_load %arg9[%get3A_187, %get3A_188] {strides = array<i32>} : memref<80x128xf32, #tpu.memory_space<vmem>>, vector<1x16xf32>,
      %get3A_190 = vector.shape_cast %get3A_189 : vector<1x16xf32> to vector<16xf32>
      %get3A_191 = arith.index_cast %scan3A_104 : i32 to index
      %get3A_192 = arith.constant 96 : index
      %get3A_193 = tpu.vector_load %arg7[%get3A_191, %get3A_192] {strides = array<i32>} : memref<80x128xf32, #tpu.memory_space<vmem>>, vector<1x16xf32>,
      %get3A_194 = vector.shape_cast %get3A_193 : vector<1x16xf32> to vector<16xf32>
      %mul3A_195 = arith.mulf %get3A_190, %get3A_194 : vector<16xf32>
      %swap3A_196 = arith.index_cast %scan3A_104 : i32 to index
      %swap3A_197 = arith.constant 96 : index
      %swap3A_198 = tpu.vector_load %arg9[%swap3A_196, %swap3A_197] {strides = array<i32>} : memref<80x128xf32, #tpu.memory_space<vmem>>, vector<1x16xf32>,
      %swap3A_199 = vector.shape_cast %swap3A_198 : vector<1x16xf32> to vector<16xf32>
      %swap3A_200 = vector.shape_cast %mul3A_195 : vector<16xf32> to vector<1x16xf32>
      tpu.vector_store %arg9[%swap3A_196, %swap3A_197], %swap3A_200 {strides = array<i32>} : memref<80x128xf32, #tpu.memory_space<vmem>>, vector<1x16xf32>,
      %get3A_201 = arith.index_cast %scan3A_104 : i32 to index
      %get3A_202 = arith.constant 112 : index
      %get3A_203 = tpu.vector_load %arg9[%get3A_201, %get3A_202] {strides = array<i32>} : memref<80x128xf32, #tpu.memory_space<vmem>>, vector<1x16xf32>,
      %get3A_204 = vector.shape_cast %get3A_203 : vector<1x16xf32> to vector<16xf32>
      %get3A_205 = arith.index_cast %scan3A_104 : i32 to index
      %get3A_206 = arith.constant 112 : index
      %get3A_207 = tpu.vector_load %arg7[%get3A_205, %get3A_206] {strides = array<i32>} : memref<80x128xf32, #tpu.memory_space<vmem>>, vector<1x16xf32>,
      %get3A_208 = vector.shape_cast %get3A_207 : vector<1x16xf32> to vector<16xf32>
      %mul3A_209 = arith.mulf %get3A_204, %get3A_208 : vector<16xf32>
      %swap3A_210 = arith.index_cast %scan3A_104 : i32 to index
      %swap3A_211 = arith.constant 112 : index
      %swap3A_212 = tpu.vector_load %arg9[%swap3A_210, %swap3A_211] {strides = array<i32>} : memref<80x128xf32, #tpu.memory_space<vmem>>, vector<1x16xf32>,
      %swap3A_213 = vector.shape_cast %swap3A_212 : vector<1x16xf32> to vector<16xf32>
      %swap3A_214 = vector.shape_cast %mul3A_209 : vector<16xf32> to vector<1x16xf32>
      tpu.vector_store %arg9[%swap3A_210, %swap3A_211], %swap3A_214 {strides = array<i32>} : memref<80x128xf32, #tpu.memory_space<vmem>>, vector<1x16xf32>,
    }
    %scan3A_101 = arith.constant 80 : i32
    %run_scoped3A = arith.constant 0 : i32
    %run_scoped3A_102 = arith.constant 1 : i32
    "tpu.region"() ({
      %run_scoped3A_104 = tpu.sem_alloc : memref<!tpu.dma_semaphore, #tpu.memory_space<semaphore_mem>>
      %dma_start3A_105 = arith.constant 0 : i32
      %dma_start3A_106 = tpu.memref_slice %arg6[%run_scoped3A, %run_scoped3A_102, %dma_start3A_105] : memref<2x2x80xi32, #tpu.memory_space<vmem>> -> memref<1x1x80xi32, #tpu.memory_space<vmem>>
      %dma_start3A_107 = tpu.memref_squeeze %dma_start3A_106 : memref<1x1x80xi32, #tpu.memory_space<vmem>> -> memref<80xi32, #tpu.memory_space<vmem>>
      %dma_start3A_108 = arith.constant 0 : i32
      %dma_start3A_109 = arith.constant 0 : i32
      %dma_start3A_110 = tpu.memref_slice %arg11[%dma_start3A_108, %dma_start3A_109] : memref<10240x128xf32, #tpu.memory_space<vmem_shared>> -> memref<10240x128xf32, #tpu.memory_space<vmem_shared>>
      tpu.enqueue_indirect_dma source(%arg9 : memref<80x128xf32, #tpu.memory_space<vmem>>) target(%dma_start3A_110 : memref<10240x128xf32, #tpu.memory_space<vmem_shared>>) offsets(%dma_start3A_107 : memref<80xi32, #tpu.memory_space<vmem>>) semaphore(%run_scoped3A_104 : memref<!tpu.dma_semaphore, #tpu.memory_space<semaphore_mem>>) {add = true}
      %dma_wait3A_111 = arith.constant 0 : i32
      %dma_wait3A_112 = tpu.memref_slice %arg6[%run_scoped3A, %run_scoped3A_102, %dma_wait3A_111] : memref<2x2x80xi32, #tpu.memory_space<vmem>> -> memref<1x1x80xi32, #tpu.memory_space<vmem>>
      %dma_wait3A_113 = tpu.memref_squeeze %dma_wait3A_112 : memref<1x1x80xi32, #tpu.memory_space<vmem>> -> memref<80xi32, #tpu.memory_space<vmem>>
      %dma_wait3A_114 = arith.constant 0 : i32
      %dma_wait3A_115 = arith.constant 0 : i32
      %dma_wait3A_116 = tpu.memref_slice %arg11[%dma_wait3A_114, %dma_wait3A_115] : memref<10240x128xf32, #tpu.memory_space<vmem_shared>> -> memref<10240x128xf32, #tpu.memory_space<vmem_shared>>
      tpu.wait_indirect_dma semaphore(%run_scoped3A_104 : memref<!tpu.dma_semaphore, #tpu.memory_space<semaphore_mem>>) src(%arg9 : memref<80x128xf32, #tpu.memory_space<vmem>>) dst(%dma_wait3A_116 : memref<10240x128xf32, #tpu.memory_space<vmem_shared>>)
      tpu.yield
    }) : () -> ()
    %barrier3A_103 = arith.constant 0 : index
    tpu.barrier barrier_id(%barrier3A_103)
    "tpu.region"() ({
      %run_scoped3A_104 = tpu.sem_alloc : memref<!tpu.dma_semaphore, #tpu.memory_space<semaphore_mem>>
      %dma_start3A_105 = arith.constant 0 : i32
      %dma_start3A_106 = arith.constant 0 : i32
      %dma_start3A_107 = tpu.memref_slice %arg5[%arg0, %arg1, %dma_start3A_105, %dma_start3A_106] : memref<2x16x640x128xf32, #tpu.memory_space<hbm>> -> memref<1x1x640x128xf32, #tpu.memory_space<hbm>>
      %dma_start3A_108 = tpu.memref_squeeze %dma_start3A_107 : memref<1x1x640x128xf32, #tpu.memory_space<hbm>> -> memref<640x128xf32, #tpu.memory_space<hbm>>
      %dma_start3A_109 = arith.constant 0 : i32
      %dma_start3A_110 = tpu.memref_slice %arg11[%multiple_of3A, %dma_start3A_109] : memref<10240x128xf32, #tpu.memory_space<vmem_shared>> -> memref<640x128xf32, #tpu.memory_space<vmem_shared>>
      tpu.enqueue_dma source(%dma_start3A_110 : memref<640x128xf32, #tpu.memory_space<vmem_shared>>) target(%dma_start3A_108 : memref<640x128xf32, #tpu.memory_space<hbm>>) target_semaphore(%run_scoped3A_104 : memref<!tpu.dma_semaphore, #tpu.memory_space<semaphore_mem>>)
      %dma_wait3A_111 = arith.constant 0 : i32
      %dma_wait3A_112 = arith.constant 0 : i32
      %dma_wait3A_113 = tpu.memref_slice %arg5[%arg0, %arg1, %dma_wait3A_111, %dma_wait3A_112] : memref<2x16x640x128xf32, #tpu.memory_space<hbm>> -> memref<1x1x640x128xf32, #tpu.memory_space<hbm>>
      %dma_wait3A_114 = tpu.memref_squeeze %dma_wait3A_113 : memref<1x1x640x128xf32, #tpu.memory_space<hbm>> -> memref<640x128xf32, #tpu.memory_space<hbm>>
      %dma_wait3A_115 = arith.constant 0 : i32
      %dma_wait3A_116 = tpu.memref_slice %arg11[%multiple_of3A, %dma_wait3A_115] : memref<10240x128xf32, #tpu.memory_space<vmem_shared>> -> memref<640x128xf32, #tpu.memory_space<vmem_shared>>
      tpu.wait_dma2 semaphore(%run_scoped3A_104 : memref<!tpu.dma_semaphore, #tpu.memory_space<semaphore_mem>>) src(%dma_wait3A_116 : memref<640x128xf32, #tpu.memory_space<vmem_shared>>) dst(%dma_wait3A_114 : memref<640x128xf32, #tpu.memory_space<hbm>>)
      tpu.yield
    }) : () -> ()
    return
  }
}

#map = affine_map<(d0, d1) -> (0, 0)>
#map1 = affine_map<(d0, d1) -> (0, 0, 0, 0)>
module attributes {stable_mosaic.version = 14 : i64} {
  func.func @_edge_vec_sc(%arg0: i32, %arg1: i32, %arg2: memref<10000x16xf32, #tpu.memory_space<hbm>>, %arg3: memref<32x125x2x80xi32, #tpu.memory_space<hbm>>, %arg4: memref<32x125x80x16xf32, #tpu.memory_space<hbm>>, %arg5: memref<2x2x80xi32, #tpu.memory_space<vmem>>, %arg6: memref<80x16xf32, #tpu.memory_space<vmem>>, %arg7: memref<80x16xf32, #tpu.memory_space<vmem>>, %arg8: memref<80x16xf32, #tpu.memory_space<vmem>>, %arg9: memref<80x16xf32, #tpu.memory_space<vmem>>, %arg10: memref<80x16xf32, #tpu.memory_space<vmem>>, %arg11: memref<80x16xf32, #tpu.memory_space<vmem>>, %arg12: memref<!tpu.dma_semaphore, #tpu.memory_space<semaphore_mem>>, %arg13: memref<!tpu.dma_semaphore, #tpu.memory_space<semaphore_mem>>, %arg14: memref<!tpu.dma_semaphore, #tpu.memory_space<semaphore_mem>>, %arg15: memref<!tpu.dma_semaphore, #tpu.memory_space<semaphore_mem>>) attributes {dimension_semantics = [#tpu.dimension_semantics<core_parallel>, #tpu.dimension_semantics<subcore_parallel>], iteration_bounds = array<i64: 2, 16>, scalar_prefetch = 0 : i64, scratch_operands = 11 : i64, tpu.core_type = #tpu.core_type<sc_vector_subcore>, window_params = [{transform_indices = #map}, {transform_indices = #map1}, {transform_indices = #map1}]} {
    %mul3A = arith.constant 16 : i32
    %mul3A_0 = arith.muli %arg0, %mul3A : i32
    %add3A = arith.addi %mul3A_0, %arg1 : i32
    "tpu.region"() ({
      %run_scoped3A_74 = tpu.sem_alloc : memref<!tpu.dma_semaphore, #tpu.memory_space<semaphore_mem>>
      %dma_start3A_75 = arith.constant 0 : i32
      %dma_start3A_76 = arith.constant 0 : i32
      %dma_start3A_77 = arith.constant 0 : i32
      %dma_start3A_78 = tpu.memref_slice %arg3[%add3A, %dma_start3A_75, %dma_start3A_76, %dma_start3A_77] : memref<32x125x2x80xi32, #tpu.memory_space<hbm>> -> memref<1x2x2x80xi32, #tpu.memory_space<hbm>>
      %dma_start3A_79 = tpu.memref_squeeze %dma_start3A_78 : memref<1x2x2x80xi32, #tpu.memory_space<hbm>> -> memref<2x2x80xi32, #tpu.memory_space<hbm>>
      %dma_start3A_80 = arith.constant 0 : i32
      %dma_start3A_81 = arith.constant 0 : i32
      %dma_start3A_82 = arith.constant 0 : i32
      %dma_start3A_83 = tpu.memref_slice %arg3[%add3A, %dma_start3A_80, %dma_start3A_81, %dma_start3A_82] : memref<32x125x2x80xi32, #tpu.memory_space<hbm>> -> memref<1x2x2x80xi32, #tpu.memory_space<hbm>>
      %dma_start3A_84 = tpu.memref_squeeze %dma_start3A_83 : memref<1x2x2x80xi32, #tpu.memory_space<hbm>> -> memref<2x2x80xi32, #tpu.memory_space<hbm>>
      tpu.enqueue_dma source(%dma_start3A_84 : memref<2x2x80xi32, #tpu.memory_space<hbm>>) target(%arg5 : memref<2x2x80xi32, #tpu.memory_space<vmem>>) target_semaphore(%run_scoped3A_74 : memref<!tpu.dma_semaphore, #tpu.memory_space<semaphore_mem>>)
      %dma_wait3A_85 = arith.constant 0 : i32
      %dma_wait3A_86 = arith.constant 0 : i32
      %dma_wait3A_87 = arith.constant 0 : i32
      %dma_wait3A_88 = tpu.memref_slice %arg3[%add3A, %dma_wait3A_85, %dma_wait3A_86, %dma_wait3A_87] : memref<32x125x2x80xi32, #tpu.memory_space<hbm>> -> memref<1x2x2x80xi32, #tpu.memory_space<hbm>>
      %dma_wait3A_89 = tpu.memref_squeeze %dma_wait3A_88 : memref<1x2x2x80xi32, #tpu.memory_space<hbm>> -> memref<2x2x80xi32, #tpu.memory_space<hbm>>
      %dma_wait3A_90 = arith.constant 0 : i32
      %dma_wait3A_91 = arith.constant 0 : i32
      %dma_wait3A_92 = arith.constant 0 : i32
      %dma_wait3A_93 = tpu.memref_slice %arg3[%add3A, %dma_wait3A_90, %dma_wait3A_91, %dma_wait3A_92] : memref<32x125x2x80xi32, #tpu.memory_space<hbm>> -> memref<1x2x2x80xi32, #tpu.memory_space<hbm>>
      %dma_wait3A_94 = tpu.memref_squeeze %dma_wait3A_93 : memref<1x2x2x80xi32, #tpu.memory_space<hbm>> -> memref<2x2x80xi32, #tpu.memory_space<hbm>>
      tpu.wait_dma2 semaphore(%run_scoped3A_74 : memref<!tpu.dma_semaphore, #tpu.memory_space<semaphore_mem>>) src(%dma_wait3A_94 : memref<2x2x80xi32, #tpu.memory_space<hbm>>) dst(%arg5 : memref<2x2x80xi32, #tpu.memory_space<vmem>>)
      tpu.yield
    }) : () -> ()
    %dma_start3A = arith.constant 0 : i32
    %dma_start3A_1 = arith.constant 0 : i32
    %dma_start3A_2 = arith.constant 0 : i32
    %dma_start3A_3 = tpu.memref_slice %arg5[%dma_start3A, %dma_start3A_1, %dma_start3A_2] : memref<2x2x80xi32, #tpu.memory_space<vmem>> -> memref<1x1x80xi32, #tpu.memory_space<vmem>>
    %dma_start3A_4 = tpu.memref_squeeze %dma_start3A_3 : memref<1x1x80xi32, #tpu.memory_space<vmem>> -> memref<80xi32, #tpu.memory_space<vmem>>
    %dma_start3A_5 = arith.constant 0 : i32
    %dma_start3A_6 = arith.constant 0 : i32
    %dma_start3A_7 = tpu.memref_slice %arg2[%dma_start3A_5, %dma_start3A_6] : memref<10000x16xf32, #tpu.memory_space<hbm>> -> memref<10000x16xf32, #tpu.memory_space<hbm>>
    tpu.enqueue_indirect_dma source(%dma_start3A_7 : memref<10000x16xf32, #tpu.memory_space<hbm>>) target(%arg6 : memref<80x16xf32, #tpu.memory_space<vmem>>) offsets(%dma_start3A_4 : memref<80xi32, #tpu.memory_space<vmem>>) semaphore(%arg12 : memref<!tpu.dma_semaphore, #tpu.memory_space<semaphore_mem>>)
    %dma_start3A_8 = arith.constant 0 : i32
    %dma_start3A_9 = arith.constant 1 : i32
    %dma_start3A_10 = arith.constant 0 : i32
    %dma_start3A_11 = tpu.memref_slice %arg5[%dma_start3A_8, %dma_start3A_9, %dma_start3A_10] : memref<2x2x80xi32, #tpu.memory_space<vmem>> -> memref<1x1x80xi32, #tpu.memory_space<vmem>>
    %dma_start3A_12 = tpu.memref_squeeze %dma_start3A_11 : memref<1x1x80xi32, #tpu.memory_space<vmem>> -> memref<80xi32, #tpu.memory_space<vmem>>
    %dma_start3A_13 = arith.constant 0 : i32
    %dma_start3A_14 = arith.constant 0 : i32
    %dma_start3A_15 = tpu.memref_slice %arg2[%dma_start3A_13, %dma_start3A_14] : memref<10000x16xf32, #tpu.memory_space<hbm>> -> memref<10000x16xf32, #tpu.memory_space<hbm>>
    tpu.enqueue_indirect_dma source(%dma_start3A_15 : memref<10000x16xf32, #tpu.memory_space<hbm>>) target(%arg8 : memref<80x16xf32, #tpu.memory_space<vmem>>) offsets(%dma_start3A_12 : memref<80xi32, #tpu.memory_space<vmem>>) semaphore(%arg12 : memref<!tpu.dma_semaphore, #tpu.memory_space<semaphore_mem>>)
    %dma_start3A_16 = arith.constant 1 : i32
    %dma_start3A_17 = arith.constant 0 : i32
    %dma_start3A_18 = arith.constant 0 : i32
    %dma_start3A_19 = tpu.memref_slice %arg5[%dma_start3A_16, %dma_start3A_17, %dma_start3A_18] : memref<2x2x80xi32, #tpu.memory_space<vmem>> -> memref<1x1x80xi32, #tpu.memory_space<vmem>>
    %dma_start3A_20 = tpu.memref_squeeze %dma_start3A_19 : memref<1x1x80xi32, #tpu.memory_space<vmem>> -> memref<80xi32, #tpu.memory_space<vmem>>
    %dma_start3A_21 = arith.constant 0 : i32
    %dma_start3A_22 = arith.constant 0 : i32
    %dma_start3A_23 = tpu.memref_slice %arg2[%dma_start3A_21, %dma_start3A_22] : memref<10000x16xf32, #tpu.memory_space<hbm>> -> memref<10000x16xf32, #tpu.memory_space<hbm>>
    tpu.enqueue_indirect_dma source(%dma_start3A_23 : memref<10000x16xf32, #tpu.memory_space<hbm>>) target(%arg7 : memref<80x16xf32, #tpu.memory_space<vmem>>) offsets(%dma_start3A_20 : memref<80xi32, #tpu.memory_space<vmem>>) semaphore(%arg13 : memref<!tpu.dma_semaphore, #tpu.memory_space<semaphore_mem>>)
    %dma_start3A_24 = arith.constant 1 : i32
    %dma_start3A_25 = arith.constant 1 : i32
    %dma_start3A_26 = arith.constant 0 : i32
    %dma_start3A_27 = tpu.memref_slice %arg5[%dma_start3A_24, %dma_start3A_25, %dma_start3A_26] : memref<2x2x80xi32, #tpu.memory_space<vmem>> -> memref<1x1x80xi32, #tpu.memory_space<vmem>>
    %dma_start3A_28 = tpu.memref_squeeze %dma_start3A_27 : memref<1x1x80xi32, #tpu.memory_space<vmem>> -> memref<80xi32, #tpu.memory_space<vmem>>
    %dma_start3A_29 = arith.constant 0 : i32
    %dma_start3A_30 = arith.constant 0 : i32
    %dma_start3A_31 = tpu.memref_slice %arg2[%dma_start3A_29, %dma_start3A_30] : memref<10000x16xf32, #tpu.memory_space<hbm>> -> memref<10000x16xf32, #tpu.memory_space<hbm>>
    tpu.enqueue_indirect_dma source(%dma_start3A_31 : memref<10000x16xf32, #tpu.memory_space<hbm>>) target(%arg9 : memref<80x16xf32, #tpu.memory_space<vmem>>) offsets(%dma_start3A_28 : memref<80xi32, #tpu.memory_space<vmem>>) semaphore(%arg13 : memref<!tpu.dma_semaphore, #tpu.memory_space<semaphore_mem>>)
    %scan3A = arith.constant 0 : i32
    %scan3A_32 = arith.constant 0 : i32
    %scan3A_33 = arith.constant 62 : i32
    %scan3A_34 = arith.addi %scan3A_32, %scan3A_33 : i32
    %scan3A_35 = arith.constant 1 : i32
    scf.for %scan3A_74 = %scan3A_32 to %scan3A_34 step %scan3A_35  : i32 {
      %dma_wait3A_75 = arith.constant 0 : i32
      %dma_wait3A_76 = arith.constant 0 : i32
      %dma_wait3A_77 = arith.constant 0 : i32
      %dma_wait3A_78 = tpu.memref_slice %arg5[%dma_wait3A_75, %dma_wait3A_76, %dma_wait3A_77] : memref<2x2x80xi32, #tpu.memory_space<vmem>> -> memref<1x1x80xi32, #tpu.memory_space<vmem>>
      %dma_wait3A_79 = tpu.memref_squeeze %dma_wait3A_78 : memref<1x1x80xi32, #tpu.memory_space<vmem>> -> memref<80xi32, #tpu.memory_space<vmem>>
      %dma_wait3A_80 = arith.constant 0 : i32
      %dma_wait3A_81 = arith.constant 0 : i32
      %dma_wait3A_82 = tpu.memref_slice %arg2[%dma_wait3A_80, %dma_wait3A_81] : memref<10000x16xf32, #tpu.memory_space<hbm>> -> memref<10000x16xf32, #tpu.memory_space<hbm>>
      tpu.wait_indirect_dma semaphore(%arg12 : memref<!tpu.dma_semaphore, #tpu.memory_space<semaphore_mem>>) src(%dma_wait3A_82 : memref<10000x16xf32, #tpu.memory_space<hbm>>) dst(%arg6 : memref<80x16xf32, #tpu.memory_space<vmem>>)
      %dma_wait3A_83 = arith.constant 0 : i32
      %dma_wait3A_84 = arith.constant 1 : i32
      %dma_wait3A_85 = arith.constant 0 : i32
      %dma_wait3A_86 = tpu.memref_slice %arg5[%dma_wait3A_83, %dma_wait3A_84, %dma_wait3A_85] : memref<2x2x80xi32, #tpu.memory_space<vmem>> -> memref<1x1x80xi32, #tpu.memory_space<vmem>>
      %dma_wait3A_87 = tpu.memref_squeeze %dma_wait3A_86 : memref<1x1x80xi32, #tpu.memory_space<vmem>> -> memref<80xi32, #tpu.memory_space<vmem>>
      %dma_wait3A_88 = arith.constant 0 : i32
      %dma_wait3A_89 = arith.constant 0 : i32
      %dma_wait3A_90 = tpu.memref_slice %arg2[%dma_wait3A_88, %dma_wait3A_89] : memref<10000x16xf32, #tpu.memory_space<hbm>> -> memref<10000x16xf32, #tpu.memory_space<hbm>>
      tpu.wait_indirect_dma semaphore(%arg12 : memref<!tpu.dma_semaphore, #tpu.memory_space<semaphore_mem>>) src(%dma_wait3A_90 : memref<10000x16xf32, #tpu.memory_space<hbm>>) dst(%arg8 : memref<80x16xf32, #tpu.memory_space<vmem>>)
      %scan3A_91 = arith.constant 0 : i32
      %scan3A_92 = arith.constant 0 : i32
      %scan3A_93 = arith.constant 80 : i32
      %scan3A_94 = arith.addi %scan3A_92, %scan3A_93 : i32
      %scan3A_95 = arith.constant 1 : i32
      scf.for %scan3A_159 = %scan3A_92 to %scan3A_94 step %scan3A_95  : i32 {
        %get3A = arith.index_cast %scan3A_159 : i32 to index
        %get3A_160 = arith.constant 0 : index
        %get3A_161 = tpu.vector_load %arg8[%get3A, %get3A_160] {strides = array<i32>} : memref<80x16xf32, #tpu.memory_space<vmem>>, vector<1x16xf32>,
        %get3A_162 = vector.shape_cast %get3A_161 : vector<1x16xf32> to vector<16xf32>
        %get3A_163 = arith.index_cast %scan3A_159 : i32 to index
        %get3A_164 = arith.constant 0 : index
        %get3A_165 = tpu.vector_load %arg6[%get3A_163, %get3A_164] {strides = array<i32>} : memref<80x16xf32, #tpu.memory_space<vmem>>, vector<1x16xf32>,
        %get3A_166 = vector.shape_cast %get3A_165 : vector<1x16xf32> to vector<16xf32>
        %sub3A = arith.subf %get3A_162, %get3A_166 : vector<16xf32>
        %swap3A = arith.index_cast %scan3A_159 : i32 to index
        %swap3A_167 = arith.constant 0 : index
        %swap3A_168 = tpu.vector_load %arg10[%swap3A, %swap3A_167] {strides = array<i32>} : memref<80x16xf32, #tpu.memory_space<vmem>>, vector<1x16xf32>,
        %swap3A_169 = vector.shape_cast %swap3A_168 : vector<1x16xf32> to vector<16xf32>
        %swap3A_170 = vector.shape_cast %sub3A : vector<16xf32> to vector<1x16xf32>
        tpu.vector_store %arg10[%swap3A, %swap3A_167], %swap3A_170 {strides = array<i32>} : memref<80x16xf32, #tpu.memory_space<vmem>>, vector<1x16xf32>,
      }
      %scan3A_96 = arith.constant 80 : i32
      %dma_wait3A_97 = arith.constant 1 : i32
      %dma_wait3A_98 = arith.constant 0 : i32
      %dma_wait3A_99 = arith.constant 0 : i32
      %dma_wait3A_100 = tpu.memref_slice %arg5[%dma_wait3A_97, %dma_wait3A_98, %dma_wait3A_99] : memref<2x2x80xi32, #tpu.memory_space<vmem>> -> memref<1x1x80xi32, #tpu.memory_space<vmem>>
      %dma_wait3A_101 = tpu.memref_squeeze %dma_wait3A_100 : memref<1x1x80xi32, #tpu.memory_space<vmem>> -> memref<80xi32, #tpu.memory_space<vmem>>
      %dma_wait3A_102 = arith.constant 0 : i32
      %dma_wait3A_103 = arith.constant 0 : i32
      %dma_wait3A_104 = tpu.memref_slice %arg2[%dma_wait3A_102, %dma_wait3A_103] : memref<10000x16xf32, #tpu.memory_space<hbm>> -> memref<10000x16xf32, #tpu.memory_space<hbm>>
      tpu.wait_indirect_dma semaphore(%arg13 : memref<!tpu.dma_semaphore, #tpu.memory_space<semaphore_mem>>) src(%dma_wait3A_104 : memref<10000x16xf32, #tpu.memory_space<hbm>>) dst(%arg7 : memref<80x16xf32, #tpu.memory_space<vmem>>)
      %dma_wait3A_105 = arith.constant 1 : i32
      %dma_wait3A_106 = arith.constant 1 : i32
      %dma_wait3A_107 = arith.constant 0 : i32
      %dma_wait3A_108 = tpu.memref_slice %arg5[%dma_wait3A_105, %dma_wait3A_106, %dma_wait3A_107] : memref<2x2x80xi32, #tpu.memory_space<vmem>> -> memref<1x1x80xi32, #tpu.memory_space<vmem>>
      %dma_wait3A_109 = tpu.memref_squeeze %dma_wait3A_108 : memref<1x1x80xi32, #tpu.memory_space<vmem>> -> memref<80xi32, #tpu.memory_space<vmem>>
      %dma_wait3A_110 = arith.constant 0 : i32
      %dma_wait3A_111 = arith.constant 0 : i32
      %dma_wait3A_112 = tpu.memref_slice %arg2[%dma_wait3A_110, %dma_wait3A_111] : memref<10000x16xf32, #tpu.memory_space<hbm>> -> memref<10000x16xf32, #tpu.memory_space<hbm>>
      tpu.wait_indirect_dma semaphore(%arg13 : memref<!tpu.dma_semaphore, #tpu.memory_space<semaphore_mem>>) src(%dma_wait3A_112 : memref<10000x16xf32, #tpu.memory_space<hbm>>) dst(%arg9 : memref<80x16xf32, #tpu.memory_space<vmem>>)
      %scan3A_113 = arith.constant 0 : i32
      %scan3A_114 = arith.constant 0 : i32
      %scan3A_115 = arith.constant 80 : i32
      %scan3A_116 = arith.addi %scan3A_114, %scan3A_115 : i32
      %scan3A_117 = arith.constant 1 : i32
      scf.for %scan3A_159 = %scan3A_114 to %scan3A_116 step %scan3A_117  : i32 {
        %get3A = arith.index_cast %scan3A_159 : i32 to index
        %get3A_160 = arith.constant 0 : index
        %get3A_161 = tpu.vector_load %arg9[%get3A, %get3A_160] {strides = array<i32>} : memref<80x16xf32, #tpu.memory_space<vmem>>, vector<1x16xf32>,
        %get3A_162 = vector.shape_cast %get3A_161 : vector<1x16xf32> to vector<16xf32>
        %get3A_163 = arith.index_cast %scan3A_159 : i32 to index
        %get3A_164 = arith.constant 0 : index
        %get3A_165 = tpu.vector_load %arg7[%get3A_163, %get3A_164] {strides = array<i32>} : memref<80x16xf32, #tpu.memory_space<vmem>>, vector<1x16xf32>,
        %get3A_166 = vector.shape_cast %get3A_165 : vector<1x16xf32> to vector<16xf32>
        %sub3A = arith.subf %get3A_162, %get3A_166 : vector<16xf32>
        %swap3A = arith.index_cast %scan3A_159 : i32 to index
        %swap3A_167 = arith.constant 0 : index
        %swap3A_168 = tpu.vector_load %arg11[%swap3A, %swap3A_167] {strides = array<i32>} : memref<80x16xf32, #tpu.memory_space<vmem>>, vector<1x16xf32>,
        %swap3A_169 = vector.shape_cast %swap3A_168 : vector<1x16xf32> to vector<16xf32>
        %swap3A_170 = vector.shape_cast %sub3A : vector<16xf32> to vector<1x16xf32>
        tpu.vector_store %arg11[%swap3A, %swap3A_167], %swap3A_170 {strides = array<i32>} : memref<80x16xf32, #tpu.memory_space<vmem>>, vector<1x16xf32>,
      }
      %scan3A_118 = arith.constant 80 : i32
      %mul3A_119 = arith.constant 2 : i32
      %mul3A_120 = arith.muli %mul3A_119, %scan3A_74 : i32
      %dma_start3A_121 = arith.constant 0 : i32
      %dma_start3A_122 = arith.constant 0 : i32
      %dma_start3A_123 = tpu.memref_slice %arg4[%add3A, %mul3A_120, %dma_start3A_121, %dma_start3A_122] : memref<32x125x80x16xf32, #tpu.memory_space<hbm>> -> memref<1x1x80x16xf32, #tpu.memory_space<hbm>>
      %dma_start3A_124 = tpu.memref_squeeze %dma_start3A_123 : memref<1x1x80x16xf32, #tpu.memory_space<hbm>> -> memref<80x16xf32, #tpu.memory_space<hbm>>
      %dma_start3A_125 = arith.constant 0 : i32
      %dma_start3A_126 = arith.constant 0 : i32
      %dma_start3A_127 = tpu.memref_slice %arg4[%add3A, %mul3A_120, %dma_start3A_125, %dma_start3A_126] : memref<32x125x80x16xf32, #tpu.memory_space<hbm>> -> memref<1x1x80x16xf32, #tpu.memory_space<hbm>>
      %dma_start3A_128 = tpu.memref_squeeze %dma_start3A_127 : memref<1x1x80x16xf32, #tpu.memory_space<hbm>> -> memref<80x16xf32, #tpu.memory_space<hbm>>
      tpu.enqueue_dma source(%arg10 : memref<80x16xf32, #tpu.memory_space<vmem>>) target(%dma_start3A_128 : memref<80x16xf32, #tpu.memory_space<hbm>>) target_semaphore(%arg14 : memref<!tpu.dma_semaphore, #tpu.memory_space<semaphore_mem>>)
      %mul3A_129 = arith.constant 2 : i32
      %mul3A_130 = arith.muli %mul3A_129, %scan3A_74 : i32
      %add3A_131 = arith.constant 1 : i32
      %add3A_132 = arith.addi %mul3A_130, %add3A_131 : i32
      %dma_start3A_133 = arith.constant 0 : i32
      %dma_start3A_134 = arith.constant 0 : i32
      %dma_start3A_135 = tpu.memref_slice %arg4[%add3A, %add3A_132, %dma_start3A_133, %dma_start3A_134] : memref<32x125x80x16xf32, #tpu.memory_space<hbm>> -> memref<1x1x80x16xf32, #tpu.memory_space<hbm>>
      %dma_start3A_136 = tpu.memref_squeeze %dma_start3A_135 : memref<1x1x80x16xf32, #tpu.memory_space<hbm>> -> memref<80x16xf32, #tpu.memory_space<hbm>>
      %dma_start3A_137 = arith.constant 0 : i32
      %dma_start3A_138 = arith.constant 0 : i32
      %dma_start3A_139 = tpu.memref_slice %arg4[%add3A, %add3A_132, %dma_start3A_137, %dma_start3A_138] : memref<32x125x80x16xf32, #tpu.memory_space<hbm>> -> memref<1x1x80x16xf32, #tpu.memory_space<hbm>>
      %dma_start3A_140 = tpu.memref_squeeze %dma_start3A_139 : memref<1x1x80x16xf32, #tpu.memory_space<hbm>> -> memref<80x16xf32, #tpu.memory_space<hbm>>
      tpu.enqueue_dma source(%arg11 : memref<80x16xf32, #tpu.memory_space<vmem>>) target(%dma_start3A_140 : memref<80x16xf32, #tpu.memory_space<hbm>>) target_semaphore(%arg15 : memref<!tpu.dma_semaphore, #tpu.memory_space<semaphore_mem>>)
      %dma_wait3A_141 = arith.constant 0 : i32
      %dma_wait3A_142 = arith.constant 0 : i32
      %dma_wait3A_143 = tpu.memref_slice %arg4[%add3A, %mul3A_120, %dma_wait3A_141, %dma_wait3A_142] : memref<32x125x80x16xf32, #tpu.memory_space<hbm>> -> memref<1x1x80x16xf32, #tpu.memory_space<hbm>>
      %dma_wait3A_144 = tpu.memref_squeeze %dma_wait3A_143 : memref<1x1x80x16xf32, #tpu.memory_space<hbm>> -> memref<80x16xf32, #tpu.memory_space<hbm>>
      %dma_wait3A_145 = arith.constant 0 : i32
      %dma_wait3A_146 = arith.constant 0 : i32
      %dma_wait3A_147 = tpu.memref_slice %arg4[%add3A, %mul3A_120, %dma_wait3A_145, %dma_wait3A_146] : memref<32x125x80x16xf32, #tpu.memory_space<hbm>> -> memref<1x1x80x16xf32, #tpu.memory_space<hbm>>
      %dma_wait3A_148 = tpu.memref_squeeze %dma_wait3A_147 : memref<1x1x80x16xf32, #tpu.memory_space<hbm>> -> memref<80x16xf32, #tpu.memory_space<hbm>>
      tpu.wait_dma2 semaphore(%arg14 : memref<!tpu.dma_semaphore, #tpu.memory_space<semaphore_mem>>) src(%arg10 : memref<80x16xf32, #tpu.memory_space<vmem>>) dst(%dma_wait3A_148 : memref<80x16xf32, #tpu.memory_space<hbm>>)
      %dma_wait3A_149 = arith.constant 0 : i32
      %dma_wait3A_150 = arith.constant 0 : i32
      %dma_wait3A_151 = tpu.memref_slice %arg4[%add3A, %add3A_132, %dma_wait3A_149, %dma_wait3A_150] : memref<32x125x80x16xf32, #tpu.memory_space<hbm>> -> memref<1x1x80x16xf32, #tpu.memory_space<hbm>>
      %dma_wait3A_152 = tpu.memref_squeeze %dma_wait3A_151 : memref<1x1x80x16xf32, #tpu.memory_space<hbm>> -> memref<80x16xf32, #tpu.memory_space<hbm>>
      %dma_wait3A_153 = arith.constant 0 : i32
      %dma_wait3A_154 = arith.constant 0 : i32
      %dma_wait3A_155 = tpu.memref_slice %arg4[%add3A, %add3A_132, %dma_wait3A_153, %dma_wait3A_154] : memref<32x125x80x16xf32, #tpu.memory_space<hbm>> -> memref<1x1x80x16xf32, #tpu.memory_space<hbm>>
      %dma_wait3A_156 = tpu.memref_squeeze %dma_wait3A_155 : memref<1x1x80x16xf32, #tpu.memory_space<hbm>> -> memref<80x16xf32, #tpu.memory_space<hbm>>
      tpu.wait_dma2 semaphore(%arg15 : memref<!tpu.dma_semaphore, #tpu.memory_space<semaphore_mem>>) src(%arg11 : memref<80x16xf32, #tpu.memory_space<vmem>>) dst(%dma_wait3A_156 : memref<80x16xf32, #tpu.memory_space<hbm>>)
      %lt3A = arith.constant 61 : i32
      %lt3A_157 = arith.cmpi slt, %scan3A_74, %lt3A : i32
      %convert_element_type3A = arith.extui %lt3A_157 : i1 to i32
      %cond3A = arith.constant 0 : i32
      %cond3A_158 = arith.cmpi ne, %convert_element_type3A, %cond3A : i32
      scf.if %cond3A_158 {
        %mul3A_159 = arith.constant 2 : i32
        %mul3A_160 = arith.muli %mul3A_159, %scan3A_74 : i32
        %add3A_161 = arith.constant 2 : i32
        %add3A_162 = arith.addi %mul3A_160, %add3A_161 : i32
        "tpu.region"() ({
          %run_scoped3A_195 = tpu.sem_alloc : memref<!tpu.dma_semaphore, #tpu.memory_space<semaphore_mem>>
          %dma_start3A_196 = arith.constant 0 : i32
          %dma_start3A_197 = arith.constant 0 : i32
          %dma_start3A_198 = tpu.memref_slice %arg3[%add3A, %add3A_162, %dma_start3A_196, %dma_start3A_197] : memref<32x125x2x80xi32, #tpu.memory_space<hbm>> -> memref<1x2x2x80xi32, #tpu.memory_space<hbm>>
          %dma_start3A_199 = tpu.memref_squeeze %dma_start3A_198 : memref<1x2x2x80xi32, #tpu.memory_space<hbm>> -> memref<2x2x80xi32, #tpu.memory_space<hbm>>
          %dma_start3A_200 = arith.constant 0 : i32
          %dma_start3A_201 = arith.constant 0 : i32
          %dma_start3A_202 = tpu.memref_slice %arg3[%add3A, %add3A_162, %dma_start3A_200, %dma_start3A_201] : memref<32x125x2x80xi32, #tpu.memory_space<hbm>> -> memref<1x2x2x80xi32, #tpu.memory_space<hbm>>
          %dma_start3A_203 = tpu.memref_squeeze %dma_start3A_202 : memref<1x2x2x80xi32, #tpu.memory_space<hbm>> -> memref<2x2x80xi32, #tpu.memory_space<hbm>>
          tpu.enqueue_dma source(%dma_start3A_203 : memref<2x2x80xi32, #tpu.memory_space<hbm>>) target(%arg5 : memref<2x2x80xi32, #tpu.memory_space<vmem>>) target_semaphore(%run_scoped3A_195 : memref<!tpu.dma_semaphore, #tpu.memory_space<semaphore_mem>>)
          %dma_wait3A_204 = arith.constant 0 : i32
          %dma_wait3A_205 = arith.constant 0 : i32
          %dma_wait3A_206 = tpu.memref_slice %arg3[%add3A, %add3A_162, %dma_wait3A_204, %dma_wait3A_205] : memref<32x125x2x80xi32, #tpu.memory_space<hbm>> -> memref<1x2x2x80xi32, #tpu.memory_space<hbm>>
          %dma_wait3A_207 = tpu.memref_squeeze %dma_wait3A_206 : memref<1x2x2x80xi32, #tpu.memory_space<hbm>> -> memref<2x2x80xi32, #tpu.memory_space<hbm>>
          %dma_wait3A_208 = arith.constant 0 : i32
          %dma_wait3A_209 = arith.constant 0 : i32
          %dma_wait3A_210 = tpu.memref_slice %arg3[%add3A, %add3A_162, %dma_wait3A_208, %dma_wait3A_209] : memref<32x125x2x80xi32, #tpu.memory_space<hbm>> -> memref<1x2x2x80xi32, #tpu.memory_space<hbm>>
          %dma_wait3A_211 = tpu.memref_squeeze %dma_wait3A_210 : memref<1x2x2x80xi32, #tpu.memory_space<hbm>> -> memref<2x2x80xi32, #tpu.memory_space<hbm>>
          tpu.wait_dma2 semaphore(%run_scoped3A_195 : memref<!tpu.dma_semaphore, #tpu.memory_space<semaphore_mem>>) src(%dma_wait3A_211 : memref<2x2x80xi32, #tpu.memory_space<hbm>>) dst(%arg5 : memref<2x2x80xi32, #tpu.memory_space<vmem>>)
          tpu.yield
        }) : () -> ()
        %dma_start3A_163 = arith.constant 0 : i32
        %dma_start3A_164 = arith.constant 0 : i32
        %dma_start3A_165 = arith.constant 0 : i32
        %dma_start3A_166 = tpu.memref_slice %arg5[%dma_start3A_163, %dma_start3A_164, %dma_start3A_165] : memref<2x2x80xi32, #tpu.memory_space<vmem>> -> memref<1x1x80xi32, #tpu.memory_space<vmem>>
        %dma_start3A_167 = tpu.memref_squeeze %dma_start3A_166 : memref<1x1x80xi32, #tpu.memory_space<vmem>> -> memref<80xi32, #tpu.memory_space<vmem>>
        %dma_start3A_168 = arith.constant 0 : i32
        %dma_start3A_169 = arith.constant 0 : i32
        %dma_start3A_170 = tpu.memref_slice %arg2[%dma_start3A_168, %dma_start3A_169] : memref<10000x16xf32, #tpu.memory_space<hbm>> -> memref<10000x16xf32, #tpu.memory_space<hbm>>
        tpu.enqueue_indirect_dma source(%dma_start3A_170 : memref<10000x16xf32, #tpu.memory_space<hbm>>) target(%arg6 : memref<80x16xf32, #tpu.memory_space<vmem>>) offsets(%dma_start3A_167 : memref<80xi32, #tpu.memory_space<vmem>>) semaphore(%arg12 : memref<!tpu.dma_semaphore, #tpu.memory_space<semaphore_mem>>)
        %dma_start3A_171 = arith.constant 0 : i32
        %dma_start3A_172 = arith.constant 1 : i32
        %dma_start3A_173 = arith.constant 0 : i32
        %dma_start3A_174 = tpu.memref_slice %arg5[%dma_start3A_171, %dma_start3A_172, %dma_start3A_173] : memref<2x2x80xi32, #tpu.memory_space<vmem>> -> memref<1x1x80xi32, #tpu.memory_space<vmem>>
        %dma_start3A_175 = tpu.memref_squeeze %dma_start3A_174 : memref<1x1x80xi32, #tpu.memory_space<vmem>> -> memref<80xi32, #tpu.memory_space<vmem>>
        %dma_start3A_176 = arith.constant 0 : i32
        %dma_start3A_177 = arith.constant 0 : i32
        %dma_start3A_178 = tpu.memref_slice %arg2[%dma_start3A_176, %dma_start3A_177] : memref<10000x16xf32, #tpu.memory_space<hbm>> -> memref<10000x16xf32, #tpu.memory_space<hbm>>
        tpu.enqueue_indirect_dma source(%dma_start3A_178 : memref<10000x16xf32, #tpu.memory_space<hbm>>) target(%arg8 : memref<80x16xf32, #tpu.memory_space<vmem>>) offsets(%dma_start3A_175 : memref<80xi32, #tpu.memory_space<vmem>>) semaphore(%arg12 : memref<!tpu.dma_semaphore, #tpu.memory_space<semaphore_mem>>)
        %dma_start3A_179 = arith.constant 1 : i32
        %dma_start3A_180 = arith.constant 0 : i32
        %dma_start3A_181 = arith.constant 0 : i32
        %dma_start3A_182 = tpu.memref_slice %arg5[%dma_start3A_179, %dma_start3A_180, %dma_start3A_181] : memref<2x2x80xi32, #tpu.memory_space<vmem>> -> memref<1x1x80xi32, #tpu.memory_space<vmem>>
        %dma_start3A_183 = tpu.memref_squeeze %dma_start3A_182 : memref<1x1x80xi32, #tpu.memory_space<vmem>> -> memref<80xi32, #tpu.memory_space<vmem>>
        %dma_start3A_184 = arith.constant 0 : i32
        %dma_start3A_185 = arith.constant 0 : i32
        %dma_start3A_186 = tpu.memref_slice %arg2[%dma_start3A_184, %dma_start3A_185] : memref<10000x16xf32, #tpu.memory_space<hbm>> -> memref<10000x16xf32, #tpu.memory_space<hbm>>
        tpu.enqueue_indirect_dma source(%dma_start3A_186 : memref<10000x16xf32, #tpu.memory_space<hbm>>) target(%arg7 : memref<80x16xf32, #tpu.memory_space<vmem>>) offsets(%dma_start3A_183 : memref<80xi32, #tpu.memory_space<vmem>>) semaphore(%arg13 : memref<!tpu.dma_semaphore, #tpu.memory_space<semaphore_mem>>)
        %dma_start3A_187 = arith.constant 1 : i32
        %dma_start3A_188 = arith.constant 1 : i32
        %dma_start3A_189 = arith.constant 0 : i32
        %dma_start3A_190 = tpu.memref_slice %arg5[%dma_start3A_187, %dma_start3A_188, %dma_start3A_189] : memref<2x2x80xi32, #tpu.memory_space<vmem>> -> memref<1x1x80xi32, #tpu.memory_space<vmem>>
        %dma_start3A_191 = tpu.memref_squeeze %dma_start3A_190 : memref<1x1x80xi32, #tpu.memory_space<vmem>> -> memref<80xi32, #tpu.memory_space<vmem>>
        %dma_start3A_192 = arith.constant 0 : i32
        %dma_start3A_193 = arith.constant 0 : i32
        %dma_start3A_194 = tpu.memref_slice %arg2[%dma_start3A_192, %dma_start3A_193] : memref<10000x16xf32, #tpu.memory_space<hbm>> -> memref<10000x16xf32, #tpu.memory_space<hbm>>
        tpu.enqueue_indirect_dma source(%dma_start3A_194 : memref<10000x16xf32, #tpu.memory_space<hbm>>) target(%arg9 : memref<80x16xf32, #tpu.memory_space<vmem>>) offsets(%dma_start3A_191 : memref<80xi32, #tpu.memory_space<vmem>>) semaphore(%arg13 : memref<!tpu.dma_semaphore, #tpu.memory_space<semaphore_mem>>)
      } else {
      }
    }
    %scan3A_36 = arith.constant 62 : i32
    "tpu.region"() ({
      %run_scoped3A_74 = tpu.sem_alloc : memref<!tpu.dma_semaphore, #tpu.memory_space<semaphore_mem>>
      %dma_start3A_75 = arith.constant 0 : i32
      %dma_start3A_76 = arith.constant 0 : i32
      %dma_start3A_77 = arith.constant 0 : i32
      %dma_start3A_78 = tpu.memref_slice %arg5[%dma_start3A_75, %dma_start3A_76, %dma_start3A_77] : memref<2x2x80xi32, #tpu.memory_space<vmem>> -> memref<1x2x80xi32, #tpu.memory_space<vmem>>
      %dma_start3A_79 = arith.constant 124 : i32
      %dma_start3A_80 = arith.constant 0 : i32
      %dma_start3A_81 = arith.constant 0 : i32
      %dma_start3A_82 = tpu.memref_slice %arg3[%add3A, %dma_start3A_79, %dma_start3A_80, %dma_start3A_81] : memref<32x125x2x80xi32, #tpu.memory_space<hbm>> -> memref<1x1x2x80xi32, #tpu.memory_space<hbm>>
      %dma_start3A_83 = tpu.memref_squeeze %dma_start3A_82 : memref<1x1x2x80xi32, #tpu.memory_space<hbm>> -> memref<1x2x80xi32, #tpu.memory_space<hbm>>
      %dma_start3A_84 = arith.constant 0 : i32
      %dma_start3A_85 = arith.constant 0 : i32
      %dma_start3A_86 = arith.constant 0 : i32
      %dma_start3A_87 = tpu.memref_slice %arg5[%dma_start3A_84, %dma_start3A_85, %dma_start3A_86] : memref<2x2x80xi32, #tpu.memory_space<vmem>> -> memref<1x2x80xi32, #tpu.memory_space<vmem>>
      %dma_start3A_88 = arith.constant 124 : i32
      %dma_start3A_89 = arith.constant 0 : i32
      %dma_start3A_90 = arith.constant 0 : i32
      %dma_start3A_91 = tpu.memref_slice %arg3[%add3A, %dma_start3A_88, %dma_start3A_89, %dma_start3A_90] : memref<32x125x2x80xi32, #tpu.memory_space<hbm>> -> memref<1x1x2x80xi32, #tpu.memory_space<hbm>>
      %dma_start3A_92 = tpu.memref_squeeze %dma_start3A_91 : memref<1x1x2x80xi32, #tpu.memory_space<hbm>> -> memref<1x2x80xi32, #tpu.memory_space<hbm>>
      tpu.enqueue_dma source(%dma_start3A_92 : memref<1x2x80xi32, #tpu.memory_space<hbm>>) target(%dma_start3A_87 : memref<1x2x80xi32, #tpu.memory_space<vmem>>) target_semaphore(%run_scoped3A_74 : memref<!tpu.dma_semaphore, #tpu.memory_space<semaphore_mem>>)
      %dma_wait3A_93 = arith.constant 0 : i32
      %dma_wait3A_94 = arith.constant 0 : i32
      %dma_wait3A_95 = arith.constant 0 : i32
      %dma_wait3A_96 = tpu.memref_slice %arg5[%dma_wait3A_93, %dma_wait3A_94, %dma_wait3A_95] : memref<2x2x80xi32, #tpu.memory_space<vmem>> -> memref<1x2x80xi32, #tpu.memory_space<vmem>>
      %dma_wait3A_97 = arith.constant 124 : i32
      %dma_wait3A_98 = arith.constant 0 : i32
      %dma_wait3A_99 = arith.constant 0 : i32
      %dma_wait3A_100 = tpu.memref_slice %arg3[%add3A, %dma_wait3A_97, %dma_wait3A_98, %dma_wait3A_99] : memref<32x125x2x80xi32, #tpu.memory_space<hbm>> -> memref<1x1x2x80xi32, #tpu.memory_space<hbm>>
      %dma_wait3A_101 = tpu.memref_squeeze %dma_wait3A_100 : memref<1x1x2x80xi32, #tpu.memory_space<hbm>> -> memref<1x2x80xi32, #tpu.memory_space<hbm>>
      %dma_wait3A_102 = arith.constant 0 : i32
      %dma_wait3A_103 = arith.constant 0 : i32
      %dma_wait3A_104 = arith.constant 0 : i32
      %dma_wait3A_105 = tpu.memref_slice %arg5[%dma_wait3A_102, %dma_wait3A_103, %dma_wait3A_104] : memref<2x2x80xi32, #tpu.memory_space<vmem>> -> memref<1x2x80xi32, #tpu.memory_space<vmem>>
      %dma_wait3A_106 = arith.constant 124 : i32
      %dma_wait3A_107 = arith.constant 0 : i32
      %dma_wait3A_108 = arith.constant 0 : i32
      %dma_wait3A_109 = tpu.memref_slice %arg3[%add3A, %dma_wait3A_106, %dma_wait3A_107, %dma_wait3A_108] : memref<32x125x2x80xi32, #tpu.memory_space<hbm>> -> memref<1x1x2x80xi32, #tpu.memory_space<hbm>>
      %dma_wait3A_110 = tpu.memref_squeeze %dma_wait3A_109 : memref<1x1x2x80xi32, #tpu.memory_space<hbm>> -> memref<1x2x80xi32, #tpu.memory_space<hbm>>
      tpu.wait_dma2 semaphore(%run_scoped3A_74 : memref<!tpu.dma_semaphore, #tpu.memory_space<semaphore_mem>>) src(%dma_wait3A_110 : memref<1x2x80xi32, #tpu.memory_space<hbm>>) dst(%dma_wait3A_105 : memref<1x2x80xi32, #tpu.memory_space<vmem>>)
      tpu.yield
    }) : () -> ()
    %dma_start3A_37 = arith.constant 0 : i32
    %dma_start3A_38 = arith.constant 0 : i32
    %dma_start3A_39 = arith.constant 0 : i32
    %dma_start3A_40 = tpu.memref_slice %arg5[%dma_start3A_37, %dma_start3A_38, %dma_start3A_39] : memref<2x2x80xi32, #tpu.memory_space<vmem>> -> memref<1x1x80xi32, #tpu.memory_space<vmem>>
    %dma_start3A_41 = tpu.memref_squeeze %dma_start3A_40 : memref<1x1x80xi32, #tpu.memory_space<vmem>> -> memref<80xi32, #tpu.memory_space<vmem>>
    %dma_start3A_42 = arith.constant 0 : i32
    %dma_start3A_43 = arith.constant 0 : i32
    %dma_start3A_44 = tpu.memref_slice %arg2[%dma_start3A_42, %dma_start3A_43] : memref<10000x16xf32, #tpu.memory_space<hbm>> -> memref<10000x16xf32, #tpu.memory_space<hbm>>
    tpu.enqueue_indirect_dma source(%dma_start3A_44 : memref<10000x16xf32, #tpu.memory_space<hbm>>) target(%arg6 : memref<80x16xf32, #tpu.memory_space<vmem>>) offsets(%dma_start3A_41 : memref<80xi32, #tpu.memory_space<vmem>>) semaphore(%arg12 : memref<!tpu.dma_semaphore, #tpu.memory_space<semaphore_mem>>)
    %dma_start3A_45 = arith.constant 0 : i32
    %dma_start3A_46 = arith.constant 1 : i32
    %dma_start3A_47 = arith.constant 0 : i32
    %dma_start3A_48 = tpu.memref_slice %arg5[%dma_start3A_45, %dma_start3A_46, %dma_start3A_47] : memref<2x2x80xi32, #tpu.memory_space<vmem>> -> memref<1x1x80xi32, #tpu.memory_space<vmem>>
    %dma_start3A_49 = tpu.memref_squeeze %dma_start3A_48 : memref<1x1x80xi32, #tpu.memory_space<vmem>> -> memref<80xi32, #tpu.memory_space<vmem>>
    %dma_start3A_50 = arith.constant 0 : i32
    %dma_start3A_51 = arith.constant 0 : i32
    %dma_start3A_52 = tpu.memref_slice %arg2[%dma_start3A_50, %dma_start3A_51] : memref<10000x16xf32, #tpu.memory_space<hbm>> -> memref<10000x16xf32, #tpu.memory_space<hbm>>
    tpu.enqueue_indirect_dma source(%dma_start3A_52 : memref<10000x16xf32, #tpu.memory_space<hbm>>) target(%arg8 : memref<80x16xf32, #tpu.memory_space<vmem>>) offsets(%dma_start3A_49 : memref<80xi32, #tpu.memory_space<vmem>>) semaphore(%arg12 : memref<!tpu.dma_semaphore, #tpu.memory_space<semaphore_mem>>)
    %dma_wait3A = arith.constant 0 : i32
    %dma_wait3A_53 = arith.constant 0 : i32
    %dma_wait3A_54 = arith.constant 0 : i32
    %dma_wait3A_55 = tpu.memref_slice %arg5[%dma_wait3A, %dma_wait3A_53, %dma_wait3A_54] : memref<2x2x80xi32, #tpu.memory_space<vmem>> -> memref<1x1x80xi32, #tpu.memory_space<vmem>>
    %dma_wait3A_56 = tpu.memref_squeeze %dma_wait3A_55 : memref<1x1x80xi32, #tpu.memory_space<vmem>> -> memref<80xi32, #tpu.memory_space<vmem>>
    %dma_wait3A_57 = arith.constant 0 : i32
    %dma_wait3A_58 = arith.constant 0 : i32
    %dma_wait3A_59 = tpu.memref_slice %arg2[%dma_wait3A_57, %dma_wait3A_58] : memref<10000x16xf32, #tpu.memory_space<hbm>> -> memref<10000x16xf32, #tpu.memory_space<hbm>>
    tpu.wait_indirect_dma semaphore(%arg12 : memref<!tpu.dma_semaphore, #tpu.memory_space<semaphore_mem>>) src(%dma_wait3A_59 : memref<10000x16xf32, #tpu.memory_space<hbm>>) dst(%arg6 : memref<80x16xf32, #tpu.memory_space<vmem>>)
    %dma_wait3A_60 = arith.constant 0 : i32
    %dma_wait3A_61 = arith.constant 1 : i32
    %dma_wait3A_62 = arith.constant 0 : i32
    %dma_wait3A_63 = tpu.memref_slice %arg5[%dma_wait3A_60, %dma_wait3A_61, %dma_wait3A_62] : memref<2x2x80xi32, #tpu.memory_space<vmem>> -> memref<1x1x80xi32, #tpu.memory_space<vmem>>
    %dma_wait3A_64 = tpu.memref_squeeze %dma_wait3A_63 : memref<1x1x80xi32, #tpu.memory_space<vmem>> -> memref<80xi32, #tpu.memory_space<vmem>>
    %dma_wait3A_65 = arith.constant 0 : i32
    %dma_wait3A_66 = arith.constant 0 : i32
    %dma_wait3A_67 = tpu.memref_slice %arg2[%dma_wait3A_65, %dma_wait3A_66] : memref<10000x16xf32, #tpu.memory_space<hbm>> -> memref<10000x16xf32, #tpu.memory_space<hbm>>
    tpu.wait_indirect_dma semaphore(%arg12 : memref<!tpu.dma_semaphore, #tpu.memory_space<semaphore_mem>>) src(%dma_wait3A_67 : memref<10000x16xf32, #tpu.memory_space<hbm>>) dst(%arg8 : memref<80x16xf32, #tpu.memory_space<vmem>>)
    %scan3A_68 = arith.constant 0 : i32
    %scan3A_69 = arith.constant 0 : i32
    %scan3A_70 = arith.constant 80 : i32
    %scan3A_71 = arith.addi %scan3A_69, %scan3A_70 : i32
    %scan3A_72 = arith.constant 1 : i32
    scf.for %scan3A_74 = %scan3A_69 to %scan3A_71 step %scan3A_72  : i32 {
      %get3A = arith.index_cast %scan3A_74 : i32 to index
      %get3A_75 = arith.constant 0 : index
      %get3A_76 = tpu.vector_load %arg8[%get3A, %get3A_75] {strides = array<i32>} : memref<80x16xf32, #tpu.memory_space<vmem>>, vector<1x16xf32>,
      %get3A_77 = vector.shape_cast %get3A_76 : vector<1x16xf32> to vector<16xf32>
      %get3A_78 = arith.index_cast %scan3A_74 : i32 to index
      %get3A_79 = arith.constant 0 : index
      %get3A_80 = tpu.vector_load %arg6[%get3A_78, %get3A_79] {strides = array<i32>} : memref<80x16xf32, #tpu.memory_space<vmem>>, vector<1x16xf32>,
      %get3A_81 = vector.shape_cast %get3A_80 : vector<1x16xf32> to vector<16xf32>
      %sub3A = arith.subf %get3A_77, %get3A_81 : vector<16xf32>
      %swap3A = arith.index_cast %scan3A_74 : i32 to index
      %swap3A_82 = arith.constant 0 : index
      %swap3A_83 = tpu.vector_load %arg10[%swap3A, %swap3A_82] {strides = array<i32>} : memref<80x16xf32, #tpu.memory_space<vmem>>, vector<1x16xf32>,
      %swap3A_84 = vector.shape_cast %swap3A_83 : vector<1x16xf32> to vector<16xf32>
      %swap3A_85 = vector.shape_cast %sub3A : vector<16xf32> to vector<1x16xf32>
      tpu.vector_store %arg10[%swap3A, %swap3A_82], %swap3A_85 {strides = array<i32>} : memref<80x16xf32, #tpu.memory_space<vmem>>, vector<1x16xf32>,
    }
    %scan3A_73 = arith.constant 80 : i32
    %run_scoped3A = arith.constant 124 : i32
    "tpu.region"() ({
      %run_scoped3A_74 = tpu.sem_alloc : memref<!tpu.dma_semaphore, #tpu.memory_space<semaphore_mem>>
      %dma_start3A_75 = arith.constant 0 : i32
      %dma_start3A_76 = arith.constant 0 : i32
      %dma_start3A_77 = tpu.memref_slice %arg4[%add3A, %run_scoped3A, %dma_start3A_75, %dma_start3A_76] : memref<32x125x80x16xf32, #tpu.memory_space<hbm>> -> memref<1x1x80x16xf32, #tpu.memory_space<hbm>>
      %dma_start3A_78 = tpu.memref_squeeze %dma_start3A_77 : memref<1x1x80x16xf32, #tpu.memory_space<hbm>> -> memref<80x16xf32, #tpu.memory_space<hbm>>
      %dma_start3A_79 = arith.constant 0 : i32
      %dma_start3A_80 = arith.constant 0 : i32
      %dma_start3A_81 = tpu.memref_slice %arg4[%add3A, %run_scoped3A, %dma_start3A_79, %dma_start3A_80] : memref<32x125x80x16xf32, #tpu.memory_space<hbm>> -> memref<1x1x80x16xf32, #tpu.memory_space<hbm>>
      %dma_start3A_82 = tpu.memref_squeeze %dma_start3A_81 : memref<1x1x80x16xf32, #tpu.memory_space<hbm>> -> memref<80x16xf32, #tpu.memory_space<hbm>>
      tpu.enqueue_dma source(%arg10 : memref<80x16xf32, #tpu.memory_space<vmem>>) target(%dma_start3A_82 : memref<80x16xf32, #tpu.memory_space<hbm>>) target_semaphore(%run_scoped3A_74 : memref<!tpu.dma_semaphore, #tpu.memory_space<semaphore_mem>>)
      %dma_wait3A_83 = arith.constant 0 : i32
      %dma_wait3A_84 = arith.constant 0 : i32
      %dma_wait3A_85 = tpu.memref_slice %arg4[%add3A, %run_scoped3A, %dma_wait3A_83, %dma_wait3A_84] : memref<32x125x80x16xf32, #tpu.memory_space<hbm>> -> memref<1x1x80x16xf32, #tpu.memory_space<hbm>>
      %dma_wait3A_86 = tpu.memref_squeeze %dma_wait3A_85 : memref<1x1x80x16xf32, #tpu.memory_space<hbm>> -> memref<80x16xf32, #tpu.memory_space<hbm>>
      %dma_wait3A_87 = arith.constant 0 : i32
      %dma_wait3A_88 = arith.constant 0 : i32
      %dma_wait3A_89 = tpu.memref_slice %arg4[%add3A, %run_scoped3A, %dma_wait3A_87, %dma_wait3A_88] : memref<32x125x80x16xf32, #tpu.memory_space<hbm>> -> memref<1x1x80x16xf32, #tpu.memory_space<hbm>>
      %dma_wait3A_90 = tpu.memref_squeeze %dma_wait3A_89 : memref<1x1x80x16xf32, #tpu.memory_space<hbm>> -> memref<80x16xf32, #tpu.memory_space<hbm>>
      tpu.wait_dma2 semaphore(%run_scoped3A_74 : memref<!tpu.dma_semaphore, #tpu.memory_space<semaphore_mem>>) src(%arg10 : memref<80x16xf32, #tpu.memory_space<vmem>>) dst(%dma_wait3A_90 : memref<80x16xf32, #tpu.memory_space<hbm>>)
      tpu.yield
    }) : () -> ()
    return
  }
}

module attributes {stable_mosaic.version = 14 : i64} {
  func.func @_embed_body(%arg0: memref<10000x4xf32, #tpu.memory_space<vmem>>, %arg1: memref<4x128xf32, #tpu.memory_space<vmem>>, %arg2: memref<10000x128xf32, #tpu.memory_space<vmem>>) attributes {dimension_semantics = [], scalar_prefetch = 0 : i64, scratch_operands = 0 : i64, tpu.core_type = #tpu.core_type<tc>} {
    %get3A = arith.constant 0 : index
    %get3A_0 = arith.constant 0 : index
    %get3A_1 = vector.load %arg0[%get3A, %get3A_0] : memref<10000x4xf32, #tpu.memory_space<vmem>>, vector<10000x4xf32>
    %get3A_2 = arith.constant 0 : index
    %get3A_3 = arith.constant 0 : index
    %get3A_4 = vector.load %arg1[%get3A_2, %get3A_3] : memref<4x128xf32, #tpu.memory_space<vmem>>, vector<4x128xf32>
    %dot_general3A = arith.constant dense<0.000000e+00> : vector<10000x128xf32>
    %dot_general3A_5 = tpu.matmul %get3A_1, %get3A_4, %dot_general3A {dimension_numbers = #tpu.dot_dimension_numbers<[1], [0], [0], [1], [0, 0, 1, 1], [], []>, transpose_lhs_hint = false} : vector<10000x4xf32>, vector<4x128xf32>, vector<10000x128xf32> -> vector<10000x128xf32>
    %swap3A = arith.constant 0 : index
    %swap3A_6 = arith.constant 0 : index
    %swap3A_7 = vector.load %arg2[%swap3A, %swap3A_6] : memref<10000x128xf32, #tpu.memory_space<vmem>>, vector<10000x128xf32>
    tpu.vector_store %arg2[%swap3A, %swap3A_6], %dot_general3A_5 {strides = array<i32>} : memref<10000x128xf32, #tpu.memory_space<vmem>>, vector<10000x128xf32>,
    return
  }
}

module attributes {stable_mosaic.version = 14 : i64} {
  func.func @_edge_dense_body(%arg0: i32, %arg1: memref<2000x16xf32, #tpu.memory_space<vmem>>, %arg2: memref<2000x3xf32, #tpu.memory_space<vmem>>, %arg3: memref<8x192xf32, #tpu.memory_space<vmem>>, %arg4: memref<192x272xf32, #tpu.memory_space<vmem>>, %arg5: memref<4x128xf32, #tpu.memory_space<vmem>>, %arg6: memref<4x128xf32, #tpu.memory_space<vmem>>, %arg7: memref<2000x128xf32, #tpu.memory_space<vmem>>, %arg8: memref<2000x128xf32, #tpu.memory_space<vmem>>, %arg9: memref<2000x16xf32, #tpu.memory_space<vmem>>) attributes {dimension_semantics = [#tpu.dimension_semantics<arbitrary>], iteration_bounds = array<i64: 160>, scalar_prefetch = 0 : i64, scratch_operands = 0 : i64, tpu.core_type = #tpu.core_type<tc>, window_params = [{transform_indices = @transform_0, window_bounds = array<i64: 2000, 16>}, {transform_indices = @transform_1, window_bounds = array<i64: 2000, 3>}, {pipeline_mode = #tpu.pipeline_mode<synchronous>, transform_indices = @transform_2, window_bounds = array<i64: 8, 192>}, {pipeline_mode = #tpu.pipeline_mode<synchronous>, transform_indices = @transform_3, window_bounds = array<i64: 192, 272>}, {pipeline_mode = #tpu.pipeline_mode<synchronous>, transform_indices = @transform_4, window_bounds = array<i64: 4, 128>}, {pipeline_mode = #tpu.pipeline_mode<synchronous>, transform_indices = @transform_5, window_bounds = array<i64: 4, 128>}, {transform_indices = @transform_6, window_bounds = array<i64: 2000, 128>}, {transform_indices = @transform_7, window_bounds = array<i64: 2000, 128>}, {transform_indices = @transform_8, window_bounds = array<i64: 2000, 16>}]} {
    %get3A = arith.constant 0 : index
    %get3A_0 = arith.constant 0 : index
    %get3A_1 = vector.load %arg1[%get3A, %get3A_0] : memref<2000x16xf32, #tpu.memory_space<vmem>>, vector<2000x16xf32>
    %slice3A = vector.extract_strided_slice %get3A_1 {offsets = [0, 0], sizes = [2000, 3], strides = [1, 1]} : vector<2000x16xf32> to vector<2000x3xf32>
    %get3A_2 = arith.constant 0 : index
    %get3A_3 = arith.constant 0 : index
    %get3A_4 = vector.load %arg2[%get3A_2, %get3A_3] : memref<2000x3xf32, #tpu.memory_space<vmem>>, vector<2000x3xf32>
    %add3A = arith.addf %slice3A, %get3A_4 : vector<2000x3xf32>
    %mul3A = arith.mulf %add3A, %add3A : vector<2000x3xf32>
    %reduce_sum3A = arith.constant dense<0.000000e+00> : vector<2000xf32>
    %reduce_sum3A_5 = vector.multi_reduction <add>, %mul3A, %reduce_sum3A [1] : vector<2000x3xf32> to vector<2000xf32>
    %broadcast_in_dim3A = vector.shape_cast %reduce_sum3A_5 : vector<2000xf32> to vector<2000x1xf32>
    %add3A_6 = arith.constant 9.99999996E-13 : f32
    %add3A_7 = vector.broadcast %add3A_6 : f32 to vector<2000x1xf32>
    %add3A_8 = arith.addf %broadcast_in_dim3A, %add3A_7 : vector<2000x1xf32>
    %sqrt3A = math.sqrt %add3A_8 : vector<2000x1xf32>
    %div3A = arith.constant 1.000000e+00 : f32
    %div3A_9 = vector.broadcast %div3A : f32 to vector<2000x1xf32>
    %div3A_10 = arith.divf %div3A_9, %sqrt3A : vector<2000x1xf32>
    %slice3A_11 = vector.extract_strided_slice %add3A {offsets = [0, 0], sizes = [2000, 1], strides = [1, 1]} : vector<2000x3xf32> to vector<2000x1xf32>
    %mul3A_12 = arith.mulf %slice3A_11, %div3A_10 : vector<2000x1xf32>
    %slice3A_13 = vector.extract_strided_slice %add3A {offsets = [0, 1], sizes = [2000, 1], strides = [1, 1]} : vector<2000x3xf32> to vector<2000x1xf32>
    %mul3A_14 = arith.mulf %slice3A_13, %div3A_10 : vector<2000x1xf32>
    %slice3A_15 = vector.extract_strided_slice %add3A {offsets = [0, 2], sizes = [2000, 1], strides = [1, 1]} : vector<2000x3xf32> to vector<2000x1xf32>
    %mul3A_16 = arith.mulf %slice3A_15, %div3A_10 : vector<2000x1xf32>
    %iota3A = tpu.iota {dimensions = array<i32: 1>} : vector<1x8xi32>
    %convert_element_type3A = arith.sitofp %iota3A : vector<1x8xi32> to vector<1x8xf32>
    %add3A_17 = arith.constant 1.000000e+00 : f32
    %add3A_18 = vector.broadcast %add3A_17 : f32 to vector<1x8xf32>
    %add3A_19 = arith.addf %convert_element_type3A, %add3A_18 : vector<1x8xf32>
    %sqrt3A_20 = arith.constant 4.000000e-01 : f32
    %sqrt3A_21 = math.sqrt %sqrt3A_20 : f32
    %mul3A_22 = arith.constant 0.628318548 : f32
    %mul3A_23 = vector.broadcast %mul3A_22 : f32 to vector<1x8xf32>
    %mul3A_24 = arith.mulf %add3A_19, %mul3A_23 : vector<1x8xf32>
    %mul3A_25 = vector.broadcast %mul3A_24 : vector<1x8xf32> to vector<2000x8xf32>
    %mul3A_26 = vector.broadcast %sqrt3A : vector<2000x1xf32> to vector<2000x8xf32>
    %mul3A_27 = arith.mulf %mul3A_25, %mul3A_26 : vector<2000x8xf32>
    %sin3A = math.sin %mul3A_27 : vector<2000x8xf32>
    %mul3A_28 = vector.broadcast %sqrt3A_21 : f32 to vector<2000x8xf32>
    %mul3A_29 = arith.mulf %mul3A_28, %sin3A : vector<2000x8xf32>
    %mul3A_30 = vector.broadcast %div3A_10 : vector<2000x1xf32> to vector<2000x8xf32>
    %mul3A_31 = arith.mulf %mul3A_29, %mul3A_30 : vector<2000x8xf32>
    %div3A_32 = arith.constant 5.000000e+00 : f32
    %div3A_33 = vector.broadcast %div3A_32 : f32 to vector<2000x1xf32>
    %div3A_34 = arith.divf %sqrt3A, %div3A_33 : vector<2000x1xf32>
    %jit3A = arith.constant 0.000000e+00 : f32
    %jit3A_35 = arith.constant 1.000000e+00 : f32
    %max3A = vector.broadcast %jit3A : f32 to vector<2000x1xf32>
    %max3A_36 = arith.maximumf %max3A, %div3A_34 : vector<2000x1xf32>
    %min3A = vector.broadcast %jit3A_35 : f32 to vector<2000x1xf32>
    %min3A_37 = arith.minimumf %min3A, %max3A_36 : vector<2000x1xf32>
    %integer_pow3A = arith.mulf %min3A_37, %min3A_37 : vector<2000x1xf32>
    %integer_pow3A_38 = arith.mulf %integer_pow3A, %integer_pow3A : vector<2000x1xf32>
    %integer_pow3A_39 = arith.mulf %integer_pow3A, %integer_pow3A_38 : vector<2000x1xf32>
    %mul3A_40 = arith.constant 2.800000e+01 : f32
    %mul3A_41 = vector.broadcast %mul3A_40 : f32 to vector<2000x1xf32>
    %mul3A_42 = arith.mulf %mul3A_41, %integer_pow3A_39 : vector<2000x1xf32>
    %sub3A = arith.constant 1.000000e+00 : f32
    %sub3A_43 = vector.broadcast %sub3A : f32 to vector<2000x1xf32>
    %sub3A_44 = arith.subf %sub3A_43, %mul3A_42 : vector<2000x1xf32>
    %integer_pow3A_45 = arith.mulf %min3A_37, %min3A_37 : vector<2000x1xf32>
    %integer_pow3A_46 = arith.mulf %min3A_37, %integer_pow3A_45 : vector<2000x1xf32>
    %integer_pow3A_47 = arith.mulf %integer_pow3A_45, %integer_pow3A_45 : vector<2000x1xf32>
    %integer_pow3A_48 = arith.mulf %integer_pow3A_46, %integer_pow3A_47 : vector<2000x1xf32>
    %mul3A_49 = arith.constant 4.800000e+01 : f32
    %mul3A_50 = vector.broadcast %mul3A_49 : f32 to vector<2000x1xf32>
    %mul3A_51 = arith.mulf %mul3A_50, %integer_pow3A_48 : vector<2000x1xf32>
    %add3A_52 = arith.addf %sub3A_44, %mul3A_51 : vector<2000x1xf32>
    %integer_pow3A_53 = arith.mulf %min3A_37, %min3A_37 : vector<2000x1xf32>
    %integer_pow3A_54 = arith.mulf %integer_pow3A_53, %integer_pow3A_53 : vector<2000x1xf32>
    %integer_pow3A_55 = arith.mulf %integer_pow3A_54, %integer_pow3A_54 : vector<2000x1xf32>
    %mul3A_56 = arith.constant 2.100000e+01 : f32
    %mul3A_57 = vector.broadcast %mul3A_56 : f32 to vector<2000x1xf32>
    %mul3A_58 = arith.mulf %mul3A_57, %integer_pow3A_55 : vector<2000x1xf32>
    %sub3A_59 = arith.subf %add3A_52, %mul3A_58 : vector<2000x1xf32>
    %mul3A_60 = vector.broadcast %sub3A_59 : vector<2000x1xf32> to vector<2000x8xf32>
    %mul3A_61 = arith.mulf %mul3A_31, %mul3A_60 : vector<2000x8xf32>
    %get3A_62 = arith.constant 0 : index
    %get3A_63 = arith.constant 0 : index
    %get3A_64 = vector.load %arg3[%get3A_62, %get3A_63] : memref<8x192xf32, #tpu.memory_space<vmem>>, vector<8x192xf32>
    %dot_general3A = arith.constant dense<0.000000e+00> : vector<2000x192xf32>
    %dot_general3A_65 = tpu.matmul %mul3A_61, %get3A_64, %dot_general3A {dimension_numbers = #tpu.dot_dimension_numbers<[1], [0], [0], [1], [0, 0, 1, 1], [], []>, transpose_lhs_hint = false} : vector<2000x8xf32>, vector<8x192xf32>, vector<2000x192xf32> -> vector<2000x192xf32>
    %logistic3A = arith.negf %dot_general3A_65 : vector<2000x192xf32>
    %logistic3A_66 = math.exp %logistic3A : vector<2000x192xf32>
    %logistic3A_67 = arith.constant 1.000000e+00 : f32
    %logistic3A_68 = vector.broadcast %logistic3A_67 : f32 to vector<2000x192xf32>
    %logistic3A_69 = arith.addf %logistic3A_68, %logistic3A_66 : vector<2000x192xf32>
    %logistic3A_70 = arith.divf %logistic3A_68, %logistic3A_69 : vector<2000x192xf32>
    %mul3A_71 = arith.mulf %dot_general3A_65, %logistic3A_70 : vector<2000x192xf32>
    %get3A_72 = arith.constant 0 : index
    %get3A_73 = arith.constant 0 : index
    %get3A_74 = vector.load %arg4[%get3A_72, %get3A_73] : memref<192x272xf32, #tpu.memory_space<vmem>>, vector<192x272xf32>
    %dot_general3A_75 = arith.constant dense<0.000000e+00> : vector<2000x272xf32>
    %dot_general3A_76 = tpu.matmul %mul3A_71, %get3A_74, %dot_general3A_75 {dimension_numbers = #tpu.dot_dimension_numbers<[1], [0], [0], [1], [0, 0, 1, 1], [], []>, transpose_lhs_hint = false} : vector<2000x192xf32>, vector<192x272xf32>, vector<2000x272xf32> -> vector<2000x272xf32>
    %slice3A_77 = vector.extract_strided_slice %dot_general3A_76 {offsets = [0, 0], sizes = [2000, 128], strides = [1, 1]} : vector<2000x272xf32> to vector<2000x128xf32>
    %get3A_78 = arith.constant 0 : index
    %get3A_79 = arith.constant 0 : index
    %get3A_80 = vector.load %arg5[%get3A_78, %get3A_79] : memref<4x128xf32, #tpu.memory_space<vmem>>, vector<1x128xf32>
    %mul3A_81 = arith.constant 0.282094806 : f32
    %mul3A_82 = vector.broadcast %mul3A_81 : f32 to vector<1x128xf32>
    %mul3A_83 = arith.mulf %mul3A_82, %get3A_80 : vector<1x128xf32>
    %get3A_84 = arith.constant 1 : index
    %get3A_85 = arith.constant 0 : index
    %get3A_86 = vector.load %arg5[%get3A_84, %get3A_85] : memref<4x128xf32, #tpu.memory_space<vmem>>, vector<1x128xf32>
    %mul3A_87 = vector.broadcast %mul3A_12 : vector<2000x1xf32> to vector<2000x128xf32>
    %mul3A_88 = vector.broadcast %get3A_86 : vector<1x128xf32> to vector<2000x128xf32>
    %mul3A_89 = arith.mulf %mul3A_87, %mul3A_88 : vector<2000x128xf32>
    %get3A_90 = arith.constant 2 : index
    %get3A_91 = arith.constant 0 : index
    %get3A_92 = vector.load %arg5[%get3A_90, %get3A_91] : memref<4x128xf32, #tpu.memory_space<vmem>>, vector<1x128xf32>
    %mul3A_93 = vector.broadcast %mul3A_14 : vector<2000x1xf32> to vector<2000x128xf32>
    %mul3A_94 = vector.broadcast %get3A_92 : vector<1x128xf32> to vector<2000x128xf32>
    %mul3A_95 = arith.mulf %mul3A_93, %mul3A_94 : vector<2000x128xf32>
    %add3A_96 = arith.addf %mul3A_89, %mul3A_95 : vector<2000x128xf32>
    %get3A_97 = arith.constant 3 : index
    %get3A_98 = arith.constant 0 : index
    %get3A_99 = vector.load %arg5[%get3A_97, %get3A_98] : memref<4x128xf32, #tpu.memory_space<vmem>>, vector<1x128xf32>
    %mul3A_100 = vector.broadcast %mul3A_16 : vector<2000x1xf32> to vector<2000x128xf32>
    %mul3A_101 = vector.broadcast %get3A_99 : vector<1x128xf32> to vector<2000x128xf32>
    %mul3A_102 = arith.mulf %mul3A_100, %mul3A_101 : vector<2000x128xf32>
    %add3A_103 = arith.addf %add3A_96, %mul3A_102 : vector<2000x128xf32>
    %mul3A_104 = arith.constant 0.488602519 : f32
    %mul3A_105 = vector.broadcast %mul3A_104 : f32 to vector<2000x128xf32>
    %mul3A_106 = arith.mulf %mul3A_105, %add3A_103 : vector<2000x128xf32>
    %add3A_107 = vector.broadcast %mul3A_83 : vector<1x128xf32> to vector<2000x128xf32>
    %add3A_108 = arith.addf %add3A_107, %mul3A_106 : vector<2000x128xf32>
    %mul3A_109 = arith.mulf %slice3A_77, %add3A_108 : vector<2000x128xf32>
    %swap3A = arith.constant 0 : index
    %swap3A_110 = arith.constant 0 : index
    %swap3A_111 = vector.load %arg7[%swap3A, %swap3A_110] : memref<2000x128xf32, #tpu.memory_space<vmem>>, vector<2000x128xf32>
    tpu.vector_store %arg7[%swap3A, %swap3A_110], %mul3A_109 {strides = array<i32>} : memref<2000x128xf32, #tpu.memory_space<vmem>>, vector<2000x128xf32>,
    %slice3A_112 = vector.extract_strided_slice %dot_general3A_76 {offsets = [0, 128], sizes = [2000, 128], strides = [1, 1]} : vector<2000x272xf32> to vector<2000x128xf32>
    %get3A_113 = arith.constant 0 : index
    %get3A_114 = arith.constant 0 : index
    %get3A_115 = vector.load %arg6[%get3A_113, %get3A_114] : memref<4x128xf32, #tpu.memory_space<vmem>>, vector<1x128xf32>
    %mul3A_116 = arith.constant 0.282094806 : f32
    %mul3A_117 = vector.broadcast %mul3A_116 : f32 to vector<1x128xf32>
    %mul3A_118 = arith.mulf %mul3A_117, %get3A_115 : vector<1x128xf32>
    %get3A_119 = arith.constant 1 : index
    %get3A_120 = arith.constant 0 : index
    %get3A_121 = vector.load %arg6[%get3A_119, %get3A_120] : memref<4x128xf32, #tpu.memory_space<vmem>>, vector<1x128xf32>
    %mul3A_122 = vector.broadcast %mul3A_12 : vector<2000x1xf32> to vector<2000x128xf32>
    %mul3A_123 = vector.broadcast %get3A_121 : vector<1x128xf32> to vector<2000x128xf32>
    %mul3A_124 = arith.mulf %mul3A_122, %mul3A_123 : vector<2000x128xf32>
    %get3A_125 = arith.constant 2 : index
    %get3A_126 = arith.constant 0 : index
    %get3A_127 = vector.load %arg6[%get3A_125, %get3A_126] : memref<4x128xf32, #tpu.memory_space<vmem>>, vector<1x128xf32>
    %mul3A_128 = vector.broadcast %mul3A_14 : vector<2000x1xf32> to vector<2000x128xf32>
    %mul3A_129 = vector.broadcast %get3A_127 : vector<1x128xf32> to vector<2000x128xf32>
    %mul3A_130 = arith.mulf %mul3A_128, %mul3A_129 : vector<2000x128xf32>
    %add3A_131 = arith.addf %mul3A_124, %mul3A_130 : vector<2000x128xf32>
    %get3A_132 = arith.constant 3 : index
    %get3A_133 = arith.constant 0 : index
    %get3A_134 = vector.load %arg6[%get3A_132, %get3A_133] : memref<4x128xf32, #tpu.memory_space<vmem>>, vector<1x128xf32>
    %mul3A_135 = vector.broadcast %mul3A_16 : vector<2000x1xf32> to vector<2000x128xf32>
    %mul3A_136 = vector.broadcast %get3A_134 : vector<1x128xf32> to vector<2000x128xf32>
    %mul3A_137 = arith.mulf %mul3A_135, %mul3A_136 : vector<2000x128xf32>
    %add3A_138 = arith.addf %add3A_131, %mul3A_137 : vector<2000x128xf32>
    %mul3A_139 = arith.constant 0.488602519 : f32
    %mul3A_140 = vector.broadcast %mul3A_139 : f32 to vector<2000x128xf32>
    %mul3A_141 = arith.mulf %mul3A_140, %add3A_138 : vector<2000x128xf32>
    %add3A_142 = vector.broadcast %mul3A_118 : vector<1x128xf32> to vector<2000x128xf32>
    %add3A_143 = arith.addf %add3A_142, %mul3A_141 : vector<2000x128xf32>
    %mul3A_144 = arith.mulf %slice3A_112, %add3A_143 : vector<2000x128xf32>
    %swap3A_145 = arith.constant 0 : index
    %swap3A_146 = arith.constant 0 : index
    %swap3A_147 = vector.load %arg8[%swap3A_145, %swap3A_146] : memref<2000x128xf32, #tpu.memory_space<vmem>>, vector<2000x128xf32>
    tpu.vector_store %arg8[%swap3A_145, %swap3A_146], %mul3A_144 {strides = array<i32>} : memref<2000x128xf32, #tpu.memory_space<vmem>>, vector<2000x128xf32>,
    %slice3A_148 = vector.extract_strided_slice %dot_general3A_76 {offsets = [0, 256], sizes = [2000, 16], strides = [1, 1]} : vector<2000x272xf32> to vector<2000x16xf32>
    %swap3A_149 = arith.constant 0 : index
    %swap3A_150 = arith.constant 0 : index
    %swap3A_151 = vector.load %arg9[%swap3A_149, %swap3A_150] : memref<2000x16xf32, #tpu.memory_space<vmem>>, vector<2000x16xf32>
    tpu.vector_store %arg9[%swap3A_149, %swap3A_150], %slice3A_148 {strides = array<i32>} : memref<2000x16xf32, #tpu.memory_space<vmem>>, vector<2000x16xf32>,
    return
  }
  func.func @transform_0(%arg0: i32) -> (i32, i32) {
    %c0_i32 = arith.constant 0 : i32
    %c0_i32_0 = arith.constant 0 : i32
    return %arg0, %c0_i32 : i32, i32
  }
  func.func @transform_1(%arg0: i32) -> (i32, i32) {
    %c0_i32 = arith.constant 0 : i32
    %c0_i32_0 = arith.constant 0 : i32
    return %arg0, %c0_i32 : i32, i32
  }
  func.func @transform_2(%arg0: i32) -> (i32, i32) {
    %c0_i32 = arith.constant 0 : i32
    %c0_i32_0 = arith.constant 0 : i32
    %c0_i32_1 = arith.constant 0 : i32
    return %c0_i32, %c0_i32_0 : i32, i32
  }
  func.func @transform_3(%arg0: i32) -> (i32, i32) {
    %c0_i32 = arith.constant 0 : i32
    %c0_i32_0 = arith.constant 0 : i32
    %c0_i32_1 = arith.constant 0 : i32
    return %c0_i32, %c0_i32_0 : i32, i32
  }
  func.func @transform_4(%arg0: i32) -> (i32, i32) {
    %c0_i32 = arith.constant 0 : i32
    %c0_i32_0 = arith.constant 0 : i32
    %c0_i32_1 = arith.constant 0 : i32
    return %c0_i32, %c0_i32_0 : i32, i32
  }
  func.func @transform_5(%arg0: i32) -> (i32, i32) {
    %c0_i32 = arith.constant 0 : i32
    %c0_i32_0 = arith.constant 0 : i32
    %c0_i32_1 = arith.constant 0 : i32
    return %c0_i32, %c0_i32_0 : i32, i32
  }
  func.func @transform_6(%arg0: i32) -> (i32, i32) {
    %c0_i32 = arith.constant 0 : i32
    %c0_i32_0 = arith.constant 0 : i32
    return %arg0, %c0_i32 : i32, i32
  }
  func.func @transform_7(%arg0: i32) -> (i32, i32) {
    %c0_i32 = arith.constant 0 : i32
    %c0_i32_0 = arith.constant 0 : i32
    return %arg0, %c0_i32 : i32, i32
  }
  func.func @transform_8(%arg0: i32) -> (i32, i32) {
    %c0_i32 = arith.constant 0 : i32
    %c0_i32_0 = arith.constant 0 : i32
    return %arg0, %c0_i32 : i32, i32
  }
}

module attributes {stable_mosaic.version = 14 : i64} {
  func.func @_node1_body(%arg0: memref<2x10240x128xf32, #tpu.memory_space<vmem>>, %arg1: memref<128x128xf32, #tpu.memory_space<vmem>>, %arg2: memref<10000x128xf32, #tpu.memory_space<vmem>>) attributes {dimension_semantics = [], scalar_prefetch = 0 : i64, scratch_operands = 0 : i64, tpu.core_type = #tpu.core_type<tc>} {
    %get3A = arith.constant 0 : index
    %get3A_0 = arith.constant 0 : index
    %get3A_1 = arith.constant 0 : index
    %get3A_2 = vector.load %arg0[%get3A, %get3A_0, %get3A_1] : memref<2x10240x128xf32, #tpu.memory_space<vmem>>, vector<1x10000x128xf32>
    %get3A_3 = vector.shape_cast %get3A_2 : vector<1x10000x128xf32> to vector<10000x128xf32>
    %get3A_4 = arith.constant 1 : index
    %get3A_5 = arith.constant 0 : index
    %get3A_6 = arith.constant 0 : index
    %get3A_7 = vector.load %arg0[%get3A_4, %get3A_5, %get3A_6] : memref<2x10240x128xf32, #tpu.memory_space<vmem>>, vector<1x10000x128xf32>
    %get3A_8 = vector.shape_cast %get3A_7 : vector<1x10000x128xf32> to vector<10000x128xf32>
    %add3A = arith.addf %get3A_3, %get3A_8 : vector<10000x128xf32>
    %get3A_9 = arith.constant 0 : index
    %get3A_10 = arith.constant 0 : index
    %get3A_11 = vector.load %arg1[%get3A_9, %get3A_10] : memref<128x128xf32, #tpu.memory_space<vmem>>, vector<128x128xf32>
    %dot_general3A = arith.constant dense<0.000000e+00> : vector<10000x128xf32>
    %dot_general3A_12 = tpu.matmul %add3A, %get3A_11, %dot_general3A {dimension_numbers = #tpu.dot_dimension_numbers<[1], [0], [0], [1], [0, 0, 1, 1], [], []>, transpose_lhs_hint = false} : vector<10000x128xf32>, vector<128x128xf32>, vector<10000x128xf32> -> vector<10000x128xf32>
    %logistic3A = arith.negf %dot_general3A_12 : vector<10000x128xf32>
    %logistic3A_13 = math.exp %logistic3A : vector<10000x128xf32>
    %logistic3A_14 = arith.constant 1.000000e+00 : f32
    %logistic3A_15 = vector.broadcast %logistic3A_14 : f32 to vector<10000x128xf32>
    %logistic3A_16 = arith.addf %logistic3A_15, %logistic3A_13 : vector<10000x128xf32>
    %logistic3A_17 = arith.divf %logistic3A_15, %logistic3A_16 : vector<10000x128xf32>
    %mul3A = arith.mulf %dot_general3A_12, %logistic3A_17 : vector<10000x128xf32>
    %div3A = arith.constant 3.200000e+01 : f32
    %div3A_18 = vector.broadcast %div3A : f32 to vector<10000x128xf32>
    %div3A_19 = arith.divf %mul3A, %div3A_18 : vector<10000x128xf32>
    %swap3A = arith.constant 0 : index
    %swap3A_20 = arith.constant 0 : index
    %swap3A_21 = vector.load %arg2[%swap3A, %swap3A_20] : memref<10000x128xf32, #tpu.memory_space<vmem>>, vector<10000x128xf32>
    tpu.vector_store %arg2[%swap3A, %swap3A_20], %div3A_19 {strides = array<i32>} : memref<10000x128xf32, #tpu.memory_space<vmem>>, vector<10000x128xf32>,
    return
  }
}

module attributes {stable_mosaic.version = 14 : i64} {
  func.func @_node2_body(%arg0: memref<2x10240x128xf32, #tpu.memory_space<vmem>>, %arg1: memref<10000x128xf32, #tpu.memory_space<vmem>>, %arg2: memref<128x128xf32, #tpu.memory_space<vmem>>, %arg3: memref<128x16xf32, #tpu.memory_space<vmem>>, %arg4: memref<128x16xf32, #tpu.memory_space<vmem>>, %arg5: memref<128x16xf32, #tpu.memory_space<vmem>>, %arg6: memref<128x16xf32, #tpu.memory_space<vmem>>, %arg7: memref<10000x16xf32, #tpu.memory_space<vmem>>, %arg8: memref<10000x16xf32, #tpu.memory_space<vmem>>) attributes {dimension_semantics = [], scalar_prefetch = 0 : i64, scratch_operands = 0 : i64, tpu.core_type = #tpu.core_type<tc>} {
    %get3A = arith.constant 0 : index
    %get3A_0 = arith.constant 0 : index
    %get3A_1 = arith.constant 0 : index
    %get3A_2 = vector.load %arg0[%get3A, %get3A_0, %get3A_1] : memref<2x10240x128xf32, #tpu.memory_space<vmem>>, vector<1x10000x128xf32>
    %get3A_3 = vector.shape_cast %get3A_2 : vector<1x10000x128xf32> to vector<10000x128xf32>
    %get3A_4 = arith.constant 1 : index
    %get3A_5 = arith.constant 0 : index
    %get3A_6 = arith.constant 0 : index
    %get3A_7 = vector.load %arg0[%get3A_4, %get3A_5, %get3A_6] : memref<2x10240x128xf32, #tpu.memory_space<vmem>>, vector<1x10000x128xf32>
    %get3A_8 = vector.shape_cast %get3A_7 : vector<1x10000x128xf32> to vector<10000x128xf32>
    %add3A = arith.addf %get3A_3, %get3A_8 : vector<10000x128xf32>
    %get3A_9 = arith.constant 0 : index
    %get3A_10 = arith.constant 0 : index
    %get3A_11 = vector.load %arg1[%get3A_9, %get3A_10] : memref<10000x128xf32, #tpu.memory_space<vmem>>, vector<10000x128xf32>
    %get3A_12 = arith.constant 0 : index
    %get3A_13 = arith.constant 0 : index
    %get3A_14 = vector.load %arg2[%get3A_12, %get3A_13] : memref<128x128xf32, #tpu.memory_space<vmem>>, vector<128x128xf32>
    %dot_general3A = arith.constant dense<0.000000e+00> : vector<10000x128xf32>
    %dot_general3A_15 = tpu.matmul %add3A, %get3A_14, %dot_general3A {dimension_numbers = #tpu.dot_dimension_numbers<[1], [0], [0], [1], [0, 0, 1, 1], [], []>, transpose_lhs_hint = false} : vector<10000x128xf32>, vector<128x128xf32>, vector<10000x128xf32> -> vector<10000x128xf32>
    %logistic3A = arith.negf %dot_general3A_15 : vector<10000x128xf32>
    %logistic3A_16 = math.exp %logistic3A : vector<10000x128xf32>
    %logistic3A_17 = arith.constant 1.000000e+00 : f32
    %logistic3A_18 = vector.broadcast %logistic3A_17 : f32 to vector<10000x128xf32>
    %logistic3A_19 = arith.addf %logistic3A_18, %logistic3A_16 : vector<10000x128xf32>
    %logistic3A_20 = arith.divf %logistic3A_18, %logistic3A_19 : vector<10000x128xf32>
    %mul3A = arith.mulf %dot_general3A_15, %logistic3A_20 : vector<10000x128xf32>
    %div3A = arith.constant 3.200000e+01 : f32
    %div3A_21 = vector.broadcast %div3A : f32 to vector<10000x128xf32>
    %div3A_22 = arith.divf %mul3A, %div3A_21 : vector<10000x128xf32>
    %get3A_23 = arith.constant 0 : index
    %get3A_24 = arith.constant 0 : index
    %get3A_25 = vector.load %arg3[%get3A_23, %get3A_24] : memref<128x16xf32, #tpu.memory_space<vmem>>, vector<128x16xf32>
    %dot_general3A_26 = arith.constant dense<0.000000e+00> : vector<10000x16xf32>
    %dot_general3A_27 = tpu.matmul %get3A_11, %get3A_25, %dot_general3A_26 {dimension_numbers = #tpu.dot_dimension_numbers<[1], [0], [0], [1], [0, 0, 1, 1], [], []>, transpose_lhs_hint = false} : vector<10000x128xf32>, vector<128x16xf32>, vector<10000x16xf32> -> vector<10000x16xf32>
    %get3A_28 = arith.constant 0 : index
    %get3A_29 = arith.constant 0 : index
    %get3A_30 = vector.load %arg4[%get3A_28, %get3A_29] : memref<128x16xf32, #tpu.memory_space<vmem>>, vector<128x16xf32>
    %dot_general3A_31 = arith.constant dense<0.000000e+00> : vector<10000x16xf32>
    %dot_general3A_32 = tpu.matmul %div3A_22, %get3A_30, %dot_general3A_31 {dimension_numbers = #tpu.dot_dimension_numbers<[1], [0], [0], [1], [0, 0, 1, 1], [], []>, transpose_lhs_hint = false} : vector<10000x128xf32>, vector<128x16xf32>, vector<10000x16xf32> -> vector<10000x16xf32>
    %add3A_33 = arith.addf %dot_general3A_27, %dot_general3A_32 : vector<10000x16xf32>
    %swap3A = arith.constant 0 : index
    %swap3A_34 = arith.constant 0 : index
    %swap3A_35 = vector.load %arg7[%swap3A, %swap3A_34] : memref<10000x16xf32, #tpu.memory_space<vmem>>, vector<10000x16xf32>
    tpu.vector_store %arg7[%swap3A, %swap3A_34], %add3A_33 {strides = array<i32>} : memref<10000x16xf32, #tpu.memory_space<vmem>>, vector<10000x16xf32>,
    %get3A_36 = arith.constant 0 : index
    %get3A_37 = arith.constant 0 : index
    %get3A_38 = vector.load %arg5[%get3A_36, %get3A_37] : memref<128x16xf32, #tpu.memory_space<vmem>>, vector<128x16xf32>
    %dot_general3A_39 = arith.constant dense<0.000000e+00> : vector<10000x16xf32>
    %dot_general3A_40 = tpu.matmul %get3A_11, %get3A_38, %dot_general3A_39 {dimension_numbers = #tpu.dot_dimension_numbers<[1], [0], [0], [1], [0, 0, 1, 1], [], []>, transpose_lhs_hint = false} : vector<10000x128xf32>, vector<128x16xf32>, vector<10000x16xf32> -> vector<10000x16xf32>
    %get3A_41 = arith.constant 0 : index
    %get3A_42 = arith.constant 0 : index
    %get3A_43 = vector.load %arg6[%get3A_41, %get3A_42] : memref<128x16xf32, #tpu.memory_space<vmem>>, vector<128x16xf32>
    %dot_general3A_44 = arith.constant dense<0.000000e+00> : vector<10000x16xf32>
    %dot_general3A_45 = tpu.matmul %div3A_22, %get3A_43, %dot_general3A_44 {dimension_numbers = #tpu.dot_dimension_numbers<[1], [0], [0], [1], [0, 0, 1, 1], [], []>, transpose_lhs_hint = false} : vector<10000x128xf32>, vector<128x16xf32>, vector<10000x16xf32> -> vector<10000x16xf32>
    %add3A_46 = arith.addf %dot_general3A_40, %dot_general3A_45 : vector<10000x16xf32>
    %swap3A_47 = arith.constant 0 : index
    %swap3A_48 = arith.constant 0 : index
    %swap3A_49 = vector.load %arg8[%swap3A_47, %swap3A_48] : memref<10000x16xf32, #tpu.memory_space<vmem>>, vector<10000x16xf32>
    tpu.vector_store %arg8[%swap3A_47, %swap3A_48], %add3A_46 {strides = array<i32>} : memref<10000x16xf32, #tpu.memory_space<vmem>>, vector<10000x16xf32>,
    return
  }
}

</mosaic_0001>

<sc_bundles>
// kernel: kernel.10.cloned.1.call-start
scs
__scs_entry_jumppad:
0x0: {  	(pc) =	sbr.rel $0x88, $3  }
0x1: {  	(tag) =	ssettag $0x0;
	lr =	simm.s32 $0x1  }
0x2: {  	[smem:$0x3F90] =	sst lr;
	_ =	strace $0xD0000000  }
0x3: {  	_ = 	snop  }
0x4: {  	_ = 	snop  }
0x5: {  	_ = 	snop  }
0x6: {  	_ = 	snop  }
0x7: {  	_ = 	snop  }
__scs_overlays_trampoline_lowered:
0x8: {  	[smem:$0x3F9F] =	sst s0  }
0x9: {  	[smem:$0x3FA0] =	sst s1  }
0xa: {  	[smem:$0x3FA1] =	sst s2  }
0xb: {  	[smem:$0x3FA2] =	sst s3  }
0xc: {  	[smem:$0x3FA3] =	sst s4  }
0xd: {  	[smem:$0x3FA4] =	sst s5  }
0xe: {  	[smem:$0x3FA5] =	sst s6  }
0xf: {  	[smem:$0x3FA6] =	sst s7  }
0x10: {  	[smem:$0x3FA7] =	sst s8  }
0x11: {  	[smem:$0x3FA8] =	sst s9;
	s0 =	simm.s32 @!p0 $0x0  }
0x12: {  	s1 =	sld [smem:$0x3F8E];
	s0 =	simm.s32 @p0 $0x1  }
0x13: {  	[smem:$0x3FA9] =	sst s0;
	s0 =	simm.s32 @!p1 $0x0  }
0x14: {  	s2 =	sld [smem:$0x3F8D];
	s0 =	simm.s32 @p1 $0x1  }
0x15: {  	[smem:$0x3FAA] =	sst s0;
	s0 =	simm.s32 @!p2 $0x0  }
0x16: {  	s3 =	sld [smem:$0x3FDB];
	s0 =	simm.s32 @p2 $0x1  }
0x17: {  	s4 =	simm.s32 $0x1BF5;
	[smem:$0x3FAC] =	sst s0  }
0x18: {  	s0 =	sld [smem:$0x3F8F];
	_ =	swait.ge [sflag:s4], $0x0  }
0x19: {  	s7 =	sld [smem:$0x3F90]  }
0x1a: {  	s8 =	sadd.s32 $0xFFFFE003, lr  }
0x1b: {  	s9 =	sadd.s32 $0xFFFFFEF7, lr;
	s5 =	simm.s32 $0xFFFFFFFF;
	p2 =	slt.u32 s8, $0xFFFFF086  }
0x1c: {  	p1 =	slt.u32 s9, $0xF7A;
	s5 =	simm.s32 @!p2 $0x0  }
0x1d: {  	s5 =	simm.s32 @p1 $0x1;
	p0 =	seq.s32 s7, s2  }
0x1e: {  	s7 =	smul.u32 @!p0 $0xF7A, s2;
	p2 =	seq.s32 @!p0 s5, $0x0  }
0x1f: {  	s9 =	smul.u32 $0xF7A, s1;
	s8 =	simm.s32 @!p0 $0x1BF5;
	p2 =	por !p2, p0  }
0x20: {  	[sflag:s8] =	ssyncset.s32 @!p0 $0xFFFFF086;
	s6 =	sadd.s32 @!p0 s3, s7;
	s7 =	simm.s32 @!p0 $0x108  }
0x21: {  	s3 =	sadd.s32 s3, s9;
	s6 =	sadd.s32 @!p0 $0x88, s6;
	s7 =	simm.s32 @p2 $0x1082  }
0x22: {  	[simem:s7], [sflag:s8] =	dma.local @!p0 [hbm:s6], $0xF7A  }
0x23: {  	s9 =	sor.u32 $0xD0000000, s2;
	s6 =	simm.s32 $0x108;
	_ =	swait.ge @!p0 [sflag:s8], $0x0  }
0x24: {  	s3 =	sadd.s32 $0x88, s3;
	s6 =	simm.s32 @!p1 $0x1082;
	[sflag:s4] =	ssyncset.s32 $0xFFFFF086  }
0x25: {  	[simem:s6], [sflag:s4] =	dma.local [hbm:s3], $0xF7A  }
0x26: {  	[smem:$0x3F90] =	sst s1;
	(tag) =	ssettag s2;
	_ =	strace s9  }
0x27: {  	s1 =	sld [smem:$0x3FA0]  }
0x28: {  	s2 =	sld [smem:$0x3FA1]  }
0x29: {  	s4 =	sld [smem:$0x3FA3]  }
0x2a: {  	p0 =	seq.s32 s5, $0x0;
	s5 =	sld [smem:$0x3FA4]  }
0x2b: {  	s6 =	sld [smem:$0x3FA5]  }
0x2c: {  	s7 =	sld [smem:$0x3FA6]  }
0x2d: {  	s3 =	simm.s32 $0x108;
	s8 =	sld [smem:$0x3FA7]  }
0x2e: {  	s3 =	simm.s32 @!p0 $0x1082;
	s9 =	sld [smem:$0x3FA8]  }
0x2f: {  	lr =	sadd.s32 s0, s3;
	s0 =	sld [smem:$0x3F9F]  }
0x30: {  	s3 =	sld [smem:$0x3FA2]  }
0x31: {  	[smem:$0x3FAB] =	sst s10  }
0x32: {  	s10 =	sld [smem:$0x3FA9];
	_ =	sdelay $0x3  }
0x33: {  	p0 =	seq.s32 s10, $0x1;
	s10 =	sld [smem:$0x3FAB];
	_ =	sdelay $0x3  }
0x34: {  	[smem:$0x3FAB] =	sst s10  }
0x35: {  	s10 =	sld [smem:$0x3FAA];
	_ =	sdelay $0x3  }
0x36: {  	p1 =	seq.s32 s10, $0x1;
	s10 =	sld [smem:$0x3FAB];
	_ =	sdelay $0x3  }
0x37: {  	[smem:$0x3FAB] =	sst s10  }
0x38: {  	s10 =	sld [smem:$0x3FAC]  }
0x39: {  	_ = 	snop;
	(pc) =	sbr.ind lr, $3  }
0x3a: {  	_ = 	snop  }
0x3b: {  	_ = 	snop  }
0x3c: {  	p2 =	seq.s32 s10, $0x1;
	s10 =	sld [smem:$0x3FAB]  }
0x3d: {  	_ =	shalt  }
0x3e: {  	_ =	shalt  }
0x3f: {  	_ =	shalt  }
0x40: {  	_ =	shalt  }
0x41: {  	_ =	shalt  }
0x42: {  	_ =	shalt  }
0x43: {  	_ =	shalt  }
0x44: {  	_ =	shalt  }
0x45: {  	_ =	shalt  }
0x46: {  	_ =	shalt  }
0x47: {  	_ =	shalt  }
0x48: {  	_ =	shalt  }
0x49: {  	_ =	shalt  }
0x4a: {  	_ =	shalt  }
0x4b: {  	_ =	shalt  }
0x4c: {  	_ =	shalt  }
0x4d: {  	_ =	shalt  }
0x4e: {  	_ =	shalt  }
0x4f: {  	_ =	shalt  }
0x50: {  	_ =	shalt  }
0x51: {  	_ =	shalt  }
0x52: {  	_ =	shalt  }
0x53: {  	_ =	shalt  }
0x54: {  	_ =	shalt  }
0x55: {  	_ =	shalt  }
0x56: {  	_ =	shalt  }
0x57: {  	_ =	shalt  }
0x58: {  	_ =	shalt  }
0x59: {  	_ =	shalt  }
0x5a: {  	_ =	shalt  }
0x5b: {  	_ =	shalt  }
0x5c: {  	_ =	shalt  }
0x5d: {  	_ =	shalt  }
0x5e: {  	_ =	shalt  }
0x5f: {  	_ =	shalt  }
0x60: {  	_ =	shalt  }
0x61: {  	_ =	shalt  }
0x62: {  	_ =	shalt  }
0x63: {  	_ =	shalt  }
0x64: {  	_ =	shalt  }
0x65: {  	_ =	shalt  }
0x66: {  	_ =	shalt  }
0x67: {  	_ =	shalt  }
0x68: {  	_ =	shalt  }
0x69: {  	_ =	shalt  }
0x6a: {  	_ =	shalt  }
0x6b: {  	_ =	shalt  }
0x6c: {  	_ =	shalt  }
0x6d: {  	_ =	shalt  }
0x6e: {  	_ =	shalt  }
0x6f: {  	_ =	shalt  }
0x70: {  	_ =	shalt  }
0x71: {  	_ =	shalt  }
0x72: {  	_ =	shalt  }
0x73: {  	_ =	shalt  }
0x74: {  	_ =	shalt  }
0x75: {  	_ =	shalt  }
0x76: {  	_ =	shalt  }
0x77: {  	_ =	shalt  }
0x78: {  	_ =	shalt  }
0x79: {  	_ =	shalt  }
0x7a: {  	_ =	shalt  }
0x7b: {  	_ =	shalt  }
0x7c: {  	_ =	shalt  }
0x7d: {  	_ =	shalt  }
0x7e: {  	_ =	shalt  }
0x7f: {  	_ =	shalt  }
0x80: {  	_ =	shalt  }
0x81: {  	_ =	shalt  }
0x82: {  	_ =	shalt  }
0x83: {  	_ =	shalt  }
0x84: {  	_ =	shalt  }
0x85: {  	_ =	shalt  }
0x86: {  	_ =	shalt  }
0x87: {  	_ =	shalt  }
.Lfunc_end0:
.L_simem_size_0:
called_computation_lowered:
.L_overlay_start_0:
0x88: {  	s2 =	sld [smem:$0x3FD9]  }
0x89: {  	s3 =	sld [smem:$0x3FFE];
	_ =	sdelay $0x1  }
0x8a: {  	s1 =	srdreg.scid  }
0x8b: {  	s0 =	sand.u32 $0x1, s1  }
0x8c: {  	s14 =	sshll.u32 s0, $0xA;
	s2 =	sadd.s32 s3, s2  }
0x8d: {  	s2 =	sadd.s32 s2, s14  }
0x8e: {  	[smem:$0x3FB7] =	sst s2  }
0x8f: {  	_ = 	snop  }
0x90: {  	s2 =	sld [smem:$0x3FD0];
	_ =	sdelay $0x2  }
0x91: {  	s15 =	simm.s32 $0xA;
	s4 =	simm.s32 $0x10  }
0x92: {  	[smem:s4], [sflag:s15] =	dma.local [hbm:s2], $0x1  }
0x93: {  	_ =	swait.eq [sflag:s15], $0x1  }
0x94: {  	[sflag:s15] =	ssyncset.done $0x0  }
0x95: {  	s16 =	sld [smem:$0x10];
	[sflag:s15] =	ssyncadd.s32 $0xFFFFFFFF  }
0x96: {  	s17 =	sld [smem:$0x11];
	(tm) =	ssettm $0x1  }
0x97: {  	s18 =	sld [smem:$0x3FFB];
	_ =	sdelay $0x3  }
0x98: {  	_ =	strace s18  }
0x99: {  	s4 =	sld [smem:$0x3FFC];
	_ =	sdelay $0x3  }
0x9a: {  	_ =	strace s4  }
0x9b: {  	s4 =	sld [smem:$0x3FFD];
	_ =	sdelay $0x3  }
0x9c: {  	_ =	strace s4  }
0x9d: {  	_ =	strace $0x8FFFFFFF  }
0x9e: {  	s19 =	sld [smem:$0x3FDB];
	_ =	sdelay $0x1  }
0x9f: {  	s5 =	simm.s32 $_scs_section_size  }
0xa0: {  	s6 =	simm.s32 $_size__tile_overlayer_lowered;
	s7 =	simm.s32 $_tile_overlayer_lowered  }
0xa1: {  	s22 =	simm.s32 $0x1BFF;
	s21 =	sshll.u32 s7, $0x1;
	s4 =	sadd.s32 s5, s19  }
0xa2: {  	s8 =	simm.s32 $0x0;
	s20 =	sshll.u32 s6, $0x1;
	s6 =	sadd.s32 s21, s4  }
0xa3: {  	[timem:s8], [sflag:s22] =	dma.local [hbm:s6], s20  }
0xa4: {  	_ =	swait.ge [sflag:s22], s20  }
0xa5: {  	s5 =	ssub.s32 $0x0, s20;
	[sflag:s22] =	ssyncset.done $0x0  }
0xa6: {  	[sflag:s22] =	ssyncadd.s32 s5;
	_ =	sdelay $0x1  }
0xa7: {  	s23 =	simm.s32 $0x1B8B  }
0xa8: {  	_ =	swait.ge [sflag:s23], $0x1  }
0xa9: {  	[sflag:s23] =	ssyncset.done $0x0  }
0xaa: {  	s25 =	simm.s32 $0x1B8E;
	s24 =	sld [smem:$0x3FFE];
	[sflag:s23] =	ssyncadd.s32 $0xFFFFFFFF  }
0xab: {  	s26 =	simm.s32 $execute0_lowered;
	[smem:$0x3FD2] =	sst s25  }
0xac: {  	s6 =	sshll.u32 s26, $0x1;
	_ =	strace $0x80000046;
	[dreg:$0x1] =	wrdreg $0xFFFFFFFF  }
0xad: {  	s28 =	simm.s32 $_size_execute0_lowered;
	s4 =	sadd.s32 s4, s6;
	[dreg:$0x0] =	wrdreg $0x0  }
0xae: {  	s6 =	sshll.u32 s28, $0x1;
	[dreg:$0x2] =	wrdreg s4  }
0xaf: {  	[dreg:$0x3] =	wrdreg s6  }
0xb0: {  	[dreg:$0x4] =	wrdreg $0xC0  }
0xb1: {  	_ =	task [dreg:s8], $0x5FFFF  }
0xb2: {  	[dreg:$0x1] =	wrdreg $0xFFFFFFFF  }
0xb3: {  	[dreg:$0x0] =	wrdreg $0x60  }
0xb4: {  	[dreg:$0x2] =	wrdreg s16  }
0xb5: {  	[dreg:$0x3] =	wrdreg s24  }
0xb6: {  	[dreg:$0x4] =	wrdreg s17  }
0xb7: {  	[dreg:$0x5] =	wrdreg $0x9  }
0xb8: {  	_ =	task.clear_ibuf [dreg:s8], $0x6FFFF;
	_ =	strace $0x90000046  }
0xb9: {  	s29 =	simm.s32 $0x9;
	_ =	strace $0x80000048  }
0xba: {  	_ =	swait.ge [sflag:s29], $0x1  }
0xbb: {  	[sflag:s29] =	ssyncadd.s32 $0xFFFFFFFF  }
0xbc: {  	_ =	strace $0x90000048  }
0xbd: {  	_ =	sfence  }
0xbe: {  	s30 =	sld [smem:$0x0];
	_ =	sdelay $0x2  }
0xbf: {  	s31 =	sshll.u32 s1, $0xD;
	s1 =	sshrl.u32 s1, $0x2  }
0xc0: {  	s3 =	sand.u32 $0x4000, s31;
	s1 =	sadd.s32 s1, s30  }
0xc1: {  	s0 =	sor.u32 s3, s0;
	s1 =	sshll.u32 s1, $0x11  }
0xc2: {  	s0 =	sor.u32 s1, s0  }
0xc3: {  	s0 =	sadd.s32 $0x8F2B, s0  }
0xc4: {  	[sflag:s0] =	ssyncadd.remote.s32 $0x1  }
0xc5: {  	_ =	sfence.sel $0xFFFF  }
0xc6: {  	[dreg:$0x0] =	wrdreg $0xFFFFFFFF;
	(pc) =	sbr.abs _section_cstart, $3  }
0xc7: {  	[dreg:$0x1] =	wrdreg $0xFFFFFFFF  }
0xc8: {  	_ =	task.clear_ibuf [dreg:s8], $0x2FFFF;
	_ =	strace $0x9FFFFFFF  }
0xc9: {  	(tm) =	ssettm $0x7FFFFFFF  }
tec
execute0_lowered:
.L_overlay_start_1:
0x0: {  	(tag) =	ssettag $0x1  }
0x1: {  	s0 =	rddreg [dreg:$0x0]  }
0x2: {  	s1 =	srdreg.scid;
	s6 =	rddreg [dreg:$0x1]  }
0x3: {  	s3 =	rddreg [dreg:$0x2];
	s2 =	stileid.u32  }
0x4: {  	s4 =	simm.s32 $0x0;
	s13 =	simm.s32 $0x5;
	s14 =	simm.s32 $0x50  }
0x5: {  	s15 =	simm.s32 $0x140;
	s16 =	simm.s32 $0xB40;
	s17 =	simm.s32 $0xA0  }
0x6: {  	s18 =	simm.s32 $0x640;
	s19 =	simm.s32 $0xF0;
	s20 =	simm.s32 $0x1040  }
0x7: {  	s21 =	simm.s32 $0x1;
	s22 =	simm.s32 $0x2;
	s5 =	sand.u32 $0x1, s1  }
0x8: {  	s23 =	simm.s32 $0x1540;
	s24 =	simm.s32 $0x1A40;
	s7 =	sshll.u32 s5, $0x4  }
0x9: {  	s25 =	simm.s32 $0x3;
	s26 =	simm.s32 $0x4;
	s7 =	sor.u32 s2, s7  }
0xa: {  	s28 =	simm.s32 $0x0;
	s8 =	ssub.s32 $0x2, s5;
	s9 =	smul.u32 $0x4E20, s7  }
0xb: {  	[smem:$0x7FF] =	sst s4;
	s30 =	sshrl.u32 s8, $0x1;
	s5 =	smul.u32 $0x27100, s7  }
0xc: {  	s6 =	sadd.s32 $0x23C00, s6;
	_ =	strace $0x80000047;
	s12 =	ssub.s32 s8, s30  }
0xd: {  	s12 =	smax.u32 s12, $0x1;
	s10 =	sshrl.u32 s9, $0x3;
	s31 =	sshrl.u32 s5, $0x3  }
0xe: {  	s8 =	sadd.s32 $0x500, s5;
	s7 =	sadd.s32 s6, s10;
	s11 =	sadd.s32 s3, s31  }
0xf: {  	s9 =	sadd.s32 $0x140, s9;
	s10 =	sadd.s32 $0x9B0, s7;
	s11 =	sadd.s32 $0x4D80, s11  }
.LBB2_1:
0x10: {  	[tilespmem:s4], [sflag:$0x5] =	stream.linear.gather [hbm4b:s7+s4], $0x140, $0x38;
	[tilespmem:$0x1F40] =	vst v63  }
0x11: {  	_ =	swait.ge [sflag:s13], $0x140  }
0x12: {  	[sflag:s13] =	ssyncset.done $0x0  }
0x13: {  	[sflag:s13] =	ssyncadd.s32 $0xFFFFFEC0  }
0x14: {  	[tilespmem:s15], [sflag:$0x1] =	stream.indirect.gather [hbm4b:s0+s14], $0x10, s4, s14, $0xb8;
	[tilespmem:$0x1F40] =	vst v63  }
0x15: {  	_ = 	snop  }
0x16: {  	[tilespmem:s16], [sflag:$0x1] =	stream.indirect.gather [hbm4b:s0+s14], $0x10, s14, s14, $0xb8;
	[tilespmem:$0x1F40] =	vst v63  }
0x17: {  	_ = 	snop  }
0x18: {  	[tilespmem:s18], [sflag:$0x2] =	stream.indirect.gather [hbm4b:s0+s14], $0x10, s17, s14, $0xb8;
	[tilespmem:$0x1F40] =	vst v63  }
0x19: {  	s29 =	simm.s32 $0x0  }
0x1a: {  	[tilespmem:s20], [sflag:$0x2] =	stream.indirect.gather [hbm4b:s0+s14], $0x10, s19, s14, $0xb8;
	[tilespmem:$0x1F40] =	vst v63  }
.LBB2_2:
0x1b: {  	_ =	swait.ge [sflag:s21], $0x500  }
0x1c: {  	[sflag:s21] =	ssyncset.done $0x0  }
0x1d: {  	[sflag:s21] =	ssyncadd.s32 $0xFFFFFB00  }
0x1e: {  	_ =	swait.ge [sflag:s21], $0x500  }
0x1f: {  	[sflag:s21] =	ssyncset.done $0x0  }
0x20: {  	s30 =	simm.s32 $0x0;
	[sflag:s21] =	ssyncadd.s32 $0xFFFFFB00  }
0x21: {  	v0 =	vld [tilespmem:s30+$0xB40]  }
0x22: {  	s31 =	simm.s32 $0x40;
	v1 =	vld [tilespmem:s30+$0x140]  }
.LBB2_3:
0x23: {  	_ = 	snop  }
0x24: {  	p0 =	sne.s32 s31, $0x13C0  }
.Ltmp0:
0x25: {  	_ = 	snop;
	(pc) =	sbr.rel @p0 .LBB2_3-.Ltmp0, $4  }
0x26: {  	_ = 	snop  }
0x27: {  	s1 =	sshra.s32 s31, $0x2;
	v2 =	vsub.f32 v0, v1  }
0x28: {  	v0 =	vld [tilespmem:s1+$0xB40]  }
0x29: {  	s31 =	sadd.s32 $0x40, s31;
	v1 =	vld [tilespmem:s1+$0x140];
	[tilespmem:s30+$0x1540] =	vst v2;
	s30 =	smov.u32 s1  }
0x2a: {  	_ =	sdelay $0x3  }
0x2b: {  	v0 =	vsub.f32 v0, v1;
	_ =	sdelay $0x1  }
0x2c: {  	[tilespmem:s30+$0x1540] =	vst v0  }
0x2d: {  	_ =	swait.ge [sflag:s22], $0x500  }
0x2e: {  	[sflag:s22] =	ssyncset.done $0x0  }
0x2f: {  	[sflag:s22] =	ssyncadd.s32 $0xFFFFFB00  }
0x30: {  	_ =	swait.ge [sflag:s22], $0x500  }
0x31: {  	[sflag:s22] =	ssyncset.done $0x0  }
0x32: {  	s30 =	simm.s32 $0x0;
	[sflag:s22] =	ssyncadd.s32 $0xFFFFFB00  }
0x33: {  	v0 =	vld [tilespmem:s30+$0x1040]  }
0x34: {  	s31 =	simm.s32 $0x40;
	v1 =	vld [tilespmem:s30+$0x640]  }
.LBB2_5:
0x35: {  	_ = 	snop  }
0x36: {  	p0 =	sne.s32 s31, $0x13C0  }
.Ltmp1:
0x37: {  	_ = 	snop;
	(pc) =	sbr.rel @p0 .LBB2_5-.Ltmp1, $4  }
0x38: {  	_ = 	snop  }
0x39: {  	s1 =	sshra.s32 s31, $0x2;
	v2 =	vsub.f32 v0, v1  }
0x3a: {  	v0 =	vld [tilespmem:s1+$0x1040]  }
0x3b: {  	s31 =	sadd.s32 $0x40, s31;
	v1 =	vld [tilespmem:s1+$0x640];
	[tilespmem:s30+$0x1A40] =	vst v2;
	s30 =	smov.u32 s1  }
0x3c: {  	_ =	sdelay $0x1  }
0x3d: {  	s1 =	smul.u32 $0xA00, s29;
	_ =	sdelay $0x1  }
0x3e: {  	s31 =	sadd.s32 s5, s1;
	v0 =	vsub.f32 v0, v1  }
0x3f: {  	s1 =	sadd.s32 s8, s1;
	s31 =	sshrl.u32 s31, $0x3  }
0x40: {  	s1 =	sshrl.u32 s1, $0x3;
	s31 =	sadd.s32 s3, s31;
	[tilespmem:s30+$0x1A40] =	vst v0  }
0x41: {  	[hbm4b:s31+s4] =	stream.linear.scatter [tilespmem:s23], [sflag:$0x3], $0x500, $0x38;
	[tilespmem:$0x1F40] =	vst v63  }
0x42: {  	s1 =	sadd.s32 s3, s1  }
0x43: {  	[hbm4b:s1+s4] =	stream.linear.scatter [tilespmem:s24], [sflag:$0x4], $0x500, $0x38;
	[tilespmem:$0x1F40] =	vst v63  }
0x44: {  	p0 =	seq.s32 s29, $0x3D;
	_ =	swait.ge [sflag:s25], $0x500  }
.Ltmp2:
0x45: {  	[sflag:s25] =	ssyncset.done $0x0;
	(pc) =	sbr.rel @p0 .LBB2_8-.Ltmp2, $4  }
0x46: {  	[sflag:s25] =	ssyncadd.s32 $0xFFFFFB00  }
0x47: {  	_ =	swait.ge [sflag:s26], $0x500  }
0x48: {  	[sflag:s26] =	ssyncset.done $0x0  }
0x49: {  	[sflag:s26] =	ssyncadd.s32 $0xFFFFFB00  }
0x4a: {  	s1 =	smul.u32 $0x140, s29;
	_ =	sdelay $0x1  }
0x4b: {  	s1 =	sadd.s32 s1, s9  }
0x4c: {  	s1 =	sshrl.u32 s1, $0x3  }
0x4d: {  	s1 =	sadd.s32 s6, s1  }
0x4e: {  	[tilespmem:s4], [sflag:$0x5] =	stream.linear.gather [hbm4b:s1+s4], $0x140, $0x38;
	[tilespmem:$0x1F40] =	vst v63  }
0x4f: {  	_ =	swait.ge [sflag:s13], $0x140  }
0x50: {  	[sflag:s13] =	ssyncset.done $0x0  }
0x51: {  	[sflag:s13] =	ssyncadd.s32 $0xFFFFFEC0  }
0x52: {  	[tilespmem:s15], [sflag:$0x1] =	stream.indirect.gather [hbm4b:s0+s14], $0x10, s4, s14, $0xb8;
	[tilespmem:$0x1F40] =	vst v63  }
0x53: {  	_ = 	snop  }
0x54: {  	[tilespmem:s16], [sflag:$0x1] =	stream.indirect.gather [hbm4b:s0+s14], $0x10, s14, s14, $0xb8;
	[tilespmem:$0x1F40] =	vst v63  }
.Ltmp3:
0x55: {  	_ = 	snop;
	(pc) =	sbr.rel .LBB2_2-.Ltmp3, $4  }
0x56: {  	_ = 	snop  }
0x57: {  	[tilespmem:s18], [sflag:$0x2] =	stream.indirect.gather [hbm4b:s0+s14], $0x10, s17, s14, $0xb8;
	[tilespmem:$0x1F40] =	vst v63  }
0x58: {  	s29 =	sadd.s32 $0x1, s29  }
0x59: {  	[tilespmem:s20], [sflag:$0x2] =	stream.indirect.gather [hbm4b:s0+s14], $0x10, s19, s14, $0xb8;
	[tilespmem:$0x1F40] =	vst v63  }
.LBB2_8:
0x5a: {  	s1 =	simm.s32 $0x0  }
0x5b: {  	[tilespmem:s1], [sflag:$0x5] =	stream.linear.gather [hbm4b:s10+s1], $0xA0, $0x38;
	[tilespmem:$0x1F40] =	vst v63  }
0x5c: {  	_ =	swait.ge [sflag:s13], $0xA0  }
0x5d: {  	[sflag:s13] =	ssyncset.done $0x0  }
0x5e: {  	[sflag:s13] =	ssyncadd.s32 $0xFFFFFF60  }
0x5f: {  	[tilespmem:s15], [sflag:$0x1] =	stream.indirect.gather [hbm4b:s0+s14], $0x10, s1, s14, $0xb8;
	[tilespmem:$0x1F40] =	vst v63  }
0x60: {  	_ = 	snop  }
0x61: {  	[tilespmem:s16], [sflag:$0x1] =	stream.indirect.gather [hbm4b:s0+s14], $0x10, s14, s14, $0xb8;
	[tilespmem:$0x1F40] =	vst v63  }
0x62: {  	_ =	swait.ge [sflag:s21], $0x500  }
0x63: {  	[sflag:s21] =	ssyncset.done $0x0  }
0x64: {  	[sflag:s21] =	ssyncadd.s32 $0xFFFFFB00  }
0x65: {  	_ =	swait.ge [sflag:s21], $0x500  }
0x66: {  	[sflag:s21] =	ssyncset.done $0x0  }
0x67: {  	s29 =	simm.s32 $0x0;
	[sflag:s21] =	ssyncadd.s32 $0xFFFFFB00  }
0x68: {  	v0 =	vld [tilespmem:s29+$0xB40]  }
0x69: {  	s30 =	simm.s32 $0x40;
	v1 =	vld [tilespmem:s29+$0x140]  }
.LBB2_9:
0x6a: {  	_ = 	snop  }
0x6b: {  	p0 =	sne.s32 s30, $0x13C0  }
.Ltmp4:
0x6c: {  	_ = 	snop;
	(pc) =	sbr.rel @p0 .LBB2_9-.Ltmp4, $4  }
0x6d: {  	_ = 	snop  }
0x6e: {  	s1 =	sshra.s32 s30, $0x2;
	v2 =	vsub.f32 v0, v1  }
0x6f: {  	v0 =	vld [tilespmem:s1+$0xB40]  }
0x70: {  	s30 =	sadd.s32 $0x40, s30;
	v1 =	vld [tilespmem:s1+$0x140];
	[tilespmem:s29+$0x1540] =	vst v2;
	s29 =	smov.u32 s1  }
0x71: {  	_ =	sdelay $0x3  }
0x72: {  	s28 =	sadd.s32 $0x1, s28;
	v0 =	vsub.f32 v0, v1  }
0x73: {  	p0 =	sne.s32 s28, s12  }
.Ltmp5:
0x74: {  	[tilespmem:s29+$0x1540] =	vst v0;
	(pc) =	sbr.rel @p0 .LBB2_1-.Ltmp5, $4  }
0x75: {  	[hbm4b:s11+s4] =	stream.linear.scatter [tilespmem:s23], [sflag:$0x5], $0x500, $0x38;
	[tilespmem:$0x1F40] =	vst v63  }
0x76: {  	_ =	swait.ge [sflag:s13], $0x500  }
0x77: {  	[sflag:s13] =	ssyncset.done $0x0  }
0x78: {  	[sflag:s13] =	ssyncadd.s32 $0xFFFFFB00  }
0x79: {  	_ =	sfence.sel $0x180000  }
0x7a: {  	[bflag:$0x0] =	sbarrier.arrive $0xFFFF  }
0x7b: {  	_ =	strace $0x90000047  }
0x7c: {  	[bflag:$0x2] =	sbarrier.arrive $0xFFFF  }
0x7d: {  	p0 =	sne.s32 s2, $0x0;
	s0 =	rddreg [dreg:$0x3]  }
0x7e: {  	s0 =	sadd.s32 @!p0 $0x100000, s0  }
0x7f: {  	[sflag:s0] =	ssyncadd.tile.s32 @!p0 $0x1;
	_ =	shalt  }
.Lfunc_end2:
_tile_overlayer_lowered:
.L_overlay_start_2:
0x80: {  	(tag) =	ssettag $0x2  }
0x81: {  	s0 =	rddreg [dreg:$0x0];
	s2 =	stileid.u32  }
0x82: {  	s1 =	rddreg [dreg:$0x1];
	p0 =	sne.s32 s2, $0x0  }
0x83: {  	s3 =	rddreg [dreg:$0x2];
	[bflag:$0x3] =	sbarrier.arrive $0xFFFF;
	s2 =	simm.s32 @!p0 $0x1C05  }
0x84: {  	[timem:s3], [sflag:s2] =	dma.local @!p0 [hbm:s0], s1  }
0x85: {  	s0 =	simm.s32 @!p0 $0x5  }
0x86: {  	_ =	swait.ge @!p0 [sflag:s0], s1  }
0x87: {  	s1 =	ssub.s32 @!p0 $0x0, s1;
	[sflag:s0] =	ssyncset.done @!p0 $0x0  }
0x88: {  	[sflag:s0] =	ssyncadd.s32 @!p0 s1  }
0x89: {  	[bflag:$0x3] =	sbarrier.arrive $0xFFFF  }
0x8a: {  	_ =	shalt  }

// kernel: kernel.13.cloned.1.call-start
scs
__scs_entry_jumppad:
0x0: {  	(pc) =	sbr.rel $0x88, $3  }
0x1: {  	(tag) =	ssettag $0x0;
	lr =	simm.s32 $0x1  }
0x2: {  	[smem:$0x3F90] =	sst lr;
	_ =	strace $0xD0000000  }
0x3: {  	_ = 	snop  }
0x4: {  	_ = 	snop  }
0x5: {  	_ = 	snop  }
0x6: {  	_ = 	snop  }
0x7: {  	_ = 	snop  }
__scs_overlays_trampoline_lowered:
0x8: {  	[smem:$0x3F9F] =	sst s0  }
0x9: {  	[smem:$0x3FA0] =	sst s1  }
0xa: {  	[smem:$0x3FA1] =	sst s2  }
0xb: {  	[smem:$0x3FA2] =	sst s3  }
0xc: {  	[smem:$0x3FA3] =	sst s4  }
0xd: {  	[smem:$0x3FA4] =	sst s5  }
0xe: {  	[smem:$0x3FA5] =	sst s6  }
0xf: {  	[smem:$0x3FA6] =	sst s7  }
0x10: {  	[smem:$0x3FA7] =	sst s8  }
0x11: {  	[smem:$0x3FA8] =	sst s9;
	s0 =	simm.s32 @!p0 $0x0  }
0x12: {  	s1 =	sld [smem:$0x3F8E];
	s0 =	simm.s32 @p0 $0x1  }
0x13: {  	[smem:$0x3FA9] =	sst s0;
	s0 =	simm.s32 @!p1 $0x0  }
0x14: {  	s2 =	sld [smem:$0x3F8D];
	s0 =	simm.s32 @p1 $0x1  }
0x15: {  	[smem:$0x3FAA] =	sst s0;
	s0 =	simm.s32 @!p2 $0x0  }
0x16: {  	s3 =	sld [smem:$0x3FDB];
	s0 =	simm.s32 @p2 $0x1  }
0x17: {  	s4 =	simm.s32 $0x1BF5;
	[smem:$0x3FAC] =	sst s0  }
0x18: {  	s0 =	sld [smem:$0x3F8F];
	_ =	swait.ge [sflag:s4], $0x0  }
0x19: {  	s7 =	sld [smem:$0x3F90]  }
0x1a: {  	s8 =	sadd.s32 $0xFFFFE003, lr  }
0x1b: {  	s9 =	sadd.s32 $0xFFFFFEF7, lr;
	s5 =	simm.s32 $0xFFFFFFFF;
	p2 =	slt.u32 s8, $0xFFFFF086  }
0x1c: {  	p1 =	slt.u32 s9, $0xF7A;
	s5 =	simm.s32 @!p2 $0x0  }
0x1d: {  	s5 =	simm.s32 @p1 $0x1;
	p0 =	seq.s32 s7, s2  }
0x1e: {  	s7 =	smul.u32 @!p0 $0xF7A, s2;
	p2 =	seq.s32 @!p0 s5, $0x0  }
0x1f: {  	s9 =	smul.u32 $0xF7A, s1;
	s8 =	simm.s32 @!p0 $0x1BF5;
	p2 =	por !p2, p0  }
0x20: {  	[sflag:s8] =	ssyncset.s32 @!p0 $0xFFFFF086;
	s6 =	sadd.s32 @!p0 s3, s7;
	s7 =	simm.s32 @!p0 $0x108  }
0x21: {  	s3 =	sadd.s32 s3, s9;
	s6 =	sadd.s32 @!p0 $0x88, s6;
	s7 =	simm.s32 @p2 $0x1082  }
0x22: {  	[simem:s7], [sflag:s8] =	dma.local @!p0 [hbm:s6], $0xF7A  }
0x23: {  	s9 =	sor.u32 $0xD0000000, s2;
	s6 =	simm.s32 $0x108;
	_ =	swait.ge @!p0 [sflag:s8], $0x0  }
0x24: {  	s3 =	sadd.s32 $0x88, s3;
	s6 =	simm.s32 @!p1 $0x1082;
	[sflag:s4] =	ssyncset.s32 $0xFFFFF086  }
0x25: {  	[simem:s6], [sflag:s4] =	dma.local [hbm:s3], $0xF7A  }
0x26: {  	[smem:$0x3F90] =	sst s1;
	(tag) =	ssettag s2;
	_ =	strace s9  }
0x27: {  	s1 =	sld [smem:$0x3FA0]  }
0x28: {  	s2 =	sld [smem:$0x3FA1]  }
0x29: {  	s4 =	sld [smem:$0x3FA3]  }
0x2a: {  	p0 =	seq.s32 s5, $0x0;
	s5 =	sld [smem:$0x3FA4]  }
0x2b: {  	s6 =	sld [smem:$0x3FA5]  }
0x2c: {  	s7 =	sld [smem:$0x3FA6]  }
0x2d: {  	s3 =	simm.s32 $0x108;
	s8 =	sld [smem:$0x3FA7]  }
0x2e: {  	s3 =	simm.s32 @!p0 $0x1082;
	s9 =	sld [smem:$0x3FA8]  }
0x2f: {  	lr =	sadd.s32 s0, s3;
	s0 =	sld [smem:$0x3F9F]  }
0x30: {  	s3 =	sld [smem:$0x3FA2]  }
0x31: {  	[smem:$0x3FAB] =	sst s10  }
0x32: {  	s10 =	sld [smem:$0x3FA9];
	_ =	sdelay $0x3  }
0x33: {  	p0 =	seq.s32 s10, $0x1;
	s10 =	sld [smem:$0x3FAB];
	_ =	sdelay $0x3  }
0x34: {  	[smem:$0x3FAB] =	sst s10  }
0x35: {  	s10 =	sld [smem:$0x3FAA];
	_ =	sdelay $0x3  }
0x36: {  	p1 =	seq.s32 s10, $0x1;
	s10 =	sld [smem:$0x3FAB];
	_ =	sdelay $0x3  }
0x37: {  	[smem:$0x3FAB] =	sst s10  }
0x38: {  	s10 =	sld [smem:$0x3FAC]  }
0x39: {  	_ = 	snop;
	(pc) =	sbr.ind lr, $3  }
0x3a: {  	_ = 	snop  }
0x3b: {  	_ = 	snop  }
0x3c: {  	p2 =	seq.s32 s10, $0x1;
	s10 =	sld [smem:$0x3FAB]  }
0x3d: {  	_ =	shalt  }
0x3e: {  	_ =	shalt  }
0x3f: {  	_ =	shalt  }
0x40: {  	_ =	shalt  }
0x41: {  	_ =	shalt  }
0x42: {  	_ =	shalt  }
0x43: {  	_ =	shalt  }
0x44: {  	_ =	shalt  }
0x45: {  	_ =	shalt  }
0x46: {  	_ =	shalt  }
0x47: {  	_ =	shalt  }
0x48: {  	_ =	shalt  }
0x49: {  	_ =	shalt  }
0x4a: {  	_ =	shalt  }
0x4b: {  	_ =	shalt  }
0x4c: {  	_ =	shalt  }
0x4d: {  	_ =	shalt  }
0x4e: {  	_ =	shalt  }
0x4f: {  	_ =	shalt  }
0x50: {  	_ =	shalt  }
0x51: {  	_ =	shalt  }
0x52: {  	_ =	shalt  }
0x53: {  	_ =	shalt  }
0x54: {  	_ =	shalt  }
0x55: {  	_ =	shalt  }
0x56: {  	_ =	shalt  }
0x57: {  	_ =	shalt  }
0x58: {  	_ =	shalt  }
0x59: {  	_ =	shalt  }
0x5a: {  	_ =	shalt  }
0x5b: {  	_ =	shalt  }
0x5c: {  	_ =	shalt  }
0x5d: {  	_ =	shalt  }
0x5e: {  	_ =	shalt  }
0x5f: {  	_ =	shalt  }
0x60: {  	_ =	shalt  }
0x61: {  	_ =	shalt  }
0x62: {  	_ =	shalt  }
0x63: {  	_ =	shalt  }
0x64: {  	_ =	shalt  }
0x65: {  	_ =	shalt  }
0x66: {  	_ =	shalt  }
0x67: {  	_ =	shalt  }
0x68: {  	_ =	shalt  }
0x69: {  	_ =	shalt  }
0x6a: {  	_ =	shalt  }
0x6b: {  	_ =	shalt  }
0x6c: {  	_ =	shalt  }
0x6d: {  	_ =	shalt  }
0x6e: {  	_ =	shalt  }
0x6f: {  	_ =	shalt  }
0x70: {  	_ =	shalt  }
0x71: {  	_ =	shalt  }
0x72: {  	_ =	shalt  }
0x73: {  	_ =	shalt  }
0x74: {  	_ =	shalt  }
0x75: {  	_ =	shalt  }
0x76: {  	_ =	shalt  }
0x77: {  	_ =	shalt  }
0x78: {  	_ =	shalt  }
0x79: {  	_ =	shalt  }
0x7a: {  	_ =	shalt  }
0x7b: {  	_ =	shalt  }
0x7c: {  	_ =	shalt  }
0x7d: {  	_ =	shalt  }
0x7e: {  	_ =	shalt  }
0x7f: {  	_ =	shalt  }
0x80: {  	_ =	shalt  }
0x81: {  	_ =	shalt  }
0x82: {  	_ =	shalt  }
0x83: {  	_ =	shalt  }
0x84: {  	_ =	shalt  }
0x85: {  	_ =	shalt  }
0x86: {  	_ =	shalt  }
0x87: {  	_ =	shalt  }
.Lfunc_end0:
.L_simem_size_0:
called_computation.1_lowered:
.L_overlay_start_0:
0x88: {  	s2 =	sld [smem:$0x3FD9]  }
0x89: {  	s3 =	sld [smem:$0x3FFE];
	_ =	sdelay $0x1  }
0x8a: {  	s1 =	srdreg.scid  }
0x8b: {  	s0 =	sand.u32 $0x1, s1  }
0x8c: {  	s14 =	sshll.u32 s0, $0xA;
	s2 =	sadd.s32 s3, s2  }
0x8d: {  	s2 =	sadd.s32 s2, s14  }
0x8e: {  	[smem:$0x3FB7] =	sst s2  }
0x8f: {  	_ = 	snop  }
0x90: {  	s2 =	sld [smem:$0x3FD0];
	_ =	sdelay $0x2  }
0x91: {  	s15 =	simm.s32 $0xA;
	s4 =	simm.s32 $0x10  }
0x92: {  	[smem:s4], [sflag:s15] =	dma.local [hbm:s2], $0x1  }
0x93: {  	_ =	swait.eq [sflag:s15], $0x1  }
0x94: {  	[sflag:s15] =	ssyncset.done $0x0  }
0x95: {  	[sflag:s15] =	ssyncadd.s32 $0xFFFFFFFF  }
0x96: {  	s16 =	sld [smem:$0x11];
	(tm) =	ssettm $0x1  }
0x97: {  	s17 =	sld [smem:$0x3FFB];
	_ =	sdelay $0x3  }
0x98: {  	_ =	strace s17  }
0x99: {  	s3 =	sld [smem:$0x3FFC];
	_ =	sdelay $0x3  }
0x9a: {  	_ =	strace s3  }
0x9b: {  	s3 =	sld [smem:$0x3FFD];
	_ =	sdelay $0x3  }
0x9c: {  	_ =	strace s3  }
0x9d: {  	_ =	strace $0x8FFFFFFF  }
0x9e: {  	s18 =	sld [smem:$0x3FDB];
	_ =	sdelay $0x1  }
0x9f: {  	s19 =	simm.s32 $_scs_section_size  }
0xa0: {  	s5 =	simm.s32 $_size__tile_overlayer_lowered;
	s6 =	simm.s32 $_tile_overlayer_lowered  }
0xa1: {  	s22 =	simm.s32 $0x1BFF;
	s21 =	sshll.u32 s6, $0x1;
	s3 =	sadd.s32 s19, s18  }
0xa2: {  	s7 =	simm.s32 $0x0;
	s20 =	sshll.u32 s5, $0x1;
	s5 =	sadd.s32 s21, s3  }
0xa3: {  	[timem:s7], [sflag:s22] =	dma.local [hbm:s5], s20  }
0xa4: {  	_ =	swait.ge [sflag:s22], s20  }
0xa5: {  	s4 =	ssub.s32 $0x0, s20;
	[sflag:s22] =	ssyncset.done $0x0  }
0xa6: {  	[sflag:s22] =	ssyncadd.s32 s4;
	_ =	sdelay $0x1  }
0xa7: {  	s23 =	simm.s32 $0x1B8B  }
0xa8: {  	_ =	swait.ge [sflag:s23], $0x1  }
0xa9: {  	[sflag:s23] =	ssyncset.done $0x0  }
0xaa: {  	s25 =	simm.s32 $0x1B8E;
	s24 =	sld [smem:$0x3FFE];
	[sflag:s23] =	ssyncadd.s32 $0xFFFFFFFF  }
0xab: {  	s26 =	simm.s32 $execute0_lowered;
	[smem:$0x3FD2] =	sst s25  }
0xac: {  	s5 =	sshll.u32 s26, $0x1;
	_ =	strace $0x80000049;
	[dreg:$0x1] =	wrdreg $0xFFFFFFFF  }
0xad: {  	s28 =	simm.s32 $_size_execute0_lowered;
	s3 =	sadd.s32 s3, s5;
	[dreg:$0x0] =	wrdreg $0x0  }
0xae: {  	s5 =	sshll.u32 s28, $0x1;
	[dreg:$0x2] =	wrdreg s3  }
0xaf: {  	[dreg:$0x3] =	wrdreg s5  }
0xb0: {  	[dreg:$0x4] =	wrdreg $0xC0  }
0xb1: {  	_ =	task [dreg:s7], $0x5FFFF  }
0xb2: {  	[dreg:$0x1] =	wrdreg $0xFFFFFFFF  }
0xb3: {  	[dreg:$0x0] =	wrdreg $0x60  }
0xb4: {  	[dreg:$0x2] =	wrdreg s24  }
0xb5: {  	[dreg:$0x3] =	wrdreg s16  }
0xb6: {  	[dreg:$0x4] =	wrdreg $0xA2000  }
0xb7: {  	[dreg:$0x5] =	wrdreg $0x9  }
0xb8: {  	_ =	task.clear_ibuf [dreg:s7], $0x6FFFF;
	_ =	strace $0x90000049  }
0xb9: {  	s29 =	simm.s32 $0x9;
	_ =	strace $0x8000004B  }
0xba: {  	_ =	swait.ge [sflag:s29], $0x1  }
0xbb: {  	[sflag:s29] =	ssyncadd.s32 $0xFFFFFFFF  }
0xbc: {  	_ =	strace $0x9000004B  }
0xbd: {  	_ =	sfence  }
0xbe: {  	s30 =	sld [smem:$0x0];
	_ =	sdelay $0x2  }
0xbf: {  	s31 =	sshll.u32 s1, $0xD;
	s1 =	sshrl.u32 s1, $0x2  }
0xc0: {  	s3 =	sand.u32 $0x4000, s31;
	s1 =	sadd.s32 s1, s30  }
0xc1: {  	s0 =	sor.u32 s3, s0;
	s1 =	sshll.u32 s1, $0x11  }
0xc2: {  	s0 =	sor.u32 s1, s0  }
0xc3: {  	s0 =	sadd.s32 $0x8F2B, s0  }
0xc4: {  	[sflag:s0] =	ssyncadd.remote.s32 $0x1  }
0xc5: {  	_ =	sfence.sel $0xFFFF  }
0xc6: {  	[dreg:$0x0] =	wrdreg $0xFFFFFFFF;
	(pc) =	sbr.abs _section_cstart, $3  }
0xc7: {  	[dreg:$0x1] =	wrdreg $0xFFFFFFFF  }
0xc8: {  	_ =	task.clear_ibuf [dreg:s7], $0x2FFFF;
	_ =	strace $0x9FFFFFFF  }
0xc9: {  	(tm) =	ssettm $0x7FFFFFFF  }
tec
execute0_lowered:
.L_overlay_start_1:
0x0: {  	(tag) =	ssettag $0x1  }
0x1: {  	s0 =	rddreg [dreg:$0x0]  }
0x2: {  	s3 =	rddreg [dreg:$0x1]  }
0x3: {  	s1 =	rddreg [dreg:$0x2];
	s2 =	simm.s32 $0x0  }
0x4: {  	s6 =	srdreg.scid;
	s12 =	stileid.u32;
	s28 =	simm.s32 $0x50  }
0x5: {  	s29 =	simm.s32 $0x200;
	s31 =	simm.s32 $0x7A00;
	[smem:$0x7FF] =	sst s2  }
0x6: {  	s30 =	simm.s32 $0x100;
	s4 =	sadd.s32 $0x519600, s0;
	s5 =	sadd.s32 $0xA22800, s0  }
0x7: {  	s9 =	sand.u32 $0x1, s6;
	s7 =	smul.u32 $0x50000, s12;
	s6 =	sadd.s32 $0x4800, s0  }
0x8: {  	s21 =	smul.u32 $0x14000, s12;
	_ =	strace $0x8000004A;
	s14 =	ssub.s32 $0x2, s9  }
0x9: {  	s8 =	sshll.u32 s9, $0x4;
	s9 =	smul.u32 $0x140000, s9;
	s7 =	sshrl.u32 s7, $0x2  }
0xa: {  	s10 =	sshrl.u32 s14, $0x1;
	s11 =	sor.u32 s12, s8;
	s7 =	sadd.s32 s7, s1  }
0xb: {  	s12 =	simm.s32 $0x180;
	s0 =	ssub.s32 s14, s10;
	s15 =	sadd.s32 $0x2800, s7  }
0xc: {  	s8 =	smul.u32 $0x7D00, s11;
	s16 =	sadd.s32 $0x5000, s7;
	[dreg:$0x4] =	wrdreg s15  }
0xd: {  	s11 =	smul.u32 $0x138800, s11;
	s17 =	sadd.s32 $0x7800, s7;
	[dreg:$0x5] =	wrdreg s16  }
0xe: {  	s9 =	sadd.s32 s21, s9;
	s18 =	sadd.s32 $0xA000, s7;
	[dreg:$0x6] =	wrdreg s17  }
0xf: {  	s10 =	simm.s32 $0x80;
	s19 =	sadd.s32 $0xC800, s7;
	[dreg:$0x7] =	wrdreg s18  }
0x10: {  	s14 =	simm.s32 $0x4;
	s20 =	sadd.s32 $0xF000, s7;
	[dreg:$0x8] =	wrdreg s19  }
0x11: {  	s22 =	sadd.s32 $0x11800, s7;
	s9 =	sshrl.u32 s9, $0x3;
	[dreg:$0x9] =	wrdreg s20  }
0x12: {  	[dreg:$0xa] =	wrdreg s22;
	s23 =	sshrl.u32 s8, $0x3;
	s13 =	sshrl.u32 s11, $0x3  }
0x13: {  	s20 =	sadd.s32 $0x7800, s11;
	s15 =	simm.s32 $0x0;
	s18 =	sadd.s32 s5, s13  }
0x14: {  	s17 =	sadd.s32 s6, s23;
	s23 =	sadd.s32 s3, s9;
	s24 =	sadd.s32 $0x500, s18  }
0x15: {  	s3 =	simm.s32 $0x1;
	s25 =	sadd.s32 $0xF80, s17;
	[dreg:$0xb] =	wrdreg s24  }
0x16: {  	s9 =	simm.s32 $0x2;
	s26 =	sadd.s32 $0x26C00, s18;
	[dreg:$0xc] =	wrdreg s25  }
0x17: {  	s13 =	simm.s32 $0x3;
	[dreg:$0xd] =	wrdreg s26;
	s24 =	smax.u32 s0, $0x1  }
0x18: {  	v0 =	vimm.f32 $0.0e+00;
	s25 =	simm.s32 $0x5200;
	s26 =	simm.s32 $0x5;
	s0 =	simm.s32 $0x2A00  }
.LBB2_1:
0x19: {  	s16 =	simm.s32 $0x0;
	s19 =	simm.s32 $0x200  }
.LBB2_2:
0x1a: {  	p0 =	sne.s32 s19, $0x9E00;
	[tilespmem:s16+$0x5270] =	vst v0  }
0x1b: {  	[tilespmem:s16+$0x5200] =	vst v0  }
0x1c: {  	[tilespmem:s16+$0x5210] =	vst v0  }
.Ltmp0:
0x1d: {  	[tilespmem:s16+$0x5220] =	vst v0;
	(pc) =	sbr.rel @p0 .LBB2_2-.Ltmp0, $4  }
0x1e: {  	[tilespmem:s16+$0x5230] =	vst v0  }
0x1f: {  	[tilespmem:s16+$0x5240] =	vst v0  }
0x20: {  	[tilespmem:s16+$0x5250] =	vst v0  }
0x21: {  	[tilespmem:s16+$0x5260] =	vst v0;
	s16 =	sshra.s32 s19, $0x2;
	s19 =	sadd.s32 $0x200, s19  }
0x22: {  	[tilespmem:s16+$0x5270] =	vst v0  }
0x23: {  	[tilespmem:s16+$0x5200] =	vst v0  }
0x24: {  	[tilespmem:s16+$0x5210] =	vst v0  }
0x25: {  	[tilespmem:s16+$0x5220] =	vst v0  }
0x26: {  	[tilespmem:s16+$0x5230] =	vst v0  }
0x27: {  	[tilespmem:s16+$0x5240] =	vst v0  }
0x28: {  	[tilespmem:s16+$0x5250] =	vst v0  }
0x29: {  	[tilespmem:s16+$0x5260] =	vst v0  }
0x2a: {  	[spmem:s7] =	stream.linear.scatter [tilespmem:s25], [sflag:$0x5], $0x2800, $0x38;
	[tilespmem:$0x1E200] =	vst v63  }
0x2b: {  	_ =	swait.ge [sflag:s26], $0x2800  }
0x2c: {  	[sflag:s26] =	ssyncset.done $0x0  }
0x2d: {  	s22 =	rddreg [dreg:$0x4];
	[sflag:s26] =	ssyncadd.s32 $0xFFFFD800  }
0x2e: {  	[spmem:s22] =	stream.linear.scatter [tilespmem:s25], [sflag:$0x5], $0x2800, $0x38;
	[tilespmem:$0x1E200] =	vst v63  }
0x2f: {  	_ =	swait.ge [sflag:s26], $0x2800  }
0x30: {  	[sflag:s26] =	ssyncset.done $0x0  }
0x31: {  	s19 =	rddreg [dreg:$0x5];
	[sflag:s26] =	ssyncadd.s32 $0xFFFFD800  }
0x32: {  	[spmem:s19] =	stream.linear.scatter [tilespmem:s25], [sflag:$0x5], $0x2800, $0x38;
	[tilespmem:$0x1E200] =	vst v63  }
0x33: {  	_ =	swait.ge [sflag:s26], $0x2800  }
0x34: {  	[sflag:s26] =	ssyncset.done $0x0  }
0x35: {  	s21 =	rddreg [dreg:$0x6];
	[sflag:s26] =	ssyncadd.s32 $0xFFFFD800  }
0x36: {  	[spmem:s21] =	stream.linear.scatter [tilespmem:s25], [sflag:$0x5], $0x2800, $0x38;
	[tilespmem:$0x1E200] =	vst v63  }
0x37: {  	_ =	swait.ge [sflag:s26], $0x2800  }
0x38: {  	[sflag:s26] =	ssyncset.done $0x0  }
0x39: {  	s22 =	rddreg [dreg:$0x7];
	[sflag:s26] =	ssyncadd.s32 $0xFFFFD800  }
0x3a: {  	[spmem:s22] =	stream.linear.scatter [tilespmem:s25], [sflag:$0x5], $0x2800, $0x38;
	[tilespmem:$0x1E200] =	vst v63  }
0x3b: {  	_ =	swait.ge [sflag:s26], $0x2800  }
0x3c: {  	[sflag:s26] =	ssyncset.done $0x0  }
0x3d: {  	s19 =	rddreg [dreg:$0x8];
	[sflag:s26] =	ssyncadd.s32 $0xFFFFD800  }
0x3e: {  	[spmem:s19] =	stream.linear.scatter [tilespmem:s25], [sflag:$0x5], $0x2800, $0x38;
	[tilespmem:$0x1E200] =	vst v63  }
0x3f: {  	_ =	swait.ge [sflag:s26], $0x2800  }
0x40: {  	[sflag:s26] =	ssyncset.done $0x0  }
0x41: {  	s21 =	rddreg [dreg:$0x9];
	[sflag:s26] =	ssyncadd.s32 $0xFFFFD800  }
0x42: {  	[spmem:s21] =	stream.linear.scatter [tilespmem:s25], [sflag:$0x5], $0x2800, $0x38;
	[tilespmem:$0x1E200] =	vst v63  }
0x43: {  	_ =	swait.ge [sflag:s26], $0x2800  }
0x44: {  	[sflag:s26] =	ssyncset.done $0x0  }
0x45: {  	s22 =	rddreg [dreg:$0xa];
	[sflag:s26] =	ssyncadd.s32 $0xFFFFD800  }
0x46: {  	[spmem:s22] =	stream.linear.scatter [tilespmem:s25], [sflag:$0x5], $0x2800, $0x38;
	[tilespmem:$0x1E200] =	vst v63  }
0x47: {  	_ =	swait.ge [sflag:s26], $0x2800  }
0x48: {  	[sflag:s26] =	ssyncset.done $0x0  }
0x49: {  	[sflag:s26] =	ssyncadd.s32 $0xFFFFD800  }
0x4a: {  	s16 =	simm.s32 $0x0;
	[bflag:$0x0] =	sbarrier.arrive $0xFFFF  }
0x4b: {  	[tilespmem:s16], [sflag:$0x5] =	stream.linear.gather [hbm4b:s17+s16], $0x200, $0x38;
	[tilespmem:$0x1E200] =	vst v63  }
0x4c: {  	_ =	swait.ge [sflag:s26], $0x200  }
0x4d: {  	[sflag:s26] =	ssyncset.done $0x0  }
0x4e: {  	[sflag:s26] =	ssyncadd.s32 $0xFFFFFE00  }
0x4f: {  	[tilespmem:s25], [sflag:$0x1] =	stream.indirect.gather [hbm4b:s4+s28], $0x80, s16, s28, $0xb8;
	[tilespmem:$0x1E200] =	vst v63  }
0x50: {  	_ = 	snop  }
0x51: {  	[tilespmem:s29], [sflag:$0x1] =	stream.linear.gather [hbm4b:s18+s16], $0x2800, $0x38;
	[tilespmem:$0x1E200] =	vst v63  }
0x52: {  	_ = 	snop  }
0x53: {  	[tilespmem:s31], [sflag:$0x2] =	stream.indirect.gather [hbm4b:s4+s28], $0x80, s30, s28, $0xb8;
	[tilespmem:$0x1E200] =	vst v63  }
0x54: {  	s19 =	rddreg [dreg:$0xb]  }
0x55: {  	[tilespmem:s0], [sflag:$0x2] =	stream.linear.gather [hbm4b:s19+s16], $0x2800, $0x38;
	[tilespmem:$0x1E200] =	vst v63  }
.LBB2_4:
0x56: {  	_ =	swait.ge [sflag:s3], $0x2800  }
0x57: {  	[sflag:s3] =	ssyncset.done $0x0  }
0x58: {  	[sflag:s3] =	ssyncadd.s32 $0xFFFFD800  }
0x59: {  	_ =	swait.ge [sflag:s3], $0x2800  }
0x5a: {  	[sflag:s3] =	ssyncset.done $0x0  }
0x5b: {  	s19 =	simm.s32 $0x0;
	[sflag:s3] =	ssyncadd.s32 $0xFFFFD800  }
0x5c: {  	v8 =	vld [tilespmem:s19+$0x200]  }
0x5d: {  	v12 =	vld [tilespmem:s19+$0x210]  }
0x5e: {  	v6 =	vld [tilespmem:s19+$0x220]  }
0x5f: {  	v5 =	vld [tilespmem:s19+$0x230]  }
0x60: {  	v4 =	vld [tilespmem:s19+$0x240]  }
0x61: {  	v3 =	vld [tilespmem:s19+$0x250]  }
0x62: {  	v2 =	vld [tilespmem:s19+$0x260]  }
0x63: {  	v1 =	vld [tilespmem:s19+$0x270]  }
0x64: {  	v13 =	vld [tilespmem:s19+$0x5200]  }
0x65: {  	v14 =	vld [tilespmem:s19+$0x5210]  }
0x66: {  	v11 =	vld [tilespmem:s19+$0x5220]  }
0x67: {  	v10 =	vld [tilespmem:s19+$0x5230]  }
0x68: {  	v9 =	vld [tilespmem:s19+$0x5240]  }
0x69: {  	v7 =	vld [tilespmem:s19+$0x5250];
	v13 =	vmul.f32 v8, v13  }
0x6a: {  	s21 =	simm.s32 $0x200;
	v12 =	vmul.f32 v12, v14;
	v8 =	vld [tilespmem:s19+$0x5260]  }
.LBB2_5:
0x6b: {  	s22 =	sshra.s32 s21, $0x2;
	p0 =	sne.s32 s21, $0x9E00;
	[tilespmem:s19+$0x5200] =	vst v13;
	v6 =	vmul.f32 v6, v11;
	v11 =	vld [tilespmem:s19+$0x5270]  }
0x6c: {  	v13 =	vld [tilespmem:s22+$0x200];
	[tilespmem:s19+$0x5210] =	vst v12;
	v5 =	vmul.f32 v5, v10  }
0x6d: {  	v12 =	vld [tilespmem:s22+$0x210];
	[tilespmem:s19+$0x5220] =	vst v6;
	v4 =	vmul.f32 v4, v9  }
0x6e: {  	v6 =	vld [tilespmem:s22+$0x220];
	[tilespmem:s19+$0x5230] =	vst v5;
	v3 =	vmul.f32 v3, v7  }
0x6f: {  	v5 =	vld [tilespmem:s22+$0x230];
	[tilespmem:s19+$0x5240] =	vst v4;
	v2 =	vmul.f32 v2, v8  }
0x70: {  	v4 =	vld [tilespmem:s22+$0x240];
	[tilespmem:s19+$0x5250] =	vst v3;
	v1 =	vmul.f32 v1, v11  }
0x71: {  	v3 =	vld [tilespmem:s22+$0x250];
	[tilespmem:s19+$0x5260] =	vst v2  }
0x72: {  	v2 =	vld [tilespmem:s22+$0x260];
	[tilespmem:s19+$0x5270] =	vst v1;
	s19 =	smov.u32 s22  }
0x73: {  	v1 =	vld [tilespmem:s19+$0x270]  }
0x74: {  	v7 =	vld [tilespmem:s19+$0x5200]  }
0x75: {  	v8 =	vld [tilespmem:s19+$0x5210]  }
.Ltmp1:
0x76: {  	v11 =	vld [tilespmem:s19+$0x5220];
	(pc) =	sbr.rel @p0 .LBB2_5-.Ltmp1, $4  }
0x77: {  	v10 =	vld [tilespmem:s19+$0x5230]  }
0x78: {  	v9 =	vld [tilespmem:s19+$0x5240]  }
0x79: {  	v13 =	vmul.f32 v13, v7;
	v7 =	vld [tilespmem:s19+$0x5250]  }
0x7a: {  	s21 =	sadd.s32 $0x200, s21;
	v12 =	vmul.f32 v12, v8;
	v8 =	vld [tilespmem:s19+$0x5260]  }
0x7b: {  	[tilespmem:s19+$0x5200] =	vst v13;
	v6 =	vmul.f32 v6, v11;
	v11 =	vld [tilespmem:s19+$0x5270]  }
0x7c: {  	[tilespmem:s19+$0x5210] =	vst v12;
	v5 =	vmul.f32 v5, v10  }
0x7d: {  	[tilespmem:s19+$0x5220] =	vst v6;
	v4 =	vmul.f32 v4, v9  }
0x7e: {  	[tilespmem:s19+$0x5230] =	vst v5;
	v3 =	vmul.f32 v3, v7  }
0x7f: {  	[tilespmem:s19+$0x5240] =	vst v4;
	v2 =	vmul.f32 v2, v8  }
0x80: {  	[tilespmem:s19+$0x5250] =	vst v3;
	v1 =	vmul.f32 v1, v11  }
0x81: {  	[tilespmem:s19+$0x5260] =	vst v2  }
0x82: {  	[tilespmem:s19+$0x5270] =	vst v1  }
0x83: {  	_ =	swait.ge [sflag:s9], $0x2800  }
0x84: {  	[sflag:s9] =	ssyncset.done $0x0  }
0x85: {  	[sflag:s9] =	ssyncadd.s32 $0xFFFFD800  }
0x86: {  	_ =	swait.ge [sflag:s9], $0x2800  }
0x87: {  	[sflag:s9] =	ssyncset.done $0x0  }
0x88: {  	s19 =	simm.s32 $0x0;
	[sflag:s9] =	ssyncadd.s32 $0xFFFFD800  }
0x89: {  	v8 =	vld [tilespmem:s19+$0x2A00]  }
0x8a: {  	v12 =	vld [tilespmem:s19+$0x2A10]  }
0x8b: {  	v6 =	vld [tilespmem:s19+$0x2A20]  }
0x8c: {  	v5 =	vld [tilespmem:s19+$0x2A30]  }
0x8d: {  	v4 =	vld [tilespmem:s19+$0x2A40]  }
0x8e: {  	v3 =	vld [tilespmem:s19+$0x2A50]  }
0x8f: {  	v2 =	vld [tilespmem:s19+$0x2A60]  }
0x90: {  	v1 =	vld [tilespmem:s19+$0x2A70]  }
0x91: {  	v13 =	vld [tilespmem:s19+$0x7A00]  }
0x92: {  	v14 =	vld [tilespmem:s19+$0x7A10]  }
0x93: {  	v11 =	vld [tilespmem:s19+$0x7A20]  }
0x94: {  	v10 =	vld [tilespmem:s19+$0x7A30]  }
0x95: {  	v9 =	vld [tilespmem:s19+$0x7A40]  }
0x96: {  	v7 =	vld [tilespmem:s19+$0x7A50];
	v13 =	vmul.f32 v8, v13  }
0x97: {  	s21 =	simm.s32 $0x200;
	v12 =	vmul.f32 v12, v14;
	v8 =	vld [tilespmem:s19+$0x7A60]  }
.LBB2_7:
0x98: {  	s22 =	sshra.s32 s21, $0x2;
	p0 =	sne.s32 s21, $0x9E00;
	[tilespmem:s19+$0x7A00] =	vst v13;
	v6 =	vmul.f32 v6, v11;
	v11 =	vld [tilespmem:s19+$0x7A70]  }
0x99: {  	v13 =	vld [tilespmem:s22+$0x2A00];
	[tilespmem:s19+$0x7A10] =	vst v12;
	v5 =	vmul.f32 v5, v10  }
0x9a: {  	v12 =	vld [tilespmem:s22+$0x2A10];
	[tilespmem:s19+$0x7A20] =	vst v6;
	v4 =	vmul.f32 v4, v9  }
0x9b: {  	v6 =	vld [tilespmem:s22+$0x2A20];
	[tilespmem:s19+$0x7A30] =	vst v5;
	v3 =	vmul.f32 v3, v7  }
0x9c: {  	v5 =	vld [tilespmem:s22+$0x2A30];
	[tilespmem:s19+$0x7A40] =	vst v4;
	v2 =	vmul.f32 v2, v8  }
0x9d: {  	v4 =	vld [tilespmem:s22+$0x2A40];
	[tilespmem:s19+$0x7A50] =	vst v3;
	v1 =	vmul.f32 v1, v11  }
0x9e: {  	v3 =	vld [tilespmem:s22+$0x2A50];
	[tilespmem:s19+$0x7A60] =	vst v2  }
0x9f: {  	v2 =	vld [tilespmem:s22+$0x2A60];
	[tilespmem:s19+$0x7A70] =	vst v1;
	s19 =	smov.u32 s22  }
0xa0: {  	v1 =	vld [tilespmem:s19+$0x2A70]  }
0xa1: {  	v7 =	vld [tilespmem:s19+$0x7A00]  }
0xa2: {  	v8 =	vld [tilespmem:s19+$0x7A10]  }
.Ltmp2:
0xa3: {  	v11 =	vld [tilespmem:s19+$0x7A20];
	(pc) =	sbr.rel @p0 .LBB2_7-.Ltmp2, $4  }
0xa4: {  	v10 =	vld [tilespmem:s19+$0x7A30]  }
0xa5: {  	v9 =	vld [tilespmem:s19+$0x7A40]  }
0xa6: {  	v13 =	vmul.f32 v13, v7;
	v7 =	vld [tilespmem:s19+$0x7A50]  }
0xa7: {  	s21 =	sadd.s32 $0x200, s21;
	v12 =	vmul.f32 v12, v8;
	v8 =	vld [tilespmem:s19+$0x7A60]  }
0xa8: {  	[tilespmem:s19+$0x7A00] =	vst v13;
	v6 =	vmul.f32 v6, v11;
	v63 =	vld [tilespmem:s19+$0x7A70]  }
0xa9: {  	[tilespmem:s19+$0x7A10] =	vst v12;
	v5 =	vmul.f32 v5, v10  }
0xaa: {  	[tilespmem:s19+$0x7A20] =	vst v6;
	v4 =	vmul.f32 v4, v9  }
0xab: {  	[tilespmem:s19+$0x7A30] =	vst v5;
	v3 =	vmul.f32 v3, v7  }
0xac: {  	[tilespmem:s19+$0x7A40] =	vst v4;
	v2 =	vmul.f32 v2, v8  }
0xad: {  	[tilespmem:s19+$0x7A50] =	vst v3;
	v1 =	vmul.f32 v1, v63  }
0xae: {  	[tilespmem:s19+$0x7A60] =	vst v2  }
0xaf: {  	[tilespmem:s19+$0x7A70] =	vst v1  }
0xb0: {  	[spmem:s1] =	stream.indirect.scatter.add.f32 [tilespmem:s25], [sflag:$0x3], $0x80, s10, s28, $0xb8;
	[tilespmem:$0x1E200] =	vst v63  }
0xb1: {  	_ = 	snop  }
0xb2: {  	[spmem:s1] =	stream.indirect.scatter.add.f32 [tilespmem:s31], [sflag:$0x4], $0x80, s12, s28, $0xb8;
	[tilespmem:$0x1E200] =	vst v63  }
0xb3: {  	p0 =	seq.s32 s16, $0x3D;
	_ =	swait.ge [sflag:s13], $0x2800  }
.Ltmp3:
0xb4: {  	[sflag:s13] =	ssyncset.done $0x0;
	(pc) =	sbr.rel @p0 .LBB2_10-.Ltmp3, $4  }
0xb5: {  	[sflag:s13] =	ssyncadd.s32 $0xFFFFD800  }
0xb6: {  	_ =	swait.ge [sflag:s14], $0x2800  }
0xb7: {  	[sflag:s14] =	ssyncset.done $0x0  }
0xb8: {  	[sflag:s14] =	ssyncadd.s32 $0xFFFFD800  }
0xb9: {  	s19 =	sshll.u32 s16, $0x1  }
0xba: {  	s19 =	sadd.s32 $0x2, s19  }
0xbb: {  	s21 =	sshll.u32 s19, $0x8  }
0xbc: {  	s21 =	sadd.s32 s8, s21  }
0xbd: {  	s21 =	sshrl.u32 s21, $0x3  }
0xbe: {  	s19 =	smul.u32 $0x2800, s19;
	s21 =	sadd.s32 s6, s21  }
0xbf: {  	[tilespmem:s2], [sflag:$0x5] =	stream.linear.gather [hbm4b:s21+s2], $0x200, $0x38;
	[tilespmem:$0x1E200] =	vst v63  }
0xc0: {  	_ =	swait.ge [sflag:s26], $0x200  }
0xc1: {  	s19 =	sadd.s32 s11, s19;
	[sflag:s26] =	ssyncset.done $0x0  }
0xc2: {  	s19 =	sshrl.u32 s19, $0x3;
	[sflag:s26] =	ssyncadd.s32 $0xFFFFFE00  }
0xc3: {  	[tilespmem:s25], [sflag:$0x1] =	stream.indirect.gather [hbm4b:s4+s28], $0x80, s2, s28, $0xb8;
	[tilespmem:$0x1E200] =	vst v63  }
0xc4: {  	s22 =	smul.u32 $0x5000, s16;
	s19 =	sadd.s32 s5, s19  }
0xc5: {  	[tilespmem:s29], [sflag:$0x1] =	stream.linear.gather [hbm4b:s19+s2], $0x2800, $0x38;
	[tilespmem:$0x1E200] =	vst v63  }
.Ltmp4:
0xc6: {  	s19 =	sadd.s32 s22, s20;
	(pc) =	sbr.rel .LBB2_4-.Ltmp4, $4  }
0xc7: {  	s19 =	sshrl.u32 s19, $0x3  }
0xc8: {  	[tilespmem:s31], [sflag:$0x2] =	stream.indirect.gather [hbm4b:s4+s28], $0x80, s30, s28, $0xb8;
	[tilespmem:$0x1E200] =	vst v63  }
0xc9: {  	s16 =	sadd.s32 $0x1, s16;
	s19 =	sadd.s32 s5, s19  }
0xca: {  	[tilespmem:s0], [sflag:$0x2] =	stream.linear.gather [hbm4b:s19+s2], $0x2800, $0x38;
	[tilespmem:$0x1E200] =	vst v63  }
.LBB2_10:
0xcb: {  	s16 =	simm.s32 $0x0;
	s19 =	rddreg [dreg:$0xc]  }
0xcc: {  	[tilespmem:s16], [sflag:$0x5] =	stream.linear.gather [hbm4b:s19+s16], $0x100, $0x38;
	[tilespmem:$0x1E200] =	vst v63  }
0xcd: {  	_ =	swait.ge [sflag:s26], $0x100  }
0xce: {  	[sflag:s26] =	ssyncset.done $0x0  }
0xcf: {  	[sflag:s26] =	ssyncadd.s32 $0xFFFFFF00  }
0xd0: {  	[tilespmem:s25], [sflag:$0x1] =	stream.indirect.gather [hbm4b:s4+s28], $0x80, s16, s28, $0xb8;
	[tilespmem:$0x1E200] =	vst v63  }
0xd1: {  	s22 =	rddreg [dreg:$0xd]  }
0xd2: {  	[tilespmem:s29], [sflag:$0x1] =	stream.linear.gather [hbm4b:s22+s16], $0x2800, $0x38;
	[tilespmem:$0x1E200] =	vst v63  }
0xd3: {  	_ =	swait.ge [sflag:s3], $0x2800  }
0xd4: {  	[sflag:s3] =	ssyncset.done $0x0  }
0xd5: {  	[sflag:s3] =	ssyncadd.s32 $0xFFFFD800  }
0xd6: {  	_ =	swait.ge [sflag:s3], $0x2800  }
0xd7: {  	[sflag:s3] =	ssyncset.done $0x0  }
0xd8: {  	s16 =	simm.s32 $0x0;
	[sflag:s3] =	ssyncadd.s32 $0xFFFFD800  }
0xd9: {  	v8 =	vld [tilespmem:s16+$0x200]  }
0xda: {  	v12 =	vld [tilespmem:s16+$0x210]  }
0xdb: {  	v6 =	vld [tilespmem:s16+$0x220]  }
0xdc: {  	v5 =	vld [tilespmem:s16+$0x230]  }
0xdd: {  	v4 =	vld [tilespmem:s16+$0x240]  }
0xde: {  	v3 =	vld [tilespmem:s16+$0x250]  }
0xdf: {  	v2 =	vld [tilespmem:s16+$0x260]  }
0xe0: {  	v1 =	vld [tilespmem:s16+$0x270]  }
0xe1: {  	v13 =	vld [tilespmem:s16+$0x5200]  }
0xe2: {  	v14 =	vld [tilespmem:s16+$0x5210]  }
0xe3: {  	v11 =	vld [tilespmem:s16+$0x5220]  }
0xe4: {  	v10 =	vld [tilespmem:s16+$0x5230]  }
0xe5: {  	v9 =	vld [tilespmem:s16+$0x5240]  }
0xe6: {  	v7 =	vld [tilespmem:s16+$0x5250];
	v13 =	vmul.f32 v8, v13  }
0xe7: {  	s19 =	simm.s32 $0x200;
	v12 =	vmul.f32 v12, v14;
	v8 =	vld [tilespmem:s16+$0x5260]  }
.LBB2_11:
0xe8: {  	s21 =	sshra.s32 s19, $0x2;
	p0 =	sne.s32 s19, $0x9E00;
	[tilespmem:s16+$0x5200] =	vst v13;
	v6 =	vmul.f32 v6, v11;
	v11 =	vld [tilespmem:s16+$0x5270]  }
0xe9: {  	v13 =	vld [tilespmem:s21+$0x200];
	[tilespmem:s16+$0x5210] =	vst v12;
	v5 =	vmul.f32 v5, v10  }
0xea: {  	v12 =	vld [tilespmem:s21+$0x210];
	[tilespmem:s16+$0x5220] =	vst v6;
	v4 =	vmul.f32 v4, v9  }
0xeb: {  	v6 =	vld [tilespmem:s21+$0x220];
	[tilespmem:s16+$0x5230] =	vst v5;
	v3 =	vmul.f32 v3, v7  }
0xec: {  	v5 =	vld [tilespmem:s21+$0x230];
	[tilespmem:s16+$0x5240] =	vst v4;
	v2 =	vmul.f32 v2, v8  }
0xed: {  	v4 =	vld [tilespmem:s21+$0x240];
	[tilespmem:s16+$0x5250] =	vst v3;
	v1 =	vmul.f32 v1, v11  }
0xee: {  	v3 =	vld [tilespmem:s21+$0x250];
	[tilespmem:s16+$0x5260] =	vst v2  }
0xef: {  	v2 =	vld [tilespmem:s21+$0x260];
	[tilespmem:s16+$0x5270] =	vst v1;
	s16 =	smov.u32 s21  }
0xf0: {  	v1 =	vld [tilespmem:s16+$0x270]  }
0xf1: {  	v7 =	vld [tilespmem:s16+$0x5200]  }
0xf2: {  	v8 =	vld [tilespmem:s16+$0x5210]  }
.Ltmp5:
0xf3: {  	v11 =	vld [tilespmem:s16+$0x5220];
	(pc) =	sbr.rel @p0 .LBB2_11-.Ltmp5, $4  }
0xf4: {  	v10 =	vld [tilespmem:s16+$0x5230]  }
0xf5: {  	v9 =	vld [tilespmem:s16+$0x5240]  }
0xf6: {  	v13 =	vmul.f32 v13, v7;
	v7 =	vld [tilespmem:s16+$0x5250]  }
0xf7: {  	s19 =	sadd.s32 $0x200, s19;
	v12 =	vmul.f32 v12, v8;
	v8 =	vld [tilespmem:s16+$0x5260]  }
0xf8: {  	[tilespmem:s16+$0x5200] =	vst v13;
	v6 =	vmul.f32 v6, v11;
	v63 =	vld [tilespmem:s16+$0x5270]  }
0xf9: {  	[tilespmem:s16+$0x5210] =	vst v12;
	v5 =	vmul.f32 v5, v10  }
0xfa: {  	[tilespmem:s16+$0x5220] =	vst v6;
	v4 =	vmul.f32 v4, v9  }
0xfb: {  	[tilespmem:s16+$0x5230] =	vst v5;
	v3 =	vmul.f32 v3, v7  }
0xfc: {  	[tilespmem:s16+$0x5240] =	vst v4;
	v2 =	vmul.f32 v2, v8  }
0xfd: {  	[tilespmem:s16+$0x5250] =	vst v3;
	v1 =	vmul.f32 v1, v63  }
0xfe: {  	[tilespmem:s16+$0x5260] =	vst v2  }
0xff: {  	[tilespmem:s16+$0x5270] =	vst v1  }
0x100: {  	[spmem:s1] =	stream.indirect.scatter.add.f32 [tilespmem:s25], [sflag:$0x5], $0x80, s10, s28, $0xb8;
	[tilespmem:$0x1E200] =	vst v63  }
0x101: {  	s22 =	stileid.u32;
	_ =	swait.ge [sflag:s26], $0x2800  }
0x102: {  	s19 =	sshrl.u32 s7, $0x3;
	s15 =	sadd.s32 $0x1, s15;
	[sflag:s26] =	ssyncset.done $0x0  }
0x103: {  	p0 =	sne.s32 s15, s24;
	s16 =	sshll.u32 s22, $0x6;
	[sflag:s26] =	ssyncadd.s32 $0xFFFFD800  }
.Ltmp6:
0x104: {  	s16 =	sor.u32 $0x1C05, s16;
	[bflag:$0x0] =	sbarrier.arrive $0xFFFF;
	(pc) =	sbr.rel @p0 .LBB2_1-.Ltmp6, $4  }
0x105: {  	[hbm:s23], [sflag:s16] =	dma.local [spmem:s19], $0x2800  }
0x106: {  	_ =	swait.ge [sflag:s26], $0x2800  }
0x107: {  	[sflag:s26] =	ssyncset.done $0x0  }
0x108: {  	[sflag:s26] =	ssyncadd.s32 $0xFFFFD800  }
0x109: {  	_ =	sfence.sel $0x180000  }
0x10a: {  	[bflag:$0x0] =	sbarrier.arrive $0xFFFF  }
0x10b: {  	_ =	strace $0x9000004A  }
0x10c: {  	s0 =	stileid.u32;
	[bflag:$0x2] =	sbarrier.arrive $0xFFFF  }
0x10d: {  	p0 =	sne.s32 s0, $0x0;
	s0 =	rddreg [dreg:$0x3]  }
0x10e: {  	s0 =	sadd.s32 @!p0 $0x100000, s0  }
0x10f: {  	[sflag:s0] =	ssyncadd.tile.s32 @!p0 $0x1;
	_ =	shalt  }
.Lfunc_end2:
_tile_overlayer_lowered:
.L_overlay_start_2:
0x110: {  	(tag) =	ssettag $0x2  }
0x111: {  	s0 =	rddreg [dreg:$0x0];
	s2 =	stileid.u32  }
0x112: {  	s1 =	rddreg [dreg:$0x1];
	p0 =	sne.s32 s2, $0x0  }
0x113: {  	s3 =	rddreg [dreg:$0x2];
	[bflag:$0x3] =	sbarrier.arrive $0xFFFF;
	s2 =	simm.s32 @!p0 $0x1C05  }
0x114: {  	[timem:s3], [sflag:s2] =	dma.local @!p0 [hbm:s0], s1  }
0x115: {  	s0 =	simm.s32 @!p0 $0x5  }
0x116: {  	_ =	swait.ge @!p0 [sflag:s0], s1  }
0x117: {  	s1 =	ssub.s32 @!p0 $0x0, s1;
	[sflag:s0] =	ssyncset.done @!p0 $0x0  }
0x118: {  	[sflag:s0] =	ssyncadd.s32 @!p0 s1  }
0x119: {  	[bflag:$0x3] =	sbarrier.arrive $0xFFFF  }
0x11a: {  	_ =	shalt  }

// kernel: kernel.16.cloned.1.call-start
scs
__scs_entry_jumppad:
0x0: {  	(pc) =	sbr.rel $0x88, $3  }
0x1: {  	(tag) =	ssettag $0x0;
	lr =	simm.s32 $0x1  }
0x2: {  	[smem:$0x3F90] =	sst lr;
	_ =	strace $0xD0000000  }
0x3: {  	_ = 	snop  }
0x4: {  	_ = 	snop  }
0x5: {  	_ = 	snop  }
0x6: {  	_ = 	snop  }
0x7: {  	_ = 	snop  }
__scs_overlays_trampoline_lowered:
0x8: {  	[smem:$0x3F9F] =	sst s0  }
0x9: {  	[smem:$0x3FA0] =	sst s1  }
0xa: {  	[smem:$0x3FA1] =	sst s2  }
0xb: {  	[smem:$0x3FA2] =	sst s3  }
0xc: {  	[smem:$0x3FA3] =	sst s4  }
0xd: {  	[smem:$0x3FA4] =	sst s5  }
0xe: {  	[smem:$0x3FA5] =	sst s6  }
0xf: {  	[smem:$0x3FA6] =	sst s7  }
0x10: {  	[smem:$0x3FA7] =	sst s8  }
0x11: {  	[smem:$0x3FA8] =	sst s9;
	s0 =	simm.s32 @!p0 $0x0  }
0x12: {  	s1 =	sld [smem:$0x3F8E];
	s0 =	simm.s32 @p0 $0x1  }
0x13: {  	[smem:$0x3FA9] =	sst s0;
	s0 =	simm.s32 @!p1 $0x0  }
0x14: {  	s2 =	sld [smem:$0x3F8D];
	s0 =	simm.s32 @p1 $0x1  }
0x15: {  	[smem:$0x3FAA] =	sst s0;
	s0 =	simm.s32 @!p2 $0x0  }
0x16: {  	s3 =	sld [smem:$0x3FDB];
	s0 =	simm.s32 @p2 $0x1  }
0x17: {  	s4 =	simm.s32 $0x1BF5;
	[smem:$0x3FAC] =	sst s0  }
0x18: {  	s0 =	sld [smem:$0x3F8F];
	_ =	swait.ge [sflag:s4], $0x0  }
0x19: {  	s7 =	sld [smem:$0x3F90]  }
0x1a: {  	s8 =	sadd.s32 $0xFFFFE003, lr  }
0x1b: {  	s9 =	sadd.s32 $0xFFFFFEF7, lr;
	s5 =	simm.s32 $0xFFFFFFFF;
	p2 =	slt.u32 s8, $0xFFFFF086  }
0x1c: {  	p1 =	slt.u32 s9, $0xF7A;
	s5 =	simm.s32 @!p2 $0x0  }
0x1d: {  	s5 =	simm.s32 @p1 $0x1;
	p0 =	seq.s32 s7, s2  }
0x1e: {  	s7 =	smul.u32 @!p0 $0xF7A, s2;
	p2 =	seq.s32 @!p0 s5, $0x0  }
0x1f: {  	s9 =	smul.u32 $0xF7A, s1;
	s8 =	simm.s32 @!p0 $0x1BF5;
	p2 =	por !p2, p0  }
0x20: {  	[sflag:s8] =	ssyncset.s32 @!p0 $0xFFFFF086;
	s6 =	sadd.s32 @!p0 s3, s7;
	s7 =	simm.s32 @!p0 $0x108  }
0x21: {  	s3 =	sadd.s32 s3, s9;
	s6 =	sadd.s32 @!p0 $0x88, s6;
	s7 =	simm.s32 @p2 $0x1082  }
0x22: {  	[simem:s7], [sflag:s8] =	dma.local @!p0 [hbm:s6], $0xF7A  }
0x23: {  	s9 =	sor.u32 $0xD0000000, s2;
	s6 =	simm.s32 $0x108;
	_ =	swait.ge @!p0 [sflag:s8], $0x0  }
0x24: {  	s3 =	sadd.s32 $0x88, s3;
	s6 =	simm.s32 @!p1 $0x1082;
	[sflag:s4] =	ssyncset.s32 $0xFFFFF086  }
0x25: {  	[simem:s6], [sflag:s4] =	dma.local [hbm:s3], $0xF7A  }
0x26: {  	[smem:$0x3F90] =	sst s1;
	(tag) =	ssettag s2;
	_ =	strace s9  }
0x27: {  	s1 =	sld [smem:$0x3FA0]  }
0x28: {  	s2 =	sld [smem:$0x3FA1]  }
0x29: {  	s4 =	sld [smem:$0x3FA3]  }
0x2a: {  	p0 =	seq.s32 s5, $0x0;
	s5 =	sld [smem:$0x3FA4]  }
0x2b: {  	s6 =	sld [smem:$0x3FA5]  }
0x2c: {  	s7 =	sld [smem:$0x3FA6]  }
0x2d: {  	s3 =	simm.s32 $0x108;
	s8 =	sld [smem:$0x3FA7]  }
0x2e: {  	s3 =	simm.s32 @!p0 $0x1082;
	s9 =	sld [smem:$0x3FA8]  }
0x2f: {  	lr =	sadd.s32 s0, s3;
	s0 =	sld [smem:$0x3F9F]  }
0x30: {  	s3 =	sld [smem:$0x3FA2]  }
0x31: {  	[smem:$0x3FAB] =	sst s10  }
0x32: {  	s10 =	sld [smem:$0x3FA9];
	_ =	sdelay $0x3  }
0x33: {  	p0 =	seq.s32 s10, $0x1;
	s10 =	sld [smem:$0x3FAB];
	_ =	sdelay $0x3  }
0x34: {  	[smem:$0x3FAB] =	sst s10  }
0x35: {  	s10 =	sld [smem:$0x3FAA];
	_ =	sdelay $0x3  }
0x36: {  	p1 =	seq.s32 s10, $0x1;
	s10 =	sld [smem:$0x3FAB];
	_ =	sdelay $0x3  }
0x37: {  	[smem:$0x3FAB] =	sst s10  }
0x38: {  	s10 =	sld [smem:$0x3FAC]  }
0x39: {  	_ = 	snop;
	(pc) =	sbr.ind lr, $3  }
0x3a: {  	_ = 	snop  }
0x3b: {  	_ = 	snop  }
0x3c: {  	p2 =	seq.s32 s10, $0x1;
	s10 =	sld [smem:$0x3FAB]  }
0x3d: {  	_ =	shalt  }
0x3e: {  	_ =	shalt  }
0x3f: {  	_ =	shalt  }
0x40: {  	_ =	shalt  }
0x41: {  	_ =	shalt  }
0x42: {  	_ =	shalt  }
0x43: {  	_ =	shalt  }
0x44: {  	_ =	shalt  }
0x45: {  	_ =	shalt  }
0x46: {  	_ =	shalt  }
0x47: {  	_ =	shalt  }
0x48: {  	_ =	shalt  }
0x49: {  	_ =	shalt  }
0x4a: {  	_ =	shalt  }
0x4b: {  	_ =	shalt  }
0x4c: {  	_ =	shalt  }
0x4d: {  	_ =	shalt  }
0x4e: {  	_ =	shalt  }
0x4f: {  	_ =	shalt  }
0x50: {  	_ =	shalt  }
0x51: {  	_ =	shalt  }
0x52: {  	_ =	shalt  }
0x53: {  	_ =	shalt  }
0x54: {  	_ =	shalt  }
0x55: {  	_ =	shalt  }
0x56: {  	_ =	shalt  }
0x57: {  	_ =	shalt  }
0x58: {  	_ =	shalt  }
0x59: {  	_ =	shalt  }
0x5a: {  	_ =	shalt  }
0x5b: {  	_ =	shalt  }
0x5c: {  	_ =	shalt  }
0x5d: {  	_ =	shalt  }
0x5e: {  	_ =	shalt  }
0x5f: {  	_ =	shalt  }
0x60: {  	_ =	shalt  }
0x61: {  	_ =	shalt  }
0x62: {  	_ =	shalt  }
0x63: {  	_ =	shalt  }
0x64: {  	_ =	shalt  }
0x65: {  	_ =	shalt  }
0x66: {  	_ =	shalt  }
0x67: {  	_ =	shalt  }
0x68: {  	_ =	shalt  }
0x69: {  	_ =	shalt  }
0x6a: {  	_ =	shalt  }
0x6b: {  	_ =	shalt  }
0x6c: {  	_ =	shalt  }
0x6d: {  	_ =	shalt  }
0x6e: {  	_ =	shalt  }
0x6f: {  	_ =	shalt  }
0x70: {  	_ =	shalt  }
0x71: {  	_ =	shalt  }
0x72: {  	_ =	shalt  }
0x73: {  	_ =	shalt  }
0x74: {  	_ =	shalt  }
0x75: {  	_ =	shalt  }
0x76: {  	_ =	shalt  }
0x77: {  	_ =	shalt  }
0x78: {  	_ =	shalt  }
0x79: {  	_ =	shalt  }
0x7a: {  	_ =	shalt  }
0x7b: {  	_ =	shalt  }
0x7c: {  	_ =	shalt  }
0x7d: {  	_ =	shalt  }
0x7e: {  	_ =	shalt  }
0x7f: {  	_ =	shalt  }
0x80: {  	_ =	shalt  }
0x81: {  	_ =	shalt  }
0x82: {  	_ =	shalt  }
0x83: {  	_ =	shalt  }
0x84: {  	_ =	shalt  }
0x85: {  	_ =	shalt  }
0x86: {  	_ =	shalt  }
0x87: {  	_ =	shalt  }
.Lfunc_end0:
.L_simem_size_0:
called_computation.2_lowered:
.L_overlay_start_0:
0x88: {  	s2 =	sld [smem:$0x3FD9]  }
0x89: {  	s3 =	sld [smem:$0x3FFE];
	_ =	sdelay $0x1  }
0x8a: {  	s1 =	srdreg.scid  }
0x8b: {  	s0 =	sand.u32 $0x1, s1  }
0x8c: {  	s16 =	sshll.u32 s0, $0xA;
	s2 =	sadd.s32 s3, s2  }
0x8d: {  	s2 =	sadd.s32 s2, s16  }
0x8e: {  	[smem:$0x3FB7] =	sst s2  }
0x8f: {  	_ = 	snop  }
0x90: {  	(tm) =	ssettm $0x1  }
0x91: {  	s17 =	sld [smem:$0x3FFB];
	_ =	sdelay $0x3  }
0x92: {  	_ =	strace s17  }
0x93: {  	s2 =	sld [smem:$0x3FFC];
	_ =	sdelay $0x3  }
0x94: {  	_ =	strace s2  }
0x95: {  	s2 =	sld [smem:$0x3FFD];
	_ =	sdelay $0x3  }
0x96: {  	_ =	strace s2  }
0x97: {  	_ =	strace $0x8FFFFFFF  }
0x98: {  	s18 =	sld [smem:$0x3FDB];
	_ =	sdelay $0x1  }
0x99: {  	s19 =	simm.s32 $_scs_section_size  }
0x9a: {  	s4 =	simm.s32 $_size__tile_overlayer_lowered;
	s5 =	simm.s32 $_tile_overlayer_lowered  }
0x9b: {  	s22 =	simm.s32 $0x1BFF;
	s21 =	sshll.u32 s5, $0x1;
	s2 =	sadd.s32 s19, s18  }
0x9c: {  	s6 =	simm.s32 $0x0;
	s20 =	sshll.u32 s4, $0x1;
	s4 =	sadd.s32 s21, s2  }
0x9d: {  	[timem:s6], [sflag:s22] =	dma.local [hbm:s4], s20  }
0x9e: {  	_ =	swait.ge [sflag:s22], s20  }
0x9f: {  	s3 =	ssub.s32 $0x0, s20;
	[sflag:s22] =	ssyncset.done $0x0  }
0xa0: {  	[sflag:s22] =	ssyncadd.s32 s3;
	_ =	sdelay $0x1  }
0xa1: {  	s23 =	simm.s32 $0x1B8B  }
0xa2: {  	_ =	swait.ge [sflag:s23], $0x1  }
0xa3: {  	[sflag:s23] =	ssyncset.done $0x0  }
0xa4: {  	s25 =	simm.s32 $0x1B8E;
	s24 =	sld [smem:$0x3FFE];
	[sflag:s23] =	ssyncadd.s32 $0xFFFFFFFF  }
0xa5: {  	s26 =	simm.s32 $execute0_lowered;
	[smem:$0x3FD2] =	sst s25  }
0xa6: {  	s4 =	sshll.u32 s26, $0x1;
	_ =	strace $0x8000004C;
	[dreg:$0x1] =	wrdreg $0xFFFFFFFF  }
0xa7: {  	s28 =	simm.s32 $_size_execute0_lowered;
	s2 =	sadd.s32 s2, s4;
	[dreg:$0x0] =	wrdreg $0x0  }
0xa8: {  	s4 =	sshll.u32 s28, $0x1;
	[dreg:$0x2] =	wrdreg s2  }
0xa9: {  	[dreg:$0x3] =	wrdreg s4  }
0xaa: {  	[dreg:$0x4] =	wrdreg $0xC0  }
0xab: {  	_ =	task [dreg:s6], $0x5FFFF  }
0xac: {  	[dreg:$0x1] =	wrdreg $0xFFFFFFFF  }
0xad: {  	[dreg:$0x0] =	wrdreg $0x60  }
0xae: {  	[dreg:$0x2] =	wrdreg s24  }
0xaf: {  	[dreg:$0x3] =	wrdreg $0xA2000  }
0xb0: {  	[dreg:$0x4] =	wrdreg $0x9  }
0xb1: {  	_ =	task.clear_ibuf [dreg:s6], $0x5FFFF;
	_ =	strace $0x9000004C  }
0xb2: {  	s29 =	simm.s32 $0x9;
	_ =	strace $0x8000004E  }
0xb3: {  	_ =	swait.ge [sflag:s29], $0x1  }
0xb4: {  	[sflag:s29] =	ssyncadd.s32 $0xFFFFFFFF  }
0xb5: {  	_ =	strace $0x9000004E  }
0xb6: {  	_ =	sfence  }
0xb7: {  	s30 =	sld [smem:$0x0];
	_ =	sdelay $0x2  }
0xb8: {  	s31 =	sshll.u32 s1, $0xD;
	s1 =	sshrl.u32 s1, $0x2  }
0xb9: {  	s3 =	sand.u32 $0x4000, s31;
	s1 =	sadd.s32 s1, s30  }
0xba: {  	s0 =	sor.u32 s3, s0;
	s1 =	sshll.u32 s1, $0x11  }
0xbb: {  	s0 =	sor.u32 s1, s0  }
0xbc: {  	s0 =	sadd.s32 $0x8F2B, s0  }
0xbd: {  	[sflag:s0] =	ssyncadd.remote.s32 $0x1  }
0xbe: {  	_ =	sfence.sel $0xFFFF  }
0xbf: {  	[dreg:$0x0] =	wrdreg $0xFFFFFFFF;
	(pc) =	sbr.abs _section_cstart, $3  }
0xc0: {  	[dreg:$0x1] =	wrdreg $0xFFFFFFFF  }
0xc1: {  	_ =	task.clear_ibuf [dreg:s6], $0x2FFFF;
	_ =	strace $0x9FFFFFFF  }
0xc2: {  	(tm) =	ssettm $0x7FFFFFFF  }
0xc3: {  	_ =	shalt  }
tec
execute0_lowered:
.L_overlay_start_1:
0x0: {  	(tag) =	ssettag $0x1  }
0x1: {  	s0 =	rddreg [dreg:$0x0];
	s1 =	srdreg.scid  }
0x2: {  	s2 =	rddreg [dreg:$0x1];
	s10 =	stileid.u32  }
0x3: {  	s3 =	simm.s32 $0x0;
	s28 =	simm.s32 $0x50;
	s29 =	simm.s32 $0x200  }
0x4: {  	s30 =	simm.s32 $0x100;
	s31 =	simm.s32 $0x7A00;
	s11 =	simm.s32 $0x180  }
0x5: {  	s12 =	simm.s32 $0x3;
	s1 =	sand.u32 $0x1, s1;
	s6 =	smul.u32 $0x14000, s10  }
0x6: {  	s14 =	simm.s32 $0x4;
	s15 =	simm.s32 $0x0;
	s5 =	smul.u32 $0x140000, s1  }
0x7: {  	[smem:$0x7FF] =	sst s3;
	s4 =	sadd.s32 $0x37600, s0;
	s8 =	smul.u32 $0x50000, s10  }
0x8: {  	_ =	strace $0x8000004D;
	s16 =	ssub.s32 $0x2, s1;
	s6 =	sadd.s32 s6, s5  }
0x9: {  	s8 =	sshrl.u32 s8, $0x2;
	s5 =	sadd.s32 $0x13E6800, s0;
	s7 =	sshrl.u32 s6, $0x3  }
0xa: {  	s6 =	sadd.s32 $0x4800, s0;
	s0 =	sadd.s32 s7, s0;
	s7 =	sadd.s32 s8, s2  }
0xb: {  	s1 =	sshll.u32 s1, $0x4;
	s9 =	sshrl.u32 s16, $0x1;
	s8 =	sadd.s32 $0x2800, s7  }
0xc: {  	s1 =	sor.u32 s10, s1;
	s17 =	sadd.s32 $0x5000, s7;
	[dreg:$0x3] =	wrdreg s8  }
0xd: {  	s9 =	ssub.s32 s16, s9;
	s18 =	sadd.s32 $0x7800, s7;
	[dreg:$0x4] =	wrdreg s17  }
0xe: {  	s10 =	smul.u32 $0x138800, s1;
	s19 =	sadd.s32 $0xA000, s7;
	[dreg:$0x5] =	wrdreg s18  }
0xf: {  	s13 =	smul.u32 $0x7D00, s1;
	s20 =	sadd.s32 $0xC800, s7;
	[dreg:$0x6] =	wrdreg s19  }
0x10: {  	s22 =	sshrl.u32 s10, $0x3;
	s21 =	sadd.s32 $0xF000, s7;
	[dreg:$0x7] =	wrdreg s20  }
0x11: {  	s24 =	sshrl.u32 s13, $0x3;
	s23 =	sadd.s32 $0x11800, s7;
	[dreg:$0x8] =	wrdreg s21  }
0x12: {  	[dreg:$0x9] =	wrdreg s23;
	s17 =	sadd.s32 s5, s22;
	s18 =	sadd.s32 s6, s24  }
0x13: {  	s20 =	sadd.s32 $0x7800, s10;
	s23 =	sadd.s32 $0x5E800, s0;
	s1 =	sadd.s32 $0x500, s17  }
0x14: {  	s24 =	smax.u32 s9, $0x1;
	s25 =	sadd.s32 $0xF80, s18;
	[dreg:$0xa] =	wrdreg s1  }
0x15: {  	s0 =	simm.s32 $0x2A00;
	s26 =	sadd.s32 $0x26C00, s17;
	[dreg:$0xb] =	wrdreg s25  }
0x16: {  	s8 =	simm.s32 $0x2;
	s9 =	simm.s32 $0x80;
	[dreg:$0xc] =	wrdreg s26  }
0x17: {  	v0 =	vimm.f32 $0.0e+00;
	s25 =	simm.s32 $0x5200;
	s26 =	simm.s32 $0x5;
	s1 =	simm.s32 $0x1  }
.LBB2_1:
0x18: {  	s16 =	simm.s32 $0x0;
	s19 =	simm.s32 $0x200  }
.LBB2_2:
0x19: {  	p0 =	sne.s32 s19, $0x9E00;
	[tilespmem:s16+$0x5270] =	vst v0  }
0x1a: {  	[tilespmem:s16+$0x5200] =	vst v0  }
0x1b: {  	[tilespmem:s16+$0x5210] =	vst v0  }
.Ltmp0:
0x1c: {  	[tilespmem:s16+$0x5220] =	vst v0;
	(pc) =	sbr.rel @p0 .LBB2_2-.Ltmp0, $4  }
0x1d: {  	[tilespmem:s16+$0x5230] =	vst v0  }
0x1e: {  	[tilespmem:s16+$0x5240] =	vst v0  }
0x1f: {  	[tilespmem:s16+$0x5250] =	vst v0  }
0x20: {  	[tilespmem:s16+$0x5260] =	vst v0;
	s16 =	sshra.s32 s19, $0x2;
	s19 =	sadd.s32 $0x200, s19  }
0x21: {  	[tilespmem:s16+$0x5270] =	vst v0  }
0x22: {  	[tilespmem:s16+$0x5200] =	vst v0  }
0x23: {  	[tilespmem:s16+$0x5210] =	vst v0  }
0x24: {  	[tilespmem:s16+$0x5220] =	vst v0  }
0x25: {  	[tilespmem:s16+$0x5230] =	vst v0  }
0x26: {  	[tilespmem:s16+$0x5240] =	vst v0  }
0x27: {  	[tilespmem:s16+$0x5250] =	vst v0  }
0x28: {  	[tilespmem:s16+$0x5260] =	vst v0  }
0x29: {  	[spmem:s7] =	stream.linear.scatter [tilespmem:s25], [sflag:$0x5], $0x2800, $0x38;
	[tilespmem:$0x1E200] =	vst v63  }
0x2a: {  	_ =	swait.ge [sflag:s26], $0x2800  }
0x2b: {  	[sflag:s26] =	ssyncset.done $0x0  }
0x2c: {  	s22 =	rddreg [dreg:$0x3];
	[sflag:s26] =	ssyncadd.s32 $0xFFFFD800  }
0x2d: {  	[spmem:s22] =	stream.linear.scatter [tilespmem:s25], [sflag:$0x5], $0x2800, $0x38;
	[tilespmem:$0x1E200] =	vst v63  }
0x2e: {  	_ =	swait.ge [sflag:s26], $0x2800  }
0x2f: {  	[sflag:s26] =	ssyncset.done $0x0  }
0x30: {  	s19 =	rddreg [dreg:$0x4];
	[sflag:s26] =	ssyncadd.s32 $0xFFFFD800  }
0x31: {  	[spmem:s19] =	stream.linear.scatter [tilespmem:s25], [sflag:$0x5], $0x2800, $0x38;
	[tilespmem:$0x1E200] =	vst v63  }
0x32: {  	_ =	swait.ge [sflag:s26], $0x2800  }
0x33: {  	[sflag:s26] =	ssyncset.done $0x0  }
0x34: {  	s21 =	rddreg [dreg:$0x5];
	[sflag:s26] =	ssyncadd.s32 $0xFFFFD800  }
0x35: {  	[spmem:s21] =	stream.linear.scatter [tilespmem:s25], [sflag:$0x5], $0x2800, $0x38;
	[tilespmem:$0x1E200] =	vst v63  }
0x36: {  	_ =	swait.ge [sflag:s26], $0x2800  }
0x37: {  	[sflag:s26] =	ssyncset.done $0x0  }
0x38: {  	s22 =	rddreg [dreg:$0x6];
	[sflag:s26] =	ssyncadd.s32 $0xFFFFD800  }
0x39: {  	[spmem:s22] =	stream.linear.scatter [tilespmem:s25], [sflag:$0x5], $0x2800, $0x38;
	[tilespmem:$0x1E200] =	vst v63  }
0x3a: {  	_ =	swait.ge [sflag:s26], $0x2800  }
0x3b: {  	[sflag:s26] =	ssyncset.done $0x0  }
0x3c: {  	s19 =	rddreg [dreg:$0x7];
	[sflag:s26] =	ssyncadd.s32 $0xFFFFD800  }
0x3d: {  	[spmem:s19] =	stream.linear.scatter [tilespmem:s25], [sflag:$0x5], $0x2800, $0x38;
	[tilespmem:$0x1E200] =	vst v63  }
0x3e: {  	_ =	swait.ge [sflag:s26], $0x2800  }
0x3f: {  	[sflag:s26] =	ssyncset.done $0x0  }
0x40: {  	s21 =	rddreg [dreg:$0x8];
	[sflag:s26] =	ssyncadd.s32 $0xFFFFD800  }
0x41: {  	[spmem:s21] =	stream.linear.scatter [tilespmem:s25], [sflag:$0x5], $0x2800, $0x38;
	[tilespmem:$0x1E200] =	vst v63  }
0x42: {  	_ =	swait.ge [sflag:s26], $0x2800  }
0x43: {  	[sflag:s26] =	ssyncset.done $0x0  }
0x44: {  	s22 =	rddreg [dreg:$0x9];
	[sflag:s26] =	ssyncadd.s32 $0xFFFFD800  }
0x45: {  	[spmem:s22] =	stream.linear.scatter [tilespmem:s25], [sflag:$0x5], $0x2800, $0x38;
	[tilespmem:$0x1E200] =	vst v63  }
0x46: {  	_ =	swait.ge [sflag:s26], $0x2800  }
0x47: {  	[sflag:s26] =	ssyncset.done $0x0  }
0x48: {  	[sflag:s26] =	ssyncadd.s32 $0xFFFFD800  }
0x49: {  	s16 =	simm.s32 $0x0;
	[bflag:$0x0] =	sbarrier.arrive $0xFFFF  }
0x4a: {  	[tilespmem:s16], [sflag:$0x5] =	stream.linear.gather [hbm4b:s18+s16], $0x200, $0x38;
	[tilespmem:$0x1E200] =	vst v63  }
0x4b: {  	_ =	swait.ge [sflag:s26], $0x200  }
0x4c: {  	[sflag:s26] =	ssyncset.done $0x0  }
0x4d: {  	[sflag:s26] =	ssyncadd.s32 $0xFFFFFE00  }
0x4e: {  	[tilespmem:s25], [sflag:$0x1] =	stream.indirect.gather [hbm4b:s4+s28], $0x80, s16, s28, $0xb8;
	[tilespmem:$0x1E200] =	vst v63  }
0x4f: {  	_ = 	snop  }
0x50: {  	[tilespmem:s29], [sflag:$0x1] =	stream.linear.gather [hbm4b:s17+s16], $0x2800, $0x38;
	[tilespmem:$0x1E200] =	vst v63  }
0x51: {  	_ = 	snop  }
0x52: {  	[tilespmem:s31], [sflag:$0x2] =	stream.indirect.gather [hbm4b:s4+s28], $0x80, s30, s28, $0xb8;
	[tilespmem:$0x1E200] =	vst v63  }
0x53: {  	s19 =	rddreg [dreg:$0xa]  }
0x54: {  	[tilespmem:s0], [sflag:$0x2] =	stream.linear.gather [hbm4b:s19+s16], $0x2800, $0x38;
	[tilespmem:$0x1E200] =	vst v63  }
.LBB2_4:
0x55: {  	_ =	swait.ge [sflag:s1], $0x2800  }
0x56: {  	[sflag:s1] =	ssyncset.done $0x0  }
0x57: {  	[sflag:s1] =	ssyncadd.s32 $0xFFFFD800  }
0x58: {  	_ =	swait.ge [sflag:s1], $0x2800  }
0x59: {  	[sflag:s1] =	ssyncset.done $0x0  }
0x5a: {  	s19 =	simm.s32 $0x0;
	[sflag:s1] =	ssyncadd.s32 $0xFFFFD800  }
0x5b: {  	v8 =	vld [tilespmem:s19+$0x200]  }
0x5c: {  	v12 =	vld [tilespmem:s19+$0x210]  }
0x5d: {  	v6 =	vld [tilespmem:s19+$0x220]  }
0x5e: {  	v5 =	vld [tilespmem:s19+$0x230]  }
0x5f: {  	v4 =	vld [tilespmem:s19+$0x240]  }
0x60: {  	v3 =	vld [tilespmem:s19+$0x250]  }
0x61: {  	v2 =	vld [tilespmem:s19+$0x260]  }
0x62: {  	v1 =	vld [tilespmem:s19+$0x270]  }
0x63: {  	v13 =	vld [tilespmem:s19+$0x5200]  }
0x64: {  	v14 =	vld [tilespmem:s19+$0x5210]  }
0x65: {  	v11 =	vld [tilespmem:s19+$0x5220]  }
0x66: {  	v10 =	vld [tilespmem:s19+$0x5230]  }
0x67: {  	v9 =	vld [tilespmem:s19+$0x5240]  }
0x68: {  	v7 =	vld [tilespmem:s19+$0x5250];
	v13 =	vmul.f32 v8, v13  }
0x69: {  	s21 =	simm.s32 $0x200;
	v12 =	vmul.f32 v12, v14;
	v8 =	vld [tilespmem:s19+$0x5260]  }
.LBB2_5:
0x6a: {  	s22 =	sshra.s32 s21, $0x2;
	p0 =	sne.s32 s21, $0x9E00;
	[tilespmem:s19+$0x5200] =	vst v13;
	v6 =	vmul.f32 v6, v11;
	v11 =	vld [tilespmem:s19+$0x5270]  }
0x6b: {  	v13 =	vld [tilespmem:s22+$0x200];
	[tilespmem:s19+$0x5210] =	vst v12;
	v5 =	vmul.f32 v5, v10  }
0x6c: {  	v12 =	vld [tilespmem:s22+$0x210];
	[tilespmem:s19+$0x5220] =	vst v6;
	v4 =	vmul.f32 v4, v9  }
0x6d: {  	v6 =	vld [tilespmem:s22+$0x220];
	[tilespmem:s19+$0x5230] =	vst v5;
	v3 =	vmul.f32 v3, v7  }
0x6e: {  	v5 =	vld [tilespmem:s22+$0x230];
	[tilespmem:s19+$0x5240] =	vst v4;
	v2 =	vmul.f32 v2, v8  }
0x6f: {  	v4 =	vld [tilespmem:s22+$0x240];
	[tilespmem:s19+$0x5250] =	vst v3;
	v1 =	vmul.f32 v1, v11  }
0x70: {  	v3 =	vld [tilespmem:s22+$0x250];
	[tilespmem:s19+$0x5260] =	vst v2  }
0x71: {  	v2 =	vld [tilespmem:s22+$0x260];
	[tilespmem:s19+$0x5270] =	vst v1;
	s19 =	smov.u32 s22  }
0x72: {  	v1 =	vld [tilespmem:s19+$0x270]  }
0x73: {  	v7 =	vld [tilespmem:s19+$0x5200]  }
0x74: {  	v8 =	vld [tilespmem:s19+$0x5210]  }
.Ltmp1:
0x75: {  	v11 =	vld [tilespmem:s19+$0x5220];
	(pc) =	sbr.rel @p0 .LBB2_5-.Ltmp1, $4  }
0x76: {  	v10 =	vld [tilespmem:s19+$0x5230]  }
0x77: {  	v9 =	vld [tilespmem:s19+$0x5240]  }
0x78: {  	v13 =	vmul.f32 v13, v7;
	v7 =	vld [tilespmem:s19+$0x5250]  }
0x79: {  	s21 =	sadd.s32 $0x200, s21;
	v12 =	vmul.f32 v12, v8;
	v8 =	vld [tilespmem:s19+$0x5260]  }
0x7a: {  	[tilespmem:s19+$0x5200] =	vst v13;
	v6 =	vmul.f32 v6, v11;
	v11 =	vld [tilespmem:s19+$0x5270]  }
0x7b: {  	[tilespmem:s19+$0x5210] =	vst v12;
	v5 =	vmul.f32 v5, v10  }
0x7c: {  	[tilespmem:s19+$0x5220] =	vst v6;
	v4 =	vmul.f32 v4, v9  }
0x7d: {  	[tilespmem:s19+$0x5230] =	vst v5;
	v3 =	vmul.f32 v3, v7  }
0x7e: {  	[tilespmem:s19+$0x5240] =	vst v4;
	v2 =	vmul.f32 v2, v8  }
0x7f: {  	[tilespmem:s19+$0x5250] =	vst v3;
	v1 =	vmul.f32 v1, v11  }
0x80: {  	[tilespmem:s19+$0x5260] =	vst v2  }
0x81: {  	[tilespmem:s19+$0x5270] =	vst v1  }
0x82: {  	_ =	swait.ge [sflag:s8], $0x2800  }
0x83: {  	[sflag:s8] =	ssyncset.done $0x0  }
0x84: {  	[sflag:s8] =	ssyncadd.s32 $0xFFFFD800  }
0x85: {  	_ =	swait.ge [sflag:s8], $0x2800  }
0x86: {  	[sflag:s8] =	ssyncset.done $0x0  }
0x87: {  	s19 =	simm.s32 $0x0;
	[sflag:s8] =	ssyncadd.s32 $0xFFFFD800  }
0x88: {  	v8 =	vld [tilespmem:s19+$0x2A00]  }
0x89: {  	v12 =	vld [tilespmem:s19+$0x2A10]  }
0x8a: {  	v6 =	vld [tilespmem:s19+$0x2A20]  }
0x8b: {  	v5 =	vld [tilespmem:s19+$0x2A30]  }
0x8c: {  	v4 =	vld [tilespmem:s19+$0x2A40]  }
0x8d: {  	v3 =	vld [tilespmem:s19+$0x2A50]  }
0x8e: {  	v2 =	vld [tilespmem:s19+$0x2A60]  }
0x8f: {  	v1 =	vld [tilespmem:s19+$0x2A70]  }
0x90: {  	v13 =	vld [tilespmem:s19+$0x7A00]  }
0x91: {  	v14 =	vld [tilespmem:s19+$0x7A10]  }
0x92: {  	v11 =	vld [tilespmem:s19+$0x7A20]  }
0x93: {  	v10 =	vld [tilespmem:s19+$0x7A30]  }
0x94: {  	v9 =	vld [tilespmem:s19+$0x7A40]  }
0x95: {  	v7 =	vld [tilespmem:s19+$0x7A50];
	v13 =	vmul.f32 v8, v13  }
0x96: {  	s21 =	simm.s32 $0x200;
	v12 =	vmul.f32 v12, v14;
	v8 =	vld [tilespmem:s19+$0x7A60]  }
.LBB2_7:
0x97: {  	s22 =	sshra.s32 s21, $0x2;
	p0 =	sne.s32 s21, $0x9E00;
	[tilespmem:s19+$0x7A00] =	vst v13;
	v6 =	vmul.f32 v6, v11;
	v11 =	vld [tilespmem:s19+$0x7A70]  }
0x98: {  	v13 =	vld [tilespmem:s22+$0x2A00];
	[tilespmem:s19+$0x7A10] =	vst v12;
	v5 =	vmul.f32 v5, v10  }
0x99: {  	v12 =	vld [tilespmem:s22+$0x2A10];
	[tilespmem:s19+$0x7A20] =	vst v6;
	v4 =	vmul.f32 v4, v9  }
0x9a: {  	v6 =	vld [tilespmem:s22+$0x2A20];
	[tilespmem:s19+$0x7A30] =	vst v5;
	v3 =	vmul.f32 v3, v7  }
0x9b: {  	v5 =	vld [tilespmem:s22+$0x2A30];
	[tilespmem:s19+$0x7A40] =	vst v4;
	v2 =	vmul.f32 v2, v8  }
0x9c: {  	v4 =	vld [tilespmem:s22+$0x2A40];
	[tilespmem:s19+$0x7A50] =	vst v3;
	v1 =	vmul.f32 v1, v11  }
0x9d: {  	v3 =	vld [tilespmem:s22+$0x2A50];
	[tilespmem:s19+$0x7A60] =	vst v2  }
0x9e: {  	v2 =	vld [tilespmem:s22+$0x2A60];
	[tilespmem:s19+$0x7A70] =	vst v1;
	s19 =	smov.u32 s22  }
0x9f: {  	v1 =	vld [tilespmem:s19+$0x2A70]  }
0xa0: {  	v7 =	vld [tilespmem:s19+$0x7A00]  }
0xa1: {  	v8 =	vld [tilespmem:s19+$0x7A10]  }
.Ltmp2:
0xa2: {  	v11 =	vld [tilespmem:s19+$0x7A20];
	(pc) =	sbr.rel @p0 .LBB2_7-.Ltmp2, $4  }
0xa3: {  	v10 =	vld [tilespmem:s19+$0x7A30]  }
0xa4: {  	v9 =	vld [tilespmem:s19+$0x7A40]  }
0xa5: {  	v13 =	vmul.f32 v13, v7;
	v7 =	vld [tilespmem:s19+$0x7A50]  }
0xa6: {  	s21 =	sadd.s32 $0x200, s21;
	v12 =	vmul.f32 v12, v8;
	v8 =	vld [tilespmem:s19+$0x7A60]  }
0xa7: {  	[tilespmem:s19+$0x7A00] =	vst v13;
	v6 =	vmul.f32 v6, v11;
	v63 =	vld [tilespmem:s19+$0x7A70]  }
0xa8: {  	[tilespmem:s19+$0x7A10] =	vst v12;
	v5 =	vmul.f32 v5, v10  }
0xa9: {  	[tilespmem:s19+$0x7A20] =	vst v6;
	v4 =	vmul.f32 v4, v9  }
0xaa: {  	[tilespmem:s19+$0x7A30] =	vst v5;
	v3 =	vmul.f32 v3, v7  }
0xab: {  	[tilespmem:s19+$0x7A40] =	vst v4;
	v2 =	vmul.f32 v2, v8  }
0xac: {  	[tilespmem:s19+$0x7A50] =	vst v3;
	v1 =	vmul.f32 v1, v63  }
0xad: {  	[tilespmem:s19+$0x7A60] =	vst v2  }
0xae: {  	[tilespmem:s19+$0x7A70] =	vst v1  }
0xaf: {  	[spmem:s2] =	stream.indirect.scatter.add.f32 [tilespmem:s25], [sflag:$0x3], $0x80, s9, s28, $0xb8;
	[tilespmem:$0x1E200] =	vst v63  }
0xb0: {  	_ = 	snop  }
0xb1: {  	[spmem:s2] =	stream.indirect.scatter.add.f32 [tilespmem:s31], [sflag:$0x4], $0x80, s11, s28, $0xb8;
	[tilespmem:$0x1E200] =	vst v63  }
0xb2: {  	p0 =	seq.s32 s16, $0x3D;
	_ =	swait.ge [sflag:s12], $0x2800  }
.Ltmp3:
0xb3: {  	[sflag:s12] =	ssyncset.done $0x0;
	(pc) =	sbr.rel @p0 .LBB2_10-.Ltmp3, $4  }
0xb4: {  	[sflag:s12] =	ssyncadd.s32 $0xFFFFD800  }
0xb5: {  	_ =	swait.ge [sflag:s14], $0x2800  }
0xb6: {  	[sflag:s14] =	ssyncset.done $0x0  }
0xb7: {  	[sflag:s14] =	ssyncadd.s32 $0xFFFFD800  }
0xb8: {  	s19 =	sshll.u32 s16, $0x1  }
0xb9: {  	s19 =	sadd.s32 $0x2, s19  }
0xba: {  	s21 =	sshll.u32 s19, $0x8  }
0xbb: {  	s21 =	sadd.s32 s13, s21  }
0xbc: {  	s21 =	sshrl.u32 s21, $0x3  }
0xbd: {  	s19 =	smul.u32 $0x2800, s19;
	s21 =	sadd.s32 s6, s21  }
0xbe: {  	[tilespmem:s3], [sflag:$0x5] =	stream.linear.gather [hbm4b:s21+s3], $0x200, $0x38;
	[tilespmem:$0x1E200] =	vst v63  }
0xbf: {  	_ =	swait.ge [sflag:s26], $0x200  }
0xc0: {  	s19 =	sadd.s32 s10, s19;
	[sflag:s26] =	ssyncset.done $0x0  }
0xc1: {  	s19 =	sshrl.u32 s19, $0x3;
	[sflag:s26] =	ssyncadd.s32 $0xFFFFFE00  }
0xc2: {  	[tilespmem:s25], [sflag:$0x1] =	stream.indirect.gather [hbm4b:s4+s28], $0x80, s3, s28, $0xb8;
	[tilespmem:$0x1E200] =	vst v63  }
0xc3: {  	s22 =	smul.u32 $0x5000, s16;
	s19 =	sadd.s32 s5, s19  }
0xc4: {  	[tilespmem:s29], [sflag:$0x1] =	stream.linear.gather [hbm4b:s19+s3], $0x2800, $0x38;
	[tilespmem:$0x1E200] =	vst v63  }
.Ltmp4:
0xc5: {  	s19 =	sadd.s32 s22, s20;
	(pc) =	sbr.rel .LBB2_4-.Ltmp4, $4  }
0xc6: {  	s19 =	sshrl.u32 s19, $0x3  }
0xc7: {  	[tilespmem:s31], [sflag:$0x2] =	stream.indirect.gather [hbm4b:s4+s28], $0x80, s30, s28, $0xb8;
	[tilespmem:$0x1E200] =	vst v63  }
0xc8: {  	s16 =	sadd.s32 $0x1, s16;
	s19 =	sadd.s32 s5, s19  }
0xc9: {  	[tilespmem:s0], [sflag:$0x2] =	stream.linear.gather [hbm4b:s19+s3], $0x2800, $0x38;
	[tilespmem:$0x1E200] =	vst v63  }
.LBB2_10:
0xca: {  	s16 =	simm.s32 $0x0;
	s19 =	rddreg [dreg:$0xb]  }
0xcb: {  	[tilespmem:s16], [sflag:$0x5] =	stream.linear.gather [hbm4b:s19+s16], $0x100, $0x38;
	[tilespmem:$0x1E200] =	vst v63  }
0xcc: {  	_ =	swait.ge [sflag:s26], $0x100  }
0xcd: {  	[sflag:s26] =	ssyncset.done $0x0  }
0xce: {  	[sflag:s26] =	ssyncadd.s32 $0xFFFFFF00  }
0xcf: {  	[tilespmem:s25], [sflag:$0x1] =	stream.indirect.gather [hbm4b:s4+s28], $0x80, s16, s28, $0xb8;
	[tilespmem:$0x1E200] =	vst v63  }
0xd0: {  	s22 =	rddreg [dreg:$0xc]  }
0xd1: {  	[tilespmem:s29], [sflag:$0x1] =	stream.linear.gather [hbm4b:s22+s16], $0x2800, $0x38;
	[tilespmem:$0x1E200] =	vst v63  }
0xd2: {  	_ =	swait.ge [sflag:s1], $0x2800  }
0xd3: {  	[sflag:s1] =	ssyncset.done $0x0  }
0xd4: {  	[sflag:s1] =	ssyncadd.s32 $0xFFFFD800  }
0xd5: {  	_ =	swait.ge [sflag:s1], $0x2800  }
0xd6: {  	[sflag:s1] =	ssyncset.done $0x0  }
0xd7: {  	s16 =	simm.s32 $0x0;
	[sflag:s1] =	ssyncadd.s32 $0xFFFFD800  }
0xd8: {  	v8 =	vld [tilespmem:s16+$0x200]  }
0xd9: {  	v12 =	vld [tilespmem:s16+$0x210]  }
0xda: {  	v6 =	vld [tilespmem:s16+$0x220]  }
0xdb: {  	v5 =	vld [tilespmem:s16+$0x230]  }
0xdc: {  	v4 =	vld [tilespmem:s16+$0x240]  }
0xdd: {  	v3 =	vld [tilespmem:s16+$0x250]  }
0xde: {  	v2 =	vld [tilespmem:s16+$0x260]  }
0xdf: {  	v1 =	vld [tilespmem:s16+$0x270]  }
0xe0: {  	v13 =	vld [tilespmem:s16+$0x5200]  }
0xe1: {  	v14 =	vld [tilespmem:s16+$0x5210]  }
0xe2: {  	v11 =	vld [tilespmem:s16+$0x5220]  }
0xe3: {  	v10 =	vld [tilespmem:s16+$0x5230]  }
0xe4: {  	v9 =	vld [tilespmem:s16+$0x5240]  }
0xe5: {  	v7 =	vld [tilespmem:s16+$0x5250];
	v13 =	vmul.f32 v8, v13  }
0xe6: {  	s19 =	simm.s32 $0x200;
	v12 =	vmul.f32 v12, v14;
	v8 =	vld [tilespmem:s16+$0x5260]  }
.LBB2_11:
0xe7: {  	s21 =	sshra.s32 s19, $0x2;
	p0 =	sne.s32 s19, $0x9E00;
	[tilespmem:s16+$0x5200] =	vst v13;
	v6 =	vmul.f32 v6, v11;
	v11 =	vld [tilespmem:s16+$0x5270]  }
0xe8: {  	v13 =	vld [tilespmem:s21+$0x200];
	[tilespmem:s16+$0x5210] =	vst v12;
	v5 =	vmul.f32 v5, v10  }
0xe9: {  	v12 =	vld [tilespmem:s21+$0x210];
	[tilespmem:s16+$0x5220] =	vst v6;
	v4 =	vmul.f32 v4, v9  }
0xea: {  	v6 =	vld [tilespmem:s21+$0x220];
	[tilespmem:s16+$0x5230] =	vst v5;
	v3 =	vmul.f32 v3, v7  }
0xeb: {  	v5 =	vld [tilespmem:s21+$0x230];
	[tilespmem:s16+$0x5240] =	vst v4;
	v2 =	vmul.f32 v2, v8  }
0xec: {  	v4 =	vld [tilespmem:s21+$0x240];
	[tilespmem:s16+$0x5250] =	vst v3;
	v1 =	vmul.f32 v1, v11  }
0xed: {  	v3 =	vld [tilespmem:s21+$0x250];
	[tilespmem:s16+$0x5260] =	vst v2  }
0xee: {  	v2 =	vld [tilespmem:s21+$0x260];
	[tilespmem:s16+$0x5270] =	vst v1;
	s16 =	smov.u32 s21  }
0xef: {  	v1 =	vld [tilespmem:s16+$0x270]  }
0xf0: {  	v7 =	vld [tilespmem:s16+$0x5200]  }
0xf1: {  	v8 =	vld [tilespmem:s16+$0x5210]  }
.Ltmp5:
0xf2: {  	v11 =	vld [tilespmem:s16+$0x5220];
	(pc) =	sbr.rel @p0 .LBB2_11-.Ltmp5, $4  }
0xf3: {  	v10 =	vld [tilespmem:s16+$0x5230]  }
0xf4: {  	v9 =	vld [tilespmem:s16+$0x5240]  }
0xf5: {  	v13 =	vmul.f32 v13, v7;
	v7 =	vld [tilespmem:s16+$0x5250]  }
0xf6: {  	s19 =	sadd.s32 $0x200, s19;
	v12 =	vmul.f32 v12, v8;
	v8 =	vld [tilespmem:s16+$0x5260]  }
0xf7: {  	[tilespmem:s16+$0x5200] =	vst v13;
	v6 =	vmul.f32 v6, v11;
	v63 =	vld [tilespmem:s16+$0x5270]  }
0xf8: {  	[tilespmem:s16+$0x5210] =	vst v12;
	v5 =	vmul.f32 v5, v10  }
0xf9: {  	[tilespmem:s16+$0x5220] =	vst v6;
	v4 =	vmul.f32 v4, v9  }
0xfa: {  	[tilespmem:s16+$0x5230] =	vst v5;
	v3 =	vmul.f32 v3, v7  }
0xfb: {  	[tilespmem:s16+$0x5240] =	vst v4;
	v2 =	vmul.f32 v2, v8  }
0xfc: {  	[tilespmem:s16+$0x5250] =	vst v3;
	v1 =	vmul.f32 v1, v63  }
0xfd: {  	[tilespmem:s16+$0x5260] =	vst v2  }
0xfe: {  	[tilespmem:s16+$0x5270] =	vst v1  }
0xff: {  	[spmem:s2] =	stream.indirect.scatter.add.f32 [tilespmem:s25], [sflag:$0x5], $0x80, s9, s28, $0xb8;
	[tilespmem:$0x1E200] =	vst v63  }
0x100: {  	s22 =	stileid.u32;
	_ =	swait.ge [sflag:s26], $0x2800  }
0x101: {  	s19 =	sshrl.u32 s7, $0x3;
	s15 =	sadd.s32 $0x1, s15;
	[sflag:s26] =	ssyncset.done $0x0  }
0x102: {  	p0 =	sne.s32 s15, s24;
	s16 =	sshll.u32 s22, $0x6;
	[sflag:s26] =	ssyncadd.s32 $0xFFFFD800  }
.Ltmp6:
0x103: {  	s16 =	sor.u32 $0x1C05, s16;
	[bflag:$0x0] =	sbarrier.arrive $0xFFFF;
	(pc) =	sbr.rel @p0 .LBB2_1-.Ltmp6, $4  }
0x104: {  	[hbm:s23], [sflag:s16] =	dma.local [spmem:s19], $0x2800  }
0x105: {  	_ =	swait.ge [sflag:s26], $0x2800  }
0x106: {  	[sflag:s26] =	ssyncset.done $0x0  }
0x107: {  	[sflag:s26] =	ssyncadd.s32 $0xFFFFD800  }
0x108: {  	_ =	sfence.sel $0x180000  }
0x109: {  	[bflag:$0x0] =	sbarrier.arrive $0xFFFF  }
0x10a: {  	_ =	strace $0x9000004D  }
0x10b: {  	s0 =	stileid.u32;
	[bflag:$0x2] =	sbarrier.arrive $0xFFFF  }
0x10c: {  	p0 =	sne.s32 s0, $0x0;
	s0 =	rddreg [dreg:$0x2]  }
0x10d: {  	s0 =	sadd.s32 @!p0 $0x100000, s0  }
0x10e: {  	[sflag:s0] =	ssyncadd.tile.s32 @!p0 $0x1;
	_ =	shalt  }
.Lfunc_end2:
_tile_overlayer_lowered:
.L_overlay_start_2:
0x10f: {  	(tag) =	ssettag $0x2  }
0x110: {  	s0 =	rddreg [dreg:$0x0];
	s2 =	stileid.u32  }
0x111: {  	s1 =	rddreg [dreg:$0x1];
	p0 =	sne.s32 s2, $0x0  }
0x112: {  	s3 =	rddreg [dreg:$0x2];
	[bflag:$0x3] =	sbarrier.arrive $0xFFFF;
	s2 =	simm.s32 @!p0 $0x1C05  }
0x113: {  	[timem:s3], [sflag:s2] =	dma.local @!p0 [hbm:s0], s1  }
0x114: {  	s0 =	simm.s32 @!p0 $0x5  }
0x115: {  	_ =	swait.ge @!p0 [sflag:s0], s1  }
0x116: {  	s1 =	ssub.s32 @!p0 $0x0, s1;
	[sflag:s0] =	ssyncset.done @!p0 $0x0  }
0x117: {  	[sflag:s0] =	ssyncadd.s32 @!p0 s1  }
0x118: {  	[bflag:$0x3] =	sbarrier.arrive $0xFFFF  }
0x119: {  	_ =	shalt  }

// kernel: kernel.19.cloned.1.call-start
scs
__scs_entry_jumppad:
0x0: {  	(pc) =	sbr.rel $0x88, $3  }
0x1: {  	(tag) =	ssettag $0x0;
	lr =	simm.s32 $0x1  }
0x2: {  	[smem:$0x3F90] =	sst lr;
	_ =	strace $0xD0000000  }
0x3: {  	_ = 	snop  }
0x4: {  	_ = 	snop  }
0x5: {  	_ = 	snop  }
0x6: {  	_ = 	snop  }
0x7: {  	_ = 	snop  }
__scs_overlays_trampoline_lowered:
0x8: {  	[smem:$0x3F9F] =	sst s0  }
0x9: {  	[smem:$0x3FA0] =	sst s1  }
0xa: {  	[smem:$0x3FA1] =	sst s2  }
0xb: {  	[smem:$0x3FA2] =	sst s3  }
0xc: {  	[smem:$0x3FA3] =	sst s4  }
0xd: {  	[smem:$0x3FA4] =	sst s5  }
0xe: {  	[smem:$0x3FA5] =	sst s6  }
0xf: {  	[smem:$0x3FA6] =	sst s7  }
0x10: {  	[smem:$0x3FA7] =	sst s8  }
0x11: {  	[smem:$0x3FA8] =	sst s9;
	s0 =	simm.s32 @!p0 $0x0  }
0x12: {  	s1 =	sld [smem:$0x3F8E];
	s0 =	simm.s32 @p0 $0x1  }
0x13: {  	[smem:$0x3FA9] =	sst s0;
	s0 =	simm.s32 @!p1 $0x0  }
0x14: {  	s2 =	sld [smem:$0x3F8D];
	s0 =	simm.s32 @p1 $0x1  }
0x15: {  	[smem:$0x3FAA] =	sst s0;
	s0 =	simm.s32 @!p2 $0x0  }
0x16: {  	s3 =	sld [smem:$0x3FDB];
	s0 =	simm.s32 @p2 $0x1  }
0x17: {  	s4 =	simm.s32 $0x1BF5;
	[smem:$0x3FAC] =	sst s0  }
0x18: {  	s0 =	sld [smem:$0x3F8F];
	_ =	swait.ge [sflag:s4], $0x0  }
0x19: {  	s7 =	sld [smem:$0x3F90]  }
0x1a: {  	s8 =	sadd.s32 $0xFFFFE003, lr  }
0x1b: {  	s9 =	sadd.s32 $0xFFFFFEF7, lr;
	s5 =	simm.s32 $0xFFFFFFFF;
	p2 =	slt.u32 s8, $0xFFFFF086  }
0x1c: {  	p1 =	slt.u32 s9, $0xF7A;
	s5 =	simm.s32 @!p2 $0x0  }
0x1d: {  	s5 =	simm.s32 @p1 $0x1;
	p0 =	seq.s32 s7, s2  }
0x1e: {  	s7 =	smul.u32 @!p0 $0xF7A, s2;
	p2 =	seq.s32 @!p0 s5, $0x0  }
0x1f: {  	s9 =	smul.u32 $0xF7A, s1;
	s8 =	simm.s32 @!p0 $0x1BF5;
	p2 =	por !p2, p0  }
0x20: {  	[sflag:s8] =	ssyncset.s32 @!p0 $0xFFFFF086;
	s6 =	sadd.s32 @!p0 s3, s7;
	s7 =	simm.s32 @!p0 $0x108  }
0x21: {  	s3 =	sadd.s32 s3, s9;
	s6 =	sadd.s32 @!p0 $0x88, s6;
	s7 =	simm.s32 @p2 $0x1082  }
0x22: {  	[simem:s7], [sflag:s8] =	dma.local @!p0 [hbm:s6], $0xF7A  }
0x23: {  	s9 =	sor.u32 $0xD0000000, s2;
	s6 =	simm.s32 $0x108;
	_ =	swait.ge @!p0 [sflag:s8], $0x0  }
0x24: {  	s3 =	sadd.s32 $0x88, s3;
	s6 =	simm.s32 @!p1 $0x1082;
	[sflag:s4] =	ssyncset.s32 $0xFFFFF086  }
0x25: {  	[simem:s6], [sflag:s4] =	dma.local [hbm:s3], $0xF7A  }
0x26: {  	[smem:$0x3F90] =	sst s1;
	(tag) =	ssettag s2;
	_ =	strace s9  }
0x27: {  	s1 =	sld [smem:$0x3FA0]  }
0x28: {  	s2 =	sld [smem:$0x3FA1]  }
0x29: {  	s4 =	sld [smem:$0x3FA3]  }
0x2a: {  	p0 =	seq.s32 s5, $0x0;
	s5 =	sld [smem:$0x3FA4]  }
0x2b: {  	s6 =	sld [smem:$0x3FA5]  }
0x2c: {  	s7 =	sld [smem:$0x3FA6]  }
0x2d: {  	s3 =	simm.s32 $0x108;
	s8 =	sld [smem:$0x3FA7]  }
0x2e: {  	s3 =	simm.s32 @!p0 $0x1082;
	s9 =	sld [smem:$0x3FA8]  }
0x2f: {  	lr =	sadd.s32 s0, s3;
	s0 =	sld [smem:$0x3F9F]  }
0x30: {  	s3 =	sld [smem:$0x3FA2]  }
0x31: {  	[smem:$0x3FAB] =	sst s10  }
0x32: {  	s10 =	sld [smem:$0x3FA9];
	_ =	sdelay $0x3  }
0x33: {  	p0 =	seq.s32 s10, $0x1;
	s10 =	sld [smem:$0x3FAB];
	_ =	sdelay $0x3  }
0x34: {  	[smem:$0x3FAB] =	sst s10  }
0x35: {  	s10 =	sld [smem:$0x3FAA];
	_ =	sdelay $0x3  }
0x36: {  	p1 =	seq.s32 s10, $0x1;
	s10 =	sld [smem:$0x3FAB];
	_ =	sdelay $0x3  }
0x37: {  	[smem:$0x3FAB] =	sst s10  }
0x38: {  	s10 =	sld [smem:$0x3FAC]  }
0x39: {  	_ = 	snop;
	(pc) =	sbr.ind lr, $3  }
0x3a: {  	_ = 	snop  }
0x3b: {  	_ = 	snop  }
0x3c: {  	p2 =	seq.s32 s10, $0x1;
	s10 =	sld [smem:$0x3FAB]  }
0x3d: {  	_ =	shalt  }
0x3e: {  	_ =	shalt  }
0x3f: {  	_ =	shalt  }
0x40: {  	_ =	shalt  }
0x41: {  	_ =	shalt  }
0x42: {  	_ =	shalt  }
0x43: {  	_ =	shalt  }
0x44: {  	_ =	shalt  }
0x45: {  	_ =	shalt  }
0x46: {  	_ =	shalt  }
0x47: {  	_ =	shalt  }
0x48: {  	_ =	shalt  }
0x49: {  	_ =	shalt  }
0x4a: {  	_ =	shalt  }
0x4b: {  	_ =	shalt  }
0x4c: {  	_ =	shalt  }
0x4d: {  	_ =	shalt  }
0x4e: {  	_ =	shalt  }
0x4f: {  	_ =	shalt  }
0x50: {  	_ =	shalt  }
0x51: {  	_ =	shalt  }
0x52: {  	_ =	shalt  }
0x53: {  	_ =	shalt  }
0x54: {  	_ =	shalt  }
0x55: {  	_ =	shalt  }
0x56: {  	_ =	shalt  }
0x57: {  	_ =	shalt  }
0x58: {  	_ =	shalt  }
0x59: {  	_ =	shalt  }
0x5a: {  	_ =	shalt  }
0x5b: {  	_ =	shalt  }
0x5c: {  	_ =	shalt  }
0x5d: {  	_ =	shalt  }
0x5e: {  	_ =	shalt  }
0x5f: {  	_ =	shalt  }
0x60: {  	_ =	shalt  }
0x61: {  	_ =	shalt  }
0x62: {  	_ =	shalt  }
0x63: {  	_ =	shalt  }
0x64: {  	_ =	shalt  }
0x65: {  	_ =	shalt  }
0x66: {  	_ =	shalt  }
0x67: {  	_ =	shalt  }
0x68: {  	_ =	shalt  }
0x69: {  	_ =	shalt  }
0x6a: {  	_ =	shalt  }
0x6b: {  	_ =	shalt  }
0x6c: {  	_ =	shalt  }
0x6d: {  	_ =	shalt  }
0x6e: {  	_ =	shalt  }
0x6f: {  	_ =	shalt  }
0x70: {  	_ =	shalt  }
0x71: {  	_ =	shalt  }
0x72: {  	_ =	shalt  }
0x73: {  	_ =	shalt  }
0x74: {  	_ =	shalt  }
0x75: {  	_ =	shalt  }
0x76: {  	_ =	shalt  }
0x77: {  	_ =	shalt  }
0x78: {  	_ =	shalt  }
0x79: {  	_ =	shalt  }
0x7a: {  	_ =	shalt  }
0x7b: {  	_ =	shalt  }
0x7c: {  	_ =	shalt  }
0x7d: {  	_ =	shalt  }
0x7e: {  	_ =	shalt  }
0x7f: {  	_ =	shalt  }
0x80: {  	_ =	shalt  }
0x81: {  	_ =	shalt  }
0x82: {  	_ =	shalt  }
0x83: {  	_ =	shalt  }
0x84: {  	_ =	shalt  }
0x85: {  	_ =	shalt  }
0x86: {  	_ =	shalt  }
0x87: {  	_ =	shalt  }
.Lfunc_end0:
.L_simem_size_0:
called_computation.3_lowered:
.L_overlay_start_0:
0x88: {  	s2 =	sld [smem:$0x3FD9]  }
0x89: {  	s3 =	sld [smem:$0x3FFE];
	_ =	sdelay $0x1  }
0x8a: {  	s1 =	srdreg.scid  }
0x8b: {  	s0 =	sand.u32 $0x1, s1  }
0x8c: {  	s14 =	sshll.u32 s0, $0xA;
	s2 =	sadd.s32 s3, s2  }
0x8d: {  	s2 =	sadd.s32 s2, s14  }
0x8e: {  	[smem:$0x3FB7] =	sst s2  }
0x8f: {  	_ = 	snop  }
0x90: {  	s2 =	sld [smem:$0x3FD0];
	_ =	sdelay $0x2  }
0x91: {  	s15 =	simm.s32 $0xA;
	s4 =	simm.s32 $0x10  }
0x92: {  	[smem:s4], [sflag:s15] =	dma.local [hbm:s2], $0x1  }
0x93: {  	_ =	swait.eq [sflag:s15], $0x1  }
0x94: {  	[sflag:s15] =	ssyncset.done $0x0  }
0x95: {  	[sflag:s15] =	ssyncadd.s32 $0xFFFFFFFF  }
0x96: {  	s16 =	sld [smem:$0x11];
	(tm) =	ssettm $0x1  }
0x97: {  	s17 =	sld [smem:$0x3FFB];
	_ =	sdelay $0x3  }
0x98: {  	_ =	strace s17  }
0x99: {  	s3 =	sld [smem:$0x3FFC];
	_ =	sdelay $0x3  }
0x9a: {  	_ =	strace s3  }
0x9b: {  	s3 =	sld [smem:$0x3FFD];
	_ =	sdelay $0x3  }
0x9c: {  	_ =	strace s3  }
0x9d: {  	_ =	strace $0x8FFFFFFF  }
0x9e: {  	s18 =	sld [smem:$0x3FDB];
	_ =	sdelay $0x1  }
0x9f: {  	s19 =	simm.s32 $_scs_section_size  }
0xa0: {  	s5 =	simm.s32 $_size__tile_overlayer_lowered;
	s6 =	simm.s32 $_tile_overlayer_lowered  }
0xa1: {  	s22 =	simm.s32 $0x1BFF;
	s21 =	sshll.u32 s6, $0x1;
	s3 =	sadd.s32 s19, s18  }
0xa2: {  	s7 =	simm.s32 $0x0;
	s20 =	sshll.u32 s5, $0x1;
	s5 =	sadd.s32 s21, s3  }
0xa3: {  	[timem:s7], [sflag:s22] =	dma.local [hbm:s5], s20  }
0xa4: {  	_ =	swait.ge [sflag:s22], s20  }
0xa5: {  	s4 =	ssub.s32 $0x0, s20;
	[sflag:s22] =	ssyncset.done $0x0  }
0xa6: {  	[sflag:s22] =	ssyncadd.s32 s4;
	_ =	sdelay $0x1  }
0xa7: {  	s23 =	simm.s32 $0x1B8B  }
0xa8: {  	_ =	swait.ge [sflag:s23], $0x1  }
0xa9: {  	[sflag:s23] =	ssyncset.done $0x0  }
0xaa: {  	s25 =	simm.s32 $0x1B8E;
	s24 =	sld [smem:$0x3FFE];
	[sflag:s23] =	ssyncadd.s32 $0xFFFFFFFF  }
0xab: {  	s26 =	simm.s32 $execute0_lowered;
	[smem:$0x3FD2] =	sst s25  }
0xac: {  	s5 =	sshll.u32 s26, $0x1;
	_ =	strace $0x8000004F;
	[dreg:$0x1] =	wrdreg $0xFFFFFFFF  }
0xad: {  	s28 =	simm.s32 $_size_execute0_lowered;
	s3 =	sadd.s32 s3, s5;
	[dreg:$0x0] =	wrdreg $0x0  }
0xae: {  	s5 =	sshll.u32 s28, $0x1;
	[dreg:$0x2] =	wrdreg s3  }
0xaf: {  	[dreg:$0x3] =	wrdreg s5  }
0xb0: {  	[dreg:$0x4] =	wrdreg $0xC0  }
0xb1: {  	_ =	task [dreg:s7], $0x5FFFF  }
0xb2: {  	[dreg:$0x1] =	wrdreg $0xFFFFFFFF  }
0xb3: {  	[dreg:$0x0] =	wrdreg $0x60  }
0xb4: {  	[dreg:$0x2] =	wrdreg s24  }
0xb5: {  	[dreg:$0x3] =	wrdreg s16  }
0xb6: {  	[dreg:$0x4] =	wrdreg $0x9  }
0xb7: {  	_ =	task.clear_ibuf [dreg:s7], $0x5FFFF;
	_ =	strace $0x9000004F  }
0xb8: {  	s29 =	simm.s32 $0x9;
	_ =	strace $0x80000051  }
0xb9: {  	_ =	swait.ge [sflag:s29], $0x1  }
0xba: {  	[sflag:s29] =	ssyncadd.s32 $0xFFFFFFFF  }
0xbb: {  	_ =	strace $0x90000051  }
0xbc: {  	_ =	sfence  }
0xbd: {  	s30 =	sld [smem:$0x0];
	_ =	sdelay $0x2  }
0xbe: {  	s31 =	sshll.u32 s1, $0xD;
	s1 =	sshrl.u32 s1, $0x2  }
0xbf: {  	s3 =	sand.u32 $0x4000, s31;
	s1 =	sadd.s32 s1, s30  }
0xc0: {  	s0 =	sor.u32 s3, s0;
	s1 =	sshll.u32 s1, $0x11  }
0xc1: {  	s0 =	sor.u32 s1, s0  }
0xc2: {  	s0 =	sadd.s32 $0x8F2B, s0  }
0xc3: {  	[sflag:s0] =	ssyncadd.remote.s32 $0x1  }
0xc4: {  	_ =	sfence.sel $0xFFFF  }
0xc5: {  	[dreg:$0x0] =	wrdreg $0xFFFFFFFF;
	(pc) =	sbr.abs _section_cstart, $3  }
0xc6: {  	[dreg:$0x1] =	wrdreg $0xFFFFFFFF  }
0xc7: {  	_ =	task.clear_ibuf [dreg:s7], $0x2FFFF;
	_ =	strace $0x9FFFFFFF  }
0xc8: {  	(tm) =	ssettm $0x7FFFFFFF  }
0xc9: {  	_ =	shalt  }
tec
execute0_lowered:
.L_overlay_start_1:
0x0: {  	(tag) =	ssettag $0x1  }
0x1: {  	s0 =	rddreg [dreg:$0x0]  }
0x2: {  	s1 =	rddreg [dreg:$0x1]  }
0x3: {  	s2 =	srdreg.scid;
	s3 =	simm.s32 $0x0;
	s5 =	stileid.u32  }
0x4: {  	s18 =	simm.s32 $0x5;
	s19 =	simm.s32 $0x50;
	s20 =	simm.s32 $0x140  }
0x5: {  	s28 =	simm.s32 $0x1A40;
	s29 =	simm.s32 $0x1;
	s30 =	simm.s32 $0x2  }
0x6: {  	s31 =	simm.s32 $0x3;
	s2 =	sand.u32 $0x1, s2;
	[smem:$0x7FF] =	sst s3  }
0x7: {  	s6 =	sadd.s32 $0x23C00, s0;
	s8 =	sadd.s32 $0x37600, s0;
	s4 =	sshll.u32 s2, $0x4  }
0x8: {  	_ =	strace $0x80000050;
	s2 =	ssub.s32 $0x2, s2;
	s7 =	sor.u32 s5, s4  }
0x9: {  	s4 =	sadd.s32 $0x4800, s0;
	s9 =	sshrl.u32 s2, $0x1;
	s5 =	smul.u32 $0x27100, s7  }
0xa: {  	s0 =	simm.s32 $0x4;
	s7 =	smul.u32 $0x4E20, s7;
	s21 =	ssub.s32 s2, s9  }
0xb: {  	s2 =	simm.s32 $0x0;
	s17 =	smax.u32 s21, $0x1;
	s21 =	simm.s32 $0xB40  }
0xc: {  	s9 =	sadd.s32 $0x500, s5;
	s22 =	sshrl.u32 s7, $0x3;
	s11 =	sshrl.u32 s5, $0x3  }
0xd: {  	s13 =	sadd.s32 $0xF00, s5;
	s12 =	sshrl.u32 s9, $0x3;
	s10 =	sadd.s32 s6, s22  }
0xe: {  	s23 =	sadd.s32 s1, s11;
	s26 =	sadd.s32 $0x4D80, s11;
	s22 =	simm.s32 $0x1540  }
0xf: {  	[dreg:$0x3] =	wrdreg s23;
	s24 =	sadd.s32 s1, s12;
	s25 =	sadd.s32 $0x9B0, s10  }
0x10: {  	s11 =	sadd.s32 s1, s26;
	s16 =	sadd.s32 s8, s26;
	[dreg:$0x4] =	wrdreg s24  }
0x11: {  	s23 =	simm.s32 $0xA0;
	s26 =	simm.s32 $0x1040;
	[dreg:$0x5] =	wrdreg s25  }
0x12: {  	[dreg:$0x6] =	wrdreg s11;
	s24 =	simm.s32 $0x640;
	s25 =	simm.s32 $0xF0  }
.LBB2_1:
0x13: {  	[tilespmem:s3], [sflag:$0x5] =	stream.linear.gather [hbm4b:s10+s3], $0x140, $0x38;
	[tilespmem:$0x1F40] =	vst v63  }
0x14: {  	_ =	swait.ge [sflag:s18], $0x140  }
0x15: {  	[sflag:s18] =	ssyncset.done $0x0  }
0x16: {  	[sflag:s18] =	ssyncadd.s32 $0xFFFFFEC0  }
0x17: {  	[tilespmem:s20], [sflag:$0x1] =	stream.indirect.gather [hbm4b:s4+s19], $0x10, s3, s19, $0xb8;
	[tilespmem:$0x1F40] =	vst v63  }
0x18: {  	_ = 	snop  }
0x19: {  	[tilespmem:s21], [sflag:$0x1] =	stream.indirect.gather [hbm4b:s4+s19], $0x10, s19, s19, $0xb8;
	[tilespmem:$0x1F40] =	vst v63  }
0x1a: {  	s11 =	rddreg [dreg:$0x3]  }
0x1b: {  	[tilespmem:s22], [sflag:$0x1] =	stream.linear.gather [hbm4b:s11+s3], $0x500, $0x38;
	[tilespmem:$0x1F40] =	vst v63  }
0x1c: {  	_ = 	snop  }
0x1d: {  	[tilespmem:s24], [sflag:$0x2] =	stream.indirect.gather [hbm4b:s4+s19], $0x10, s23, s19, $0xb8;
	[tilespmem:$0x1F40] =	vst v63  }
0x1e: {  	_ = 	snop  }
0x1f: {  	[tilespmem:s26], [sflag:$0x2] =	stream.indirect.gather [hbm4b:s4+s19], $0x10, s25, s19, $0xb8;
	[tilespmem:$0x1F40] =	vst v63  }
0x20: {  	s15 =	rddreg [dreg:$0x4];
	s11 =	simm.s32 $0x0  }
0x21: {  	[tilespmem:s28], [sflag:$0x2] =	stream.linear.gather [hbm4b:s15+s3], $0x500, $0x38;
	[tilespmem:$0x1F40] =	vst v63  }
.LBB2_2:
0x22: {  	_ =	swait.ge [sflag:s29], $0x500  }
0x23: {  	[sflag:s29] =	ssyncset.done $0x0  }
0x24: {  	[sflag:s29] =	ssyncadd.s32 $0xFFFFFB00  }
0x25: {  	_ =	swait.ge [sflag:s29], $0x500  }
0x26: {  	[sflag:s29] =	ssyncset.done $0x0  }
0x27: {  	[sflag:s29] =	ssyncadd.s32 $0xFFFFFB00  }
0x28: {  	_ =	swait.ge [sflag:s29], $0x500  }
0x29: {  	[sflag:s29] =	ssyncset.done $0x0  }
0x2a: {  	s12 =	simm.s32 $0x0;
	[sflag:s29] =	ssyncadd.s32 $0xFFFFFB00  }
0x2b: {  	v0 =	vld [tilespmem:s12+$0x140]  }
0x2c: {  	v1 =	vld [tilespmem:s12+$0xB40];
	_ =	sdelay $0x1  }
0x2d: {  	v2 =	vld [tilespmem:s12+$0x1540];
	_ =	sdelay $0x2  }
0x2e: {  	v1 =	vadd.f32 v1, v0  }
0x2f: {  	s14 =	simm.s32 $0x10  }
0x30: {  	s15 =	simm.s32 $0x80;
	v0 =	vld [tilespmem:s14+$0x140];
	v1 =	vmul.f32 v2, v1  }
.LBB2_3:
0x31: {  	p0 =	sne.s32 s15, $0x13C0;
	v2 =	vld [tilespmem:s14+$0xB40]  }
0x32: {  	[tilespmem:s12+$0x1540] =	vst v1;
	s12 =	smov.u32 s14  }
0x33: {  	v1 =	vld [tilespmem:s12+$0x1540]  }
.Ltmp0:
0x34: {  	(pc) =	sbr.rel @p0 .LBB2_3-.Ltmp0, $4  }
0x35: {  	_ = 	snop  }
0x36: {  	v2 =	vadd.f32 v2, v0  }
0x37: {  	s14 =	sshra.s32 s15, $0x2  }
0x38: {  	s15 =	sadd.s32 $0x40, s15;
	v0 =	vld [tilespmem:s14+$0x140];
	v1 =	vmul.f32 v1, v2  }
0x39: {  	v2 =	vld [tilespmem:s14+$0xB40]  }
0x3a: {  	[tilespmem:s12+$0x1540] =	vst v1  }
0x3b: {  	v1 =	vld [tilespmem:s14+$0x1540];
	_ =	sdelay $0x2  }
0x3c: {  	v0 =	vadd.f32 v2, v0;
	_ =	sdelay $0x1  }
0x3d: {  	v0 =	vmul.f32 v1, v0;
	_ =	sdelay $0x1  }
0x3e: {  	[tilespmem:s14+$0x1540] =	vst v0  }
0x3f: {  	_ =	swait.ge [sflag:s30], $0x500  }
0x40: {  	[sflag:s30] =	ssyncset.done $0x0  }
0x41: {  	[sflag:s30] =	ssyncadd.s32 $0xFFFFFB00  }
0x42: {  	_ =	swait.ge [sflag:s30], $0x500  }
0x43: {  	[sflag:s30] =	ssyncset.done $0x0  }
0x44: {  	[sflag:s30] =	ssyncadd.s32 $0xFFFFFB00  }
0x45: {  	_ =	swait.ge [sflag:s30], $0x500  }
0x46: {  	[sflag:s30] =	ssyncset.done $0x0  }
0x47: {  	s12 =	simm.s32 $0x0;
	[sflag:s30] =	ssyncadd.s32 $0xFFFFFB00  }
0x48: {  	v0 =	vld [tilespmem:s12+$0x640]  }
0x49: {  	v1 =	vld [tilespmem:s12+$0x1040];
	_ =	sdelay $0x1  }
0x4a: {  	v2 =	vld [tilespmem:s12+$0x1A40];
	_ =	sdelay $0x2  }
0x4b: {  	v1 =	vadd.f32 v1, v0  }
0x4c: {  	s14 =	simm.s32 $0x10  }
0x4d: {  	s15 =	simm.s32 $0x80;
	v0 =	vld [tilespmem:s14+$0x640];
	v1 =	vmul.f32 v2, v1  }
.LBB2_5:
0x4e: {  	p0 =	sne.s32 s15, $0x13C0;
	v2 =	vld [tilespmem:s14+$0x1040]  }
0x4f: {  	[tilespmem:s12+$0x1A40] =	vst v1;
	s12 =	smov.u32 s14  }
0x50: {  	v1 =	vld [tilespmem:s12+$0x1A40]  }
.Ltmp1:
0x51: {  	(pc) =	sbr.rel @p0 .LBB2_5-.Ltmp1, $4  }
0x52: {  	_ = 	snop  }
0x53: {  	v2 =	vadd.f32 v2, v0  }
0x54: {  	s14 =	sshra.s32 s15, $0x2  }
0x55: {  	s15 =	sadd.s32 $0x40, s15;
	v0 =	vld [tilespmem:s14+$0x640];
	v1 =	vmul.f32 v1, v2  }
0x56: {  	v2 =	vld [tilespmem:s14+$0x1040]  }
0x57: {  	[tilespmem:s12+$0x1A40] =	vst v1  }
0x58: {  	v1 =	vld [tilespmem:s14+$0x1A40];
	_ =	sdelay $0x2  }
0x59: {  	s12 =	smul.u32 $0xA00, s11;
	v0 =	vadd.f32 v2, v0;
	_ =	sdelay $0x1  }
0x5a: {  	s15 =	sadd.s32 s5, s12;
	v0 =	vmul.f32 v1, v0  }
0x5b: {  	s15 =	sshrl.u32 s15, $0x3  }
0x5c: {  	s15 =	sadd.s32 s8, s15;
	[tilespmem:s14+$0x1A40] =	vst v0  }
0x5d: {  	[hbm4b:s15+s3] =	stream.linear.scatter [tilespmem:s22], [sflag:$0x3], $0x500, $0x38;
	[tilespmem:$0x1F40] =	vst v63  }
0x5e: {  	s15 =	sadd.s32 s12, s9  }
0x5f: {  	s14 =	sshrl.u32 s15, $0x3  }
0x60: {  	s14 =	sadd.s32 s8, s14  }
0x61: {  	[hbm4b:s14+s3] =	stream.linear.scatter [tilespmem:s28], [sflag:$0x4], $0x500, $0x38;
	[tilespmem:$0x1F40] =	vst v63  }
0x62: {  	p0 =	seq.s32 s11, $0x3D;
	_ =	swait.ge [sflag:s31], $0x500  }
.Ltmp2:
0x63: {  	[sflag:s31] =	ssyncset.done $0x0;
	(pc) =	sbr.rel @p0 .LBB2_8-.Ltmp2, $4  }
0x64: {  	[sflag:s31] =	ssyncadd.s32 $0xFFFFFB00  }
0x65: {  	_ =	swait.ge [sflag:s0], $0x500  }
0x66: {  	[sflag:s0] =	ssyncset.done $0x0  }
0x67: {  	[sflag:s0] =	ssyncadd.s32 $0xFFFFFB00  }
0x68: {  	s14 =	sshll.u32 s11, $0x1  }
0x69: {  	s14 =	sadd.s32 $0x2, s14  }
0x6a: {  	s15 =	smul.u32 $0xA0, s14;
	_ =	sdelay $0x1  }
0x6b: {  	s15 =	sadd.s32 s7, s15  }
0x6c: {  	s15 =	sshrl.u32 s15, $0x3  }
0x6d: {  	s15 =	sadd.s32 s6, s15  }
0x6e: {  	[tilespmem:s3], [sflag:$0x5] =	stream.linear.gather [hbm4b:s15+s3], $0x140, $0x38;
	[tilespmem:$0x1F40] =	vst v63  }
0x6f: {  	s14 =	smul.u32 $0x500, s14;
	_ =	swait.ge [sflag:s18], $0x140  }
0x70: {  	[sflag:s18] =	ssyncset.done $0x0  }
0x71: {  	s14 =	sadd.s32 s5, s14;
	[sflag:s18] =	ssyncadd.s32 $0xFFFFFEC0  }
0x72: {  	[tilespmem:s20], [sflag:$0x1] =	stream.indirect.gather [hbm4b:s4+s19], $0x10, s3, s19, $0xb8;
	[tilespmem:$0x1F40] =	vst v63  }
0x73: {  	s14 =	sshrl.u32 s14, $0x3  }
0x74: {  	[tilespmem:s21], [sflag:$0x1] =	stream.indirect.gather [hbm4b:s4+s19], $0x10, s19, s19, $0xb8;
	[tilespmem:$0x1F40] =	vst v63  }
0x75: {  	s14 =	sadd.s32 s1, s14  }
0x76: {  	[tilespmem:s22], [sflag:$0x1] =	stream.linear.gather [hbm4b:s14+s3], $0x500, $0x38;
	[tilespmem:$0x1F40] =	vst v63  }
0x77: {  	_ = 	snop  }
0x78: {  	[tilespmem:s24], [sflag:$0x2] =	stream.indirect.gather [hbm4b:s4+s19], $0x10, s23, s19, $0xb8;
	[tilespmem:$0x1F40] =	vst v63  }
.Ltmp3:
0x79: {  	s12 =	sadd.s32 s12, s13;
	(pc) =	sbr.rel .LBB2_2-.Ltmp3, $4  }
0x7a: {  	s12 =	sshrl.u32 s12, $0x3  }
0x7b: {  	[tilespmem:s26], [sflag:$0x2] =	stream.indirect.gather [hbm4b:s4+s19], $0x10, s25, s19, $0xb8;
	[tilespmem:$0x1F40] =	vst v63  }
0x7c: {  	s11 =	sadd.s32 $0x1, s11;
	s12 =	sadd.s32 s1, s12  }
0x7d: {  	[tilespmem:s28], [sflag:$0x2] =	stream.linear.gather [hbm4b:s12+s3], $0x500, $0x38;
	[tilespmem:$0x1F40] =	vst v63  }
.LBB2_8:
0x7e: {  	s11 =	simm.s32 $0x0;
	s12 =	rddreg [dreg:$0x5]  }
0x7f: {  	[tilespmem:s11], [sflag:$0x5] =	stream.linear.gather [hbm4b:s12+s11], $0xA0, $0x38;
	[tilespmem:$0x1F40] =	vst v63  }
0x80: {  	_ =	swait.ge [sflag:s18], $0xA0  }
0x81: {  	[sflag:s18] =	ssyncset.done $0x0  }
0x82: {  	[sflag:s18] =	ssyncadd.s32 $0xFFFFFF60  }
0x83: {  	[tilespmem:s20], [sflag:$0x1] =	stream.indirect.gather [hbm4b:s4+s19], $0x10, s11, s19, $0xb8;
	[tilespmem:$0x1F40] =	vst v63  }
0x84: {  	_ = 	snop  }
0x85: {  	[tilespmem:s21], [sflag:$0x1] =	stream.indirect.gather [hbm4b:s4+s19], $0x10, s19, s19, $0xb8;
	[tilespmem:$0x1F40] =	vst v63  }
0x86: {  	s15 =	rddreg [dreg:$0x6]  }
0x87: {  	[tilespmem:s22], [sflag:$0x1] =	stream.linear.gather [hbm4b:s15+s11], $0x500, $0x38;
	[tilespmem:$0x1F40] =	vst v63  }
0x88: {  	_ =	swait.ge [sflag:s29], $0x500  }
0x89: {  	[sflag:s29] =	ssyncset.done $0x0  }
0x8a: {  	[sflag:s29] =	ssyncadd.s32 $0xFFFFFB00  }
0x8b: {  	_ =	swait.ge [sflag:s29], $0x500  }
0x8c: {  	[sflag:s29] =	ssyncset.done $0x0  }
0x8d: {  	[sflag:s29] =	ssyncadd.s32 $0xFFFFFB00  }
0x8e: {  	_ =	swait.ge [sflag:s29], $0x500  }
0x8f: {  	[sflag:s29] =	ssyncset.done $0x0  }
0x90: {  	s11 =	simm.s32 $0x0;
	[sflag:s29] =	ssyncadd.s32 $0xFFFFFB00  }
0x91: {  	v0 =	vld [tilespmem:s11+$0x140]  }
0x92: {  	v1 =	vld [tilespmem:s11+$0xB40];
	_ =	sdelay $0x1  }
0x93: {  	v2 =	vld [tilespmem:s11+$0x1540];
	_ =	sdelay $0x2  }
0x94: {  	v1 =	vadd.f32 v1, v0  }
0x95: {  	s12 =	simm.s32 $0x10  }
0x96: {  	s14 =	simm.s32 $0x80;
	v0 =	vld [tilespmem:s12+$0x140];
	v1 =	vmul.f32 v2, v1  }
.LBB2_9:
0x97: {  	p0 =	sne.s32 s14, $0x13C0;
	v2 =	vld [tilespmem:s12+$0xB40]  }
0x98: {  	[tilespmem:s11+$0x1540] =	vst v1;
	s11 =	smov.u32 s12  }
0x99: {  	v1 =	vld [tilespmem:s11+$0x1540]  }
.Ltmp4:
0x9a: {  	(pc) =	sbr.rel @p0 .LBB2_9-.Ltmp4, $4  }
0x9b: {  	_ = 	snop  }
0x9c: {  	v2 =	vadd.f32 v2, v0  }
0x9d: {  	s12 =	sshra.s32 s14, $0x2  }
0x9e: {  	s14 =	sadd.s32 $0x40, s14;
	v0 =	vld [tilespmem:s12+$0x140];
	v1 =	vmul.f32 v1, v2  }
0x9f: {  	v2 =	vld [tilespmem:s12+$0xB40]  }
0xa0: {  	[tilespmem:s11+$0x1540] =	vst v1  }
0xa1: {  	v1 =	vld [tilespmem:s12+$0x1540];
	_ =	sdelay $0x2  }
0xa2: {  	v0 =	vadd.f32 v2, v0;
	_ =	sdelay $0x1  }
0xa3: {  	s2 =	sadd.s32 $0x1, s2;
	v0 =	vmul.f32 v1, v0  }
0xa4: {  	p0 =	sne.s32 s2, s17  }
.Ltmp5:
0xa5: {  	[tilespmem:s12+$0x1540] =	vst v0;
	(pc) =	sbr.rel @p0 .LBB2_1-.Ltmp5, $4  }
0xa6: {  	[hbm4b:s16+s3] =	stream.linear.scatter [tilespmem:s22], [sflag:$0x5], $0x500, $0x38;
	[tilespmem:$0x1F40] =	vst v63  }
0xa7: {  	_ =	swait.ge [sflag:s18], $0x500  }
0xa8: {  	[sflag:s18] =	ssyncset.done $0x0  }
0xa9: {  	[sflag:s18] =	ssyncadd.s32 $0xFFFFFB00  }
0xaa: {  	_ =	sfence.sel $0x180000  }
0xab: {  	[bflag:$0x0] =	sbarrier.arrive $0xFFFF  }
0xac: {  	_ =	strace $0x90000050  }
0xad: {  	s0 =	stileid.u32;
	[bflag:$0x2] =	sbarrier.arrive $0xFFFF  }
0xae: {  	p0 =	sne.s32 s0, $0x0;
	s0 =	rddreg [dreg:$0x2]  }
0xaf: {  	s0 =	sadd.s32 @!p0 $0x100000, s0  }
0xb0: {  	[sflag:s0] =	ssyncadd.tile.s32 @!p0 $0x1;
	_ =	shalt  }
.Lfunc_end2:
_tile_overlayer_lowered:
.L_overlay_start_2:
0xb1: {  	(tag) =	ssettag $0x2  }
0xb2: {  	s0 =	rddreg [dreg:$0x0];
	s2 =	stileid.u32  }
0xb3: {  	s1 =	rddreg [dreg:$0x1];
	p0 =	sne.s32 s2, $0x0  }
0xb4: {  	s3 =	rddreg [dreg:$0x2];
	[bflag:$0x3] =	sbarrier.arrive $0xFFFF;
	s2 =	simm.s32 @!p0 $0x1C05  }
0xb5: {  	[timem:s3], [sflag:s2] =	dma.local @!p0 [hbm:s0], s1  }
0xb6: {  	s0 =	simm.s32 @!p0 $0x5  }
0xb7: {  	_ =	swait.ge @!p0 [sflag:s0], s1  }
0xb8: {  	s1 =	ssub.s32 @!p0 $0x0, s1;
	[sflag:s0] =	ssyncset.done @!p0 $0x0  }
0xb9: {  	[sflag:s0] =	ssyncadd.s32 @!p0 s1  }
0xba: {  	[bflag:$0x3] =	sbarrier.arrive $0xFFFF  }
0xbb: {  	_ =	shalt  }

</sc_bundles>
